<compile_context>
chip_gen: v7x
topology: tpu7x:2x2x1
jax: 0.10.2.dev20260603
libtpu: 0.0.44.dev20260713+nightly
codegen_flags: <defaults>
</compile_context>

<pallas_src>
import functools

import jax
import jax.numpy as jnp
from jax import lax
from jax.experimental import pallas as pl
from jax.experimental.pallas import tpu as pltpu
from jax.experimental.pallas import tpu_sc as plsc

_N, _E, _D, _RBF, _NRES = 10000, 320000, 128, 16, 3

_NC, _NS = 2, 16
_NW = _NC * _NS
_EPT = _E // _NW
_C = 80
_NF = _EPT // _C
_DB = 40
_NDB = _N // _DB

_BN = 1000
_BE = 16000


def _sp(x):
    return jnp.maximum(x, 0.0) + jnp.log(1.0 + jnp.exp(-jnp.abs(x)))


def _node_body(a_ref, wi_ref, bi_ref, wj_ref, bj_ref, u0_ref, y_ref):
    emb = _sp(a_ref[...])
    u0_ref[...] = _sp(
        jnp.dot(emb, wi_ref[...], preferred_element_type=jnp.float32) + bi_ref[...]
    )
    y_ref[...] = _sp(
        jnp.dot(emb, wj_ref[...], preferred_element_type=jnp.float32) + bj_ref[...]
    )


def _node_call(a, wi, bi, wj, bj):
    grid = (_N // _BN,)
    blk = pl.BlockSpec((_BN, _D), lambda i: (i, 0))
    wblk = pl.BlockSpec((_D, _D), lambda i: (0, 0))
    bblk = pl.BlockSpec((1, _D), lambda i: (0, 0))
    return pl.pallas_call(
        _node_body,
        grid=grid,
        in_specs=[blk, wblk, bblk, wblk, bblk],
        out_specs=[blk, blk],
        out_shape=[
            jax.ShapeDtypeStruct((_N, _D), jnp.float32),
            jax.ShapeDtypeStruct((_N, _D), jnp.float32),
        ],
    )(a, wi, bi, wj, bj)


def _g_body(ft_ref, watt_ref, g_ref):
    g_ref[...] = lax.dot_general(
        ft_ref[...], watt_ref[...], (((0,), (0,)), ((), ())),
        preferred_element_type=jnp.float32,
    )


def _g_call(f_t, watt):
    grid = (_E // _BE,)
    return pl.pallas_call(
        _g_body,
        grid=grid,
        in_specs=[
            pl.BlockSpec((_RBF, _BE), lambda i: (0, i)),
            pl.BlockSpec((_RBF, _D), lambda i: (0, 0)),
        ],
        out_specs=pl.BlockSpec((_BE, _D), lambda i: (i, 0)),
        out_shape=jax.ShapeDtypeStruct((_E, _D), jnp.float32),
    )(f_t, watt)


_mesh = plsc.VectorSubcoreMesh(core_axis_name="c", subcore_axis_name="s")


@functools.partial(
    pl.kernel,
    out_type=jax.ShapeDtypeStruct((_NC, _N, _D), jnp.float32),
    mesh=_mesh,
    scratch_types=[
        pltpu.VMEM((_C,), jnp.int32),
        pltpu.VMEM((_C,), jnp.int32),
        pltpu.VMEM((_C,), jnp.int32),
        pltpu.VMEM((_C,), jnp.int32),
        pltpu.VMEM((_C, _D), jnp.float32),
        pltpu.VMEM((_C, _D), jnp.float32),
        pltpu.VMEM((_C, _D), jnp.float32),
        pltpu.VMEM((_C, _D), jnp.float32),
        pltpu.VMEM((_C,), jnp.int32),
        pltpu.VMEM((_C,), jnp.int32),
        pltpu.VMEM_SHARED((_N, _D), jnp.float32),
        pltpu.SemaphoreType.DMA,
        pltpu.SemaphoreType.DMA,
        pltpu.SemaphoreType.DMA,
        pltpu.SemaphoreType.DMA,
        pltpu.SemaphoreType.DMA,
        pltpu.SemaphoreType.DMA,
        pltpu.SemaphoreType.DMA,
        pltpu.SemaphoreType.DMA,
    ],
)
def _edge_kernel(y_hbm, g_hbm, ii_hbm, ij_hbm, out_hbm,
                 ij0, ij1, ii0, ii1, y0, y1, g0, g1,
                 sii0, sii1, agg,
                 si0, si1, sy0, sy1, sg0, sg1, ss0, ss1):
    c = lax.axis_index("c")
    s = lax.axis_index("s")
    t = c * _NS + s
    e0 = pl.multiple_of(t * _EPT, _C)

    ij = (ij0, ij1)
    ii = (ii0, ii1)
    yb = (y0, y1)
    gb = (g0, g1)
    sii = (sii0, sii1)
    si = (si0, si1)
    sy = (sy0, sy1)
    sg = (sg0, sg1)
    ss = (ss0, ss1)

    zero = jnp.zeros((16,), jnp.float32)

    @plsc.parallel_loop(0, _DB, unroll=4)
    def _zrow(r):
        for v in range(_D // 16):
            y0[r, pl.ds(v * 16, 16)] = zero
    for kk in range(-(-_NDB // _NS)):
        b = s + kk * _NS

        @pl.when(b < _NDB)
        def _():
            off = pl.multiple_of(b * _DB, _DB)
            pltpu.sync_copy(y0.at[pl.ds(0, _DB)], agg.at[pl.ds(off, _DB)])

    plsc.subcore_barrier()

    def issue_idx(ch, b):
        base = pl.multiple_of(e0 + ch * _C, _C)
        pltpu.async_copy(ij_hbm.at[pl.ds(base, _C)], ij[b], si[b])
        pltpu.async_copy(ii_hbm.at[pl.ds(base, _C)], ii[b], si[b])

    def wait_idx(b):
        pltpu.make_async_copy(ij_hbm.at[pl.ds(0, _C)], ij[b], si[b]).wait()
        pltpu.make_async_copy(ii_hbm.at[pl.ds(0, _C)], ii[b], si[b]).wait()

    def issue_data(ch, b):
        base = pl.multiple_of(e0 + ch * _C, _C)
        pltpu.async_copy(y_hbm.at[ij[b]], yb[b], sy[b])
        pltpu.async_copy(g_hbm.at[pl.ds(base, _C)], gb[b], sg[b])

    def wait_data(b):
        pltpu.make_async_copy(y_hbm.at[ij[b]], yb[b], sy[b]).wait()
        pltpu.make_async_copy(g_hbm.at[pl.ds(0, _C)], gb[b], sg[b]).wait()

    def mul_scatter(b):
        yr, gr = yb[b], gb[b]

        @plsc.parallel_loop(0, _C, unroll=4)
        def _mrow(r):
            for v in range(_D // 16):
                sl = pl.ds(v * 16, 16)
                yr[r, sl] = yr[r, sl] * gr[r, sl]

        @plsc.parallel_loop(0, _C // 16, unroll=5)
        def _crow(r):
            sii[b][pl.ds(r * 16, 16)] = ii[b][pl.ds(r * 16, 16)]

        pltpu.async_copy(yr, agg.at[sii[b]], ss[b], add=True)

    def wait_scatter(b):
        pltpu.make_async_copy(yb[b], agg.at[sii[b]], ss[b]).wait()

    pltpu.sync_copy(ij_hbm.at[pl.ds(e0, _C)], ij0)
    pltpu.sync_copy(ii_hbm.at[pl.ds(e0, _C)], ii0)
    issue_data(0, 0)
    issue_idx(1, 1)

    def pair_body(p, carry):
        for b in (0, 1):
            ch = 2 * p + b
            nb = 1 - b

            @pl.when(jnp.logical_and(ch >= 1, ch + 1 < _NF))
            def _():
                wait_scatter(nb)

            @pl.when(ch + 1 < _NF)
            def _():
                wait_idx(nb)
                issue_data(ch + 1, nb)

            wait_data(b)
            mul_scatter(b)

            @pl.when(ch + 2 < _NF)
            def _():
                issue_idx(ch + 2, b)

        return carry

    lax.fori_loop(0, _NF // 2, pair_body, 0)

    wait_data(0)
    mul_scatter(0)
    wait_scatter(1)
    wait_scatter(0)
    plsc.subcore_barrier()

    for kk in range(-(-_NDB // _NS)):
        b = s + kk * _NS

        @pl.when(b < _NDB)
        def _():
            off = pl.multiple_of(b * _DB, _DB)
            pltpu.sync_copy(agg.at[pl.ds(off, _DB)], y0.at[pl.ds(0, _DB)])
            pltpu.sync_copy(y0.at[pl.ds(0, _DB)], out_hbm.at[c, pl.ds(off, _DB)])


def _final_body(a_ref, u0_ref, agg_ref, rw1_ref, rb1_ref, rw2_ref,
                rb2_ref, wv_ref, bv_ref, gate_ref, out_ref):
    emb = _sp(a_ref[...])
    u = u0_ref[...] + agg_ref[0] + agg_ref[1]
    for r in range(_NRES):
        h = jnp.dot(_sp(u), rw1_ref[r], preferred_element_type=jnp.float32)
        h = _sp(h + rb1_ref[r])
        u = u + jnp.dot(h, rw2_ref[r], preferred_element_type=jnp.float32) + rb2_ref[r]
    u = _sp(u)
    out_ref[...] = (
        gate_ref[...] * emb
        + jnp.dot(u, wv_ref[...], preferred_element_type=jnp.float32)
        + bv_ref[...]
    )


def _final_call(a, u0, agg, rw1, rb1, rw2, rb2, wv, bv, gate):
    grid = (_N // _BN,)
    blk = pl.BlockSpec((_BN, _D), lambda i: (i, 0))
    return pl.pallas_call(
        _final_body,
        grid=grid,
        in_specs=[
            blk,
            blk,
            pl.BlockSpec((_NC, _BN, _D), lambda i: (0, i, 0)),
            pl.BlockSpec((_NRES, _D, _D), lambda i: (0, 0, 0)),
            pl.BlockSpec((_NRES, 1, _D), lambda i: (0, 0, 0)),
            pl.BlockSpec((_NRES, _D, _D), lambda i: (0, 0, 0)),
            pl.BlockSpec((_NRES, 1, _D), lambda i: (0, 0, 0)),
            pl.BlockSpec((_D, _D), lambda i: (0, 0)),
            pl.BlockSpec((1, _D), lambda i: (0, 0)),
            pl.BlockSpec((1, _D), lambda i: (0, 0)),
        ],
        out_specs=blk,
        out_shape=jax.ShapeDtypeStruct((_N, _D), jnp.float32),
    )(a, u0, agg, rw1, rb1, rw2, rb2, wv, bv, gate)


def kernel(atomic_embedding, pair_indices, f_ij, W_att, W_i, b_i, W_j, b_j,
           W_v, b_v, res_W1, res_b1, res_W2, res_b2, gate):
    idx = pair_indices.astype(jnp.int32)

    u0, y = _node_call(atomic_embedding, W_i, b_i.reshape(1, _D),
                       W_j, b_j.reshape(1, _D))
    g = _g_call(f_ij.T, W_att)
    agg = _edge_kernel(y, g, idx[0], idx[1])
    out = _final_call(
        atomic_embedding, u0, agg,
        res_W1, res_b1.reshape(_NRES, 1, _D),
        res_W2, res_b2.reshape(_NRES, 1, _D),
        W_v, b_v.reshape(1, _D), gate.reshape(1, _D),
    )
    return out

# --- scband reference (transcript-rebuilt; emitter-appended) ---
"""Pipeline reference for scband-phys-net-interaction-module-88055419502879 (READ-ONLY COPY).

The authoritative reference and input builder live on the scoring server;
editing this copy changes nothing except your own understanding.
"""

import jax, jax.numpy as jnp
import numpy as np

N = 10000
E = 320000
D = 128
RBF = 16
NRES = 3


def setup_inputs(seed: int = 0) -> dict:
    key = jax.random.key(seed)
    ks = jax.random.split(key, 16)
    inp = {}
    inp["atomic_embedding"] = jax.random.normal(ks[0], (N, D), dtype=jnp.float32)
    inp["pair_indices"] = jax.random.randint(ks[1], (2, E), 0, N, dtype=jnp.int64)
    inp["f_ij"] = jax.random.uniform(ks[2], (E, RBF), dtype=jnp.float32)
    s = 1.0 / np.sqrt(D)
    inp["W_att"] = jax.random.normal(ks[3], (RBF, D), dtype=jnp.float32) * 0.05
    inp["W_i"] = jax.random.normal(ks[4], (D, D), dtype=jnp.float32) * s
    inp["b_i"] = jnp.zeros((D,), dtype=jnp.float32)
    inp["W_j"] = jax.random.normal(ks[5], (D, D), dtype=jnp.float32) * s
    inp["b_j"] = jnp.zeros((D,), dtype=jnp.float32)
    inp["W_v"] = jax.random.normal(ks[6], (D, D), dtype=jnp.float32) * s
    inp["b_v"] = jnp.zeros((D,), dtype=jnp.float32)
    inp["res_W1"] = jax.random.normal(ks[7], (NRES, D, D), dtype=jnp.float32) * s
    inp["res_b1"] = jnp.zeros((NRES, D), dtype=jnp.float32)
    inp["res_W2"] = jax.random.normal(ks[8], (NRES, D, D), dtype=jnp.float32) * s
    inp["res_b2"] = jnp.zeros((NRES, D), dtype=jnp.float32)
    inp["gate"] = jnp.ones((D,), dtype=jnp.float32)
    return inp


def reference(atomic_embedding, pair_indices, f_ij, W_att, W_i, b_i, W_j, b_j, W_v, b_v, res_W1, res_b1, res_W2, res_b2, gate):
    sp = jax.nn.softplus
    idx_i = pair_indices[0]
    idx_j = pair_indices[1]
    # per_atom_embedding = activation(atomic_embedding)
    emb = sp(atomic_embedding)
    # attention mask (Dense, no bias) applied to RBF expansion
    g = f_ij @ W_att  # [E, D]
    # interaction_i: Dense + activation
    u = sp(emb @ W_i + b_i)  # [N, D]
    # interaction_j on gathered neighbor features, modulated by g
    xj = sp(emb[idx_j] @ W_j + b_j) * g  # [E, D]
    # scatter_add aggregation to destination atoms
    u = u.at[idx_i].add(xj)
    # pre-activation residual blocks: x + lin2(sp(lin1(sp(x))))
    for r in range(NRES):
        u = u + sp(sp(u) @ res_W1[r] + res_b1[r]) @ res_W2[r] + res_b2[r]
    u = sp(u)
    # gated skip + process_v (Dense, no activation)
    out = gate * emb + u @ W_v + b_v
    return out

if __name__ == "__main__":
    import jax
    _d = setup_inputs()
    print(jax.jit(kernel)(*tuple(_d.values())))

</pallas_src>

<mosaic_0001>
#map = affine_map<(d0, d1) -> (0, 0)>
#map1 = affine_map<(d0, d1) -> (0)>
#map2 = affine_map<(d0, d1) -> (0, 0, 0)>
module attributes {stable_mosaic.version = 14 : i64} {
  func.func @_edge_kernel(%arg0: i32, %arg1: i32, %arg2: memref<10000x128xf32, #tpu.memory_space<hbm>>, %arg3: memref<320000x128xf32, #tpu.memory_space<hbm>>, %arg4: memref<320000xi32, #tpu.memory_space<hbm>>, %arg5: memref<320000xi32, #tpu.memory_space<hbm>>, %arg6: memref<2x10000x128xf32, #tpu.memory_space<hbm>>, %arg7: memref<80xi32, #tpu.memory_space<vmem>>, %arg8: memref<80xi32, #tpu.memory_space<vmem>>, %arg9: memref<80xi32, #tpu.memory_space<vmem>>, %arg10: memref<80xi32, #tpu.memory_space<vmem>>, %arg11: memref<80x128xf32, #tpu.memory_space<vmem>>, %arg12: memref<80x128xf32, #tpu.memory_space<vmem>>, %arg13: memref<80x128xf32, #tpu.memory_space<vmem>>, %arg14: memref<80x128xf32, #tpu.memory_space<vmem>>, %arg15: memref<80xi32, #tpu.memory_space<vmem>>, %arg16: memref<80xi32, #tpu.memory_space<vmem>>, %arg17: memref<10000x128xf32, #tpu.memory_space<vmem_shared>>, %arg18: memref<!tpu.dma_semaphore, #tpu.memory_space<semaphore_mem>>, %arg19: memref<!tpu.dma_semaphore, #tpu.memory_space<semaphore_mem>>, %arg20: memref<!tpu.dma_semaphore, #tpu.memory_space<semaphore_mem>>, %arg21: memref<!tpu.dma_semaphore, #tpu.memory_space<semaphore_mem>>, %arg22: memref<!tpu.dma_semaphore, #tpu.memory_space<semaphore_mem>>, %arg23: memref<!tpu.dma_semaphore, #tpu.memory_space<semaphore_mem>>, %arg24: memref<!tpu.dma_semaphore, #tpu.memory_space<semaphore_mem>>, %arg25: memref<!tpu.dma_semaphore, #tpu.memory_space<semaphore_mem>>) attributes {dimension_semantics = [#tpu.dimension_semantics<core_parallel>, #tpu.dimension_semantics<subcore_parallel>], iteration_bounds = array<i64: 2, 16>, scalar_prefetch = 0 : i64, scratch_operands = 19 : i64, tpu.core_type = #tpu.core_type<sc_vector_subcore>, window_params = [{transform_indices = #map}, {transform_indices = #map}, {transform_indices = #map1}, {transform_indices = #map1}, {transform_indices = #map2}]} {
    %mul3A = arith.constant 16 : i32
    %mul3A_0 = arith.muli %arg0, %mul3A : i32
    %add3A = arith.addi %mul3A_0, %arg1 : i32
    %mul3A_1 = arith.constant 10000 : i32
    %mul3A_2 = arith.muli %add3A, %mul3A_1 : i32
    %multiple_of3A = tpu.assume_multiple %mul3A_2, 80 : i32
    %broadcast_in_dim3A = arith.constant 0.000000e+00 : f32
    %broadcast_in_dim3A_3 = vector.broadcast %broadcast_in_dim3A : f32 to vector<16xf32>
    %parallel_loop3A = arith.constant 0 : i32
    %parallel_loop3A_4 = arith.constant 40 : i32
    %parallel_loop3A_5 = arith.constant 1 : i32
    scf.for %parallel_loop3A_272 = %parallel_loop3A to %parallel_loop3A_4 step %parallel_loop3A_5  : i32 {
      %parallel_loop3A_273 = arith.index_cast %parallel_loop3A_272 : i32 to index
      %parallel_loop3A_274 = arith.constant 0 : index
      %parallel_loop3A_275 = tpu.vector_load %arg11[%parallel_loop3A_273, %parallel_loop3A_274] {strides = array<i32>} : memref<80x128xf32, #tpu.memory_space<vmem>>, vector<1x16xf32>,
      %parallel_loop3A_276 = vector.shape_cast %parallel_loop3A_275 : vector<1x16xf32> to vector<16xf32>
      %parallel_loop3A_277 = vector.shape_cast %broadcast_in_dim3A_3 : vector<16xf32> to vector<1x16xf32>
      tpu.vector_store %arg11[%parallel_loop3A_273, %parallel_loop3A_274], %parallel_loop3A_277 {strides = array<i32>} : memref<80x128xf32, #tpu.memory_space<vmem>>, vector<1x16xf32>,
      %parallel_loop3A_278 = arith.index_cast %parallel_loop3A_272 : i32 to index
      %parallel_loop3A_279 = arith.constant 16 : index
      %parallel_loop3A_280 = tpu.vector_load %arg11[%parallel_loop3A_278, %parallel_loop3A_279] {strides = array<i32>} : memref<80x128xf32, #tpu.memory_space<vmem>>, vector<1x16xf32>,
      %parallel_loop3A_281 = vector.shape_cast %parallel_loop3A_280 : vector<1x16xf32> to vector<16xf32>
      %parallel_loop3A_282 = vector.shape_cast %broadcast_in_dim3A_3 : vector<16xf32> to vector<1x16xf32>
      tpu.vector_store %arg11[%parallel_loop3A_278, %parallel_loop3A_279], %parallel_loop3A_282 {strides = array<i32>} : memref<80x128xf32, #tpu.memory_space<vmem>>, vector<1x16xf32>,
      %parallel_loop3A_283 = arith.index_cast %parallel_loop3A_272 : i32 to index
      %parallel_loop3A_284 = arith.constant 32 : index
      %parallel_loop3A_285 = tpu.vector_load %arg11[%parallel_loop3A_283, %parallel_loop3A_284] {strides = array<i32>} : memref<80x128xf32, #tpu.memory_space<vmem>>, vector<1x16xf32>,
      %parallel_loop3A_286 = vector.shape_cast %parallel_loop3A_285 : vector<1x16xf32> to vector<16xf32>
      %parallel_loop3A_287 = vector.shape_cast %broadcast_in_dim3A_3 : vector<16xf32> to vector<1x16xf32>
      tpu.vector_store %arg11[%parallel_loop3A_283, %parallel_loop3A_284], %parallel_loop3A_287 {strides = array<i32>} : memref<80x128xf32, #tpu.memory_space<vmem>>, vector<1x16xf32>,
      %parallel_loop3A_288 = arith.index_cast %parallel_loop3A_272 : i32 to index
      %parallel_loop3A_289 = arith.constant 48 : index
      %parallel_loop3A_290 = tpu.vector_load %arg11[%parallel_loop3A_288, %parallel_loop3A_289] {strides = array<i32>} : memref<80x128xf32, #tpu.memory_space<vmem>>, vector<1x16xf32>,
      %parallel_loop3A_291 = vector.shape_cast %parallel_loop3A_290 : vector<1x16xf32> to vector<16xf32>
      %parallel_loop3A_292 = vector.shape_cast %broadcast_in_dim3A_3 : vector<16xf32> to vector<1x16xf32>
      tpu.vector_store %arg11[%parallel_loop3A_288, %parallel_loop3A_289], %parallel_loop3A_292 {strides = array<i32>} : memref<80x128xf32, #tpu.memory_space<vmem>>, vector<1x16xf32>,
      %parallel_loop3A_293 = arith.index_cast %parallel_loop3A_272 : i32 to index
      %parallel_loop3A_294 = arith.constant 64 : index
      %parallel_loop3A_295 = tpu.vector_load %arg11[%parallel_loop3A_293, %parallel_loop3A_294] {strides = array<i32>} : memref<80x128xf32, #tpu.memory_space<vmem>>, vector<1x16xf32>,
      %parallel_loop3A_296 = vector.shape_cast %parallel_loop3A_295 : vector<1x16xf32> to vector<16xf32>
      %parallel_loop3A_297 = vector.shape_cast %broadcast_in_dim3A_3 : vector<16xf32> to vector<1x16xf32>
      tpu.vector_store %arg11[%parallel_loop3A_293, %parallel_loop3A_294], %parallel_loop3A_297 {strides = array<i32>} : memref<80x128xf32, #tpu.memory_space<vmem>>, vector<1x16xf32>,
      %parallel_loop3A_298 = arith.index_cast %parallel_loop3A_272 : i32 to index
      %parallel_loop3A_299 = arith.constant 80 : index
      %parallel_loop3A_300 = tpu.vector_load %arg11[%parallel_loop3A_298, %parallel_loop3A_299] {strides = array<i32>} : memref<80x128xf32, #tpu.memory_space<vmem>>, vector<1x16xf32>,
      %parallel_loop3A_301 = vector.shape_cast %parallel_loop3A_300 : vector<1x16xf32> to vector<16xf32>
      %parallel_loop3A_302 = vector.shape_cast %broadcast_in_dim3A_3 : vector<16xf32> to vector<1x16xf32>
      tpu.vector_store %arg11[%parallel_loop3A_298, %parallel_loop3A_299], %parallel_loop3A_302 {strides = array<i32>} : memref<80x128xf32, #tpu.memory_space<vmem>>, vector<1x16xf32>,
      %parallel_loop3A_303 = arith.index_cast %parallel_loop3A_272 : i32 to index
      %parallel_loop3A_304 = arith.constant 96 : index
      %parallel_loop3A_305 = tpu.vector_load %arg11[%parallel_loop3A_303, %parallel_loop3A_304] {strides = array<i32>} : memref<80x128xf32, #tpu.memory_space<vmem>>, vector<1x16xf32>,
      %parallel_loop3A_306 = vector.shape_cast %parallel_loop3A_305 : vector<1x16xf32> to vector<16xf32>
      %parallel_loop3A_307 = vector.shape_cast %broadcast_in_dim3A_3 : vector<16xf32> to vector<1x16xf32>
      tpu.vector_store %arg11[%parallel_loop3A_303, %parallel_loop3A_304], %parallel_loop3A_307 {strides = array<i32>} : memref<80x128xf32, #tpu.memory_space<vmem>>, vector<1x16xf32>,
      %parallel_loop3A_308 = arith.index_cast %parallel_loop3A_272 : i32 to index
      %parallel_loop3A_309 = arith.constant 112 : index
      %parallel_loop3A_310 = tpu.vector_load %arg11[%parallel_loop3A_308, %parallel_loop3A_309] {strides = array<i32>} : memref<80x128xf32, #tpu.memory_space<vmem>>, vector<1x16xf32>,
      %parallel_loop3A_311 = vector.shape_cast %parallel_loop3A_310 : vector<1x16xf32> to vector<16xf32>
      %parallel_loop3A_312 = vector.shape_cast %broadcast_in_dim3A_3 : vector<16xf32> to vector<1x16xf32>
      tpu.vector_store %arg11[%parallel_loop3A_308, %parallel_loop3A_309], %parallel_loop3A_312 {strides = array<i32>} : memref<80x128xf32, #tpu.memory_space<vmem>>, vector<1x16xf32>,
    } {sc.loop_unroll_factor = 4 : i64, sc.parallel_access}
    %add3A_6 = arith.constant 0 : i32
    %add3A_7 = arith.addi %arg1, %add3A_6 : i32
    %lt3A = arith.constant 250 : i32
    %lt3A_8 = arith.cmpi slt, %add3A_7, %lt3A : i32
    %convert_element_type3A = arith.extui %lt3A_8 : i1 to i32
    %cond3A = arith.constant 0 : i32
    %cond3A_9 = arith.cmpi ne, %convert_element_type3A, %cond3A : i32
    scf.if %cond3A_9 {
      %mul3A_272 = arith.constant 40 : i32
      %mul3A_273 = arith.muli %add3A_7, %mul3A_272 : i32
      %multiple_of3A_274 = tpu.assume_multiple %mul3A_273, 40 : i32
      "tpu.region"() ({
        %run_scoped3A = tpu.sem_alloc : memref<!tpu.dma_semaphore, #tpu.memory_space<semaphore_mem>>
        %dma_start3A_275 = arith.constant 0 : i32
        %dma_start3A_276 = arith.constant 0 : i32
        %dma_start3A_277 = tpu.memref_slice %arg11[%dma_start3A_275, %dma_start3A_276] : memref<80x128xf32, #tpu.memory_space<vmem>> -> memref<40x128xf32, #tpu.memory_space<vmem>>
        %dma_start3A_278 = arith.constant 0 : i32
        %dma_start3A_279 = tpu.memref_slice %arg17[%multiple_of3A_274, %dma_start3A_278] : memref<10000x128xf32, #tpu.memory_space<vmem_shared>> -> memref<40x128xf32, #tpu.memory_space<vmem_shared>>
        %dma_start3A_280 = arith.constant 0 : i32
        %dma_start3A_281 = tpu.memref_slice %arg17[%multiple_of3A_274, %dma_start3A_280] : memref<10000x128xf32, #tpu.memory_space<vmem_shared>> -> memref<40x128xf32, #tpu.memory_space<vmem_shared>>
        %dma_start3A_282 = arith.constant 0 : i32
        %dma_start3A_283 = arith.constant 0 : i32
        %dma_start3A_284 = tpu.memref_slice %arg11[%dma_start3A_282, %dma_start3A_283] : memref<80x128xf32, #tpu.memory_space<vmem>> -> memref<40x128xf32, #tpu.memory_space<vmem>>
        tpu.enqueue_dma source(%dma_start3A_284 : memref<40x128xf32, #tpu.memory_space<vmem>>) target(%dma_start3A_281 : memref<40x128xf32, #tpu.memory_space<vmem_shared>>) target_semaphore(%run_scoped3A : memref<!tpu.dma_semaphore, #tpu.memory_space<semaphore_mem>>)
        %dma_wait3A_285 = arith.constant 0 : i32
        %dma_wait3A_286 = arith.constant 0 : i32
        %dma_wait3A_287 = tpu.memref_slice %arg11[%dma_wait3A_285, %dma_wait3A_286] : memref<80x128xf32, #tpu.memory_space<vmem>> -> memref<40x128xf32, #tpu.memory_space<vmem>>
        %dma_wait3A_288 = arith.constant 0 : i32
        %dma_wait3A_289 = tpu.memref_slice %arg17[%multiple_of3A_274, %dma_wait3A_288] : memref<10000x128xf32, #tpu.memory_space<vmem_shared>> -> memref<40x128xf32, #tpu.memory_space<vmem_shared>>
        %dma_wait3A_290 = arith.constant 0 : i32
        %dma_wait3A_291 = tpu.memref_slice %arg17[%multiple_of3A_274, %dma_wait3A_290] : memref<10000x128xf32, #tpu.memory_space<vmem_shared>> -> memref<40x128xf32, #tpu.memory_space<vmem_shared>>
        %dma_wait3A_292 = arith.constant 0 : i32
        %dma_wait3A_293 = arith.constant 0 : i32
        %dma_wait3A_294 = tpu.memref_slice %arg11[%dma_wait3A_292, %dma_wait3A_293] : memref<80x128xf32, #tpu.memory_space<vmem>> -> memref<40x128xf32, #tpu.memory_space<vmem>>
        tpu.wait_dma2 semaphore(%run_scoped3A : memref<!tpu.dma_semaphore, #tpu.memory_space<semaphore_mem>>) src(%dma_wait3A_294 : memref<40x128xf32, #tpu.memory_space<vmem>>) dst(%dma_wait3A_291 : memref<40x128xf32, #tpu.memory_space<vmem_shared>>)
        tpu.yield
      }) : () -> ()
    } else {
    }
    %add3A_10 = arith.constant 16 : i32
    %add3A_11 = arith.addi %arg1, %add3A_10 : i32
    %lt3A_12 = arith.constant 250 : i32
    %lt3A_13 = arith.cmpi slt, %add3A_11, %lt3A_12 : i32
    %convert_element_type3A_14 = arith.extui %lt3A_13 : i1 to i32
    %cond3A_15 = arith.constant 0 : i32
    %cond3A_16 = arith.cmpi ne, %convert_element_type3A_14, %cond3A_15 : i32
    scf.if %cond3A_16 {
      %mul3A_272 = arith.constant 40 : i32
      %mul3A_273 = arith.muli %add3A_11, %mul3A_272 : i32
      %multiple_of3A_274 = tpu.assume_multiple %mul3A_273, 40 : i32
      "tpu.region"() ({
        %run_scoped3A = tpu.sem_alloc : memref<!tpu.dma_semaphore, #tpu.memory_space<semaphore_mem>>
        %dma_start3A_275 = arith.constant 0 : i32
        %dma_start3A_276 = arith.constant 0 : i32
        %dma_start3A_277 = tpu.memref_slice %arg11[%dma_start3A_275, %dma_start3A_276] : memref<80x128xf32, #tpu.memory_space<vmem>> -> memref<40x128xf32, #tpu.memory_space<vmem>>
        %dma_start3A_278 = arith.constant 0 : i32
        %dma_start3A_279 = tpu.memref_slice %arg17[%multiple_of3A_274, %dma_start3A_278] : memref<10000x128xf32, #tpu.memory_space<vmem_shared>> -> memref<40x128xf32, #tpu.memory_space<vmem_shared>>
        %dma_start3A_280 = arith.constant 0 : i32
        %dma_start3A_281 = tpu.memref_slice %arg17[%multiple_of3A_274, %dma_start3A_280] : memref<10000x128xf32, #tpu.memory_space<vmem_shared>> -> memref<40x128xf32, #tpu.memory_space<vmem_shared>>
        %dma_start3A_282 = arith.constant 0 : i32
        %dma_start3A_283 = arith.constant 0 : i32
        %dma_start3A_284 = tpu.memref_slice %arg11[%dma_start3A_282, %dma_start3A_283] : memref<80x128xf32, #tpu.memory_space<vmem>> -> memref<40x128xf32, #tpu.memory_space<vmem>>
        tpu.enqueue_dma source(%dma_start3A_284 : memref<40x128xf32, #tpu.memory_space<vmem>>) target(%dma_start3A_281 : memref<40x128xf32, #tpu.memory_space<vmem_shared>>) target_semaphore(%run_scoped3A : memref<!tpu.dma_semaphore, #tpu.memory_space<semaphore_mem>>)
        %dma_wait3A_285 = arith.constant 0 : i32
        %dma_wait3A_286 = arith.constant 0 : i32
        %dma_wait3A_287 = tpu.memref_slice %arg11[%dma_wait3A_285, %dma_wait3A_286] : memref<80x128xf32, #tpu.memory_space<vmem>> -> memref<40x128xf32, #tpu.memory_space<vmem>>
        %dma_wait3A_288 = arith.constant 0 : i32
        %dma_wait3A_289 = tpu.memref_slice %arg17[%multiple_of3A_274, %dma_wait3A_288] : memref<10000x128xf32, #tpu.memory_space<vmem_shared>> -> memref<40x128xf32, #tpu.memory_space<vmem_shared>>
        %dma_wait3A_290 = arith.constant 0 : i32
        %dma_wait3A_291 = tpu.memref_slice %arg17[%multiple_of3A_274, %dma_wait3A_290] : memref<10000x128xf32, #tpu.memory_space<vmem_shared>> -> memref<40x128xf32, #tpu.memory_space<vmem_shared>>
        %dma_wait3A_292 = arith.constant 0 : i32
        %dma_wait3A_293 = arith.constant 0 : i32
        %dma_wait3A_294 = tpu.memref_slice %arg11[%dma_wait3A_292, %dma_wait3A_293] : memref<80x128xf32, #tpu.memory_space<vmem>> -> memref<40x128xf32, #tpu.memory_space<vmem>>
        tpu.wait_dma2 semaphore(%run_scoped3A : memref<!tpu.dma_semaphore, #tpu.memory_space<semaphore_mem>>) src(%dma_wait3A_294 : memref<40x128xf32, #tpu.memory_space<vmem>>) dst(%dma_wait3A_291 : memref<40x128xf32, #tpu.memory_space<vmem_shared>>)
        tpu.yield
      }) : () -> ()
    } else {
    }
    %add3A_17 = arith.constant 32 : i32
    %add3A_18 = arith.addi %arg1, %add3A_17 : i32
    %lt3A_19 = arith.constant 250 : i32
    %lt3A_20 = arith.cmpi slt, %add3A_18, %lt3A_19 : i32
    %convert_element_type3A_21 = arith.extui %lt3A_20 : i1 to i32
    %cond3A_22 = arith.constant 0 : i32
    %cond3A_23 = arith.cmpi ne, %convert_element_type3A_21, %cond3A_22 : i32
    scf.if %cond3A_23 {
      %mul3A_272 = arith.constant 40 : i32
      %mul3A_273 = arith.muli %add3A_18, %mul3A_272 : i32
      %multiple_of3A_274 = tpu.assume_multiple %mul3A_273, 40 : i32
      "tpu.region"() ({
        %run_scoped3A = tpu.sem_alloc : memref<!tpu.dma_semaphore, #tpu.memory_space<semaphore_mem>>
        %dma_start3A_275 = arith.constant 0 : i32
        %dma_start3A_276 = arith.constant 0 : i32
        %dma_start3A_277 = tpu.memref_slice %arg11[%dma_start3A_275, %dma_start3A_276] : memref<80x128xf32, #tpu.memory_space<vmem>> -> memref<40x128xf32, #tpu.memory_space<vmem>>
        %dma_start3A_278 = arith.constant 0 : i32
        %dma_start3A_279 = tpu.memref_slice %arg17[%multiple_of3A_274, %dma_start3A_278] : memref<10000x128xf32, #tpu.memory_space<vmem_shared>> -> memref<40x128xf32, #tpu.memory_space<vmem_shared>>
        %dma_start3A_280 = arith.constant 0 : i32
        %dma_start3A_281 = tpu.memref_slice %arg17[%multiple_of3A_274, %dma_start3A_280] : memref<10000x128xf32, #tpu.memory_space<vmem_shared>> -> memref<40x128xf32, #tpu.memory_space<vmem_shared>>
        %dma_start3A_282 = arith.constant 0 : i32
        %dma_start3A_283 = arith.constant 0 : i32
        %dma_start3A_284 = tpu.memref_slice %arg11[%dma_start3A_282, %dma_start3A_283] : memref<80x128xf32, #tpu.memory_space<vmem>> -> memref<40x128xf32, #tpu.memory_space<vmem>>
        tpu.enqueue_dma source(%dma_start3A_284 : memref<40x128xf32, #tpu.memory_space<vmem>>) target(%dma_start3A_281 : memref<40x128xf32, #tpu.memory_space<vmem_shared>>) target_semaphore(%run_scoped3A : memref<!tpu.dma_semaphore, #tpu.memory_space<semaphore_mem>>)
        %dma_wait3A_285 = arith.constant 0 : i32
        %dma_wait3A_286 = arith.constant 0 : i32
        %dma_wait3A_287 = tpu.memref_slice %arg11[%dma_wait3A_285, %dma_wait3A_286] : memref<80x128xf32, #tpu.memory_space<vmem>> -> memref<40x128xf32, #tpu.memory_space<vmem>>
        %dma_wait3A_288 = arith.constant 0 : i32
        %dma_wait3A_289 = tpu.memref_slice %arg17[%multiple_of3A_274, %dma_wait3A_288] : memref<10000x128xf32, #tpu.memory_space<vmem_shared>> -> memref<40x128xf32, #tpu.memory_space<vmem_shared>>
        %dma_wait3A_290 = arith.constant 0 : i32
        %dma_wait3A_291 = tpu.memref_slice %arg17[%multiple_of3A_274, %dma_wait3A_290] : memref<10000x128xf32, #tpu.memory_space<vmem_shared>> -> memref<40x128xf32, #tpu.memory_space<vmem_shared>>
        %dma_wait3A_292 = arith.constant 0 : i32
        %dma_wait3A_293 = arith.constant 0 : i32
        %dma_wait3A_294 = tpu.memref_slice %arg11[%dma_wait3A_292, %dma_wait3A_293] : memref<80x128xf32, #tpu.memory_space<vmem>> -> memref<40x128xf32, #tpu.memory_space<vmem>>
        tpu.wait_dma2 semaphore(%run_scoped3A : memref<!tpu.dma_semaphore, #tpu.memory_space<semaphore_mem>>) src(%dma_wait3A_294 : memref<40x128xf32, #tpu.memory_space<vmem>>) dst(%dma_wait3A_291 : memref<40x128xf32, #tpu.memory_space<vmem_shared>>)
        tpu.yield
      }) : () -> ()
    } else {
    }
    %add3A_24 = arith.constant 48 : i32
    %add3A_25 = arith.addi %arg1, %add3A_24 : i32
    %lt3A_26 = arith.constant 250 : i32
    %lt3A_27 = arith.cmpi slt, %add3A_25, %lt3A_26 : i32
    %convert_element_type3A_28 = arith.extui %lt3A_27 : i1 to i32
    %cond3A_29 = arith.constant 0 : i32
    %cond3A_30 = arith.cmpi ne, %convert_element_type3A_28, %cond3A_29 : i32
    scf.if %cond3A_30 {
      %mul3A_272 = arith.constant 40 : i32
      %mul3A_273 = arith.muli %add3A_25, %mul3A_272 : i32
      %multiple_of3A_274 = tpu.assume_multiple %mul3A_273, 40 : i32
      "tpu.region"() ({
        %run_scoped3A = tpu.sem_alloc : memref<!tpu.dma_semaphore, #tpu.memory_space<semaphore_mem>>
        %dma_start3A_275 = arith.constant 0 : i32
        %dma_start3A_276 = arith.constant 0 : i32
        %dma_start3A_277 = tpu.memref_slice %arg11[%dma_start3A_275, %dma_start3A_276] : memref<80x128xf32, #tpu.memory_space<vmem>> -> memref<40x128xf32, #tpu.memory_space<vmem>>
        %dma_start3A_278 = arith.constant 0 : i32
        %dma_start3A_279 = tpu.memref_slice %arg17[%multiple_of3A_274, %dma_start3A_278] : memref<10000x128xf32, #tpu.memory_space<vmem_shared>> -> memref<40x128xf32, #tpu.memory_space<vmem_shared>>
        %dma_start3A_280 = arith.constant 0 : i32
        %dma_start3A_281 = tpu.memref_slice %arg17[%multiple_of3A_274, %dma_start3A_280] : memref<10000x128xf32, #tpu.memory_space<vmem_shared>> -> memref<40x128xf32, #tpu.memory_space<vmem_shared>>
        %dma_start3A_282 = arith.constant 0 : i32
        %dma_start3A_283 = arith.constant 0 : i32
        %dma_start3A_284 = tpu.memref_slice %arg11[%dma_start3A_282, %dma_start3A_283] : memref<80x128xf32, #tpu.memory_space<vmem>> -> memref<40x128xf32, #tpu.memory_space<vmem>>
        tpu.enqueue_dma source(%dma_start3A_284 : memref<40x128xf32, #tpu.memory_space<vmem>>) target(%dma_start3A_281 : memref<40x128xf32, #tpu.memory_space<vmem_shared>>) target_semaphore(%run_scoped3A : memref<!tpu.dma_semaphore, #tpu.memory_space<semaphore_mem>>)
        %dma_wait3A_285 = arith.constant 0 : i32
        %dma_wait3A_286 = arith.constant 0 : i32
        %dma_wait3A_287 = tpu.memref_slice %arg11[%dma_wait3A_285, %dma_wait3A_286] : memref<80x128xf32, #tpu.memory_space<vmem>> -> memref<40x128xf32, #tpu.memory_space<vmem>>
        %dma_wait3A_288 = arith.constant 0 : i32
        %dma_wait3A_289 = tpu.memref_slice %arg17[%multiple_of3A_274, %dma_wait3A_288] : memref<10000x128xf32, #tpu.memory_space<vmem_shared>> -> memref<40x128xf32, #tpu.memory_space<vmem_shared>>
        %dma_wait3A_290 = arith.constant 0 : i32
        %dma_wait3A_291 = tpu.memref_slice %arg17[%multiple_of3A_274, %dma_wait3A_290] : memref<10000x128xf32, #tpu.memory_space<vmem_shared>> -> memref<40x128xf32, #tpu.memory_space<vmem_shared>>
        %dma_wait3A_292 = arith.constant 0 : i32
        %dma_wait3A_293 = arith.constant 0 : i32
        %dma_wait3A_294 = tpu.memref_slice %arg11[%dma_wait3A_292, %dma_wait3A_293] : memref<80x128xf32, #tpu.memory_space<vmem>> -> memref<40x128xf32, #tpu.memory_space<vmem>>
        tpu.wait_dma2 semaphore(%run_scoped3A : memref<!tpu.dma_semaphore, #tpu.memory_space<semaphore_mem>>) src(%dma_wait3A_294 : memref<40x128xf32, #tpu.memory_space<vmem>>) dst(%dma_wait3A_291 : memref<40x128xf32, #tpu.memory_space<vmem_shared>>)
        tpu.yield
      }) : () -> ()
    } else {
    }
    %add3A_31 = arith.constant 64 : i32
    %add3A_32 = arith.addi %arg1, %add3A_31 : i32
    %lt3A_33 = arith.constant 250 : i32
    %lt3A_34 = arith.cmpi slt, %add3A_32, %lt3A_33 : i32
    %convert_element_type3A_35 = arith.extui %lt3A_34 : i1 to i32
    %cond3A_36 = arith.constant 0 : i32
    %cond3A_37 = arith.cmpi ne, %convert_element_type3A_35, %cond3A_36 : i32
    scf.if %cond3A_37 {
      %mul3A_272 = arith.constant 40 : i32
      %mul3A_273 = arith.muli %add3A_32, %mul3A_272 : i32
      %multiple_of3A_274 = tpu.assume_multiple %mul3A_273, 40 : i32
      "tpu.region"() ({
        %run_scoped3A = tpu.sem_alloc : memref<!tpu.dma_semaphore, #tpu.memory_space<semaphore_mem>>
        %dma_start3A_275 = arith.constant 0 : i32
        %dma_start3A_276 = arith.constant 0 : i32
        %dma_start3A_277 = tpu.memref_slice %arg11[%dma_start3A_275, %dma_start3A_276] : memref<80x128xf32, #tpu.memory_space<vmem>> -> memref<40x128xf32, #tpu.memory_space<vmem>>
        %dma_start3A_278 = arith.constant 0 : i32
        %dma_start3A_279 = tpu.memref_slice %arg17[%multiple_of3A_274, %dma_start3A_278] : memref<10000x128xf32, #tpu.memory_space<vmem_shared>> -> memref<40x128xf32, #tpu.memory_space<vmem_shared>>
        %dma_start3A_280 = arith.constant 0 : i32
        %dma_start3A_281 = tpu.memref_slice %arg17[%multiple_of3A_274, %dma_start3A_280] : memref<10000x128xf32, #tpu.memory_space<vmem_shared>> -> memref<40x128xf32, #tpu.memory_space<vmem_shared>>
        %dma_start3A_282 = arith.constant 0 : i32
        %dma_start3A_283 = arith.constant 0 : i32
        %dma_start3A_284 = tpu.memref_slice %arg11[%dma_start3A_282, %dma_start3A_283] : memref<80x128xf32, #tpu.memory_space<vmem>> -> memref<40x128xf32, #tpu.memory_space<vmem>>
        tpu.enqueue_dma source(%dma_start3A_284 : memref<40x128xf32, #tpu.memory_space<vmem>>) target(%dma_start3A_281 : memref<40x128xf32, #tpu.memory_space<vmem_shared>>) target_semaphore(%run_scoped3A : memref<!tpu.dma_semaphore, #tpu.memory_space<semaphore_mem>>)
        %dma_wait3A_285 = arith.constant 0 : i32
        %dma_wait3A_286 = arith.constant 0 : i32
        %dma_wait3A_287 = tpu.memref_slice %arg11[%dma_wait3A_285, %dma_wait3A_286] : memref<80x128xf32, #tpu.memory_space<vmem>> -> memref<40x128xf32, #tpu.memory_space<vmem>>
        %dma_wait3A_288 = arith.constant 0 : i32
        %dma_wait3A_289 = tpu.memref_slice %arg17[%multiple_of3A_274, %dma_wait3A_288] : memref<10000x128xf32, #tpu.memory_space<vmem_shared>> -> memref<40x128xf32, #tpu.memory_space<vmem_shared>>
        %dma_wait3A_290 = arith.constant 0 : i32
        %dma_wait3A_291 = tpu.memref_slice %arg17[%multiple_of3A_274, %dma_wait3A_290] : memref<10000x128xf32, #tpu.memory_space<vmem_shared>> -> memref<40x128xf32, #tpu.memory_space<vmem_shared>>
        %dma_wait3A_292 = arith.constant 0 : i32
        %dma_wait3A_293 = arith.constant 0 : i32
        %dma_wait3A_294 = tpu.memref_slice %arg11[%dma_wait3A_292, %dma_wait3A_293] : memref<80x128xf32, #tpu.memory_space<vmem>> -> memref<40x128xf32, #tpu.memory_space<vmem>>
        tpu.wait_dma2 semaphore(%run_scoped3A : memref<!tpu.dma_semaphore, #tpu.memory_space<semaphore_mem>>) src(%dma_wait3A_294 : memref<40x128xf32, #tpu.memory_space<vmem>>) dst(%dma_wait3A_291 : memref<40x128xf32, #tpu.memory_space<vmem_shared>>)
        tpu.yield
      }) : () -> ()
    } else {
    }
    %add3A_38 = arith.constant 80 : i32
    %add3A_39 = arith.addi %arg1, %add3A_38 : i32
    %lt3A_40 = arith.constant 250 : i32
    %lt3A_41 = arith.cmpi slt, %add3A_39, %lt3A_40 : i32
    %convert_element_type3A_42 = arith.extui %lt3A_41 : i1 to i32
    %cond3A_43 = arith.constant 0 : i32
    %cond3A_44 = arith.cmpi ne, %convert_element_type3A_42, %cond3A_43 : i32
    scf.if %cond3A_44 {
      %mul3A_272 = arith.constant 40 : i32
      %mul3A_273 = arith.muli %add3A_39, %mul3A_272 : i32
      %multiple_of3A_274 = tpu.assume_multiple %mul3A_273, 40 : i32
      "tpu.region"() ({
        %run_scoped3A = tpu.sem_alloc : memref<!tpu.dma_semaphore, #tpu.memory_space<semaphore_mem>>
        %dma_start3A_275 = arith.constant 0 : i32
        %dma_start3A_276 = arith.constant 0 : i32
        %dma_start3A_277 = tpu.memref_slice %arg11[%dma_start3A_275, %dma_start3A_276] : memref<80x128xf32, #tpu.memory_space<vmem>> -> memref<40x128xf32, #tpu.memory_space<vmem>>
        %dma_start3A_278 = arith.constant 0 : i32
        %dma_start3A_279 = tpu.memref_slice %arg17[%multiple_of3A_274, %dma_start3A_278] : memref<10000x128xf32, #tpu.memory_space<vmem_shared>> -> memref<40x128xf32, #tpu.memory_space<vmem_shared>>
        %dma_start3A_280 = arith.constant 0 : i32
        %dma_start3A_281 = tpu.memref_slice %arg17[%multiple_of3A_274, %dma_start3A_280] : memref<10000x128xf32, #tpu.memory_space<vmem_shared>> -> memref<40x128xf32, #tpu.memory_space<vmem_shared>>
        %dma_start3A_282 = arith.constant 0 : i32
        %dma_start3A_283 = arith.constant 0 : i32
        %dma_start3A_284 = tpu.memref_slice %arg11[%dma_start3A_282, %dma_start3A_283] : memref<80x128xf32, #tpu.memory_space<vmem>> -> memref<40x128xf32, #tpu.memory_space<vmem>>
        tpu.enqueue_dma source(%dma_start3A_284 : memref<40x128xf32, #tpu.memory_space<vmem>>) target(%dma_start3A_281 : memref<40x128xf32, #tpu.memory_space<vmem_shared>>) target_semaphore(%run_scoped3A : memref<!tpu.dma_semaphore, #tpu.memory_space<semaphore_mem>>)
        %dma_wait3A_285 = arith.constant 0 : i32
        %dma_wait3A_286 = arith.constant 0 : i32
        %dma_wait3A_287 = tpu.memref_slice %arg11[%dma_wait3A_285, %dma_wait3A_286] : memref<80x128xf32, #tpu.memory_space<vmem>> -> memref<40x128xf32, #tpu.memory_space<vmem>>
        %dma_wait3A_288 = arith.constant 0 : i32
        %dma_wait3A_289 = tpu.memref_slice %arg17[%multiple_of3A_274, %dma_wait3A_288] : memref<10000x128xf32, #tpu.memory_space<vmem_shared>> -> memref<40x128xf32, #tpu.memory_space<vmem_shared>>
        %dma_wait3A_290 = arith.constant 0 : i32
        %dma_wait3A_291 = tpu.memref_slice %arg17[%multiple_of3A_274, %dma_wait3A_290] : memref<10000x128xf32, #tpu.memory_space<vmem_shared>> -> memref<40x128xf32, #tpu.memory_space<vmem_shared>>
        %dma_wait3A_292 = arith.constant 0 : i32
        %dma_wait3A_293 = arith.constant 0 : i32
        %dma_wait3A_294 = tpu.memref_slice %arg11[%dma_wait3A_292, %dma_wait3A_293] : memref<80x128xf32, #tpu.memory_space<vmem>> -> memref<40x128xf32, #tpu.memory_space<vmem>>
        tpu.wait_dma2 semaphore(%run_scoped3A : memref<!tpu.dma_semaphore, #tpu.memory_space<semaphore_mem>>) src(%dma_wait3A_294 : memref<40x128xf32, #tpu.memory_space<vmem>>) dst(%dma_wait3A_291 : memref<40x128xf32, #tpu.memory_space<vmem_shared>>)
        tpu.yield
      }) : () -> ()
    } else {
    }
    %add3A_45 = arith.constant 96 : i32
    %add3A_46 = arith.addi %arg1, %add3A_45 : i32
    %lt3A_47 = arith.constant 250 : i32
    %lt3A_48 = arith.cmpi slt, %add3A_46, %lt3A_47 : i32
    %convert_element_type3A_49 = arith.extui %lt3A_48 : i1 to i32
    %cond3A_50 = arith.constant 0 : i32
    %cond3A_51 = arith.cmpi ne, %convert_element_type3A_49, %cond3A_50 : i32
    scf.if %cond3A_51 {
      %mul3A_272 = arith.constant 40 : i32
      %mul3A_273 = arith.muli %add3A_46, %mul3A_272 : i32
      %multiple_of3A_274 = tpu.assume_multiple %mul3A_273, 40 : i32
      "tpu.region"() ({
        %run_scoped3A = tpu.sem_alloc : memref<!tpu.dma_semaphore, #tpu.memory_space<semaphore_mem>>
        %dma_start3A_275 = arith.constant 0 : i32
        %dma_start3A_276 = arith.constant 0 : i32
        %dma_start3A_277 = tpu.memref_slice %arg11[%dma_start3A_275, %dma_start3A_276] : memref<80x128xf32, #tpu.memory_space<vmem>> -> memref<40x128xf32, #tpu.memory_space<vmem>>
        %dma_start3A_278 = arith.constant 0 : i32
        %dma_start3A_279 = tpu.memref_slice %arg17[%multiple_of3A_274, %dma_start3A_278] : memref<10000x128xf32, #tpu.memory_space<vmem_shared>> -> memref<40x128xf32, #tpu.memory_space<vmem_shared>>
        %dma_start3A_280 = arith.constant 0 : i32
        %dma_start3A_281 = tpu.memref_slice %arg17[%multiple_of3A_274, %dma_start3A_280] : memref<10000x128xf32, #tpu.memory_space<vmem_shared>> -> memref<40x128xf32, #tpu.memory_space<vmem_shared>>
        %dma_start3A_282 = arith.constant 0 : i32
        %dma_start3A_283 = arith.constant 0 : i32
        %dma_start3A_284 = tpu.memref_slice %arg11[%dma_start3A_282, %dma_start3A_283] : memref<80x128xf32, #tpu.memory_space<vmem>> -> memref<40x128xf32, #tpu.memory_space<vmem>>
        tpu.enqueue_dma source(%dma_start3A_284 : memref<40x128xf32, #tpu.memory_space<vmem>>) target(%dma_start3A_281 : memref<40x128xf32, #tpu.memory_space<vmem_shared>>) target_semaphore(%run_scoped3A : memref<!tpu.dma_semaphore, #tpu.memory_space<semaphore_mem>>)
        %dma_wait3A_285 = arith.constant 0 : i32
        %dma_wait3A_286 = arith.constant 0 : i32
        %dma_wait3A_287 = tpu.memref_slice %arg11[%dma_wait3A_285, %dma_wait3A_286] : memref<80x128xf32, #tpu.memory_space<vmem>> -> memref<40x128xf32, #tpu.memory_space<vmem>>
        %dma_wait3A_288 = arith.constant 0 : i32
        %dma_wait3A_289 = tpu.memref_slice %arg17[%multiple_of3A_274, %dma_wait3A_288] : memref<10000x128xf32, #tpu.memory_space<vmem_shared>> -> memref<40x128xf32, #tpu.memory_space<vmem_shared>>
        %dma_wait3A_290 = arith.constant 0 : i32
        %dma_wait3A_291 = tpu.memref_slice %arg17[%multiple_of3A_274, %dma_wait3A_290] : memref<10000x128xf32, #tpu.memory_space<vmem_shared>> -> memref<40x128xf32, #tpu.memory_space<vmem_shared>>
        %dma_wait3A_292 = arith.constant 0 : i32
        %dma_wait3A_293 = arith.constant 0 : i32
        %dma_wait3A_294 = tpu.memref_slice %arg11[%dma_wait3A_292, %dma_wait3A_293] : memref<80x128xf32, #tpu.memory_space<vmem>> -> memref<40x128xf32, #tpu.memory_space<vmem>>
        tpu.wait_dma2 semaphore(%run_scoped3A : memref<!tpu.dma_semaphore, #tpu.memory_space<semaphore_mem>>) src(%dma_wait3A_294 : memref<40x128xf32, #tpu.memory_space<vmem>>) dst(%dma_wait3A_291 : memref<40x128xf32, #tpu.memory_space<vmem_shared>>)
        tpu.yield
      }) : () -> ()
    } else {
    }
    %add3A_52 = arith.constant 112 : i32
    %add3A_53 = arith.addi %arg1, %add3A_52 : i32
    %lt3A_54 = arith.constant 250 : i32
    %lt3A_55 = arith.cmpi slt, %add3A_53, %lt3A_54 : i32
    %convert_element_type3A_56 = arith.extui %lt3A_55 : i1 to i32
    %cond3A_57 = arith.constant 0 : i32
    %cond3A_58 = arith.cmpi ne, %convert_element_type3A_56, %cond3A_57 : i32
    scf.if %cond3A_58 {
      %mul3A_272 = arith.constant 40 : i32
      %mul3A_273 = arith.muli %add3A_53, %mul3A_272 : i32
      %multiple_of3A_274 = tpu.assume_multiple %mul3A_273, 40 : i32
      "tpu.region"() ({
        %run_scoped3A = tpu.sem_alloc : memref<!tpu.dma_semaphore, #tpu.memory_space<semaphore_mem>>
        %dma_start3A_275 = arith.constant 0 : i32
        %dma_start3A_276 = arith.constant 0 : i32
        %dma_start3A_277 = tpu.memref_slice %arg11[%dma_start3A_275, %dma_start3A_276] : memref<80x128xf32, #tpu.memory_space<vmem>> -> memref<40x128xf32, #tpu.memory_space<vmem>>
        %dma_start3A_278 = arith.constant 0 : i32
        %dma_start3A_279 = tpu.memref_slice %arg17[%multiple_of3A_274, %dma_start3A_278] : memref<10000x128xf32, #tpu.memory_space<vmem_shared>> -> memref<40x128xf32, #tpu.memory_space<vmem_shared>>
        %dma_start3A_280 = arith.constant 0 : i32
        %dma_start3A_281 = tpu.memref_slice %arg17[%multiple_of3A_274, %dma_start3A_280] : memref<10000x128xf32, #tpu.memory_space<vmem_shared>> -> memref<40x128xf32, #tpu.memory_space<vmem_shared>>
        %dma_start3A_282 = arith.constant 0 : i32
        %dma_start3A_283 = arith.constant 0 : i32
        %dma_start3A_284 = tpu.memref_slice %arg11[%dma_start3A_282, %dma_start3A_283] : memref<80x128xf32, #tpu.memory_space<vmem>> -> memref<40x128xf32, #tpu.memory_space<vmem>>
        tpu.enqueue_dma source(%dma_start3A_284 : memref<40x128xf32, #tpu.memory_space<vmem>>) target(%dma_start3A_281 : memref<40x128xf32, #tpu.memory_space<vmem_shared>>) target_semaphore(%run_scoped3A : memref<!tpu.dma_semaphore, #tpu.memory_space<semaphore_mem>>)
        %dma_wait3A_285 = arith.constant 0 : i32
        %dma_wait3A_286 = arith.constant 0 : i32
        %dma_wait3A_287 = tpu.memref_slice %arg11[%dma_wait3A_285, %dma_wait3A_286] : memref<80x128xf32, #tpu.memory_space<vmem>> -> memref<40x128xf32, #tpu.memory_space<vmem>>
        %dma_wait3A_288 = arith.constant 0 : i32
        %dma_wait3A_289 = tpu.memref_slice %arg17[%multiple_of3A_274, %dma_wait3A_288] : memref<10000x128xf32, #tpu.memory_space<vmem_shared>> -> memref<40x128xf32, #tpu.memory_space<vmem_shared>>
        %dma_wait3A_290 = arith.constant 0 : i32
        %dma_wait3A_291 = tpu.memref_slice %arg17[%multiple_of3A_274, %dma_wait3A_290] : memref<10000x128xf32, #tpu.memory_space<vmem_shared>> -> memref<40x128xf32, #tpu.memory_space<vmem_shared>>
        %dma_wait3A_292 = arith.constant 0 : i32
        %dma_wait3A_293 = arith.constant 0 : i32
        %dma_wait3A_294 = tpu.memref_slice %arg11[%dma_wait3A_292, %dma_wait3A_293] : memref<80x128xf32, #tpu.memory_space<vmem>> -> memref<40x128xf32, #tpu.memory_space<vmem>>
        tpu.wait_dma2 semaphore(%run_scoped3A : memref<!tpu.dma_semaphore, #tpu.memory_space<semaphore_mem>>) src(%dma_wait3A_294 : memref<40x128xf32, #tpu.memory_space<vmem>>) dst(%dma_wait3A_291 : memref<40x128xf32, #tpu.memory_space<vmem_shared>>)
        tpu.yield
      }) : () -> ()
    } else {
    }
    %add3A_59 = arith.constant 128 : i32
    %add3A_60 = arith.addi %arg1, %add3A_59 : i32
    %lt3A_61 = arith.constant 250 : i32
    %lt3A_62 = arith.cmpi slt, %add3A_60, %lt3A_61 : i32
    %convert_element_type3A_63 = arith.extui %lt3A_62 : i1 to i32
    %cond3A_64 = arith.constant 0 : i32
    %cond3A_65 = arith.cmpi ne, %convert_element_type3A_63, %cond3A_64 : i32
    scf.if %cond3A_65 {
      %mul3A_272 = arith.constant 40 : i32
      %mul3A_273 = arith.muli %add3A_60, %mul3A_272 : i32
      %multiple_of3A_274 = tpu.assume_multiple %mul3A_273, 40 : i32
      "tpu.region"() ({
        %run_scoped3A = tpu.sem_alloc : memref<!tpu.dma_semaphore, #tpu.memory_space<semaphore_mem>>
        %dma_start3A_275 = arith.constant 0 : i32
        %dma_start3A_276 = arith.constant 0 : i32
        %dma_start3A_277 = tpu.memref_slice %arg11[%dma_start3A_275, %dma_start3A_276] : memref<80x128xf32, #tpu.memory_space<vmem>> -> memref<40x128xf32, #tpu.memory_space<vmem>>
        %dma_start3A_278 = arith.constant 0 : i32
        %dma_start3A_279 = tpu.memref_slice %arg17[%multiple_of3A_274, %dma_start3A_278] : memref<10000x128xf32, #tpu.memory_space<vmem_shared>> -> memref<40x128xf32, #tpu.memory_space<vmem_shared>>
        %dma_start3A_280 = arith.constant 0 : i32
        %dma_start3A_281 = tpu.memref_slice %arg17[%multiple_of3A_274, %dma_start3A_280] : memref<10000x128xf32, #tpu.memory_space<vmem_shared>> -> memref<40x128xf32, #tpu.memory_space<vmem_shared>>
        %dma_start3A_282 = arith.constant 0 : i32
        %dma_start3A_283 = arith.constant 0 : i32
        %dma_start3A_284 = tpu.memref_slice %arg11[%dma_start3A_282, %dma_start3A_283] : memref<80x128xf32, #tpu.memory_space<vmem>> -> memref<40x128xf32, #tpu.memory_space<vmem>>
        tpu.enqueue_dma source(%dma_start3A_284 : memref<40x128xf32, #tpu.memory_space<vmem>>) target(%dma_start3A_281 : memref<40x128xf32, #tpu.memory_space<vmem_shared>>) target_semaphore(%run_scoped3A : memref<!tpu.dma_semaphore, #tpu.memory_space<semaphore_mem>>)
        %dma_wait3A_285 = arith.constant 0 : i32
        %dma_wait3A_286 = arith.constant 0 : i32
        %dma_wait3A_287 = tpu.memref_slice %arg11[%dma_wait3A_285, %dma_wait3A_286] : memref<80x128xf32, #tpu.memory_space<vmem>> -> memref<40x128xf32, #tpu.memory_space<vmem>>
        %dma_wait3A_288 = arith.constant 0 : i32
        %dma_wait3A_289 = tpu.memref_slice %arg17[%multiple_of3A_274, %dma_wait3A_288] : memref<10000x128xf32, #tpu.memory_space<vmem_shared>> -> memref<40x128xf32, #tpu.memory_space<vmem_shared>>
        %dma_wait3A_290 = arith.constant 0 : i32
        %dma_wait3A_291 = tpu.memref_slice %arg17[%multiple_of3A_274, %dma_wait3A_290] : memref<10000x128xf32, #tpu.memory_space<vmem_shared>> -> memref<40x128xf32, #tpu.memory_space<vmem_shared>>
        %dma_wait3A_292 = arith.constant 0 : i32
        %dma_wait3A_293 = arith.constant 0 : i32
        %dma_wait3A_294 = tpu.memref_slice %arg11[%dma_wait3A_292, %dma_wait3A_293] : memref<80x128xf32, #tpu.memory_space<vmem>> -> memref<40x128xf32, #tpu.memory_space<vmem>>
        tpu.wait_dma2 semaphore(%run_scoped3A : memref<!tpu.dma_semaphore, #tpu.memory_space<semaphore_mem>>) src(%dma_wait3A_294 : memref<40x128xf32, #tpu.memory_space<vmem>>) dst(%dma_wait3A_291 : memref<40x128xf32, #tpu.memory_space<vmem_shared>>)
        tpu.yield
      }) : () -> ()
    } else {
    }
    %add3A_66 = arith.constant 144 : i32
    %add3A_67 = arith.addi %arg1, %add3A_66 : i32
    %lt3A_68 = arith.constant 250 : i32
    %lt3A_69 = arith.cmpi slt, %add3A_67, %lt3A_68 : i32
    %convert_element_type3A_70 = arith.extui %lt3A_69 : i1 to i32
    %cond3A_71 = arith.constant 0 : i32
    %cond3A_72 = arith.cmpi ne, %convert_element_type3A_70, %cond3A_71 : i32
    scf.if %cond3A_72 {
      %mul3A_272 = arith.constant 40 : i32
      %mul3A_273 = arith.muli %add3A_67, %mul3A_272 : i32
      %multiple_of3A_274 = tpu.assume_multiple %mul3A_273, 40 : i32
      "tpu.region"() ({
        %run_scoped3A = tpu.sem_alloc : memref<!tpu.dma_semaphore, #tpu.memory_space<semaphore_mem>>
        %dma_start3A_275 = arith.constant 0 : i32
        %dma_start3A_276 = arith.constant 0 : i32
        %dma_start3A_277 = tpu.memref_slice %arg11[%dma_start3A_275, %dma_start3A_276] : memref<80x128xf32, #tpu.memory_space<vmem>> -> memref<40x128xf32, #tpu.memory_space<vmem>>
        %dma_start3A_278 = arith.constant 0 : i32
        %dma_start3A_279 = tpu.memref_slice %arg17[%multiple_of3A_274, %dma_start3A_278] : memref<10000x128xf32, #tpu.memory_space<vmem_shared>> -> memref<40x128xf32, #tpu.memory_space<vmem_shared>>
        %dma_start3A_280 = arith.constant 0 : i32
        %dma_start3A_281 = tpu.memref_slice %arg17[%multiple_of3A_274, %dma_start3A_280] : memref<10000x128xf32, #tpu.memory_space<vmem_shared>> -> memref<40x128xf32, #tpu.memory_space<vmem_shared>>
        %dma_start3A_282 = arith.constant 0 : i32
        %dma_start3A_283 = arith.constant 0 : i32
        %dma_start3A_284 = tpu.memref_slice %arg11[%dma_start3A_282, %dma_start3A_283] : memref<80x128xf32, #tpu.memory_space<vmem>> -> memref<40x128xf32, #tpu.memory_space<vmem>>
        tpu.enqueue_dma source(%dma_start3A_284 : memref<40x128xf32, #tpu.memory_space<vmem>>) target(%dma_start3A_281 : memref<40x128xf32, #tpu.memory_space<vmem_shared>>) target_semaphore(%run_scoped3A : memref<!tpu.dma_semaphore, #tpu.memory_space<semaphore_mem>>)
        %dma_wait3A_285 = arith.constant 0 : i32
        %dma_wait3A_286 = arith.constant 0 : i32
        %dma_wait3A_287 = tpu.memref_slice %arg11[%dma_wait3A_285, %dma_wait3A_286] : memref<80x128xf32, #tpu.memory_space<vmem>> -> memref<40x128xf32, #tpu.memory_space<vmem>>
        %dma_wait3A_288 = arith.constant 0 : i32
        %dma_wait3A_289 = tpu.memref_slice %arg17[%multiple_of3A_274, %dma_wait3A_288] : memref<10000x128xf32, #tpu.memory_space<vmem_shared>> -> memref<40x128xf32, #tpu.memory_space<vmem_shared>>
        %dma_wait3A_290 = arith.constant 0 : i32
        %dma_wait3A_291 = tpu.memref_slice %arg17[%multiple_of3A_274, %dma_wait3A_290] : memref<10000x128xf32, #tpu.memory_space<vmem_shared>> -> memref<40x128xf32, #tpu.memory_space<vmem_shared>>
        %dma_wait3A_292 = arith.constant 0 : i32
        %dma_wait3A_293 = arith.constant 0 : i32
        %dma_wait3A_294 = tpu.memref_slice %arg11[%dma_wait3A_292, %dma_wait3A_293] : memref<80x128xf32, #tpu.memory_space<vmem>> -> memref<40x128xf32, #tpu.memory_space<vmem>>
        tpu.wait_dma2 semaphore(%run_scoped3A : memref<!tpu.dma_semaphore, #tpu.memory_space<semaphore_mem>>) src(%dma_wait3A_294 : memref<40x128xf32, #tpu.memory_space<vmem>>) dst(%dma_wait3A_291 : memref<40x128xf32, #tpu.memory_space<vmem_shared>>)
        tpu.yield
      }) : () -> ()
    } else {
    }
    %add3A_73 = arith.constant 160 : i32
    %add3A_74 = arith.addi %arg1, %add3A_73 : i32
    %lt3A_75 = arith.constant 250 : i32
    %lt3A_76 = arith.cmpi slt, %add3A_74, %lt3A_75 : i32
    %convert_element_type3A_77 = arith.extui %lt3A_76 : i1 to i32
    %cond3A_78 = arith.constant 0 : i32
    %cond3A_79 = arith.cmpi ne, %convert_element_type3A_77, %cond3A_78 : i32
    scf.if %cond3A_79 {
      %mul3A_272 = arith.constant 40 : i32
      %mul3A_273 = arith.muli %add3A_74, %mul3A_272 : i32
      %multiple_of3A_274 = tpu.assume_multiple %mul3A_273, 40 : i32
      "tpu.region"() ({
        %run_scoped3A = tpu.sem_alloc : memref<!tpu.dma_semaphore, #tpu.memory_space<semaphore_mem>>
        %dma_start3A_275 = arith.constant 0 : i32
        %dma_start3A_276 = arith.constant 0 : i32
        %dma_start3A_277 = tpu.memref_slice %arg11[%dma_start3A_275, %dma_start3A_276] : memref<80x128xf32, #tpu.memory_space<vmem>> -> memref<40x128xf32, #tpu.memory_space<vmem>>
        %dma_start3A_278 = arith.constant 0 : i32
        %dma_start3A_279 = tpu.memref_slice %arg17[%multiple_of3A_274, %dma_start3A_278] : memref<10000x128xf32, #tpu.memory_space<vmem_shared>> -> memref<40x128xf32, #tpu.memory_space<vmem_shared>>
        %dma_start3A_280 = arith.constant 0 : i32
        %dma_start3A_281 = tpu.memref_slice %arg17[%multiple_of3A_274, %dma_start3A_280] : memref<10000x128xf32, #tpu.memory_space<vmem_shared>> -> memref<40x128xf32, #tpu.memory_space<vmem_shared>>
        %dma_start3A_282 = arith.constant 0 : i32
        %dma_start3A_283 = arith.constant 0 : i32
        %dma_start3A_284 = tpu.memref_slice %arg11[%dma_start3A_282, %dma_start3A_283] : memref<80x128xf32, #tpu.memory_space<vmem>> -> memref<40x128xf32, #tpu.memory_space<vmem>>
        tpu.enqueue_dma source(%dma_start3A_284 : memref<40x128xf32, #tpu.memory_space<vmem>>) target(%dma_start3A_281 : memref<40x128xf32, #tpu.memory_space<vmem_shared>>) target_semaphore(%run_scoped3A : memref<!tpu.dma_semaphore, #tpu.memory_space<semaphore_mem>>)
        %dma_wait3A_285 = arith.constant 0 : i32
        %dma_wait3A_286 = arith.constant 0 : i32
        %dma_wait3A_287 = tpu.memref_slice %arg11[%dma_wait3A_285, %dma_wait3A_286] : memref<80x128xf32, #tpu.memory_space<vmem>> -> memref<40x128xf32, #tpu.memory_space<vmem>>
        %dma_wait3A_288 = arith.constant 0 : i32
        %dma_wait3A_289 = tpu.memref_slice %arg17[%multiple_of3A_274, %dma_wait3A_288] : memref<10000x128xf32, #tpu.memory_space<vmem_shared>> -> memref<40x128xf32, #tpu.memory_space<vmem_shared>>
        %dma_wait3A_290 = arith.constant 0 : i32
        %dma_wait3A_291 = tpu.memref_slice %arg17[%multiple_of3A_274, %dma_wait3A_290] : memref<10000x128xf32, #tpu.memory_space<vmem_shared>> -> memref<40x128xf32, #tpu.memory_space<vmem_shared>>
        %dma_wait3A_292 = arith.constant 0 : i32
        %dma_wait3A_293 = arith.constant 0 : i32
        %dma_wait3A_294 = tpu.memref_slice %arg11[%dma_wait3A_292, %dma_wait3A_293] : memref<80x128xf32, #tpu.memory_space<vmem>> -> memref<40x128xf32, #tpu.memory_space<vmem>>
        tpu.wait_dma2 semaphore(%run_scoped3A : memref<!tpu.dma_semaphore, #tpu.memory_space<semaphore_mem>>) src(%dma_wait3A_294 : memref<40x128xf32, #tpu.memory_space<vmem>>) dst(%dma_wait3A_291 : memref<40x128xf32, #tpu.memory_space<vmem_shared>>)
        tpu.yield
      }) : () -> ()
    } else {
    }
    %add3A_80 = arith.constant 176 : i32
    %add3A_81 = arith.addi %arg1, %add3A_80 : i32
    %lt3A_82 = arith.constant 250 : i32
    %lt3A_83 = arith.cmpi slt, %add3A_81, %lt3A_82 : i32
    %convert_element_type3A_84 = arith.extui %lt3A_83 : i1 to i32
    %cond3A_85 = arith.constant 0 : i32
    %cond3A_86 = arith.cmpi ne, %convert_element_type3A_84, %cond3A_85 : i32
    scf.if %cond3A_86 {
      %mul3A_272 = arith.constant 40 : i32
      %mul3A_273 = arith.muli %add3A_81, %mul3A_272 : i32
      %multiple_of3A_274 = tpu.assume_multiple %mul3A_273, 40 : i32
      "tpu.region"() ({
        %run_scoped3A = tpu.sem_alloc : memref<!tpu.dma_semaphore, #tpu.memory_space<semaphore_mem>>
        %dma_start3A_275 = arith.constant 0 : i32
        %dma_start3A_276 = arith.constant 0 : i32
        %dma_start3A_277 = tpu.memref_slice %arg11[%dma_start3A_275, %dma_start3A_276] : memref<80x128xf32, #tpu.memory_space<vmem>> -> memref<40x128xf32, #tpu.memory_space<vmem>>
        %dma_start3A_278 = arith.constant 0 : i32
        %dma_start3A_279 = tpu.memref_slice %arg17[%multiple_of3A_274, %dma_start3A_278] : memref<10000x128xf32, #tpu.memory_space<vmem_shared>> -> memref<40x128xf32, #tpu.memory_space<vmem_shared>>
        %dma_start3A_280 = arith.constant 0 : i32
        %dma_start3A_281 = tpu.memref_slice %arg17[%multiple_of3A_274, %dma_start3A_280] : memref<10000x128xf32, #tpu.memory_space<vmem_shared>> -> memref<40x128xf32, #tpu.memory_space<vmem_shared>>
        %dma_start3A_282 = arith.constant 0 : i32
        %dma_start3A_283 = arith.constant 0 : i32
        %dma_start3A_284 = tpu.memref_slice %arg11[%dma_start3A_282, %dma_start3A_283] : memref<80x128xf32, #tpu.memory_space<vmem>> -> memref<40x128xf32, #tpu.memory_space<vmem>>
        tpu.enqueue_dma source(%dma_start3A_284 : memref<40x128xf32, #tpu.memory_space<vmem>>) target(%dma_start3A_281 : memref<40x128xf32, #tpu.memory_space<vmem_shared>>) target_semaphore(%run_scoped3A : memref<!tpu.dma_semaphore, #tpu.memory_space<semaphore_mem>>)
        %dma_wait3A_285 = arith.constant 0 : i32
        %dma_wait3A_286 = arith.constant 0 : i32
        %dma_wait3A_287 = tpu.memref_slice %arg11[%dma_wait3A_285, %dma_wait3A_286] : memref<80x128xf32, #tpu.memory_space<vmem>> -> memref<40x128xf32, #tpu.memory_space<vmem>>
        %dma_wait3A_288 = arith.constant 0 : i32
        %dma_wait3A_289 = tpu.memref_slice %arg17[%multiple_of3A_274, %dma_wait3A_288] : memref<10000x128xf32, #tpu.memory_space<vmem_shared>> -> memref<40x128xf32, #tpu.memory_space<vmem_shared>>
        %dma_wait3A_290 = arith.constant 0 : i32
        %dma_wait3A_291 = tpu.memref_slice %arg17[%multiple_of3A_274, %dma_wait3A_290] : memref<10000x128xf32, #tpu.memory_space<vmem_shared>> -> memref<40x128xf32, #tpu.memory_space<vmem_shared>>
        %dma_wait3A_292 = arith.constant 0 : i32
        %dma_wait3A_293 = arith.constant 0 : i32
        %dma_wait3A_294 = tpu.memref_slice %arg11[%dma_wait3A_292, %dma_wait3A_293] : memref<80x128xf32, #tpu.memory_space<vmem>> -> memref<40x128xf32, #tpu.memory_space<vmem>>
        tpu.wait_dma2 semaphore(%run_scoped3A : memref<!tpu.dma_semaphore, #tpu.memory_space<semaphore_mem>>) src(%dma_wait3A_294 : memref<40x128xf32, #tpu.memory_space<vmem>>) dst(%dma_wait3A_291 : memref<40x128xf32, #tpu.memory_space<vmem_shared>>)
        tpu.yield
      }) : () -> ()
    } else {
    }
    %add3A_87 = arith.constant 192 : i32
    %add3A_88 = arith.addi %arg1, %add3A_87 : i32
    %lt3A_89 = arith.constant 250 : i32
    %lt3A_90 = arith.cmpi slt, %add3A_88, %lt3A_89 : i32
    %convert_element_type3A_91 = arith.extui %lt3A_90 : i1 to i32
    %cond3A_92 = arith.constant 0 : i32
    %cond3A_93 = arith.cmpi ne, %convert_element_type3A_91, %cond3A_92 : i32
    scf.if %cond3A_93 {
      %mul3A_272 = arith.constant 40 : i32
      %mul3A_273 = arith.muli %add3A_88, %mul3A_272 : i32
      %multiple_of3A_274 = tpu.assume_multiple %mul3A_273, 40 : i32
      "tpu.region"() ({
        %run_scoped3A = tpu.sem_alloc : memref<!tpu.dma_semaphore, #tpu.memory_space<semaphore_mem>>
        %dma_start3A_275 = arith.constant 0 : i32
        %dma_start3A_276 = arith.constant 0 : i32
        %dma_start3A_277 = tpu.memref_slice %arg11[%dma_start3A_275, %dma_start3A_276] : memref<80x128xf32, #tpu.memory_space<vmem>> -> memref<40x128xf32, #tpu.memory_space<vmem>>
        %dma_start3A_278 = arith.constant 0 : i32
        %dma_start3A_279 = tpu.memref_slice %arg17[%multiple_of3A_274, %dma_start3A_278] : memref<10000x128xf32, #tpu.memory_space<vmem_shared>> -> memref<40x128xf32, #tpu.memory_space<vmem_shared>>
        %dma_start3A_280 = arith.constant 0 : i32
        %dma_start3A_281 = tpu.memref_slice %arg17[%multiple_of3A_274, %dma_start3A_280] : memref<10000x128xf32, #tpu.memory_space<vmem_shared>> -> memref<40x128xf32, #tpu.memory_space<vmem_shared>>
        %dma_start3A_282 = arith.constant 0 : i32
        %dma_start3A_283 = arith.constant 0 : i32
        %dma_start3A_284 = tpu.memref_slice %arg11[%dma_start3A_282, %dma_start3A_283] : memref<80x128xf32, #tpu.memory_space<vmem>> -> memref<40x128xf32, #tpu.memory_space<vmem>>
        tpu.enqueue_dma source(%dma_start3A_284 : memref<40x128xf32, #tpu.memory_space<vmem>>) target(%dma_start3A_281 : memref<40x128xf32, #tpu.memory_space<vmem_shared>>) target_semaphore(%run_scoped3A : memref<!tpu.dma_semaphore, #tpu.memory_space<semaphore_mem>>)
        %dma_wait3A_285 = arith.constant 0 : i32
        %dma_wait3A_286 = arith.constant 0 : i32
        %dma_wait3A_287 = tpu.memref_slice %arg11[%dma_wait3A_285, %dma_wait3A_286] : memref<80x128xf32, #tpu.memory_space<vmem>> -> memref<40x128xf32, #tpu.memory_space<vmem>>
        %dma_wait3A_288 = arith.constant 0 : i32
        %dma_wait3A_289 = tpu.memref_slice %arg17[%multiple_of3A_274, %dma_wait3A_288] : memref<10000x128xf32, #tpu.memory_space<vmem_shared>> -> memref<40x128xf32, #tpu.memory_space<vmem_shared>>
        %dma_wait3A_290 = arith.constant 0 : i32
        %dma_wait3A_291 = tpu.memref_slice %arg17[%multiple_of3A_274, %dma_wait3A_290] : memref<10000x128xf32, #tpu.memory_space<vmem_shared>> -> memref<40x128xf32, #tpu.memory_space<vmem_shared>>
        %dma_wait3A_292 = arith.constant 0 : i32
        %dma_wait3A_293 = arith.constant 0 : i32
        %dma_wait3A_294 = tpu.memref_slice %arg11[%dma_wait3A_292, %dma_wait3A_293] : memref<80x128xf32, #tpu.memory_space<vmem>> -> memref<40x128xf32, #tpu.memory_space<vmem>>
        tpu.wait_dma2 semaphore(%run_scoped3A : memref<!tpu.dma_semaphore, #tpu.memory_space<semaphore_mem>>) src(%dma_wait3A_294 : memref<40x128xf32, #tpu.memory_space<vmem>>) dst(%dma_wait3A_291 : memref<40x128xf32, #tpu.memory_space<vmem_shared>>)
        tpu.yield
      }) : () -> ()
    } else {
    }
    %add3A_94 = arith.constant 208 : i32
    %add3A_95 = arith.addi %arg1, %add3A_94 : i32
    %lt3A_96 = arith.constant 250 : i32
    %lt3A_97 = arith.cmpi slt, %add3A_95, %lt3A_96 : i32
    %convert_element_type3A_98 = arith.extui %lt3A_97 : i1 to i32
    %cond3A_99 = arith.constant 0 : i32
    %cond3A_100 = arith.cmpi ne, %convert_element_type3A_98, %cond3A_99 : i32
    scf.if %cond3A_100 {
      %mul3A_272 = arith.constant 40 : i32
      %mul3A_273 = arith.muli %add3A_95, %mul3A_272 : i32
      %multiple_of3A_274 = tpu.assume_multiple %mul3A_273, 40 : i32
      "tpu.region"() ({
        %run_scoped3A = tpu.sem_alloc : memref<!tpu.dma_semaphore, #tpu.memory_space<semaphore_mem>>
        %dma_start3A_275 = arith.constant 0 : i32
        %dma_start3A_276 = arith.constant 0 : i32
        %dma_start3A_277 = tpu.memref_slice %arg11[%dma_start3A_275, %dma_start3A_276] : memref<80x128xf32, #tpu.memory_space<vmem>> -> memref<40x128xf32, #tpu.memory_space<vmem>>
        %dma_start3A_278 = arith.constant 0 : i32
        %dma_start3A_279 = tpu.memref_slice %arg17[%multiple_of3A_274, %dma_start3A_278] : memref<10000x128xf32, #tpu.memory_space<vmem_shared>> -> memref<40x128xf32, #tpu.memory_space<vmem_shared>>
        %dma_start3A_280 = arith.constant 0 : i32
        %dma_start3A_281 = tpu.memref_slice %arg17[%multiple_of3A_274, %dma_start3A_280] : memref<10000x128xf32, #tpu.memory_space<vmem_shared>> -> memref<40x128xf32, #tpu.memory_space<vmem_shared>>
        %dma_start3A_282 = arith.constant 0 : i32
        %dma_start3A_283 = arith.constant 0 : i32
        %dma_start3A_284 = tpu.memref_slice %arg11[%dma_start3A_282, %dma_start3A_283] : memref<80x128xf32, #tpu.memory_space<vmem>> -> memref<40x128xf32, #tpu.memory_space<vmem>>
        tpu.enqueue_dma source(%dma_start3A_284 : memref<40x128xf32, #tpu.memory_space<vmem>>) target(%dma_start3A_281 : memref<40x128xf32, #tpu.memory_space<vmem_shared>>) target_semaphore(%run_scoped3A : memref<!tpu.dma_semaphore, #tpu.memory_space<semaphore_mem>>)
        %dma_wait3A_285 = arith.constant 0 : i32
        %dma_wait3A_286 = arith.constant 0 : i32
        %dma_wait3A_287 = tpu.memref_slice %arg11[%dma_wait3A_285, %dma_wait3A_286] : memref<80x128xf32, #tpu.memory_space<vmem>> -> memref<40x128xf32, #tpu.memory_space<vmem>>
        %dma_wait3A_288 = arith.constant 0 : i32
        %dma_wait3A_289 = tpu.memref_slice %arg17[%multiple_of3A_274, %dma_wait3A_288] : memref<10000x128xf32, #tpu.memory_space<vmem_shared>> -> memref<40x128xf32, #tpu.memory_space<vmem_shared>>
        %dma_wait3A_290 = arith.constant 0 : i32
        %dma_wait3A_291 = tpu.memref_slice %arg17[%multiple_of3A_274, %dma_wait3A_290] : memref<10000x128xf32, #tpu.memory_space<vmem_shared>> -> memref<40x128xf32, #tpu.memory_space<vmem_shared>>
        %dma_wait3A_292 = arith.constant 0 : i32
        %dma_wait3A_293 = arith.constant 0 : i32
        %dma_wait3A_294 = tpu.memref_slice %arg11[%dma_wait3A_292, %dma_wait3A_293] : memref<80x128xf32, #tpu.memory_space<vmem>> -> memref<40x128xf32, #tpu.memory_space<vmem>>
        tpu.wait_dma2 semaphore(%run_scoped3A : memref<!tpu.dma_semaphore, #tpu.memory_space<semaphore_mem>>) src(%dma_wait3A_294 : memref<40x128xf32, #tpu.memory_space<vmem>>) dst(%dma_wait3A_291 : memref<40x128xf32, #tpu.memory_space<vmem_shared>>)
        tpu.yield
      }) : () -> ()
    } else {
    }
    %add3A_101 = arith.constant 224 : i32
    %add3A_102 = arith.addi %arg1, %add3A_101 : i32
    %lt3A_103 = arith.constant 250 : i32
    %lt3A_104 = arith.cmpi slt, %add3A_102, %lt3A_103 : i32
    %convert_element_type3A_105 = arith.extui %lt3A_104 : i1 to i32
    %cond3A_106 = arith.constant 0 : i32
    %cond3A_107 = arith.cmpi ne, %convert_element_type3A_105, %cond3A_106 : i32
    scf.if %cond3A_107 {
      %mul3A_272 = arith.constant 40 : i32
      %mul3A_273 = arith.muli %add3A_102, %mul3A_272 : i32
      %multiple_of3A_274 = tpu.assume_multiple %mul3A_273, 40 : i32
      "tpu.region"() ({
        %run_scoped3A = tpu.sem_alloc : memref<!tpu.dma_semaphore, #tpu.memory_space<semaphore_mem>>
        %dma_start3A_275 = arith.constant 0 : i32
        %dma_start3A_276 = arith.constant 0 : i32
        %dma_start3A_277 = tpu.memref_slice %arg11[%dma_start3A_275, %dma_start3A_276] : memref<80x128xf32, #tpu.memory_space<vmem>> -> memref<40x128xf32, #tpu.memory_space<vmem>>
        %dma_start3A_278 = arith.constant 0 : i32
        %dma_start3A_279 = tpu.memref_slice %arg17[%multiple_of3A_274, %dma_start3A_278] : memref<10000x128xf32, #tpu.memory_space<vmem_shared>> -> memref<40x128xf32, #tpu.memory_space<vmem_shared>>
        %dma_start3A_280 = arith.constant 0 : i32
        %dma_start3A_281 = tpu.memref_slice %arg17[%multiple_of3A_274, %dma_start3A_280] : memref<10000x128xf32, #tpu.memory_space<vmem_shared>> -> memref<40x128xf32, #tpu.memory_space<vmem_shared>>
        %dma_start3A_282 = arith.constant 0 : i32
        %dma_start3A_283 = arith.constant 0 : i32
        %dma_start3A_284 = tpu.memref_slice %arg11[%dma_start3A_282, %dma_start3A_283] : memref<80x128xf32, #tpu.memory_space<vmem>> -> memref<40x128xf32, #tpu.memory_space<vmem>>
        tpu.enqueue_dma source(%dma_start3A_284 : memref<40x128xf32, #tpu.memory_space<vmem>>) target(%dma_start3A_281 : memref<40x128xf32, #tpu.memory_space<vmem_shared>>) target_semaphore(%run_scoped3A : memref<!tpu.dma_semaphore, #tpu.memory_space<semaphore_mem>>)
        %dma_wait3A_285 = arith.constant 0 : i32
        %dma_wait3A_286 = arith.constant 0 : i32
        %dma_wait3A_287 = tpu.memref_slice %arg11[%dma_wait3A_285, %dma_wait3A_286] : memref<80x128xf32, #tpu.memory_space<vmem>> -> memref<40x128xf32, #tpu.memory_space<vmem>>
        %dma_wait3A_288 = arith.constant 0 : i32
        %dma_wait3A_289 = tpu.memref_slice %arg17[%multiple_of3A_274, %dma_wait3A_288] : memref<10000x128xf32, #tpu.memory_space<vmem_shared>> -> memref<40x128xf32, #tpu.memory_space<vmem_shared>>
        %dma_wait3A_290 = arith.constant 0 : i32
        %dma_wait3A_291 = tpu.memref_slice %arg17[%multiple_of3A_274, %dma_wait3A_290] : memref<10000x128xf32, #tpu.memory_space<vmem_shared>> -> memref<40x128xf32, #tpu.memory_space<vmem_shared>>
        %dma_wait3A_292 = arith.constant 0 : i32
        %dma_wait3A_293 = arith.constant 0 : i32
        %dma_wait3A_294 = tpu.memref_slice %arg11[%dma_wait3A_292, %dma_wait3A_293] : memref<80x128xf32, #tpu.memory_space<vmem>> -> memref<40x128xf32, #tpu.memory_space<vmem>>
        tpu.wait_dma2 semaphore(%run_scoped3A : memref<!tpu.dma_semaphore, #tpu.memory_space<semaphore_mem>>) src(%dma_wait3A_294 : memref<40x128xf32, #tpu.memory_space<vmem>>) dst(%dma_wait3A_291 : memref<40x128xf32, #tpu.memory_space<vmem_shared>>)
        tpu.yield
      }) : () -> ()
    } else {
    }
    %add3A_108 = arith.constant 240 : i32
    %add3A_109 = arith.addi %arg1, %add3A_108 : i32
    %lt3A_110 = arith.constant 250 : i32
    %lt3A_111 = arith.cmpi slt, %add3A_109, %lt3A_110 : i32
    %convert_element_type3A_112 = arith.extui %lt3A_111 : i1 to i32
    %cond3A_113 = arith.constant 0 : i32
    %cond3A_114 = arith.cmpi ne, %convert_element_type3A_112, %cond3A_113 : i32
    scf.if %cond3A_114 {
      %mul3A_272 = arith.constant 40 : i32
      %mul3A_273 = arith.muli %add3A_109, %mul3A_272 : i32
      %multiple_of3A_274 = tpu.assume_multiple %mul3A_273, 40 : i32
      "tpu.region"() ({
        %run_scoped3A = tpu.sem_alloc : memref<!tpu.dma_semaphore, #tpu.memory_space<semaphore_mem>>
        %dma_start3A_275 = arith.constant 0 : i32
        %dma_start3A_276 = arith.constant 0 : i32
        %dma_start3A_277 = tpu.memref_slice %arg11[%dma_start3A_275, %dma_start3A_276] : memref<80x128xf32, #tpu.memory_space<vmem>> -> memref<40x128xf32, #tpu.memory_space<vmem>>
        %dma_start3A_278 = arith.constant 0 : i32
        %dma_start3A_279 = tpu.memref_slice %arg17[%multiple_of3A_274, %dma_start3A_278] : memref<10000x128xf32, #tpu.memory_space<vmem_shared>> -> memref<40x128xf32, #tpu.memory_space<vmem_shared>>
        %dma_start3A_280 = arith.constant 0 : i32
        %dma_start3A_281 = tpu.memref_slice %arg17[%multiple_of3A_274, %dma_start3A_280] : memref<10000x128xf32, #tpu.memory_space<vmem_shared>> -> memref<40x128xf32, #tpu.memory_space<vmem_shared>>
        %dma_start3A_282 = arith.constant 0 : i32
        %dma_start3A_283 = arith.constant 0 : i32
        %dma_start3A_284 = tpu.memref_slice %arg11[%dma_start3A_282, %dma_start3A_283] : memref<80x128xf32, #tpu.memory_space<vmem>> -> memref<40x128xf32, #tpu.memory_space<vmem>>
        tpu.enqueue_dma source(%dma_start3A_284 : memref<40x128xf32, #tpu.memory_space<vmem>>) target(%dma_start3A_281 : memref<40x128xf32, #tpu.memory_space<vmem_shared>>) target_semaphore(%run_scoped3A : memref<!tpu.dma_semaphore, #tpu.memory_space<semaphore_mem>>)
        %dma_wait3A_285 = arith.constant 0 : i32
        %dma_wait3A_286 = arith.constant 0 : i32
        %dma_wait3A_287 = tpu.memref_slice %arg11[%dma_wait3A_285, %dma_wait3A_286] : memref<80x128xf32, #tpu.memory_space<vmem>> -> memref<40x128xf32, #tpu.memory_space<vmem>>
        %dma_wait3A_288 = arith.constant 0 : i32
        %dma_wait3A_289 = tpu.memref_slice %arg17[%multiple_of3A_274, %dma_wait3A_288] : memref<10000x128xf32, #tpu.memory_space<vmem_shared>> -> memref<40x128xf32, #tpu.memory_space<vmem_shared>>
        %dma_wait3A_290 = arith.constant 0 : i32
        %dma_wait3A_291 = tpu.memref_slice %arg17[%multiple_of3A_274, %dma_wait3A_290] : memref<10000x128xf32, #tpu.memory_space<vmem_shared>> -> memref<40x128xf32, #tpu.memory_space<vmem_shared>>
        %dma_wait3A_292 = arith.constant 0 : i32
        %dma_wait3A_293 = arith.constant 0 : i32
        %dma_wait3A_294 = tpu.memref_slice %arg11[%dma_wait3A_292, %dma_wait3A_293] : memref<80x128xf32, #tpu.memory_space<vmem>> -> memref<40x128xf32, #tpu.memory_space<vmem>>
        tpu.wait_dma2 semaphore(%run_scoped3A : memref<!tpu.dma_semaphore, #tpu.memory_space<semaphore_mem>>) src(%dma_wait3A_294 : memref<40x128xf32, #tpu.memory_space<vmem>>) dst(%dma_wait3A_291 : memref<40x128xf32, #tpu.memory_space<vmem_shared>>)
        tpu.yield
      }) : () -> ()
    } else {
    }
    %barrier3A = arith.constant 0 : index
    tpu.barrier barrier_id(%barrier3A)
    "tpu.region"() ({
      %run_scoped3A = tpu.sem_alloc : memref<!tpu.dma_semaphore, #tpu.memory_space<semaphore_mem>>
      %dma_start3A_272 = tpu.memref_slice %arg5[%multiple_of3A] : memref<320000xi32, #tpu.memory_space<hbm>> -> memref<80xi32, #tpu.memory_space<hbm>>
      %dma_start3A_273 = tpu.memref_slice %arg5[%multiple_of3A] : memref<320000xi32, #tpu.memory_space<hbm>> -> memref<80xi32, #tpu.memory_space<hbm>>
      tpu.enqueue_dma source(%dma_start3A_273 : memref<80xi32, #tpu.memory_space<hbm>>) target(%arg7 : memref<80xi32, #tpu.memory_space<vmem>>) target_semaphore(%run_scoped3A : memref<!tpu.dma_semaphore, #tpu.memory_space<semaphore_mem>>)
      %dma_wait3A_274 = tpu.memref_slice %arg5[%multiple_of3A] : memref<320000xi32, #tpu.memory_space<hbm>> -> memref<80xi32, #tpu.memory_space<hbm>>
      %dma_wait3A_275 = tpu.memref_slice %arg5[%multiple_of3A] : memref<320000xi32, #tpu.memory_space<hbm>> -> memref<80xi32, #tpu.memory_space<hbm>>
      tpu.wait_dma2 semaphore(%run_scoped3A : memref<!tpu.dma_semaphore, #tpu.memory_space<semaphore_mem>>) src(%dma_wait3A_275 : memref<80xi32, #tpu.memory_space<hbm>>) dst(%arg7 : memref<80xi32, #tpu.memory_space<vmem>>)
      tpu.yield
    }) : () -> ()
    "tpu.region"() ({
      %run_scoped3A = tpu.sem_alloc : memref<!tpu.dma_semaphore, #tpu.memory_space<semaphore_mem>>
      %dma_start3A_272 = tpu.memref_slice %arg4[%multiple_of3A] : memref<320000xi32, #tpu.memory_space<hbm>> -> memref<80xi32, #tpu.memory_space<hbm>>
      %dma_start3A_273 = tpu.memref_slice %arg4[%multiple_of3A] : memref<320000xi32, #tpu.memory_space<hbm>> -> memref<80xi32, #tpu.memory_space<hbm>>
      tpu.enqueue_dma source(%dma_start3A_273 : memref<80xi32, #tpu.memory_space<hbm>>) target(%arg9 : memref<80xi32, #tpu.memory_space<vmem>>) target_semaphore(%run_scoped3A : memref<!tpu.dma_semaphore, #tpu.memory_space<semaphore_mem>>)
      %dma_wait3A_274 = tpu.memref_slice %arg4[%multiple_of3A] : memref<320000xi32, #tpu.memory_space<hbm>> -> memref<80xi32, #tpu.memory_space<hbm>>
      %dma_wait3A_275 = tpu.memref_slice %arg4[%multiple_of3A] : memref<320000xi32, #tpu.memory_space<hbm>> -> memref<80xi32, #tpu.memory_space<hbm>>
      tpu.wait_dma2 semaphore(%run_scoped3A : memref<!tpu.dma_semaphore, #tpu.memory_space<semaphore_mem>>) src(%dma_wait3A_275 : memref<80xi32, #tpu.memory_space<hbm>>) dst(%arg9 : memref<80xi32, #tpu.memory_space<vmem>>)
      tpu.yield
    }) : () -> ()
    %add3A_115 = arith.constant 0 : i32
    %add3A_116 = arith.addi %multiple_of3A, %add3A_115 : i32
    %multiple_of3A_117 = tpu.assume_multiple %add3A_116, 80 : i32
    %dma_start3A = arith.constant 0 : i32
    %dma_start3A_118 = arith.constant 0 : i32
    %dma_start3A_119 = tpu.memref_slice %arg2[%dma_start3A, %dma_start3A_118] : memref<10000x128xf32, #tpu.memory_space<hbm>> -> memref<10000x128xf32, #tpu.memory_space<hbm>>
    tpu.enqueue_indirect_dma source(%dma_start3A_119 : memref<10000x128xf32, #tpu.memory_space<hbm>>) target(%arg11 : memref<80x128xf32, #tpu.memory_space<vmem>>) offsets(%arg7 : memref<80xi32, #tpu.memory_space<vmem>>) semaphore(%arg20 : memref<!tpu.dma_semaphore, #tpu.memory_space<semaphore_mem>>)
    %dma_start3A_120 = arith.constant 0 : i32
    %dma_start3A_121 = tpu.memref_slice %arg3[%multiple_of3A_117, %dma_start3A_120] : memref<320000x128xf32, #tpu.memory_space<hbm>> -> memref<80x128xf32, #tpu.memory_space<hbm>>
    %dma_start3A_122 = arith.constant 0 : i32
    %dma_start3A_123 = tpu.memref_slice %arg3[%multiple_of3A_117, %dma_start3A_122] : memref<320000x128xf32, #tpu.memory_space<hbm>> -> memref<80x128xf32, #tpu.memory_space<hbm>>
    tpu.enqueue_dma source(%dma_start3A_123 : memref<80x128xf32, #tpu.memory_space<hbm>>) target(%arg13 : memref<80x128xf32, #tpu.memory_space<vmem>>) target_semaphore(%arg22 : memref<!tpu.dma_semaphore, #tpu.memory_space<semaphore_mem>>)
    %add3A_124 = arith.constant 80 : i32
    %add3A_125 = arith.addi %multiple_of3A, %add3A_124 : i32
    %multiple_of3A_126 = tpu.assume_multiple %add3A_125, 80 : i32
    %dma_start3A_127 = tpu.memref_slice %arg5[%multiple_of3A_126] : memref<320000xi32, #tpu.memory_space<hbm>> -> memref<80xi32, #tpu.memory_space<hbm>>
    %dma_start3A_128 = tpu.memref_slice %arg5[%multiple_of3A_126] : memref<320000xi32, #tpu.memory_space<hbm>> -> memref<80xi32, #tpu.memory_space<hbm>>
    tpu.enqueue_dma source(%dma_start3A_128 : memref<80xi32, #tpu.memory_space<hbm>>) target(%arg8 : memref<80xi32, #tpu.memory_space<vmem>>) target_semaphore(%arg19 : memref<!tpu.dma_semaphore, #tpu.memory_space<semaphore_mem>>)
    %dma_start3A_129 = tpu.memref_slice %arg4[%multiple_of3A_126] : memref<320000xi32, #tpu.memory_space<hbm>> -> memref<80xi32, #tpu.memory_space<hbm>>
    %dma_start3A_130 = tpu.memref_slice %arg4[%multiple_of3A_126] : memref<320000xi32, #tpu.memory_space<hbm>> -> memref<80xi32, #tpu.memory_space<hbm>>
    tpu.enqueue_dma source(%dma_start3A_130 : memref<80xi32, #tpu.memory_space<hbm>>) target(%arg10 : memref<80xi32, #tpu.memory_space<vmem>>) target_semaphore(%arg19 : memref<!tpu.dma_semaphore, #tpu.memory_space<semaphore_mem>>)
    %scan3A = arith.constant 0 : i32
    %scan3A_131 = arith.constant 0 : i32
    %scan3A_132 = arith.constant 62 : i32
    %scan3A_133 = arith.addi %scan3A_131, %scan3A_132 : i32
    %scan3A_134 = arith.constant 1 : i32
    scf.for %scan3A_272 = %scan3A_131 to %scan3A_133 step %scan3A_134  : i32 {
      %mul3A_273 = arith.constant 2 : i32
      %mul3A_274 = arith.muli %mul3A_273, %scan3A_272 : i32
      %add3A_275 = arith.constant 0 : i32
      %add3A_276 = arith.addi %mul3A_274, %add3A_275 : i32
      %ge3A = arith.constant 1 : i32
      %ge3A_277 = arith.cmpi sge, %add3A_276, %ge3A : i32
      %add3A_278 = arith.constant 1 : i32
      %add3A_279 = arith.addi %add3A_276, %add3A_278 : i32
      %lt3A_280 = arith.constant 125 : i32
      %lt3A_281 = arith.cmpi slt, %add3A_279, %lt3A_280 : i32
      %and3A = arith.andi %ge3A_277, %lt3A_281 : i1
      %convert_element_type3A_282 = arith.extui %and3A : i1 to i32
      %cond3A_283 = arith.constant 0 : i32
      %cond3A_284 = arith.cmpi ne, %convert_element_type3A_282, %cond3A_283 : i32
      scf.if %cond3A_284 {
        %dma_wait3A_363 = arith.constant 0 : i32
        %dma_wait3A_364 = arith.constant 0 : i32
        %dma_wait3A_365 = tpu.memref_slice %arg17[%dma_wait3A_363, %dma_wait3A_364] : memref<10000x128xf32, #tpu.memory_space<vmem_shared>> -> memref<10000x128xf32, #tpu.memory_space<vmem_shared>>
        tpu.wait_indirect_dma semaphore(%arg25 : memref<!tpu.dma_semaphore, #tpu.memory_space<semaphore_mem>>) src(%arg12 : memref<80x128xf32, #tpu.memory_space<vmem>>) dst(%dma_wait3A_365 : memref<10000x128xf32, #tpu.memory_space<vmem_shared>>)
      } else {
      }
      %add3A_285 = arith.constant 1 : i32
      %add3A_286 = arith.addi %add3A_276, %add3A_285 : i32
      %lt3A_287 = arith.constant 125 : i32
      %lt3A_288 = arith.cmpi slt, %add3A_286, %lt3A_287 : i32
      %convert_element_type3A_289 = arith.extui %lt3A_288 : i1 to i32
      %cond3A_290 = arith.constant 0 : i32
      %cond3A_291 = arith.cmpi ne, %convert_element_type3A_289, %cond3A_290 : i32
      scf.if %cond3A_291 {
        %dma_wait3A_363 = arith.constant 0 : i32
        %dma_wait3A_364 = tpu.memref_slice %arg5[%dma_wait3A_363] : memref<320000xi32, #tpu.memory_space<hbm>> -> memref<80xi32, #tpu.memory_space<hbm>>
        %dma_wait3A_365 = arith.constant 0 : i32
        %dma_wait3A_366 = tpu.memref_slice %arg5[%dma_wait3A_365] : memref<320000xi32, #tpu.memory_space<hbm>> -> memref<80xi32, #tpu.memory_space<hbm>>
        tpu.wait_dma2 semaphore(%arg19 : memref<!tpu.dma_semaphore, #tpu.memory_space<semaphore_mem>>) src(%dma_wait3A_366 : memref<80xi32, #tpu.memory_space<hbm>>) dst(%arg8 : memref<80xi32, #tpu.memory_space<vmem>>)
        %dma_wait3A_367 = arith.constant 0 : i32
        %dma_wait3A_368 = tpu.memref_slice %arg4[%dma_wait3A_367] : memref<320000xi32, #tpu.memory_space<hbm>> -> memref<80xi32, #tpu.memory_space<hbm>>
        %dma_wait3A_369 = arith.constant 0 : i32
        %dma_wait3A_370 = tpu.memref_slice %arg4[%dma_wait3A_369] : memref<320000xi32, #tpu.memory_space<hbm>> -> memref<80xi32, #tpu.memory_space<hbm>>
        tpu.wait_dma2 semaphore(%arg19 : memref<!tpu.dma_semaphore, #tpu.memory_space<semaphore_mem>>) src(%dma_wait3A_370 : memref<80xi32, #tpu.memory_space<hbm>>) dst(%arg10 : memref<80xi32, #tpu.memory_space<vmem>>)
        %add3A_371 = arith.constant 1 : i32
        %add3A_372 = arith.addi %add3A_276, %add3A_371 : i32
        %mul3A_373 = arith.constant 80 : i32
        %mul3A_374 = arith.muli %add3A_372, %mul3A_373 : i32
        %add3A_375 = arith.addi %multiple_of3A, %mul3A_374 : i32
        %multiple_of3A_376 = tpu.assume_multiple %add3A_375, 80 : i32
        %dma_start3A_377 = arith.constant 0 : i32
        %dma_start3A_378 = arith.constant 0 : i32
        %dma_start3A_379 = tpu.memref_slice %arg2[%dma_start3A_377, %dma_start3A_378] : memref<10000x128xf32, #tpu.memory_space<hbm>> -> memref<10000x128xf32, #tpu.memory_space<hbm>>
        tpu.enqueue_indirect_dma source(%dma_start3A_379 : memref<10000x128xf32, #tpu.memory_space<hbm>>) target(%arg12 : memref<80x128xf32, #tpu.memory_space<vmem>>) offsets(%arg8 : memref<80xi32, #tpu.memory_space<vmem>>) semaphore(%arg21 : memref<!tpu.dma_semaphore, #tpu.memory_space<semaphore_mem>>)
        %dma_start3A_380 = arith.constant 0 : i32
        %dma_start3A_381 = tpu.memref_slice %arg3[%multiple_of3A_376, %dma_start3A_380] : memref<320000x128xf32, #tpu.memory_space<hbm>> -> memref<80x128xf32, #tpu.memory_space<hbm>>
        %dma_start3A_382 = arith.constant 0 : i32
        %dma_start3A_383 = tpu.memref_slice %arg3[%multiple_of3A_376, %dma_start3A_382] : memref<320000x128xf32, #tpu.memory_space<hbm>> -> memref<80x128xf32, #tpu.memory_space<hbm>>
        tpu.enqueue_dma source(%dma_start3A_383 : memref<80x128xf32, #tpu.memory_space<hbm>>) target(%arg14 : memref<80x128xf32, #tpu.memory_space<vmem>>) target_semaphore(%arg23 : memref<!tpu.dma_semaphore, #tpu.memory_space<semaphore_mem>>)
      } else {
      }
      %dma_wait3A_292 = arith.constant 0 : i32
      %dma_wait3A_293 = arith.constant 0 : i32
      %dma_wait3A_294 = tpu.memref_slice %arg2[%dma_wait3A_292, %dma_wait3A_293] : memref<10000x128xf32, #tpu.memory_space<hbm>> -> memref<10000x128xf32, #tpu.memory_space<hbm>>
      tpu.wait_indirect_dma semaphore(%arg20 : memref<!tpu.dma_semaphore, #tpu.memory_space<semaphore_mem>>) src(%dma_wait3A_294 : memref<10000x128xf32, #tpu.memory_space<hbm>>) dst(%arg11 : memref<80x128xf32, #tpu.memory_space<vmem>>)
      %dma_wait3A_295 = arith.constant 0 : i32
      %dma_wait3A_296 = arith.constant 0 : i32
      %dma_wait3A_297 = tpu.memref_slice %arg3[%dma_wait3A_295, %dma_wait3A_296] : memref<320000x128xf32, #tpu.memory_space<hbm>> -> memref<80x128xf32, #tpu.memory_space<hbm>>
      %dma_wait3A_298 = arith.constant 0 : i32
      %dma_wait3A_299 = arith.constant 0 : i32
      %dma_wait3A_300 = tpu.memref_slice %arg3[%dma_wait3A_298, %dma_wait3A_299] : memref<320000x128xf32, #tpu.memory_space<hbm>> -> memref<80x128xf32, #tpu.memory_space<hbm>>
      tpu.wait_dma2 semaphore(%arg22 : memref<!tpu.dma_semaphore, #tpu.memory_space<semaphore_mem>>) src(%dma_wait3A_300 : memref<80x128xf32, #tpu.memory_space<hbm>>) dst(%arg13 : memref<80x128xf32, #tpu.memory_space<vmem>>)
      %parallel_loop3A_301 = arith.constant 0 : i32
      %parallel_loop3A_302 = arith.constant 80 : i32
      %parallel_loop3A_303 = arith.constant 1 : i32
      scf.for %parallel_loop3A_363 = %parallel_loop3A_301 to %parallel_loop3A_302 step %parallel_loop3A_303  : i32 {
        %parallel_loop3A_364 = arith.index_cast %parallel_loop3A_363 : i32 to index
        %parallel_loop3A_365 = arith.constant 0 : index
        %parallel_loop3A_366 = tpu.vector_load %arg11[%parallel_loop3A_364, %parallel_loop3A_365] {strides = array<i32>} : memref<80x128xf32, #tpu.memory_space<vmem>>, vector<1x16xf32>,
        %parallel_loop3A_367 = vector.shape_cast %parallel_loop3A_366 : vector<1x16xf32> to vector<16xf32>
        %parallel_loop3A_368 = arith.index_cast %parallel_loop3A_363 : i32 to index
        %parallel_loop3A_369 = arith.constant 0 : index
        %parallel_loop3A_370 = tpu.vector_load %arg13[%parallel_loop3A_368, %parallel_loop3A_369] {strides = array<i32>} : memref<80x128xf32, #tpu.memory_space<vmem>>, vector<1x16xf32>,
        %parallel_loop3A_371 = vector.shape_cast %parallel_loop3A_370 : vector<1x16xf32> to vector<16xf32>
        %parallel_loop3A_372 = arith.mulf %parallel_loop3A_367, %parallel_loop3A_371 : vector<16xf32>
        %parallel_loop3A_373 = arith.index_cast %parallel_loop3A_363 : i32 to index
        %parallel_loop3A_374 = arith.constant 0 : index
        %parallel_loop3A_375 = tpu.vector_load %arg11[%parallel_loop3A_373, %parallel_loop3A_374] {strides = array<i32>} : memref<80x128xf32, #tpu.memory_space<vmem>>, vector<1x16xf32>,
        %parallel_loop3A_376 = vector.shape_cast %parallel_loop3A_375 : vector<1x16xf32> to vector<16xf32>
        %parallel_loop3A_377 = vector.shape_cast %parallel_loop3A_372 : vector<16xf32> to vector<1x16xf32>
        tpu.vector_store %arg11[%parallel_loop3A_373, %parallel_loop3A_374], %parallel_loop3A_377 {strides = array<i32>} : memref<80x128xf32, #tpu.memory_space<vmem>>, vector<1x16xf32>,
        %parallel_loop3A_378 = arith.index_cast %parallel_loop3A_363 : i32 to index
        %parallel_loop3A_379 = arith.constant 16 : index
        %parallel_loop3A_380 = tpu.vector_load %arg11[%parallel_loop3A_378, %parallel_loop3A_379] {strides = array<i32>} : memref<80x128xf32, #tpu.memory_space<vmem>>, vector<1x16xf32>,
        %parallel_loop3A_381 = vector.shape_cast %parallel_loop3A_380 : vector<1x16xf32> to vector<16xf32>
        %parallel_loop3A_382 = arith.index_cast %parallel_loop3A_363 : i32 to index
        %parallel_loop3A_383 = arith.constant 16 : index
        %parallel_loop3A_384 = tpu.vector_load %arg13[%parallel_loop3A_382, %parallel_loop3A_383] {strides = array<i32>} : memref<80x128xf32, #tpu.memory_space<vmem>>, vector<1x16xf32>,
        %parallel_loop3A_385 = vector.shape_cast %parallel_loop3A_384 : vector<1x16xf32> to vector<16xf32>
        %parallel_loop3A_386 = arith.mulf %parallel_loop3A_381, %parallel_loop3A_385 : vector<16xf32>
        %parallel_loop3A_387 = arith.index_cast %parallel_loop3A_363 : i32 to index
        %parallel_loop3A_388 = arith.constant 16 : index
        %parallel_loop3A_389 = tpu.vector_load %arg11[%parallel_loop3A_387, %parallel_loop3A_388] {strides = array<i32>} : memref<80x128xf32, #tpu.memory_space<vmem>>, vector<1x16xf32>,
        %parallel_loop3A_390 = vector.shape_cast %parallel_loop3A_389 : vector<1x16xf32> to vector<16xf32>
        %parallel_loop3A_391 = vector.shape_cast %parallel_loop3A_386 : vector<16xf32> to vector<1x16xf32>
        tpu.vector_store %arg11[%parallel_loop3A_387, %parallel_loop3A_388], %parallel_loop3A_391 {strides = array<i32>} : memref<80x128xf32, #tpu.memory_space<vmem>>, vector<1x16xf32>,
        %parallel_loop3A_392 = arith.index_cast %parallel_loop3A_363 : i32 to index
        %parallel_loop3A_393 = arith.constant 32 : index
        %parallel_loop3A_394 = tpu.vector_load %arg11[%parallel_loop3A_392, %parallel_loop3A_393] {strides = array<i32>} : memref<80x128xf32, #tpu.memory_space<vmem>>, vector<1x16xf32>,
        %parallel_loop3A_395 = vector.shape_cast %parallel_loop3A_394 : vector<1x16xf32> to vector<16xf32>
        %parallel_loop3A_396 = arith.index_cast %parallel_loop3A_363 : i32 to index
        %parallel_loop3A_397 = arith.constant 32 : index
        %parallel_loop3A_398 = tpu.vector_load %arg13[%parallel_loop3A_396, %parallel_loop3A_397] {strides = array<i32>} : memref<80x128xf32, #tpu.memory_space<vmem>>, vector<1x16xf32>,
        %parallel_loop3A_399 = vector.shape_cast %parallel_loop3A_398 : vector<1x16xf32> to vector<16xf32>
        %parallel_loop3A_400 = arith.mulf %parallel_loop3A_395, %parallel_loop3A_399 : vector<16xf32>
        %parallel_loop3A_401 = arith.index_cast %parallel_loop3A_363 : i32 to index
        %parallel_loop3A_402 = arith.constant 32 : index
        %parallel_loop3A_403 = tpu.vector_load %arg11[%parallel_loop3A_401, %parallel_loop3A_402] {strides = array<i32>} : memref<80x128xf32, #tpu.memory_space<vmem>>, vector<1x16xf32>,
        %parallel_loop3A_404 = vector.shape_cast %parallel_loop3A_403 : vector<1x16xf32> to vector<16xf32>
        %parallel_loop3A_405 = vector.shape_cast %parallel_loop3A_400 : vector<16xf32> to vector<1x16xf32>
        tpu.vector_store %arg11[%parallel_loop3A_401, %parallel_loop3A_402], %parallel_loop3A_405 {strides = array<i32>} : memref<80x128xf32, #tpu.memory_space<vmem>>, vector<1x16xf32>,
        %parallel_loop3A_406 = arith.index_cast %parallel_loop3A_363 : i32 to index
        %parallel_loop3A_407 = arith.constant 48 : index
        %parallel_loop3A_408 = tpu.vector_load %arg11[%parallel_loop3A_406, %parallel_loop3A_407] {strides = array<i32>} : memref<80x128xf32, #tpu.memory_space<vmem>>, vector<1x16xf32>,
        %parallel_loop3A_409 = vector.shape_cast %parallel_loop3A_408 : vector<1x16xf32> to vector<16xf32>
        %parallel_loop3A_410 = arith.index_cast %parallel_loop3A_363 : i32 to index
        %parallel_loop3A_411 = arith.constant 48 : index
        %parallel_loop3A_412 = tpu.vector_load %arg13[%parallel_loop3A_410, %parallel_loop3A_411] {strides = array<i32>} : memref<80x128xf32, #tpu.memory_space<vmem>>, vector<1x16xf32>,
        %parallel_loop3A_413 = vector.shape_cast %parallel_loop3A_412 : vector<1x16xf32> to vector<16xf32>
        %parallel_loop3A_414 = arith.mulf %parallel_loop3A_409, %parallel_loop3A_413 : vector<16xf32>
        %parallel_loop3A_415 = arith.index_cast %parallel_loop3A_363 : i32 to index
        %parallel_loop3A_416 = arith.constant 48 : index
        %parallel_loop3A_417 = tpu.vector_load %arg11[%parallel_loop3A_415, %parallel_loop3A_416] {strides = array<i32>} : memref<80x128xf32, #tpu.memory_space<vmem>>, vector<1x16xf32>,
        %parallel_loop3A_418 = vector.shape_cast %parallel_loop3A_417 : vector<1x16xf32> to vector<16xf32>
        %parallel_loop3A_419 = vector.shape_cast %parallel_loop3A_414 : vector<16xf32> to vector<1x16xf32>
        tpu.vector_store %arg11[%parallel_loop3A_415, %parallel_loop3A_416], %parallel_loop3A_419 {strides = array<i32>} : memref<80x128xf32, #tpu.memory_space<vmem>>, vector<1x16xf32>,
        %parallel_loop3A_420 = arith.index_cast %parallel_loop3A_363 : i32 to index
        %parallel_loop3A_421 = arith.constant 64 : index
        %parallel_loop3A_422 = tpu.vector_load %arg11[%parallel_loop3A_420, %parallel_loop3A_421] {strides = array<i32>} : memref<80x128xf32, #tpu.memory_space<vmem>>, vector<1x16xf32>,
        %parallel_loop3A_423 = vector.shape_cast %parallel_loop3A_422 : vector<1x16xf32> to vector<16xf32>
        %parallel_loop3A_424 = arith.index_cast %parallel_loop3A_363 : i32 to index
        %parallel_loop3A_425 = arith.constant 64 : index
        %parallel_loop3A_426 = tpu.vector_load %arg13[%parallel_loop3A_424, %parallel_loop3A_425] {strides = array<i32>} : memref<80x128xf32, #tpu.memory_space<vmem>>, vector<1x16xf32>,
        %parallel_loop3A_427 = vector.shape_cast %parallel_loop3A_426 : vector<1x16xf32> to vector<16xf32>
        %parallel_loop3A_428 = arith.mulf %parallel_loop3A_423, %parallel_loop3A_427 : vector<16xf32>
        %parallel_loop3A_429 = arith.index_cast %parallel_loop3A_363 : i32 to index
        %parallel_loop3A_430 = arith.constant 64 : index
        %parallel_loop3A_431 = tpu.vector_load %arg11[%parallel_loop3A_429, %parallel_loop3A_430] {strides = array<i32>} : memref<80x128xf32, #tpu.memory_space<vmem>>, vector<1x16xf32>,
        %parallel_loop3A_432 = vector.shape_cast %parallel_loop3A_431 : vector<1x16xf32> to vector<16xf32>
        %parallel_loop3A_433 = vector.shape_cast %parallel_loop3A_428 : vector<16xf32> to vector<1x16xf32>
        tpu.vector_store %arg11[%parallel_loop3A_429, %parallel_loop3A_430], %parallel_loop3A_433 {strides = array<i32>} : memref<80x128xf32, #tpu.memory_space<vmem>>, vector<1x16xf32>,
        %parallel_loop3A_434 = arith.index_cast %parallel_loop3A_363 : i32 to index
        %parallel_loop3A_435 = arith.constant 80 : index
        %parallel_loop3A_436 = tpu.vector_load %arg11[%parallel_loop3A_434, %parallel_loop3A_435] {strides = array<i32>} : memref<80x128xf32, #tpu.memory_space<vmem>>, vector<1x16xf32>,
        %parallel_loop3A_437 = vector.shape_cast %parallel_loop3A_436 : vector<1x16xf32> to vector<16xf32>
        %parallel_loop3A_438 = arith.index_cast %parallel_loop3A_363 : i32 to index
        %parallel_loop3A_439 = arith.constant 80 : index
        %parallel_loop3A_440 = tpu.vector_load %arg13[%parallel_loop3A_438, %parallel_loop3A_439] {strides = array<i32>} : memref<80x128xf32, #tpu.memory_space<vmem>>, vector<1x16xf32>,
        %parallel_loop3A_441 = vector.shape_cast %parallel_loop3A_440 : vector<1x16xf32> to vector<16xf32>
        %parallel_loop3A_442 = arith.mulf %parallel_loop3A_437, %parallel_loop3A_441 : vector<16xf32>
        %parallel_loop3A_443 = arith.index_cast %parallel_loop3A_363 : i32 to index
        %parallel_loop3A_444 = arith.constant 80 : index
        %parallel_loop3A_445 = tpu.vector_load %arg11[%parallel_loop3A_443, %parallel_loop3A_444] {strides = array<i32>} : memref<80x128xf32, #tpu.memory_space<vmem>>, vector<1x16xf32>,
        %parallel_loop3A_446 = vector.shape_cast %parallel_loop3A_445 : vector<1x16xf32> to vector<16xf32>
        %parallel_loop3A_447 = vector.shape_cast %parallel_loop3A_442 : vector<16xf32> to vector<1x16xf32>
        tpu.vector_store %arg11[%parallel_loop3A_443, %parallel_loop3A_444], %parallel_loop3A_447 {strides = array<i32>} : memref<80x128xf32, #tpu.memory_space<vmem>>, vector<1x16xf32>,
        %parallel_loop3A_448 = arith.index_cast %parallel_loop3A_363 : i32 to index
        %parallel_loop3A_449 = arith.constant 96 : index
        %parallel_loop3A_450 = tpu.vector_load %arg11[%parallel_loop3A_448, %parallel_loop3A_449] {strides = array<i32>} : memref<80x128xf32, #tpu.memory_space<vmem>>, vector<1x16xf32>,
        %parallel_loop3A_451 = vector.shape_cast %parallel_loop3A_450 : vector<1x16xf32> to vector<16xf32>
        %parallel_loop3A_452 = arith.index_cast %parallel_loop3A_363 : i32 to index
        %parallel_loop3A_453 = arith.constant 96 : index
        %parallel_loop3A_454 = tpu.vector_load %arg13[%parallel_loop3A_452, %parallel_loop3A_453] {strides = array<i32>} : memref<80x128xf32, #tpu.memory_space<vmem>>, vector<1x16xf32>,
        %parallel_loop3A_455 = vector.shape_cast %parallel_loop3A_454 : vector<1x16xf32> to vector<16xf32>
        %parallel_loop3A_456 = arith.mulf %parallel_loop3A_451, %parallel_loop3A_455 : vector<16xf32>
        %parallel_loop3A_457 = arith.index_cast %parallel_loop3A_363 : i32 to index
        %parallel_loop3A_458 = arith.constant 96 : index
        %parallel_loop3A_459 = tpu.vector_load %arg11[%parallel_loop3A_457, %parallel_loop3A_458] {strides = array<i32>} : memref<80x128xf32, #tpu.memory_space<vmem>>, vector<1x16xf32>,
        %parallel_loop3A_460 = vector.shape_cast %parallel_loop3A_459 : vector<1x16xf32> to vector<16xf32>
        %parallel_loop3A_461 = vector.shape_cast %parallel_loop3A_456 : vector<16xf32> to vector<1x16xf32>
        tpu.vector_store %arg11[%parallel_loop3A_457, %parallel_loop3A_458], %parallel_loop3A_461 {strides = array<i32>} : memref<80x128xf32, #tpu.memory_space<vmem>>, vector<1x16xf32>,
        %parallel_loop3A_462 = arith.index_cast %parallel_loop3A_363 : i32 to index
        %parallel_loop3A_463 = arith.constant 112 : index
        %parallel_loop3A_464 = tpu.vector_load %arg11[%parallel_loop3A_462, %parallel_loop3A_463] {strides = array<i32>} : memref<80x128xf32, #tpu.memory_space<vmem>>, vector<1x16xf32>,
        %parallel_loop3A_465 = vector.shape_cast %parallel_loop3A_464 : vector<1x16xf32> to vector<16xf32>
        %parallel_loop3A_466 = arith.index_cast %parallel_loop3A_363 : i32 to index
        %parallel_loop3A_467 = arith.constant 112 : index
        %parallel_loop3A_468 = tpu.vector_load %arg13[%parallel_loop3A_466, %parallel_loop3A_467] {strides = array<i32>} : memref<80x128xf32, #tpu.memory_space<vmem>>, vector<1x16xf32>,
        %parallel_loop3A_469 = vector.shape_cast %parallel_loop3A_468 : vector<1x16xf32> to vector<16xf32>
        %parallel_loop3A_470 = arith.mulf %parallel_loop3A_465, %parallel_loop3A_469 : vector<16xf32>
        %parallel_loop3A_471 = arith.index_cast %parallel_loop3A_363 : i32 to index
        %parallel_loop3A_472 = arith.constant 112 : index
        %parallel_loop3A_473 = tpu.vector_load %arg11[%parallel_loop3A_471, %parallel_loop3A_472] {strides = array<i32>} : memref<80x128xf32, #tpu.memory_space<vmem>>, vector<1x16xf32>,
        %parallel_loop3A_474 = vector.shape_cast %parallel_loop3A_473 : vector<1x16xf32> to vector<16xf32>
        %parallel_loop3A_475 = vector.shape_cast %parallel_loop3A_470 : vector<16xf32> to vector<1x16xf32>
        tpu.vector_store %arg11[%parallel_loop3A_471, %parallel_loop3A_472], %parallel_loop3A_475 {strides = array<i32>} : memref<80x128xf32, #tpu.memory_space<vmem>>, vector<1x16xf32>,
      } {sc.loop_unroll_factor = 4 : i64, sc.parallel_access}
      %parallel_loop3A_304 = arith.constant 0 : i32
      %parallel_loop3A_305 = arith.constant 5 : i32
      %parallel_loop3A_306 = arith.constant 1 : i32
      scf.for %parallel_loop3A_363 = %parallel_loop3A_304 to %parallel_loop3A_305 step %parallel_loop3A_306  : i32 {
        %parallel_loop3A_364 = arith.constant 16 : i32
        %parallel_loop3A_365 = arith.muli %parallel_loop3A_363, %parallel_loop3A_364 : i32
        %parallel_loop3A_366 = arith.index_cast %parallel_loop3A_365 : i32 to index
        %parallel_loop3A_367 = tpu.vector_load %arg9[%parallel_loop3A_366] {strides = array<i32>} : memref<80xi32, #tpu.memory_space<vmem>>, vector<16xi32>,
        %parallel_loop3A_368 = vector.shape_cast %parallel_loop3A_367 : vector<16xi32> to vector<16xi32>
        %parallel_loop3A_369 = arith.constant 16 : i32
        %parallel_loop3A_370 = arith.muli %parallel_loop3A_363, %parallel_loop3A_369 : i32
        %parallel_loop3A_371 = arith.index_cast %parallel_loop3A_370 : i32 to index
        %parallel_loop3A_372 = tpu.vector_load %arg15[%parallel_loop3A_371] {strides = array<i32>} : memref<80xi32, #tpu.memory_space<vmem>>, vector<16xi32>,
        %parallel_loop3A_373 = vector.shape_cast %parallel_loop3A_372 : vector<16xi32> to vector<16xi32>
        %parallel_loop3A_374 = vector.shape_cast %parallel_loop3A_368 : vector<16xi32> to vector<16xi32>
        tpu.vector_store %arg15[%parallel_loop3A_371], %parallel_loop3A_374 {strides = array<i32>} : memref<80xi32, #tpu.memory_space<vmem>>, vector<16xi32>,
      } {sc.loop_unroll_factor = 5 : i64, sc.parallel_access}
      %dma_start3A_307 = arith.constant 0 : i32
      %dma_start3A_308 = arith.constant 0 : i32
      %dma_start3A_309 = tpu.memref_slice %arg17[%dma_start3A_307, %dma_start3A_308] : memref<10000x128xf32, #tpu.memory_space<vmem_shared>> -> memref<10000x128xf32, #tpu.memory_space<vmem_shared>>
      tpu.enqueue_indirect_dma source(%arg11 : memref<80x128xf32, #tpu.memory_space<vmem>>) target(%dma_start3A_309 : memref<10000x128xf32, #tpu.memory_space<vmem_shared>>) offsets(%arg15 : memref<80xi32, #tpu.memory_space<vmem>>) semaphore(%arg24 : memref<!tpu.dma_semaphore, #tpu.memory_space<semaphore_mem>>) {add = true}
      %add3A_310 = arith.constant 2 : i32
      %add3A_311 = arith.addi %add3A_276, %add3A_310 : i32
      %lt3A_312 = arith.constant 125 : i32
      %lt3A_313 = arith.cmpi slt, %add3A_311, %lt3A_312 : i32
      %convert_element_type3A_314 = arith.extui %lt3A_313 : i1 to i32
      %cond3A_315 = arith.constant 0 : i32
      %cond3A_316 = arith.cmpi ne, %convert_element_type3A_314, %cond3A_315 : i32
      scf.if %cond3A_316 {
        %add3A_363 = arith.constant 2 : i32
        %add3A_364 = arith.addi %add3A_276, %add3A_363 : i32
        %mul3A_365 = arith.constant 80 : i32
        %mul3A_366 = arith.muli %add3A_364, %mul3A_365 : i32
        %add3A_367 = arith.addi %multiple_of3A, %mul3A_366 : i32
        %multiple_of3A_368 = tpu.assume_multiple %add3A_367, 80 : i32
        %dma_start3A_369 = tpu.memref_slice %arg5[%multiple_of3A_368] : memref<320000xi32, #tpu.memory_space<hbm>> -> memref<80xi32, #tpu.memory_space<hbm>>
        %dma_start3A_370 = tpu.memref_slice %arg5[%multiple_of3A_368] : memref<320000xi32, #tpu.memory_space<hbm>> -> memref<80xi32, #tpu.memory_space<hbm>>
        tpu.enqueue_dma source(%dma_start3A_370 : memref<80xi32, #tpu.memory_space<hbm>>) target(%arg7 : memref<80xi32, #tpu.memory_space<vmem>>) target_semaphore(%arg18 : memref<!tpu.dma_semaphore, #tpu.memory_space<semaphore_mem>>)
        %dma_start3A_371 = tpu.memref_slice %arg4[%multiple_of3A_368] : memref<320000xi32, #tpu.memory_space<hbm>> -> memref<80xi32, #tpu.memory_space<hbm>>
        %dma_start3A_372 = tpu.memref_slice %arg4[%multiple_of3A_368] : memref<320000xi32, #tpu.memory_space<hbm>> -> memref<80xi32, #tpu.memory_space<hbm>>
        tpu.enqueue_dma source(%dma_start3A_372 : memref<80xi32, #tpu.memory_space<hbm>>) target(%arg9 : memref<80xi32, #tpu.memory_space<vmem>>) target_semaphore(%arg18 : memref<!tpu.dma_semaphore, #tpu.memory_space<semaphore_mem>>)
      } else {
      }
      %mul3A_317 = arith.constant 2 : i32
      %mul3A_318 = arith.muli %mul3A_317, %scan3A_272 : i32
      %add3A_319 = arith.constant 1 : i32
      %add3A_320 = arith.addi %mul3A_318, %add3A_319 : i32
      %ge3A_321 = arith.constant 1 : i32
      %ge3A_322 = arith.cmpi sge, %add3A_320, %ge3A_321 : i32
      %add3A_323 = arith.constant 1 : i32
      %add3A_324 = arith.addi %add3A_320, %add3A_323 : i32
      %lt3A_325 = arith.constant 125 : i32
      %lt3A_326 = arith.cmpi slt, %add3A_324, %lt3A_325 : i32
      %and3A_327 = arith.andi %ge3A_322, %lt3A_326 : i1
      %convert_element_type3A_328 = arith.extui %and3A_327 : i1 to i32
      %cond3A_329 = arith.constant 0 : i32
      %cond3A_330 = arith.cmpi ne, %convert_element_type3A_328, %cond3A_329 : i32
      scf.if %cond3A_330 {
        %dma_wait3A_363 = arith.constant 0 : i32
        %dma_wait3A_364 = arith.constant 0 : i32
        %dma_wait3A_365 = tpu.memref_slice %arg17[%dma_wait3A_363, %dma_wait3A_364] : memref<10000x128xf32, #tpu.memory_space<vmem_shared>> -> memref<10000x128xf32, #tpu.memory_space<vmem_shared>>
        tpu.wait_indirect_dma semaphore(%arg24 : memref<!tpu.dma_semaphore, #tpu.memory_space<semaphore_mem>>) src(%arg11 : memref<80x128xf32, #tpu.memory_space<vmem>>) dst(%dma_wait3A_365 : memref<10000x128xf32, #tpu.memory_space<vmem_shared>>)
      } else {
      }
      %add3A_331 = arith.constant 1 : i32
      %add3A_332 = arith.addi %add3A_320, %add3A_331 : i32
      %lt3A_333 = arith.constant 125 : i32
      %lt3A_334 = arith.cmpi slt, %add3A_332, %lt3A_333 : i32
      %convert_element_type3A_335 = arith.extui %lt3A_334 : i1 to i32
      %cond3A_336 = arith.constant 0 : i32
      %cond3A_337 = arith.cmpi ne, %convert_element_type3A_335, %cond3A_336 : i32
      scf.if %cond3A_337 {
        %dma_wait3A_363 = arith.constant 0 : i32
        %dma_wait3A_364 = tpu.memref_slice %arg5[%dma_wait3A_363] : memref<320000xi32, #tpu.memory_space<hbm>> -> memref<80xi32, #tpu.memory_space<hbm>>
        %dma_wait3A_365 = arith.constant 0 : i32
        %dma_wait3A_366 = tpu.memref_slice %arg5[%dma_wait3A_365] : memref<320000xi32, #tpu.memory_space<hbm>> -> memref<80xi32, #tpu.memory_space<hbm>>
        tpu.wait_dma2 semaphore(%arg18 : memref<!tpu.dma_semaphore, #tpu.memory_space<semaphore_mem>>) src(%dma_wait3A_366 : memref<80xi32, #tpu.memory_space<hbm>>) dst(%arg7 : memref<80xi32, #tpu.memory_space<vmem>>)
        %dma_wait3A_367 = arith.constant 0 : i32
        %dma_wait3A_368 = tpu.memref_slice %arg4[%dma_wait3A_367] : memref<320000xi32, #tpu.memory_space<hbm>> -> memref<80xi32, #tpu.memory_space<hbm>>
        %dma_wait3A_369 = arith.constant 0 : i32
        %dma_wait3A_370 = tpu.memref_slice %arg4[%dma_wait3A_369] : memref<320000xi32, #tpu.memory_space<hbm>> -> memref<80xi32, #tpu.memory_space<hbm>>
        tpu.wait_dma2 semaphore(%arg18 : memref<!tpu.dma_semaphore, #tpu.memory_space<semaphore_mem>>) src(%dma_wait3A_370 : memref<80xi32, #tpu.memory_space<hbm>>) dst(%arg9 : memref<80xi32, #tpu.memory_space<vmem>>)
        %add3A_371 = arith.constant 1 : i32
        %add3A_372 = arith.addi %add3A_320, %add3A_371 : i32
        %mul3A_373 = arith.constant 80 : i32
        %mul3A_374 = arith.muli %add3A_372, %mul3A_373 : i32
        %add3A_375 = arith.addi %multiple_of3A, %mul3A_374 : i32
        %multiple_of3A_376 = tpu.assume_multiple %add3A_375, 80 : i32
        %dma_start3A_377 = arith.constant 0 : i32
        %dma_start3A_378 = arith.constant 0 : i32
        %dma_start3A_379 = tpu.memref_slice %arg2[%dma_start3A_377, %dma_start3A_378] : memref<10000x128xf32, #tpu.memory_space<hbm>> -> memref<10000x128xf32, #tpu.memory_space<hbm>>
        tpu.enqueue_indirect_dma source(%dma_start3A_379 : memref<10000x128xf32, #tpu.memory_space<hbm>>) target(%arg11 : memref<80x128xf32, #tpu.memory_space<vmem>>) offsets(%arg7 : memref<80xi32, #tpu.memory_space<vmem>>) semaphore(%arg20 : memref<!tpu.dma_semaphore, #tpu.memory_space<semaphore_mem>>)
        %dma_start3A_380 = arith.constant 0 : i32
        %dma_start3A_381 = tpu.memref_slice %arg3[%multiple_of3A_376, %dma_start3A_380] : memref<320000x128xf32, #tpu.memory_space<hbm>> -> memref<80x128xf32, #tpu.memory_space<hbm>>
        %dma_start3A_382 = arith.constant 0 : i32
        %dma_start3A_383 = tpu.memref_slice %arg3[%multiple_of3A_376, %dma_start3A_382] : memref<320000x128xf32, #tpu.memory_space<hbm>> -> memref<80x128xf32, #tpu.memory_space<hbm>>
        tpu.enqueue_dma source(%dma_start3A_383 : memref<80x128xf32, #tpu.memory_space<hbm>>) target(%arg13 : memref<80x128xf32, #tpu.memory_space<vmem>>) target_semaphore(%arg22 : memref<!tpu.dma_semaphore, #tpu.memory_space<semaphore_mem>>)
      } else {
      }
      %dma_wait3A_338 = arith.constant 0 : i32
      %dma_wait3A_339 = arith.constant 0 : i32
      %dma_wait3A_340 = tpu.memref_slice %arg2[%dma_wait3A_338, %dma_wait3A_339] : memref<10000x128xf32, #tpu.memory_space<hbm>> -> memref<10000x128xf32, #tpu.memory_space<hbm>>
      tpu.wait_indirect_dma semaphore(%arg21 : memref<!tpu.dma_semaphore, #tpu.memory_space<semaphore_mem>>) src(%dma_wait3A_340 : memref<10000x128xf32, #tpu.memory_space<hbm>>) dst(%arg12 : memref<80x128xf32, #tpu.memory_space<vmem>>)
      %dma_wait3A_341 = arith.constant 0 : i32
      %dma_wait3A_342 = arith.constant 0 : i32
      %dma_wait3A_343 = tpu.memref_slice %arg3[%dma_wait3A_341, %dma_wait3A_342] : memref<320000x128xf32, #tpu.memory_space<hbm>> -> memref<80x128xf32, #tpu.memory_space<hbm>>
      %dma_wait3A_344 = arith.constant 0 : i32
      %dma_wait3A_345 = arith.constant 0 : i32
      %dma_wait3A_346 = tpu.memref_slice %arg3[%dma_wait3A_344, %dma_wait3A_345] : memref<320000x128xf32, #tpu.memory_space<hbm>> -> memref<80x128xf32, #tpu.memory_space<hbm>>
      tpu.wait_dma2 semaphore(%arg23 : memref<!tpu.dma_semaphore, #tpu.memory_space<semaphore_mem>>) src(%dma_wait3A_346 : memref<80x128xf32, #tpu.memory_space<hbm>>) dst(%arg14 : memref<80x128xf32, #tpu.memory_space<vmem>>)
      %parallel_loop3A_347 = arith.constant 0 : i32
      %parallel_loop3A_348 = arith.constant 80 : i32
      %parallel_loop3A_349 = arith.constant 1 : i32
      scf.for %parallel_loop3A_363 = %parallel_loop3A_347 to %parallel_loop3A_348 step %parallel_loop3A_349  : i32 {
        %parallel_loop3A_364 = arith.index_cast %parallel_loop3A_363 : i32 to index
        %parallel_loop3A_365 = arith.constant 0 : index
        %parallel_loop3A_366 = tpu.vector_load %arg12[%parallel_loop3A_364, %parallel_loop3A_365] {strides = array<i32>} : memref<80x128xf32, #tpu.memory_space<vmem>>, vector<1x16xf32>,
        %parallel_loop3A_367 = vector.shape_cast %parallel_loop3A_366 : vector<1x16xf32> to vector<16xf32>
        %parallel_loop3A_368 = arith.index_cast %parallel_loop3A_363 : i32 to index
        %parallel_loop3A_369 = arith.constant 0 : index
        %parallel_loop3A_370 = tpu.vector_load %arg14[%parallel_loop3A_368, %parallel_loop3A_369] {strides = array<i32>} : memref<80x128xf32, #tpu.memory_space<vmem>>, vector<1x16xf32>,
        %parallel_loop3A_371 = vector.shape_cast %parallel_loop3A_370 : vector<1x16xf32> to vector<16xf32>
        %parallel_loop3A_372 = arith.mulf %parallel_loop3A_367, %parallel_loop3A_371 : vector<16xf32>
        %parallel_loop3A_373 = arith.index_cast %parallel_loop3A_363 : i32 to index
        %parallel_loop3A_374 = arith.constant 0 : index
        %parallel_loop3A_375 = tpu.vector_load %arg12[%parallel_loop3A_373, %parallel_loop3A_374] {strides = array<i32>} : memref<80x128xf32, #tpu.memory_space<vmem>>, vector<1x16xf32>,
        %parallel_loop3A_376 = vector.shape_cast %parallel_loop3A_375 : vector<1x16xf32> to vector<16xf32>
        %parallel_loop3A_377 = vector.shape_cast %parallel_loop3A_372 : vector<16xf32> to vector<1x16xf32>
        tpu.vector_store %arg12[%parallel_loop3A_373, %parallel_loop3A_374], %parallel_loop3A_377 {strides = array<i32>} : memref<80x128xf32, #tpu.memory_space<vmem>>, vector<1x16xf32>,
        %parallel_loop3A_378 = arith.index_cast %parallel_loop3A_363 : i32 to index
        %parallel_loop3A_379 = arith.constant 16 : index
        %parallel_loop3A_380 = tpu.vector_load %arg12[%parallel_loop3A_378, %parallel_loop3A_379] {strides = array<i32>} : memref<80x128xf32, #tpu.memory_space<vmem>>, vector<1x16xf32>,
        %parallel_loop3A_381 = vector.shape_cast %parallel_loop3A_380 : vector<1x16xf32> to vector<16xf32>
        %parallel_loop3A_382 = arith.index_cast %parallel_loop3A_363 : i32 to index
        %parallel_loop3A_383 = arith.constant 16 : index
        %parallel_loop3A_384 = tpu.vector_load %arg14[%parallel_loop3A_382, %parallel_loop3A_383] {strides = array<i32>} : memref<80x128xf32, #tpu.memory_space<vmem>>, vector<1x16xf32>,
        %parallel_loop3A_385 = vector.shape_cast %parallel_loop3A_384 : vector<1x16xf32> to vector<16xf32>
        %parallel_loop3A_386 = arith.mulf %parallel_loop3A_381, %parallel_loop3A_385 : vector<16xf32>
        %parallel_loop3A_387 = arith.index_cast %parallel_loop3A_363 : i32 to index
        %parallel_loop3A_388 = arith.constant 16 : index
        %parallel_loop3A_389 = tpu.vector_load %arg12[%parallel_loop3A_387, %parallel_loop3A_388] {strides = array<i32>} : memref<80x128xf32, #tpu.memory_space<vmem>>, vector<1x16xf32>,
        %parallel_loop3A_390 = vector.shape_cast %parallel_loop3A_389 : vector<1x16xf32> to vector<16xf32>
        %parallel_loop3A_391 = vector.shape_cast %parallel_loop3A_386 : vector<16xf32> to vector<1x16xf32>
        tpu.vector_store %arg12[%parallel_loop3A_387, %parallel_loop3A_388], %parallel_loop3A_391 {strides = array<i32>} : memref<80x128xf32, #tpu.memory_space<vmem>>, vector<1x16xf32>,
        %parallel_loop3A_392 = arith.index_cast %parallel_loop3A_363 : i32 to index
        %parallel_loop3A_393 = arith.constant 32 : index
        %parallel_loop3A_394 = tpu.vector_load %arg12[%parallel_loop3A_392, %parallel_loop3A_393] {strides = array<i32>} : memref<80x128xf32, #tpu.memory_space<vmem>>, vector<1x16xf32>,
        %parallel_loop3A_395 = vector.shape_cast %parallel_loop3A_394 : vector<1x16xf32> to vector<16xf32>
        %parallel_loop3A_396 = arith.index_cast %parallel_loop3A_363 : i32 to index
        %parallel_loop3A_397 = arith.constant 32 : index
        %parallel_loop3A_398 = tpu.vector_load %arg14[%parallel_loop3A_396, %parallel_loop3A_397] {strides = array<i32>} : memref<80x128xf32, #tpu.memory_space<vmem>>, vector<1x16xf32>,
        %parallel_loop3A_399 = vector.shape_cast %parallel_loop3A_398 : vector<1x16xf32> to vector<16xf32>
        %parallel_loop3A_400 = arith.mulf %parallel_loop3A_395, %parallel_loop3A_399 : vector<16xf32>
        %parallel_loop3A_401 = arith.index_cast %parallel_loop3A_363 : i32 to index
        %parallel_loop3A_402 = arith.constant 32 : index
        %parallel_loop3A_403 = tpu.vector_load %arg12[%parallel_loop3A_401, %parallel_loop3A_402] {strides = array<i32>} : memref<80x128xf32, #tpu.memory_space<vmem>>, vector<1x16xf32>,
        %parallel_loop3A_404 = vector.shape_cast %parallel_loop3A_403 : vector<1x16xf32> to vector<16xf32>
        %parallel_loop3A_405 = vector.shape_cast %parallel_loop3A_400 : vector<16xf32> to vector<1x16xf32>
        tpu.vector_store %arg12[%parallel_loop3A_401, %parallel_loop3A_402], %parallel_loop3A_405 {strides = array<i32>} : memref<80x128xf32, #tpu.memory_space<vmem>>, vector<1x16xf32>,
        %parallel_loop3A_406 = arith.index_cast %parallel_loop3A_363 : i32 to index
        %parallel_loop3A_407 = arith.constant 48 : index
        %parallel_loop3A_408 = tpu.vector_load %arg12[%parallel_loop3A_406, %parallel_loop3A_407] {strides = array<i32>} : memref<80x128xf32, #tpu.memory_space<vmem>>, vector<1x16xf32>,
        %parallel_loop3A_409 = vector.shape_cast %parallel_loop3A_408 : vector<1x16xf32> to vector<16xf32>
        %parallel_loop3A_410 = arith.index_cast %parallel_loop3A_363 : i32 to index
        %parallel_loop3A_411 = arith.constant 48 : index
        %parallel_loop3A_412 = tpu.vector_load %arg14[%parallel_loop3A_410, %parallel_loop3A_411] {strides = array<i32>} : memref<80x128xf32, #tpu.memory_space<vmem>>, vector<1x16xf32>,
        %parallel_loop3A_413 = vector.shape_cast %parallel_loop3A_412 : vector<1x16xf32> to vector<16xf32>
        %parallel_loop3A_414 = arith.mulf %parallel_loop3A_409, %parallel_loop3A_413 : vector<16xf32>
        %parallel_loop3A_415 = arith.index_cast %parallel_loop3A_363 : i32 to index
        %parallel_loop3A_416 = arith.constant 48 : index
        %parallel_loop3A_417 = tpu.vector_load %arg12[%parallel_loop3A_415, %parallel_loop3A_416] {strides = array<i32>} : memref<80x128xf32, #tpu.memory_space<vmem>>, vector<1x16xf32>,
        %parallel_loop3A_418 = vector.shape_cast %parallel_loop3A_417 : vector<1x16xf32> to vector<16xf32>
        %parallel_loop3A_419 = vector.shape_cast %parallel_loop3A_414 : vector<16xf32> to vector<1x16xf32>
        tpu.vector_store %arg12[%parallel_loop3A_415, %parallel_loop3A_416], %parallel_loop3A_419 {strides = array<i32>} : memref<80x128xf32, #tpu.memory_space<vmem>>, vector<1x16xf32>,
        %parallel_loop3A_420 = arith.index_cast %parallel_loop3A_363 : i32 to index
        %parallel_loop3A_421 = arith.constant 64 : index
        %parallel_loop3A_422 = tpu.vector_load %arg12[%parallel_loop3A_420, %parallel_loop3A_421] {strides = array<i32>} : memref<80x128xf32, #tpu.memory_space<vmem>>, vector<1x16xf32>,
        %parallel_loop3A_423 = vector.shape_cast %parallel_loop3A_422 : vector<1x16xf32> to vector<16xf32>
        %parallel_loop3A_424 = arith.index_cast %parallel_loop3A_363 : i32 to index
        %parallel_loop3A_425 = arith.constant 64 : index
        %parallel_loop3A_426 = tpu.vector_load %arg14[%parallel_loop3A_424, %parallel_loop3A_425] {strides = array<i32>} : memref<80x128xf32, #tpu.memory_space<vmem>>, vector<1x16xf32>,
        %parallel_loop3A_427 = vector.shape_cast %parallel_loop3A_426 : vector<1x16xf32> to vector<16xf32>
        %parallel_loop3A_428 = arith.mulf %parallel_loop3A_423, %parallel_loop3A_427 : vector<16xf32>
        %parallel_loop3A_429 = arith.index_cast %parallel_loop3A_363 : i32 to index
        %parallel_loop3A_430 = arith.constant 64 : index
        %parallel_loop3A_431 = tpu.vector_load %arg12[%parallel_loop3A_429, %parallel_loop3A_430] {strides = array<i32>} : memref<80x128xf32, #tpu.memory_space<vmem>>, vector<1x16xf32>,
        %parallel_loop3A_432 = vector.shape_cast %parallel_loop3A_431 : vector<1x16xf32> to vector<16xf32>
        %parallel_loop3A_433 = vector.shape_cast %parallel_loop3A_428 : vector<16xf32> to vector<1x16xf32>
        tpu.vector_store %arg12[%parallel_loop3A_429, %parallel_loop3A_430], %parallel_loop3A_433 {strides = array<i32>} : memref<80x128xf32, #tpu.memory_space<vmem>>, vector<1x16xf32>,
        %parallel_loop3A_434 = arith.index_cast %parallel_loop3A_363 : i32 to index
        %parallel_loop3A_435 = arith.constant 80 : index
        %parallel_loop3A_436 = tpu.vector_load %arg12[%parallel_loop3A_434, %parallel_loop3A_435] {strides = array<i32>} : memref<80x128xf32, #tpu.memory_space<vmem>>, vector<1x16xf32>,
        %parallel_loop3A_437 = vector.shape_cast %parallel_loop3A_436 : vector<1x16xf32> to vector<16xf32>
        %parallel_loop3A_438 = arith.index_cast %parallel_loop3A_363 : i32 to index
        %parallel_loop3A_439 = arith.constant 80 : index
        %parallel_loop3A_440 = tpu.vector_load %arg14[%parallel_loop3A_438, %parallel_loop3A_439] {strides = array<i32>} : memref<80x128xf32, #tpu.memory_space<vmem>>, vector<1x16xf32>,
        %parallel_loop3A_441 = vector.shape_cast %parallel_loop3A_440 : vector<1x16xf32> to vector<16xf32>
        %parallel_loop3A_442 = arith.mulf %parallel_loop3A_437, %parallel_loop3A_441 : vector<16xf32>
        %parallel_loop3A_443 = arith.index_cast %parallel_loop3A_363 : i32 to index
        %parallel_loop3A_444 = arith.constant 80 : index
        %parallel_loop3A_445 = tpu.vector_load %arg12[%parallel_loop3A_443, %parallel_loop3A_444] {strides = array<i32>} : memref<80x128xf32, #tpu.memory_space<vmem>>, vector<1x16xf32>,
        %parallel_loop3A_446 = vector.shape_cast %parallel_loop3A_445 : vector<1x16xf32> to vector<16xf32>
        %parallel_loop3A_447 = vector.shape_cast %parallel_loop3A_442 : vector<16xf32> to vector<1x16xf32>
        tpu.vector_store %arg12[%parallel_loop3A_443, %parallel_loop3A_444], %parallel_loop3A_447 {strides = array<i32>} : memref<80x128xf32, #tpu.memory_space<vmem>>, vector<1x16xf32>,
        %parallel_loop3A_448 = arith.index_cast %parallel_loop3A_363 : i32 to index
        %parallel_loop3A_449 = arith.constant 96 : index
        %parallel_loop3A_450 = tpu.vector_load %arg12[%parallel_loop3A_448, %parallel_loop3A_449] {strides = array<i32>} : memref<80x128xf32, #tpu.memory_space<vmem>>, vector<1x16xf32>,
        %parallel_loop3A_451 = vector.shape_cast %parallel_loop3A_450 : vector<1x16xf32> to vector<16xf32>
        %parallel_loop3A_452 = arith.index_cast %parallel_loop3A_363 : i32 to index
        %parallel_loop3A_453 = arith.constant 96 : index
        %parallel_loop3A_454 = tpu.vector_load %arg14[%parallel_loop3A_452, %parallel_loop3A_453] {strides = array<i32>} : memref<80x128xf32, #tpu.memory_space<vmem>>, vector<1x16xf32>,
        %parallel_loop3A_455 = vector.shape_cast %parallel_loop3A_454 : vector<1x16xf32> to vector<16xf32>
        %parallel_loop3A_456 = arith.mulf %parallel_loop3A_451, %parallel_loop3A_455 : vector<16xf32>
        %parallel_loop3A_457 = arith.index_cast %parallel_loop3A_363 : i32 to index
        %parallel_loop3A_458 = arith.constant 96 : index
        %parallel_loop3A_459 = tpu.vector_load %arg12[%parallel_loop3A_457, %parallel_loop3A_458] {strides = array<i32>} : memref<80x128xf32, #tpu.memory_space<vmem>>, vector<1x16xf32>,
        %parallel_loop3A_460 = vector.shape_cast %parallel_loop3A_459 : vector<1x16xf32> to vector<16xf32>
        %parallel_loop3A_461 = vector.shape_cast %parallel_loop3A_456 : vector<16xf32> to vector<1x16xf32>
        tpu.vector_store %arg12[%parallel_loop3A_457, %parallel_loop3A_458], %parallel_loop3A_461 {strides = array<i32>} : memref<80x128xf32, #tpu.memory_space<vmem>>, vector<1x16xf32>,
        %parallel_loop3A_462 = arith.index_cast %parallel_loop3A_363 : i32 to index
        %parallel_loop3A_463 = arith.constant 112 : index
        %parallel_loop3A_464 = tpu.vector_load %arg12[%parallel_loop3A_462, %parallel_loop3A_463] {strides = array<i32>} : memref<80x128xf32, #tpu.memory_space<vmem>>, vector<1x16xf32>,
        %parallel_loop3A_465 = vector.shape_cast %parallel_loop3A_464 : vector<1x16xf32> to vector<16xf32>
        %parallel_loop3A_466 = arith.index_cast %parallel_loop3A_363 : i32 to index
        %parallel_loop3A_467 = arith.constant 112 : index
        %parallel_loop3A_468 = tpu.vector_load %arg14[%parallel_loop3A_466, %parallel_loop3A_467] {strides = array<i32>} : memref<80x128xf32, #tpu.memory_space<vmem>>, vector<1x16xf32>,
        %parallel_loop3A_469 = vector.shape_cast %parallel_loop3A_468 : vector<1x16xf32> to vector<16xf32>
        %parallel_loop3A_470 = arith.mulf %parallel_loop3A_465, %parallel_loop3A_469 : vector<16xf32>
        %parallel_loop3A_471 = arith.index_cast %parallel_loop3A_363 : i32 to index
        %parallel_loop3A_472 = arith.constant 112 : index
        %parallel_loop3A_473 = tpu.vector_load %arg12[%parallel_loop3A_471, %parallel_loop3A_472] {strides = array<i32>} : memref<80x128xf32, #tpu.memory_space<vmem>>, vector<1x16xf32>,
        %parallel_loop3A_474 = vector.shape_cast %parallel_loop3A_473 : vector<1x16xf32> to vector<16xf32>
        %parallel_loop3A_475 = vector.shape_cast %parallel_loop3A_470 : vector<16xf32> to vector<1x16xf32>
        tpu.vector_store %arg12[%parallel_loop3A_471, %parallel_loop3A_472], %parallel_loop3A_475 {strides = array<i32>} : memref<80x128xf32, #tpu.memory_space<vmem>>, vector<1x16xf32>,
      } {sc.loop_unroll_factor = 4 : i64, sc.parallel_access}
      %parallel_loop3A_350 = arith.constant 0 : i32
      %parallel_loop3A_351 = arith.constant 5 : i32
      %parallel_loop3A_352 = arith.constant 1 : i32
      scf.for %parallel_loop3A_363 = %parallel_loop3A_350 to %parallel_loop3A_351 step %parallel_loop3A_352  : i32 {
        %parallel_loop3A_364 = arith.constant 16 : i32
        %parallel_loop3A_365 = arith.muli %parallel_loop3A_363, %parallel_loop3A_364 : i32
        %parallel_loop3A_366 = arith.index_cast %parallel_loop3A_365 : i32 to index
        %parallel_loop3A_367 = tpu.vector_load %arg10[%parallel_loop3A_366] {strides = array<i32>} : memref<80xi32, #tpu.memory_space<vmem>>, vector<16xi32>,
        %parallel_loop3A_368 = vector.shape_cast %parallel_loop3A_367 : vector<16xi32> to vector<16xi32>
        %parallel_loop3A_369 = arith.constant 16 : i32
        %parallel_loop3A_370 = arith.muli %parallel_loop3A_363, %parallel_loop3A_369 : i32
        %parallel_loop3A_371 = arith.index_cast %parallel_loop3A_370 : i32 to index
        %parallel_loop3A_372 = tpu.vector_load %arg16[%parallel_loop3A_371] {strides = array<i32>} : memref<80xi32, #tpu.memory_space<vmem>>, vector<16xi32>,
        %parallel_loop3A_373 = vector.shape_cast %parallel_loop3A_372 : vector<16xi32> to vector<16xi32>
        %parallel_loop3A_374 = vector.shape_cast %parallel_loop3A_368 : vector<16xi32> to vector<16xi32>
        tpu.vector_store %arg16[%parallel_loop3A_371], %parallel_loop3A_374 {strides = array<i32>} : memref<80xi32, #tpu.memory_space<vmem>>, vector<16xi32>,
      } {sc.loop_unroll_factor = 5 : i64, sc.parallel_access}
      %dma_start3A_353 = arith.constant 0 : i32
      %dma_start3A_354 = arith.constant 0 : i32
      %dma_start3A_355 = tpu.memref_slice %arg17[%dma_start3A_353, %dma_start3A_354] : memref<10000x128xf32, #tpu.memory_space<vmem_shared>> -> memref<10000x128xf32, #tpu.memory_space<vmem_shared>>
      tpu.enqueue_indirect_dma source(%arg12 : memref<80x128xf32, #tpu.memory_space<vmem>>) target(%dma_start3A_355 : memref<10000x128xf32, #tpu.memory_space<vmem_shared>>) offsets(%arg16 : memref<80xi32, #tpu.memory_space<vmem>>) semaphore(%arg25 : memref<!tpu.dma_semaphore, #tpu.memory_space<semaphore_mem>>) {add = true}
      %add3A_356 = arith.constant 2 : i32
      %add3A_357 = arith.addi %add3A_320, %add3A_356 : i32
      %lt3A_358 = arith.constant 125 : i32
      %lt3A_359 = arith.cmpi slt, %add3A_357, %lt3A_358 : i32
      %convert_element_type3A_360 = arith.extui %lt3A_359 : i1 to i32
      %cond3A_361 = arith.constant 0 : i32
      %cond3A_362 = arith.cmpi ne, %convert_element_type3A_360, %cond3A_361 : i32
      scf.if %cond3A_362 {
        %add3A_363 = arith.constant 2 : i32
        %add3A_364 = arith.addi %add3A_320, %add3A_363 : i32
        %mul3A_365 = arith.constant 80 : i32
        %mul3A_366 = arith.muli %add3A_364, %mul3A_365 : i32
        %add3A_367 = arith.addi %multiple_of3A, %mul3A_366 : i32
        %multiple_of3A_368 = tpu.assume_multiple %add3A_367, 80 : i32
        %dma_start3A_369 = tpu.memref_slice %arg5[%multiple_of3A_368] : memref<320000xi32, #tpu.memory_space<hbm>> -> memref<80xi32, #tpu.memory_space<hbm>>
        %dma_start3A_370 = tpu.memref_slice %arg5[%multiple_of3A_368] : memref<320000xi32, #tpu.memory_space<hbm>> -> memref<80xi32, #tpu.memory_space<hbm>>
        tpu.enqueue_dma source(%dma_start3A_370 : memref<80xi32, #tpu.memory_space<hbm>>) target(%arg8 : memref<80xi32, #tpu.memory_space<vmem>>) target_semaphore(%arg19 : memref<!tpu.dma_semaphore, #tpu.memory_space<semaphore_mem>>)
        %dma_start3A_371 = tpu.memref_slice %arg4[%multiple_of3A_368] : memref<320000xi32, #tpu.memory_space<hbm>> -> memref<80xi32, #tpu.memory_space<hbm>>
        %dma_start3A_372 = tpu.memref_slice %arg4[%multiple_of3A_368] : memref<320000xi32, #tpu.memory_space<hbm>> -> memref<80xi32, #tpu.memory_space<hbm>>
        tpu.enqueue_dma source(%dma_start3A_372 : memref<80xi32, #tpu.memory_space<hbm>>) target(%arg10 : memref<80xi32, #tpu.memory_space<vmem>>) target_semaphore(%arg19 : memref<!tpu.dma_semaphore, #tpu.memory_space<semaphore_mem>>)
      } else {
      }
    }
    %scan3A_135 = arith.constant 62 : i32
    %dma_wait3A = arith.constant 0 : i32
    %dma_wait3A_136 = arith.constant 0 : i32
    %dma_wait3A_137 = tpu.memref_slice %arg2[%dma_wait3A, %dma_wait3A_136] : memref<10000x128xf32, #tpu.memory_space<hbm>> -> memref<10000x128xf32, #tpu.memory_space<hbm>>
    tpu.wait_indirect_dma semaphore(%arg20 : memref<!tpu.dma_semaphore, #tpu.memory_space<semaphore_mem>>) src(%dma_wait3A_137 : memref<10000x128xf32, #tpu.memory_space<hbm>>) dst(%arg11 : memref<80x128xf32, #tpu.memory_space<vmem>>)
    %dma_wait3A_138 = arith.constant 0 : i32
    %dma_wait3A_139 = arith.constant 0 : i32
    %dma_wait3A_140 = tpu.memref_slice %arg3[%dma_wait3A_138, %dma_wait3A_139] : memref<320000x128xf32, #tpu.memory_space<hbm>> -> memref<80x128xf32, #tpu.memory_space<hbm>>
    %dma_wait3A_141 = arith.constant 0 : i32
    %dma_wait3A_142 = arith.constant 0 : i32
    %dma_wait3A_143 = tpu.memref_slice %arg3[%dma_wait3A_141, %dma_wait3A_142] : memref<320000x128xf32, #tpu.memory_space<hbm>> -> memref<80x128xf32, #tpu.memory_space<hbm>>
    tpu.wait_dma2 semaphore(%arg22 : memref<!tpu.dma_semaphore, #tpu.memory_space<semaphore_mem>>) src(%dma_wait3A_143 : memref<80x128xf32, #tpu.memory_space<hbm>>) dst(%arg13 : memref<80x128xf32, #tpu.memory_space<vmem>>)
    %parallel_loop3A_144 = arith.constant 0 : i32
    %parallel_loop3A_145 = arith.constant 80 : i32
    %parallel_loop3A_146 = arith.constant 1 : i32
    scf.for %parallel_loop3A_272 = %parallel_loop3A_144 to %parallel_loop3A_145 step %parallel_loop3A_146  : i32 {
      %parallel_loop3A_273 = arith.index_cast %parallel_loop3A_272 : i32 to index
      %parallel_loop3A_274 = arith.constant 0 : index
      %parallel_loop3A_275 = tpu.vector_load %arg11[%parallel_loop3A_273, %parallel_loop3A_274] {strides = array<i32>} : memref<80x128xf32, #tpu.memory_space<vmem>>, vector<1x16xf32>,
      %parallel_loop3A_276 = vector.shape_cast %parallel_loop3A_275 : vector<1x16xf32> to vector<16xf32>
      %parallel_loop3A_277 = arith.index_cast %parallel_loop3A_272 : i32 to index
      %parallel_loop3A_278 = arith.constant 0 : index
      %parallel_loop3A_279 = tpu.vector_load %arg13[%parallel_loop3A_277, %parallel_loop3A_278] {strides = array<i32>} : memref<80x128xf32, #tpu.memory_space<vmem>>, vector<1x16xf32>,
      %parallel_loop3A_280 = vector.shape_cast %parallel_loop3A_279 : vector<1x16xf32> to vector<16xf32>
      %parallel_loop3A_281 = arith.mulf %parallel_loop3A_276, %parallel_loop3A_280 : vector<16xf32>
      %parallel_loop3A_282 = arith.index_cast %parallel_loop3A_272 : i32 to index
      %parallel_loop3A_283 = arith.constant 0 : index
      %parallel_loop3A_284 = tpu.vector_load %arg11[%parallel_loop3A_282, %parallel_loop3A_283] {strides = array<i32>} : memref<80x128xf32, #tpu.memory_space<vmem>>, vector<1x16xf32>,
      %parallel_loop3A_285 = vector.shape_cast %parallel_loop3A_284 : vector<1x16xf32> to vector<16xf32>
      %parallel_loop3A_286 = vector.shape_cast %parallel_loop3A_281 : vector<16xf32> to vector<1x16xf32>
      tpu.vector_store %arg11[%parallel_loop3A_282, %parallel_loop3A_283], %parallel_loop3A_286 {strides = array<i32>} : memref<80x128xf32, #tpu.memory_space<vmem>>, vector<1x16xf32>,
      %parallel_loop3A_287 = arith.index_cast %parallel_loop3A_272 : i32 to index
      %parallel_loop3A_288 = arith.constant 16 : index
      %parallel_loop3A_289 = tpu.vector_load %arg11[%parallel_loop3A_287, %parallel_loop3A_288] {strides = array<i32>} : memref<80x128xf32, #tpu.memory_space<vmem>>, vector<1x16xf32>,
      %parallel_loop3A_290 = vector.shape_cast %parallel_loop3A_289 : vector<1x16xf32> to vector<16xf32>
      %parallel_loop3A_291 = arith.index_cast %parallel_loop3A_272 : i32 to index
      %parallel_loop3A_292 = arith.constant 16 : index
      %parallel_loop3A_293 = tpu.vector_load %arg13[%parallel_loop3A_291, %parallel_loop3A_292] {strides = array<i32>} : memref<80x128xf32, #tpu.memory_space<vmem>>, vector<1x16xf32>,
      %parallel_loop3A_294 = vector.shape_cast %parallel_loop3A_293 : vector<1x16xf32> to vector<16xf32>
      %parallel_loop3A_295 = arith.mulf %parallel_loop3A_290, %parallel_loop3A_294 : vector<16xf32>
      %parallel_loop3A_296 = arith.index_cast %parallel_loop3A_272 : i32 to index
      %parallel_loop3A_297 = arith.constant 16 : index
      %parallel_loop3A_298 = tpu.vector_load %arg11[%parallel_loop3A_296, %parallel_loop3A_297] {strides = array<i32>} : memref<80x128xf32, #tpu.memory_space<vmem>>, vector<1x16xf32>,
      %parallel_loop3A_299 = vector.shape_cast %parallel_loop3A_298 : vector<1x16xf32> to vector<16xf32>
      %parallel_loop3A_300 = vector.shape_cast %parallel_loop3A_295 : vector<16xf32> to vector<1x16xf32>
      tpu.vector_store %arg11[%parallel_loop3A_296, %parallel_loop3A_297], %parallel_loop3A_300 {strides = array<i32>} : memref<80x128xf32, #tpu.memory_space<vmem>>, vector<1x16xf32>,
      %parallel_loop3A_301 = arith.index_cast %parallel_loop3A_272 : i32 to index
      %parallel_loop3A_302 = arith.constant 32 : index
      %parallel_loop3A_303 = tpu.vector_load %arg11[%parallel_loop3A_301, %parallel_loop3A_302] {strides = array<i32>} : memref<80x128xf32, #tpu.memory_space<vmem>>, vector<1x16xf32>,
      %parallel_loop3A_304 = vector.shape_cast %parallel_loop3A_303 : vector<1x16xf32> to vector<16xf32>
      %parallel_loop3A_305 = arith.index_cast %parallel_loop3A_272 : i32 to index
      %parallel_loop3A_306 = arith.constant 32 : index
      %parallel_loop3A_307 = tpu.vector_load %arg13[%parallel_loop3A_305, %parallel_loop3A_306] {strides = array<i32>} : memref<80x128xf32, #tpu.memory_space<vmem>>, vector<1x16xf32>,
      %parallel_loop3A_308 = vector.shape_cast %parallel_loop3A_307 : vector<1x16xf32> to vector<16xf32>
      %parallel_loop3A_309 = arith.mulf %parallel_loop3A_304, %parallel_loop3A_308 : vector<16xf32>
      %parallel_loop3A_310 = arith.index_cast %parallel_loop3A_272 : i32 to index
      %parallel_loop3A_311 = arith.constant 32 : index
      %parallel_loop3A_312 = tpu.vector_load %arg11[%parallel_loop3A_310, %parallel_loop3A_311] {strides = array<i32>} : memref<80x128xf32, #tpu.memory_space<vmem>>, vector<1x16xf32>,
      %parallel_loop3A_313 = vector.shape_cast %parallel_loop3A_312 : vector<1x16xf32> to vector<16xf32>
      %parallel_loop3A_314 = vector.shape_cast %parallel_loop3A_309 : vector<16xf32> to vector<1x16xf32>
      tpu.vector_store %arg11[%parallel_loop3A_310, %parallel_loop3A_311], %parallel_loop3A_314 {strides = array<i32>} : memref<80x128xf32, #tpu.memory_space<vmem>>, vector<1x16xf32>,
      %parallel_loop3A_315 = arith.index_cast %parallel_loop3A_272 : i32 to index
      %parallel_loop3A_316 = arith.constant 48 : index
      %parallel_loop3A_317 = tpu.vector_load %arg11[%parallel_loop3A_315, %parallel_loop3A_316] {strides = array<i32>} : memref<80x128xf32, #tpu.memory_space<vmem>>, vector<1x16xf32>,
      %parallel_loop3A_318 = vector.shape_cast %parallel_loop3A_317 : vector<1x16xf32> to vector<16xf32>
      %parallel_loop3A_319 = arith.index_cast %parallel_loop3A_272 : i32 to index
      %parallel_loop3A_320 = arith.constant 48 : index
      %parallel_loop3A_321 = tpu.vector_load %arg13[%parallel_loop3A_319, %parallel_loop3A_320] {strides = array<i32>} : memref<80x128xf32, #tpu.memory_space<vmem>>, vector<1x16xf32>,
      %parallel_loop3A_322 = vector.shape_cast %parallel_loop3A_321 : vector<1x16xf32> to vector<16xf32>
      %parallel_loop3A_323 = arith.mulf %parallel_loop3A_318, %parallel_loop3A_322 : vector<16xf32>
      %parallel_loop3A_324 = arith.index_cast %parallel_loop3A_272 : i32 to index
      %parallel_loop3A_325 = arith.constant 48 : index
      %parallel_loop3A_326 = tpu.vector_load %arg11[%parallel_loop3A_324, %parallel_loop3A_325] {strides = array<i32>} : memref<80x128xf32, #tpu.memory_space<vmem>>, vector<1x16xf32>,
      %parallel_loop3A_327 = vector.shape_cast %parallel_loop3A_326 : vector<1x16xf32> to vector<16xf32>
      %parallel_loop3A_328 = vector.shape_cast %parallel_loop3A_323 : vector<16xf32> to vector<1x16xf32>
      tpu.vector_store %arg11[%parallel_loop3A_324, %parallel_loop3A_325], %parallel_loop3A_328 {strides = array<i32>} : memref<80x128xf32, #tpu.memory_space<vmem>>, vector<1x16xf32>,
      %parallel_loop3A_329 = arith.index_cast %parallel_loop3A_272 : i32 to index
      %parallel_loop3A_330 = arith.constant 64 : index
      %parallel_loop3A_331 = tpu.vector_load %arg11[%parallel_loop3A_329, %parallel_loop3A_330] {strides = array<i32>} : memref<80x128xf32, #tpu.memory_space<vmem>>, vector<1x16xf32>,
      %parallel_loop3A_332 = vector.shape_cast %parallel_loop3A_331 : vector<1x16xf32> to vector<16xf32>
      %parallel_loop3A_333 = arith.index_cast %parallel_loop3A_272 : i32 to index
      %parallel_loop3A_334 = arith.constant 64 : index
      %parallel_loop3A_335 = tpu.vector_load %arg13[%parallel_loop3A_333, %parallel_loop3A_334] {strides = array<i32>} : memref<80x128xf32, #tpu.memory_space<vmem>>, vector<1x16xf32>,
      %parallel_loop3A_336 = vector.shape_cast %parallel_loop3A_335 : vector<1x16xf32> to vector<16xf32>
      %parallel_loop3A_337 = arith.mulf %parallel_loop3A_332, %parallel_loop3A_336 : vector<16xf32>
      %parallel_loop3A_338 = arith.index_cast %parallel_loop3A_272 : i32 to index
      %parallel_loop3A_339 = arith.constant 64 : index
      %parallel_loop3A_340 = tpu.vector_load %arg11[%parallel_loop3A_338, %parallel_loop3A_339] {strides = array<i32>} : memref<80x128xf32, #tpu.memory_space<vmem>>, vector<1x16xf32>,
      %parallel_loop3A_341 = vector.shape_cast %parallel_loop3A_340 : vector<1x16xf32> to vector<16xf32>
      %parallel_loop3A_342 = vector.shape_cast %parallel_loop3A_337 : vector<16xf32> to vector<1x16xf32>
      tpu.vector_store %arg11[%parallel_loop3A_338, %parallel_loop3A_339], %parallel_loop3A_342 {strides = array<i32>} : memref<80x128xf32, #tpu.memory_space<vmem>>, vector<1x16xf32>,
      %parallel_loop3A_343 = arith.index_cast %parallel_loop3A_272 : i32 to index
      %parallel_loop3A_344 = arith.constant 80 : index
      %parallel_loop3A_345 = tpu.vector_load %arg11[%parallel_loop3A_343, %parallel_loop3A_344] {strides = array<i32>} : memref<80x128xf32, #tpu.memory_space<vmem>>, vector<1x16xf32>,
      %parallel_loop3A_346 = vector.shape_cast %parallel_loop3A_345 : vector<1x16xf32> to vector<16xf32>
      %parallel_loop3A_347 = arith.index_cast %parallel_loop3A_272 : i32 to index
      %parallel_loop3A_348 = arith.constant 80 : index
      %parallel_loop3A_349 = tpu.vector_load %arg13[%parallel_loop3A_347, %parallel_loop3A_348] {strides = array<i32>} : memref<80x128xf32, #tpu.memory_space<vmem>>, vector<1x16xf32>,
      %parallel_loop3A_350 = vector.shape_cast %parallel_loop3A_349 : vector<1x16xf32> to vector<16xf32>
      %parallel_loop3A_351 = arith.mulf %parallel_loop3A_346, %parallel_loop3A_350 : vector<16xf32>
      %parallel_loop3A_352 = arith.index_cast %parallel_loop3A_272 : i32 to index
      %parallel_loop3A_353 = arith.constant 80 : index
      %parallel_loop3A_354 = tpu.vector_load %arg11[%parallel_loop3A_352, %parallel_loop3A_353] {strides = array<i32>} : memref<80x128xf32, #tpu.memory_space<vmem>>, vector<1x16xf32>,
      %parallel_loop3A_355 = vector.shape_cast %parallel_loop3A_354 : vector<1x16xf32> to vector<16xf32>
      %parallel_loop3A_356 = vector.shape_cast %parallel_loop3A_351 : vector<16xf32> to vector<1x16xf32>
      tpu.vector_store %arg11[%parallel_loop3A_352, %parallel_loop3A_353], %parallel_loop3A_356 {strides = array<i32>} : memref<80x128xf32, #tpu.memory_space<vmem>>, vector<1x16xf32>,
      %parallel_loop3A_357 = arith.index_cast %parallel_loop3A_272 : i32 to index
      %parallel_loop3A_358 = arith.constant 96 : index
      %parallel_loop3A_359 = tpu.vector_load %arg11[%parallel_loop3A_357, %parallel_loop3A_358] {strides = array<i32>} : memref<80x128xf32, #tpu.memory_space<vmem>>, vector<1x16xf32>,
      %parallel_loop3A_360 = vector.shape_cast %parallel_loop3A_359 : vector<1x16xf32> to vector<16xf32>
      %parallel_loop3A_361 = arith.index_cast %parallel_loop3A_272 : i32 to index
      %parallel_loop3A_362 = arith.constant 96 : index
      %parallel_loop3A_363 = tpu.vector_load %arg13[%parallel_loop3A_361, %parallel_loop3A_362] {strides = array<i32>} : memref<80x128xf32, #tpu.memory_space<vmem>>, vector<1x16xf32>,
      %parallel_loop3A_364 = vector.shape_cast %parallel_loop3A_363 : vector<1x16xf32> to vector<16xf32>
      %parallel_loop3A_365 = arith.mulf %parallel_loop3A_360, %parallel_loop3A_364 : vector<16xf32>
      %parallel_loop3A_366 = arith.index_cast %parallel_loop3A_272 : i32 to index
      %parallel_loop3A_367 = arith.constant 96 : index
      %parallel_loop3A_368 = tpu.vector_load %arg11[%parallel_loop3A_366, %parallel_loop3A_367] {strides = array<i32>} : memref<80x128xf32, #tpu.memory_space<vmem>>, vector<1x16xf32>,
      %parallel_loop3A_369 = vector.shape_cast %parallel_loop3A_368 : vector<1x16xf32> to vector<16xf32>
      %parallel_loop3A_370 = vector.shape_cast %parallel_loop3A_365 : vector<16xf32> to vector<1x16xf32>
      tpu.vector_store %arg11[%parallel_loop3A_366, %parallel_loop3A_367], %parallel_loop3A_370 {strides = array<i32>} : memref<80x128xf32, #tpu.memory_space<vmem>>, vector<1x16xf32>,
      %parallel_loop3A_371 = arith.index_cast %parallel_loop3A_272 : i32 to index
      %parallel_loop3A_372 = arith.constant 112 : index
      %parallel_loop3A_373 = tpu.vector_load %arg11[%parallel_loop3A_371, %parallel_loop3A_372] {strides = array<i32>} : memref<80x128xf32, #tpu.memory_space<vmem>>, vector<1x16xf32>,
      %parallel_loop3A_374 = vector.shape_cast %parallel_loop3A_373 : vector<1x16xf32> to vector<16xf32>
      %parallel_loop3A_375 = arith.index_cast %parallel_loop3A_272 : i32 to index
      %parallel_loop3A_376 = arith.constant 112 : index
      %parallel_loop3A_377 = tpu.vector_load %arg13[%parallel_loop3A_375, %parallel_loop3A_376] {strides = array<i32>} : memref<80x128xf32, #tpu.memory_space<vmem>>, vector<1x16xf32>,
      %parallel_loop3A_378 = vector.shape_cast %parallel_loop3A_377 : vector<1x16xf32> to vector<16xf32>
      %parallel_loop3A_379 = arith.mulf %parallel_loop3A_374, %parallel_loop3A_378 : vector<16xf32>
      %parallel_loop3A_380 = arith.index_cast %parallel_loop3A_272 : i32 to index
      %parallel_loop3A_381 = arith.constant 112 : index
      %parallel_loop3A_382 = tpu.vector_load %arg11[%parallel_loop3A_380, %parallel_loop3A_381] {strides = array<i32>} : memref<80x128xf32, #tpu.memory_space<vmem>>, vector<1x16xf32>,
      %parallel_loop3A_383 = vector.shape_cast %parallel_loop3A_382 : vector<1x16xf32> to vector<16xf32>
      %parallel_loop3A_384 = vector.shape_cast %parallel_loop3A_379 : vector<16xf32> to vector<1x16xf32>
      tpu.vector_store %arg11[%parallel_loop3A_380, %parallel_loop3A_381], %parallel_loop3A_384 {strides = array<i32>} : memref<80x128xf32, #tpu.memory_space<vmem>>, vector<1x16xf32>,
    } {sc.loop_unroll_factor = 4 : i64, sc.parallel_access}
    %parallel_loop3A_147 = arith.constant 0 : i32
    %parallel_loop3A_148 = arith.constant 5 : i32
    %parallel_loop3A_149 = arith.constant 1 : i32
    scf.for %parallel_loop3A_272 = %parallel_loop3A_147 to %parallel_loop3A_148 step %parallel_loop3A_149  : i32 {
      %parallel_loop3A_273 = arith.constant 16 : i32
      %parallel_loop3A_274 = arith.muli %parallel_loop3A_272, %parallel_loop3A_273 : i32
      %parallel_loop3A_275 = arith.index_cast %parallel_loop3A_274 : i32 to index
      %parallel_loop3A_276 = tpu.vector_load %arg9[%parallel_loop3A_275] {strides = array<i32>} : memref<80xi32, #tpu.memory_space<vmem>>, vector<16xi32>,
      %parallel_loop3A_277 = vector.shape_cast %parallel_loop3A_276 : vector<16xi32> to vector<16xi32>
      %parallel_loop3A_278 = arith.constant 16 : i32
      %parallel_loop3A_279 = arith.muli %parallel_loop3A_272, %parallel_loop3A_278 : i32
      %parallel_loop3A_280 = arith.index_cast %parallel_loop3A_279 : i32 to index
      %parallel_loop3A_281 = tpu.vector_load %arg15[%parallel_loop3A_280] {strides = array<i32>} : memref<80xi32, #tpu.memory_space<vmem>>, vector<16xi32>,
      %parallel_loop3A_282 = vector.shape_cast %parallel_loop3A_281 : vector<16xi32> to vector<16xi32>
      %parallel_loop3A_283 = vector.shape_cast %parallel_loop3A_277 : vector<16xi32> to vector<16xi32>
      tpu.vector_store %arg15[%parallel_loop3A_280], %parallel_loop3A_283 {strides = array<i32>} : memref<80xi32, #tpu.memory_space<vmem>>, vector<16xi32>,
    } {sc.loop_unroll_factor = 5 : i64, sc.parallel_access}
    %dma_start3A_150 = arith.constant 0 : i32
    %dma_start3A_151 = arith.constant 0 : i32
    %dma_start3A_152 = tpu.memref_slice %arg17[%dma_start3A_150, %dma_start3A_151] : memref<10000x128xf32, #tpu.memory_space<vmem_shared>> -> memref<10000x128xf32, #tpu.memory_space<vmem_shared>>
    tpu.enqueue_indirect_dma source(%arg11 : memref<80x128xf32, #tpu.memory_space<vmem>>) target(%dma_start3A_152 : memref<10000x128xf32, #tpu.memory_space<vmem_shared>>) offsets(%arg15 : memref<80xi32, #tpu.memory_space<vmem>>) semaphore(%arg24 : memref<!tpu.dma_semaphore, #tpu.memory_space<semaphore_mem>>) {add = true}
    %dma_wait3A_153 = arith.constant 0 : i32
    %dma_wait3A_154 = arith.constant 0 : i32
    %dma_wait3A_155 = tpu.memref_slice %arg17[%dma_wait3A_153, %dma_wait3A_154] : memref<10000x128xf32, #tpu.memory_space<vmem_shared>> -> memref<10000x128xf32, #tpu.memory_space<vmem_shared>>
    tpu.wait_indirect_dma semaphore(%arg25 : memref<!tpu.dma_semaphore, #tpu.memory_space<semaphore_mem>>) src(%arg12 : memref<80x128xf32, #tpu.memory_space<vmem>>) dst(%dma_wait3A_155 : memref<10000x128xf32, #tpu.memory_space<vmem_shared>>)
    %dma_wait3A_156 = arith.constant 0 : i32
    %dma_wait3A_157 = arith.constant 0 : i32
    %dma_wait3A_158 = tpu.memref_slice %arg17[%dma_wait3A_156, %dma_wait3A_157] : memref<10000x128xf32, #tpu.memory_space<vmem_shared>> -> memref<10000x128xf32, #tpu.memory_space<vmem_shared>>
    tpu.wait_indirect_dma semaphore(%arg24 : memref<!tpu.dma_semaphore, #tpu.memory_space<semaphore_mem>>) src(%arg11 : memref<80x128xf32, #tpu.memory_space<vmem>>) dst(%dma_wait3A_158 : memref<10000x128xf32, #tpu.memory_space<vmem_shared>>)
    %barrier3A_159 = arith.constant 0 : index
    tpu.barrier barrier_id(%barrier3A_159)
    %add3A_160 = arith.constant 0 : i32
    %add3A_161 = arith.addi %arg1, %add3A_160 : i32
    %lt3A_162 = arith.constant 250 : i32
    %lt3A_163 = arith.cmpi slt, %add3A_161, %lt3A_162 : i32
    %convert_element_type3A_164 = arith.extui %lt3A_163 : i1 to i32
    %cond3A_165 = arith.constant 0 : i32
    %cond3A_166 = arith.cmpi ne, %convert_element_type3A_164, %cond3A_165 : i32
    scf.if %cond3A_166 {
      %mul3A_272 = arith.constant 40 : i32
      %mul3A_273 = arith.muli %add3A_161, %mul3A_272 : i32
      %multiple_of3A_274 = tpu.assume_multiple %mul3A_273, 40 : i32
      "tpu.region"() ({
        %run_scoped3A = tpu.sem_alloc : memref<!tpu.dma_semaphore, #tpu.memory_space<semaphore_mem>>
        %dma_start3A_275 = arith.constant 0 : i32
        %dma_start3A_276 = arith.constant 0 : i32
        %dma_start3A_277 = tpu.memref_slice %arg11[%dma_start3A_275, %dma_start3A_276] : memref<80x128xf32, #tpu.memory_space<vmem>> -> memref<40x128xf32, #tpu.memory_space<vmem>>
        %dma_start3A_278 = arith.constant 0 : i32
        %dma_start3A_279 = tpu.memref_slice %arg17[%multiple_of3A_274, %dma_start3A_278] : memref<10000x128xf32, #tpu.memory_space<vmem_shared>> -> memref<40x128xf32, #tpu.memory_space<vmem_shared>>
        %dma_start3A_280 = arith.constant 0 : i32
        %dma_start3A_281 = arith.constant 0 : i32
        %dma_start3A_282 = tpu.memref_slice %arg11[%dma_start3A_280, %dma_start3A_281] : memref<80x128xf32, #tpu.memory_space<vmem>> -> memref<40x128xf32, #tpu.memory_space<vmem>>
        %dma_start3A_283 = arith.constant 0 : i32
        %dma_start3A_284 = tpu.memref_slice %arg17[%multiple_of3A_274, %dma_start3A_283] : memref<10000x128xf32, #tpu.memory_space<vmem_shared>> -> memref<40x128xf32, #tpu.memory_space<vmem_shared>>
        tpu.enqueue_dma source(%dma_start3A_284 : memref<40x128xf32, #tpu.memory_space<vmem_shared>>) target(%dma_start3A_282 : memref<40x128xf32, #tpu.memory_space<vmem>>) target_semaphore(%run_scoped3A : memref<!tpu.dma_semaphore, #tpu.memory_space<semaphore_mem>>)
        %dma_wait3A_285 = arith.constant 0 : i32
        %dma_wait3A_286 = arith.constant 0 : i32
        %dma_wait3A_287 = tpu.memref_slice %arg11[%dma_wait3A_285, %dma_wait3A_286] : memref<80x128xf32, #tpu.memory_space<vmem>> -> memref<40x128xf32, #tpu.memory_space<vmem>>
        %dma_wait3A_288 = arith.constant 0 : i32
        %dma_wait3A_289 = tpu.memref_slice %arg17[%multiple_of3A_274, %dma_wait3A_288] : memref<10000x128xf32, #tpu.memory_space<vmem_shared>> -> memref<40x128xf32, #tpu.memory_space<vmem_shared>>
        %dma_wait3A_290 = arith.constant 0 : i32
        %dma_wait3A_291 = arith.constant 0 : i32
        %dma_wait3A_292 = tpu.memref_slice %arg11[%dma_wait3A_290, %dma_wait3A_291] : memref<80x128xf32, #tpu.memory_space<vmem>> -> memref<40x128xf32, #tpu.memory_space<vmem>>
        %dma_wait3A_293 = arith.constant 0 : i32
        %dma_wait3A_294 = tpu.memref_slice %arg17[%multiple_of3A_274, %dma_wait3A_293] : memref<10000x128xf32, #tpu.memory_space<vmem_shared>> -> memref<40x128xf32, #tpu.memory_space<vmem_shared>>
        tpu.wait_dma2 semaphore(%run_scoped3A : memref<!tpu.dma_semaphore, #tpu.memory_space<semaphore_mem>>) src(%dma_wait3A_294 : memref<40x128xf32, #tpu.memory_space<vmem_shared>>) dst(%dma_wait3A_292 : memref<40x128xf32, #tpu.memory_space<vmem>>)
        tpu.yield
      }) : () -> ()
      "tpu.region"() ({
        %run_scoped3A = tpu.sem_alloc : memref<!tpu.dma_semaphore, #tpu.memory_space<semaphore_mem>>
        %dma_start3A_275 = arith.constant 0 : i32
        %dma_start3A_276 = arith.constant 0 : i32
        %dma_start3A_277 = tpu.memref_slice %arg11[%dma_start3A_275, %dma_start3A_276] : memref<80x128xf32, #tpu.memory_space<vmem>> -> memref<40x128xf32, #tpu.memory_space<vmem>>
        %dma_start3A_278 = arith.constant 0 : i32
        %dma_start3A_279 = tpu.memref_slice %arg6[%arg0, %multiple_of3A_274, %dma_start3A_278] : memref<2x10000x128xf32, #tpu.memory_space<hbm>> -> memref<1x40x128xf32, #tpu.memory_space<hbm>>
        %dma_start3A_280 = tpu.memref_squeeze %dma_start3A_279 : memref<1x40x128xf32, #tpu.memory_space<hbm>> -> memref<40x128xf32, #tpu.memory_space<hbm>>
        %dma_start3A_281 = arith.constant 0 : i32
        %dma_start3A_282 = tpu.memref_slice %arg6[%arg0, %multiple_of3A_274, %dma_start3A_281] : memref<2x10000x128xf32, #tpu.memory_space<hbm>> -> memref<1x40x128xf32, #tpu.memory_space<hbm>>
        %dma_start3A_283 = tpu.memref_squeeze %dma_start3A_282 : memref<1x40x128xf32, #tpu.memory_space<hbm>> -> memref<40x128xf32, #tpu.memory_space<hbm>>
        %dma_start3A_284 = arith.constant 0 : i32
        %dma_start3A_285 = arith.constant 0 : i32
        %dma_start3A_286 = tpu.memref_slice %arg11[%dma_start3A_284, %dma_start3A_285] : memref<80x128xf32, #tpu.memory_space<vmem>> -> memref<40x128xf32, #tpu.memory_space<vmem>>
        tpu.enqueue_dma source(%dma_start3A_286 : memref<40x128xf32, #tpu.memory_space<vmem>>) target(%dma_start3A_283 : memref<40x128xf32, #tpu.memory_space<hbm>>) target_semaphore(%run_scoped3A : memref<!tpu.dma_semaphore, #tpu.memory_space<semaphore_mem>>)
        %dma_wait3A_287 = arith.constant 0 : i32
        %dma_wait3A_288 = arith.constant 0 : i32
        %dma_wait3A_289 = tpu.memref_slice %arg11[%dma_wait3A_287, %dma_wait3A_288] : memref<80x128xf32, #tpu.memory_space<vmem>> -> memref<40x128xf32, #tpu.memory_space<vmem>>
        %dma_wait3A_290 = arith.constant 0 : i32
        %dma_wait3A_291 = tpu.memref_slice %arg6[%arg0, %multiple_of3A_274, %dma_wait3A_290] : memref<2x10000x128xf32, #tpu.memory_space<hbm>> -> memref<1x40x128xf32, #tpu.memory_space<hbm>>
        %dma_wait3A_292 = tpu.memref_squeeze %dma_wait3A_291 : memref<1x40x128xf32, #tpu.memory_space<hbm>> -> memref<40x128xf32, #tpu.memory_space<hbm>>
        %dma_wait3A_293 = arith.constant 0 : i32
        %dma_wait3A_294 = tpu.memref_slice %arg6[%arg0, %multiple_of3A_274, %dma_wait3A_293] : memref<2x10000x128xf32, #tpu.memory_space<hbm>> -> memref<1x40x128xf32, #tpu.memory_space<hbm>>
        %dma_wait3A_295 = tpu.memref_squeeze %dma_wait3A_294 : memref<1x40x128xf32, #tpu.memory_space<hbm>> -> memref<40x128xf32, #tpu.memory_space<hbm>>
        %dma_wait3A_296 = arith.constant 0 : i32
        %dma_wait3A_297 = arith.constant 0 : i32
        %dma_wait3A_298 = tpu.memref_slice %arg11[%dma_wait3A_296, %dma_wait3A_297] : memref<80x128xf32, #tpu.memory_space<vmem>> -> memref<40x128xf32, #tpu.memory_space<vmem>>
        tpu.wait_dma2 semaphore(%run_scoped3A : memref<!tpu.dma_semaphore, #tpu.memory_space<semaphore_mem>>) src(%dma_wait3A_298 : memref<40x128xf32, #tpu.memory_space<vmem>>) dst(%dma_wait3A_295 : memref<40x128xf32, #tpu.memory_space<hbm>>)
        tpu.yield
      }) : () -> ()
    } else {
    }
    %add3A_167 = arith.constant 16 : i32
    %add3A_168 = arith.addi %arg1, %add3A_167 : i32
    %lt3A_169 = arith.constant 250 : i32
    %lt3A_170 = arith.cmpi slt, %add3A_168, %lt3A_169 : i32
    %convert_element_type3A_171 = arith.extui %lt3A_170 : i1 to i32
    %cond3A_172 = arith.constant 0 : i32
    %cond3A_173 = arith.cmpi ne, %convert_element_type3A_171, %cond3A_172 : i32
    scf.if %cond3A_173 {
      %mul3A_272 = arith.constant 40 : i32
      %mul3A_273 = arith.muli %add3A_168, %mul3A_272 : i32
      %multiple_of3A_274 = tpu.assume_multiple %mul3A_273, 40 : i32
      "tpu.region"() ({
        %run_scoped3A = tpu.sem_alloc : memref<!tpu.dma_semaphore, #tpu.memory_space<semaphore_mem>>
        %dma_start3A_275 = arith.constant 0 : i32
        %dma_start3A_276 = arith.constant 0 : i32
        %dma_start3A_277 = tpu.memref_slice %arg11[%dma_start3A_275, %dma_start3A_276] : memref<80x128xf32, #tpu.memory_space<vmem>> -> memref<40x128xf32, #tpu.memory_space<vmem>>
        %dma_start3A_278 = arith.constant 0 : i32
        %dma_start3A_279 = tpu.memref_slice %arg17[%multiple_of3A_274, %dma_start3A_278] : memref<10000x128xf32, #tpu.memory_space<vmem_shared>> -> memref<40x128xf32, #tpu.memory_space<vmem_shared>>
        %dma_start3A_280 = arith.constant 0 : i32
        %dma_start3A_281 = arith.constant 0 : i32
        %dma_start3A_282 = tpu.memref_slice %arg11[%dma_start3A_280, %dma_start3A_281] : memref<80x128xf32, #tpu.memory_space<vmem>> -> memref<40x128xf32, #tpu.memory_space<vmem>>
        %dma_start3A_283 = arith.constant 0 : i32
        %dma_start3A_284 = tpu.memref_slice %arg17[%multiple_of3A_274, %dma_start3A_283] : memref<10000x128xf32, #tpu.memory_space<vmem_shared>> -> memref<40x128xf32, #tpu.memory_space<vmem_shared>>
        tpu.enqueue_dma source(%dma_start3A_284 : memref<40x128xf32, #tpu.memory_space<vmem_shared>>) target(%dma_start3A_282 : memref<40x128xf32, #tpu.memory_space<vmem>>) target_semaphore(%run_scoped3A : memref<!tpu.dma_semaphore, #tpu.memory_space<semaphore_mem>>)
        %dma_wait3A_285 = arith.constant 0 : i32
        %dma_wait3A_286 = arith.constant 0 : i32
        %dma_wait3A_287 = tpu.memref_slice %arg11[%dma_wait3A_285, %dma_wait3A_286] : memref<80x128xf32, #tpu.memory_space<vmem>> -> memref<40x128xf32, #tpu.memory_space<vmem>>
        %dma_wait3A_288 = arith.constant 0 : i32
        %dma_wait3A_289 = tpu.memref_slice %arg17[%multiple_of3A_274, %dma_wait3A_288] : memref<10000x128xf32, #tpu.memory_space<vmem_shared>> -> memref<40x128xf32, #tpu.memory_space<vmem_shared>>
        %dma_wait3A_290 = arith.constant 0 : i32
        %dma_wait3A_291 = arith.constant 0 : i32
        %dma_wait3A_292 = tpu.memref_slice %arg11[%dma_wait3A_290, %dma_wait3A_291] : memref<80x128xf32, #tpu.memory_space<vmem>> -> memref<40x128xf32, #tpu.memory_space<vmem>>
        %dma_wait3A_293 = arith.constant 0 : i32
        %dma_wait3A_294 = tpu.memref_slice %arg17[%multiple_of3A_274, %dma_wait3A_293] : memref<10000x128xf32, #tpu.memory_space<vmem_shared>> -> memref<40x128xf32, #tpu.memory_space<vmem_shared>>
        tpu.wait_dma2 semaphore(%run_scoped3A : memref<!tpu.dma_semaphore, #tpu.memory_space<semaphore_mem>>) src(%dma_wait3A_294 : memref<40x128xf32, #tpu.memory_space<vmem_shared>>) dst(%dma_wait3A_292 : memref<40x128xf32, #tpu.memory_space<vmem>>)
        tpu.yield
      }) : () -> ()
      "tpu.region"() ({
        %run_scoped3A = tpu.sem_alloc : memref<!tpu.dma_semaphore, #tpu.memory_space<semaphore_mem>>
        %dma_start3A_275 = arith.constant 0 : i32
        %dma_start3A_276 = arith.constant 0 : i32
        %dma_start3A_277 = tpu.memref_slice %arg11[%dma_start3A_275, %dma_start3A_276] : memref<80x128xf32, #tpu.memory_space<vmem>> -> memref<40x128xf32, #tpu.memory_space<vmem>>
        %dma_start3A_278 = arith.constant 0 : i32
        %dma_start3A_279 = tpu.memref_slice %arg6[%arg0, %multiple_of3A_274, %dma_start3A_278] : memref<2x10000x128xf32, #tpu.memory_space<hbm>> -> memref<1x40x128xf32, #tpu.memory_space<hbm>>
        %dma_start3A_280 = tpu.memref_squeeze %dma_start3A_279 : memref<1x40x128xf32, #tpu.memory_space<hbm>> -> memref<40x128xf32, #tpu.memory_space<hbm>>
        %dma_start3A_281 = arith.constant 0 : i32
        %dma_start3A_282 = tpu.memref_slice %arg6[%arg0, %multiple_of3A_274, %dma_start3A_281] : memref<2x10000x128xf32, #tpu.memory_space<hbm>> -> memref<1x40x128xf32, #tpu.memory_space<hbm>>
        %dma_start3A_283 = tpu.memref_squeeze %dma_start3A_282 : memref<1x40x128xf32, #tpu.memory_space<hbm>> -> memref<40x128xf32, #tpu.memory_space<hbm>>
        %dma_start3A_284 = arith.constant 0 : i32
        %dma_start3A_285 = arith.constant 0 : i32
        %dma_start3A_286 = tpu.memref_slice %arg11[%dma_start3A_284, %dma_start3A_285] : memref<80x128xf32, #tpu.memory_space<vmem>> -> memref<40x128xf32, #tpu.memory_space<vmem>>
        tpu.enqueue_dma source(%dma_start3A_286 : memref<40x128xf32, #tpu.memory_space<vmem>>) target(%dma_start3A_283 : memref<40x128xf32, #tpu.memory_space<hbm>>) target_semaphore(%run_scoped3A : memref<!tpu.dma_semaphore, #tpu.memory_space<semaphore_mem>>)
        %dma_wait3A_287 = arith.constant 0 : i32
        %dma_wait3A_288 = arith.constant 0 : i32
        %dma_wait3A_289 = tpu.memref_slice %arg11[%dma_wait3A_287, %dma_wait3A_288] : memref<80x128xf32, #tpu.memory_space<vmem>> -> memref<40x128xf32, #tpu.memory_space<vmem>>
        %dma_wait3A_290 = arith.constant 0 : i32
        %dma_wait3A_291 = tpu.memref_slice %arg6[%arg0, %multiple_of3A_274, %dma_wait3A_290] : memref<2x10000x128xf32, #tpu.memory_space<hbm>> -> memref<1x40x128xf32, #tpu.memory_space<hbm>>
        %dma_wait3A_292 = tpu.memref_squeeze %dma_wait3A_291 : memref<1x40x128xf32, #tpu.memory_space<hbm>> -> memref<40x128xf32, #tpu.memory_space<hbm>>
        %dma_wait3A_293 = arith.constant 0 : i32
        %dma_wait3A_294 = tpu.memref_slice %arg6[%arg0, %multiple_of3A_274, %dma_wait3A_293] : memref<2x10000x128xf32, #tpu.memory_space<hbm>> -> memref<1x40x128xf32, #tpu.memory_space<hbm>>
        %dma_wait3A_295 = tpu.memref_squeeze %dma_wait3A_294 : memref<1x40x128xf32, #tpu.memory_space<hbm>> -> memref<40x128xf32, #tpu.memory_space<hbm>>
        %dma_wait3A_296 = arith.constant 0 : i32
        %dma_wait3A_297 = arith.constant 0 : i32
        %dma_wait3A_298 = tpu.memref_slice %arg11[%dma_wait3A_296, %dma_wait3A_297] : memref<80x128xf32, #tpu.memory_space<vmem>> -> memref<40x128xf32, #tpu.memory_space<vmem>>
        tpu.wait_dma2 semaphore(%run_scoped3A : memref<!tpu.dma_semaphore, #tpu.memory_space<semaphore_mem>>) src(%dma_wait3A_298 : memref<40x128xf32, #tpu.memory_space<vmem>>) dst(%dma_wait3A_295 : memref<40x128xf32, #tpu.memory_space<hbm>>)
        tpu.yield
      }) : () -> ()
    } else {
    }
    %add3A_174 = arith.constant 32 : i32
    %add3A_175 = arith.addi %arg1, %add3A_174 : i32
    %lt3A_176 = arith.constant 250 : i32
    %lt3A_177 = arith.cmpi slt, %add3A_175, %lt3A_176 : i32
    %convert_element_type3A_178 = arith.extui %lt3A_177 : i1 to i32
    %cond3A_179 = arith.constant 0 : i32
    %cond3A_180 = arith.cmpi ne, %convert_element_type3A_178, %cond3A_179 : i32
    scf.if %cond3A_180 {
      %mul3A_272 = arith.constant 40 : i32
      %mul3A_273 = arith.muli %add3A_175, %mul3A_272 : i32
      %multiple_of3A_274 = tpu.assume_multiple %mul3A_273, 40 : i32
      "tpu.region"() ({
        %run_scoped3A = tpu.sem_alloc : memref<!tpu.dma_semaphore, #tpu.memory_space<semaphore_mem>>
        %dma_start3A_275 = arith.constant 0 : i32
        %dma_start3A_276 = arith.constant 0 : i32
        %dma_start3A_277 = tpu.memref_slice %arg11[%dma_start3A_275, %dma_start3A_276] : memref<80x128xf32, #tpu.memory_space<vmem>> -> memref<40x128xf32, #tpu.memory_space<vmem>>
        %dma_start3A_278 = arith.constant 0 : i32
        %dma_start3A_279 = tpu.memref_slice %arg17[%multiple_of3A_274, %dma_start3A_278] : memref<10000x128xf32, #tpu.memory_space<vmem_shared>> -> memref<40x128xf32, #tpu.memory_space<vmem_shared>>
        %dma_start3A_280 = arith.constant 0 : i32
        %dma_start3A_281 = arith.constant 0 : i32
        %dma_start3A_282 = tpu.memref_slice %arg11[%dma_start3A_280, %dma_start3A_281] : memref<80x128xf32, #tpu.memory_space<vmem>> -> memref<40x128xf32, #tpu.memory_space<vmem>>
        %dma_start3A_283 = arith.constant 0 : i32
        %dma_start3A_284 = tpu.memref_slice %arg17[%multiple_of3A_274, %dma_start3A_283] : memref<10000x128xf32, #tpu.memory_space<vmem_shared>> -> memref<40x128xf32, #tpu.memory_space<vmem_shared>>
        tpu.enqueue_dma source(%dma_start3A_284 : memref<40x128xf32, #tpu.memory_space<vmem_shared>>) target(%dma_start3A_282 : memref<40x128xf32, #tpu.memory_space<vmem>>) target_semaphore(%run_scoped3A : memref<!tpu.dma_semaphore, #tpu.memory_space<semaphore_mem>>)
        %dma_wait3A_285 = arith.constant 0 : i32
        %dma_wait3A_286 = arith.constant 0 : i32
        %dma_wait3A_287 = tpu.memref_slice %arg11[%dma_wait3A_285, %dma_wait3A_286] : memref<80x128xf32, #tpu.memory_space<vmem>> -> memref<40x128xf32, #tpu.memory_space<vmem>>
        %dma_wait3A_288 = arith.constant 0 : i32
        %dma_wait3A_289 = tpu.memref_slice %arg17[%multiple_of3A_274, %dma_wait3A_288] : memref<10000x128xf32, #tpu.memory_space<vmem_shared>> -> memref<40x128xf32, #tpu.memory_space<vmem_shared>>
        %dma_wait3A_290 = arith.constant 0 : i32
        %dma_wait3A_291 = arith.constant 0 : i32
        %dma_wait3A_292 = tpu.memref_slice %arg11[%dma_wait3A_290, %dma_wait3A_291] : memref<80x128xf32, #tpu.memory_space<vmem>> -> memref<40x128xf32, #tpu.memory_space<vmem>>
        %dma_wait3A_293 = arith.constant 0 : i32
        %dma_wait3A_294 = tpu.memref_slice %arg17[%multiple_of3A_274, %dma_wait3A_293] : memref<10000x128xf32, #tpu.memory_space<vmem_shared>> -> memref<40x128xf32, #tpu.memory_space<vmem_shared>>
        tpu.wait_dma2 semaphore(%run_scoped3A : memref<!tpu.dma_semaphore, #tpu.memory_space<semaphore_mem>>) src(%dma_wait3A_294 : memref<40x128xf32, #tpu.memory_space<vmem_shared>>) dst(%dma_wait3A_292 : memref<40x128xf32, #tpu.memory_space<vmem>>)
        tpu.yield
      }) : () -> ()
      "tpu.region"() ({
        %run_scoped3A = tpu.sem_alloc : memref<!tpu.dma_semaphore, #tpu.memory_space<semaphore_mem>>
        %dma_start3A_275 = arith.constant 0 : i32
        %dma_start3A_276 = arith.constant 0 : i32
        %dma_start3A_277 = tpu.memref_slice %arg11[%dma_start3A_275, %dma_start3A_276] : memref<80x128xf32, #tpu.memory_space<vmem>> -> memref<40x128xf32, #tpu.memory_space<vmem>>
        %dma_start3A_278 = arith.constant 0 : i32
        %dma_start3A_279 = tpu.memref_slice %arg6[%arg0, %multiple_of3A_274, %dma_start3A_278] : memref<2x10000x128xf32, #tpu.memory_space<hbm>> -> memref<1x40x128xf32, #tpu.memory_space<hbm>>
        %dma_start3A_280 = tpu.memref_squeeze %dma_start3A_279 : memref<1x40x128xf32, #tpu.memory_space<hbm>> -> memref<40x128xf32, #tpu.memory_space<hbm>>
        %dma_start3A_281 = arith.constant 0 : i32
        %dma_start3A_282 = tpu.memref_slice %arg6[%arg0, %multiple_of3A_274, %dma_start3A_281] : memref<2x10000x128xf32, #tpu.memory_space<hbm>> -> memref<1x40x128xf32, #tpu.memory_space<hbm>>
        %dma_start3A_283 = tpu.memref_squeeze %dma_start3A_282 : memref<1x40x128xf32, #tpu.memory_space<hbm>> -> memref<40x128xf32, #tpu.memory_space<hbm>>
        %dma_start3A_284 = arith.constant 0 : i32
        %dma_start3A_285 = arith.constant 0 : i32
        %dma_start3A_286 = tpu.memref_slice %arg11[%dma_start3A_284, %dma_start3A_285] : memref<80x128xf32, #tpu.memory_space<vmem>> -> memref<40x128xf32, #tpu.memory_space<vmem>>
        tpu.enqueue_dma source(%dma_start3A_286 : memref<40x128xf32, #tpu.memory_space<vmem>>) target(%dma_start3A_283 : memref<40x128xf32, #tpu.memory_space<hbm>>) target_semaphore(%run_scoped3A : memref<!tpu.dma_semaphore, #tpu.memory_space<semaphore_mem>>)
        %dma_wait3A_287 = arith.constant 0 : i32
        %dma_wait3A_288 = arith.constant 0 : i32
        %dma_wait3A_289 = tpu.memref_slice %arg11[%dma_wait3A_287, %dma_wait3A_288] : memref<80x128xf32, #tpu.memory_space<vmem>> -> memref<40x128xf32, #tpu.memory_space<vmem>>
        %dma_wait3A_290 = arith.constant 0 : i32
        %dma_wait3A_291 = tpu.memref_slice %arg6[%arg0, %multiple_of3A_274, %dma_wait3A_290] : memref<2x10000x128xf32, #tpu.memory_space<hbm>> -> memref<1x40x128xf32, #tpu.memory_space<hbm>>
        %dma_wait3A_292 = tpu.memref_squeeze %dma_wait3A_291 : memref<1x40x128xf32, #tpu.memory_space<hbm>> -> memref<40x128xf32, #tpu.memory_space<hbm>>
        %dma_wait3A_293 = arith.constant 0 : i32
        %dma_wait3A_294 = tpu.memref_slice %arg6[%arg0, %multiple_of3A_274, %dma_wait3A_293] : memref<2x10000x128xf32, #tpu.memory_space<hbm>> -> memref<1x40x128xf32, #tpu.memory_space<hbm>>
        %dma_wait3A_295 = tpu.memref_squeeze %dma_wait3A_294 : memref<1x40x128xf32, #tpu.memory_space<hbm>> -> memref<40x128xf32, #tpu.memory_space<hbm>>
        %dma_wait3A_296 = arith.constant 0 : i32
        %dma_wait3A_297 = arith.constant 0 : i32
        %dma_wait3A_298 = tpu.memref_slice %arg11[%dma_wait3A_296, %dma_wait3A_297] : memref<80x128xf32, #tpu.memory_space<vmem>> -> memref<40x128xf32, #tpu.memory_space<vmem>>
        tpu.wait_dma2 semaphore(%run_scoped3A : memref<!tpu.dma_semaphore, #tpu.memory_space<semaphore_mem>>) src(%dma_wait3A_298 : memref<40x128xf32, #tpu.memory_space<vmem>>) dst(%dma_wait3A_295 : memref<40x128xf32, #tpu.memory_space<hbm>>)
        tpu.yield
      }) : () -> ()
    } else {
    }
    %add3A_181 = arith.constant 48 : i32
    %add3A_182 = arith.addi %arg1, %add3A_181 : i32
    %lt3A_183 = arith.constant 250 : i32
    %lt3A_184 = arith.cmpi slt, %add3A_182, %lt3A_183 : i32
    %convert_element_type3A_185 = arith.extui %lt3A_184 : i1 to i32
    %cond3A_186 = arith.constant 0 : i32
    %cond3A_187 = arith.cmpi ne, %convert_element_type3A_185, %cond3A_186 : i32
    scf.if %cond3A_187 {
      %mul3A_272 = arith.constant 40 : i32
      %mul3A_273 = arith.muli %add3A_182, %mul3A_272 : i32
      %multiple_of3A_274 = tpu.assume_multiple %mul3A_273, 40 : i32
      "tpu.region"() ({
        %run_scoped3A = tpu.sem_alloc : memref<!tpu.dma_semaphore, #tpu.memory_space<semaphore_mem>>
        %dma_start3A_275 = arith.constant 0 : i32
        %dma_start3A_276 = arith.constant 0 : i32
        %dma_start3A_277 = tpu.memref_slice %arg11[%dma_start3A_275, %dma_start3A_276] : memref<80x128xf32, #tpu.memory_space<vmem>> -> memref<40x128xf32, #tpu.memory_space<vmem>>
        %dma_start3A_278 = arith.constant 0 : i32
        %dma_start3A_279 = tpu.memref_slice %arg17[%multiple_of3A_274, %dma_start3A_278] : memref<10000x128xf32, #tpu.memory_space<vmem_shared>> -> memref<40x128xf32, #tpu.memory_space<vmem_shared>>
        %dma_start3A_280 = arith.constant 0 : i32
        %dma_start3A_281 = arith.constant 0 : i32
        %dma_start3A_282 = tpu.memref_slice %arg11[%dma_start3A_280, %dma_start3A_281] : memref<80x128xf32, #tpu.memory_space<vmem>> -> memref<40x128xf32, #tpu.memory_space<vmem>>
        %dma_start3A_283 = arith.constant 0 : i32
        %dma_start3A_284 = tpu.memref_slice %arg17[%multiple_of3A_274, %dma_start3A_283] : memref<10000x128xf32, #tpu.memory_space<vmem_shared>> -> memref<40x128xf32, #tpu.memory_space<vmem_shared>>
        tpu.enqueue_dma source(%dma_start3A_284 : memref<40x128xf32, #tpu.memory_space<vmem_shared>>) target(%dma_start3A_282 : memref<40x128xf32, #tpu.memory_space<vmem>>) target_semaphore(%run_scoped3A : memref<!tpu.dma_semaphore, #tpu.memory_space<semaphore_mem>>)
        %dma_wait3A_285 = arith.constant 0 : i32
        %dma_wait3A_286 = arith.constant 0 : i32
        %dma_wait3A_287 = tpu.memref_slice %arg11[%dma_wait3A_285, %dma_wait3A_286] : memref<80x128xf32, #tpu.memory_space<vmem>> -> memref<40x128xf32, #tpu.memory_space<vmem>>
        %dma_wait3A_288 = arith.constant 0 : i32
        %dma_wait3A_289 = tpu.memref_slice %arg17[%multiple_of3A_274, %dma_wait3A_288] : memref<10000x128xf32, #tpu.memory_space<vmem_shared>> -> memref<40x128xf32, #tpu.memory_space<vmem_shared>>
        %dma_wait3A_290 = arith.constant 0 : i32
        %dma_wait3A_291 = arith.constant 0 : i32
        %dma_wait3A_292 = tpu.memref_slice %arg11[%dma_wait3A_290, %dma_wait3A_291] : memref<80x128xf32, #tpu.memory_space<vmem>> -> memref<40x128xf32, #tpu.memory_space<vmem>>
        %dma_wait3A_293 = arith.constant 0 : i32
        %dma_wait3A_294 = tpu.memref_slice %arg17[%multiple_of3A_274, %dma_wait3A_293] : memref<10000x128xf32, #tpu.memory_space<vmem_shared>> -> memref<40x128xf32, #tpu.memory_space<vmem_shared>>
        tpu.wait_dma2 semaphore(%run_scoped3A : memref<!tpu.dma_semaphore, #tpu.memory_space<semaphore_mem>>) src(%dma_wait3A_294 : memref<40x128xf32, #tpu.memory_space<vmem_shared>>) dst(%dma_wait3A_292 : memref<40x128xf32, #tpu.memory_space<vmem>>)
        tpu.yield
      }) : () -> ()
      "tpu.region"() ({
        %run_scoped3A = tpu.sem_alloc : memref<!tpu.dma_semaphore, #tpu.memory_space<semaphore_mem>>
        %dma_start3A_275 = arith.constant 0 : i32
        %dma_start3A_276 = arith.constant 0 : i32
        %dma_start3A_277 = tpu.memref_slice %arg11[%dma_start3A_275, %dma_start3A_276] : memref<80x128xf32, #tpu.memory_space<vmem>> -> memref<40x128xf32, #tpu.memory_space<vmem>>
        %dma_start3A_278 = arith.constant 0 : i32
        %dma_start3A_279 = tpu.memref_slice %arg6[%arg0, %multiple_of3A_274, %dma_start3A_278] : memref<2x10000x128xf32, #tpu.memory_space<hbm>> -> memref<1x40x128xf32, #tpu.memory_space<hbm>>
        %dma_start3A_280 = tpu.memref_squeeze %dma_start3A_279 : memref<1x40x128xf32, #tpu.memory_space<hbm>> -> memref<40x128xf32, #tpu.memory_space<hbm>>
        %dma_start3A_281 = arith.constant 0 : i32
        %dma_start3A_282 = tpu.memref_slice %arg6[%arg0, %multiple_of3A_274, %dma_start3A_281] : memref<2x10000x128xf32, #tpu.memory_space<hbm>> -> memref<1x40x128xf32, #tpu.memory_space<hbm>>
        %dma_start3A_283 = tpu.memref_squeeze %dma_start3A_282 : memref<1x40x128xf32, #tpu.memory_space<hbm>> -> memref<40x128xf32, #tpu.memory_space<hbm>>
        %dma_start3A_284 = arith.constant 0 : i32
        %dma_start3A_285 = arith.constant 0 : i32
        %dma_start3A_286 = tpu.memref_slice %arg11[%dma_start3A_284, %dma_start3A_285] : memref<80x128xf32, #tpu.memory_space<vmem>> -> memref<40x128xf32, #tpu.memory_space<vmem>>
        tpu.enqueue_dma source(%dma_start3A_286 : memref<40x128xf32, #tpu.memory_space<vmem>>) target(%dma_start3A_283 : memref<40x128xf32, #tpu.memory_space<hbm>>) target_semaphore(%run_scoped3A : memref<!tpu.dma_semaphore, #tpu.memory_space<semaphore_mem>>)
        %dma_wait3A_287 = arith.constant 0 : i32
        %dma_wait3A_288 = arith.constant 0 : i32
        %dma_wait3A_289 = tpu.memref_slice %arg11[%dma_wait3A_287, %dma_wait3A_288] : memref<80x128xf32, #tpu.memory_space<vmem>> -> memref<40x128xf32, #tpu.memory_space<vmem>>
        %dma_wait3A_290 = arith.constant 0 : i32
        %dma_wait3A_291 = tpu.memref_slice %arg6[%arg0, %multiple_of3A_274, %dma_wait3A_290] : memref<2x10000x128xf32, #tpu.memory_space<hbm>> -> memref<1x40x128xf32, #tpu.memory_space<hbm>>
        %dma_wait3A_292 = tpu.memref_squeeze %dma_wait3A_291 : memref<1x40x128xf32, #tpu.memory_space<hbm>> -> memref<40x128xf32, #tpu.memory_space<hbm>>
        %dma_wait3A_293 = arith.constant 0 : i32
        %dma_wait3A_294 = tpu.memref_slice %arg6[%arg0, %multiple_of3A_274, %dma_wait3A_293] : memref<2x10000x128xf32, #tpu.memory_space<hbm>> -> memref<1x40x128xf32, #tpu.memory_space<hbm>>
        %dma_wait3A_295 = tpu.memref_squeeze %dma_wait3A_294 : memref<1x40x128xf32, #tpu.memory_space<hbm>> -> memref<40x128xf32, #tpu.memory_space<hbm>>
        %dma_wait3A_296 = arith.constant 0 : i32
        %dma_wait3A_297 = arith.constant 0 : i32
        %dma_wait3A_298 = tpu.memref_slice %arg11[%dma_wait3A_296, %dma_wait3A_297] : memref<80x128xf32, #tpu.memory_space<vmem>> -> memref<40x128xf32, #tpu.memory_space<vmem>>
        tpu.wait_dma2 semaphore(%run_scoped3A : memref<!tpu.dma_semaphore, #tpu.memory_space<semaphore_mem>>) src(%dma_wait3A_298 : memref<40x128xf32, #tpu.memory_space<vmem>>) dst(%dma_wait3A_295 : memref<40x128xf32, #tpu.memory_space<hbm>>)
        tpu.yield
      }) : () -> ()
    } else {
    }
    %add3A_188 = arith.constant 64 : i32
    %add3A_189 = arith.addi %arg1, %add3A_188 : i32
    %lt3A_190 = arith.constant 250 : i32
    %lt3A_191 = arith.cmpi slt, %add3A_189, %lt3A_190 : i32
    %convert_element_type3A_192 = arith.extui %lt3A_191 : i1 to i32
    %cond3A_193 = arith.constant 0 : i32
    %cond3A_194 = arith.cmpi ne, %convert_element_type3A_192, %cond3A_193 : i32
    scf.if %cond3A_194 {
      %mul3A_272 = arith.constant 40 : i32
      %mul3A_273 = arith.muli %add3A_189, %mul3A_272 : i32
      %multiple_of3A_274 = tpu.assume_multiple %mul3A_273, 40 : i32
      "tpu.region"() ({
        %run_scoped3A = tpu.sem_alloc : memref<!tpu.dma_semaphore, #tpu.memory_space<semaphore_mem>>
        %dma_start3A_275 = arith.constant 0 : i32
        %dma_start3A_276 = arith.constant 0 : i32
        %dma_start3A_277 = tpu.memref_slice %arg11[%dma_start3A_275, %dma_start3A_276] : memref<80x128xf32, #tpu.memory_space<vmem>> -> memref<40x128xf32, #tpu.memory_space<vmem>>
        %dma_start3A_278 = arith.constant 0 : i32
        %dma_start3A_279 = tpu.memref_slice %arg17[%multiple_of3A_274, %dma_start3A_278] : memref<10000x128xf32, #tpu.memory_space<vmem_shared>> -> memref<40x128xf32, #tpu.memory_space<vmem_shared>>
        %dma_start3A_280 = arith.constant 0 : i32
        %dma_start3A_281 = arith.constant 0 : i32
        %dma_start3A_282 = tpu.memref_slice %arg11[%dma_start3A_280, %dma_start3A_281] : memref<80x128xf32, #tpu.memory_space<vmem>> -> memref<40x128xf32, #tpu.memory_space<vmem>>
        %dma_start3A_283 = arith.constant 0 : i32
        %dma_start3A_284 = tpu.memref_slice %arg17[%multiple_of3A_274, %dma_start3A_283] : memref<10000x128xf32, #tpu.memory_space<vmem_shared>> -> memref<40x128xf32, #tpu.memory_space<vmem_shared>>
        tpu.enqueue_dma source(%dma_start3A_284 : memref<40x128xf32, #tpu.memory_space<vmem_shared>>) target(%dma_start3A_282 : memref<40x128xf32, #tpu.memory_space<vmem>>) target_semaphore(%run_scoped3A : memref<!tpu.dma_semaphore, #tpu.memory_space<semaphore_mem>>)
        %dma_wait3A_285 = arith.constant 0 : i32
        %dma_wait3A_286 = arith.constant 0 : i32
        %dma_wait3A_287 = tpu.memref_slice %arg11[%dma_wait3A_285, %dma_wait3A_286] : memref<80x128xf32, #tpu.memory_space<vmem>> -> memref<40x128xf32, #tpu.memory_space<vmem>>
        %dma_wait3A_288 = arith.constant 0 : i32
        %dma_wait3A_289 = tpu.memref_slice %arg17[%multiple_of3A_274, %dma_wait3A_288] : memref<10000x128xf32, #tpu.memory_space<vmem_shared>> -> memref<40x128xf32, #tpu.memory_space<vmem_shared>>
        %dma_wait3A_290 = arith.constant 0 : i32
        %dma_wait3A_291 = arith.constant 0 : i32
        %dma_wait3A_292 = tpu.memref_slice %arg11[%dma_wait3A_290, %dma_wait3A_291] : memref<80x128xf32, #tpu.memory_space<vmem>> -> memref<40x128xf32, #tpu.memory_space<vmem>>
        %dma_wait3A_293 = arith.constant 0 : i32
        %dma_wait3A_294 = tpu.memref_slice %arg17[%multiple_of3A_274, %dma_wait3A_293] : memref<10000x128xf32, #tpu.memory_space<vmem_shared>> -> memref<40x128xf32, #tpu.memory_space<vmem_shared>>
        tpu.wait_dma2 semaphore(%run_scoped3A : memref<!tpu.dma_semaphore, #tpu.memory_space<semaphore_mem>>) src(%dma_wait3A_294 : memref<40x128xf32, #tpu.memory_space<vmem_shared>>) dst(%dma_wait3A_292 : memref<40x128xf32, #tpu.memory_space<vmem>>)
        tpu.yield
      }) : () -> ()
      "tpu.region"() ({
        %run_scoped3A = tpu.sem_alloc : memref<!tpu.dma_semaphore, #tpu.memory_space<semaphore_mem>>
        %dma_start3A_275 = arith.constant 0 : i32
        %dma_start3A_276 = arith.constant 0 : i32
        %dma_start3A_277 = tpu.memref_slice %arg11[%dma_start3A_275, %dma_start3A_276] : memref<80x128xf32, #tpu.memory_space<vmem>> -> memref<40x128xf32, #tpu.memory_space<vmem>>
        %dma_start3A_278 = arith.constant 0 : i32
        %dma_start3A_279 = tpu.memref_slice %arg6[%arg0, %multiple_of3A_274, %dma_start3A_278] : memref<2x10000x128xf32, #tpu.memory_space<hbm>> -> memref<1x40x128xf32, #tpu.memory_space<hbm>>
        %dma_start3A_280 = tpu.memref_squeeze %dma_start3A_279 : memref<1x40x128xf32, #tpu.memory_space<hbm>> -> memref<40x128xf32, #tpu.memory_space<hbm>>
        %dma_start3A_281 = arith.constant 0 : i32
        %dma_start3A_282 = tpu.memref_slice %arg6[%arg0, %multiple_of3A_274, %dma_start3A_281] : memref<2x10000x128xf32, #tpu.memory_space<hbm>> -> memref<1x40x128xf32, #tpu.memory_space<hbm>>
        %dma_start3A_283 = tpu.memref_squeeze %dma_start3A_282 : memref<1x40x128xf32, #tpu.memory_space<hbm>> -> memref<40x128xf32, #tpu.memory_space<hbm>>
        %dma_start3A_284 = arith.constant 0 : i32
        %dma_start3A_285 = arith.constant 0 : i32
        %dma_start3A_286 = tpu.memref_slice %arg11[%dma_start3A_284, %dma_start3A_285] : memref<80x128xf32, #tpu.memory_space<vmem>> -> memref<40x128xf32, #tpu.memory_space<vmem>>
        tpu.enqueue_dma source(%dma_start3A_286 : memref<40x128xf32, #tpu.memory_space<vmem>>) target(%dma_start3A_283 : memref<40x128xf32, #tpu.memory_space<hbm>>) target_semaphore(%run_scoped3A : memref<!tpu.dma_semaphore, #tpu.memory_space<semaphore_mem>>)
        %dma_wait3A_287 = arith.constant 0 : i32
        %dma_wait3A_288 = arith.constant 0 : i32
        %dma_wait3A_289 = tpu.memref_slice %arg11[%dma_wait3A_287, %dma_wait3A_288] : memref<80x128xf32, #tpu.memory_space<vmem>> -> memref<40x128xf32, #tpu.memory_space<vmem>>
        %dma_wait3A_290 = arith.constant 0 : i32
        %dma_wait3A_291 = tpu.memref_slice %arg6[%arg0, %multiple_of3A_274, %dma_wait3A_290] : memref<2x10000x128xf32, #tpu.memory_space<hbm>> -> memref<1x40x128xf32, #tpu.memory_space<hbm>>
        %dma_wait3A_292 = tpu.memref_squeeze %dma_wait3A_291 : memref<1x40x128xf32, #tpu.memory_space<hbm>> -> memref<40x128xf32, #tpu.memory_space<hbm>>
        %dma_wait3A_293 = arith.constant 0 : i32
        %dma_wait3A_294 = tpu.memref_slice %arg6[%arg0, %multiple_of3A_274, %dma_wait3A_293] : memref<2x10000x128xf32, #tpu.memory_space<hbm>> -> memref<1x40x128xf32, #tpu.memory_space<hbm>>
        %dma_wait3A_295 = tpu.memref_squeeze %dma_wait3A_294 : memref<1x40x128xf32, #tpu.memory_space<hbm>> -> memref<40x128xf32, #tpu.memory_space<hbm>>
        %dma_wait3A_296 = arith.constant 0 : i32
        %dma_wait3A_297 = arith.constant 0 : i32
        %dma_wait3A_298 = tpu.memref_slice %arg11[%dma_wait3A_296, %dma_wait3A_297] : memref<80x128xf32, #tpu.memory_space<vmem>> -> memref<40x128xf32, #tpu.memory_space<vmem>>
        tpu.wait_dma2 semaphore(%run_scoped3A : memref<!tpu.dma_semaphore, #tpu.memory_space<semaphore_mem>>) src(%dma_wait3A_298 : memref<40x128xf32, #tpu.memory_space<vmem>>) dst(%dma_wait3A_295 : memref<40x128xf32, #tpu.memory_space<hbm>>)
        tpu.yield
      }) : () -> ()
    } else {
    }
    %add3A_195 = arith.constant 80 : i32
    %add3A_196 = arith.addi %arg1, %add3A_195 : i32
    %lt3A_197 = arith.constant 250 : i32
    %lt3A_198 = arith.cmpi slt, %add3A_196, %lt3A_197 : i32
    %convert_element_type3A_199 = arith.extui %lt3A_198 : i1 to i32
    %cond3A_200 = arith.constant 0 : i32
    %cond3A_201 = arith.cmpi ne, %convert_element_type3A_199, %cond3A_200 : i32
    scf.if %cond3A_201 {
      %mul3A_272 = arith.constant 40 : i32
      %mul3A_273 = arith.muli %add3A_196, %mul3A_272 : i32
      %multiple_of3A_274 = tpu.assume_multiple %mul3A_273, 40 : i32
      "tpu.region"() ({
        %run_scoped3A = tpu.sem_alloc : memref<!tpu.dma_semaphore, #tpu.memory_space<semaphore_mem>>
        %dma_start3A_275 = arith.constant 0 : i32
        %dma_start3A_276 = arith.constant 0 : i32
        %dma_start3A_277 = tpu.memref_slice %arg11[%dma_start3A_275, %dma_start3A_276] : memref<80x128xf32, #tpu.memory_space<vmem>> -> memref<40x128xf32, #tpu.memory_space<vmem>>
        %dma_start3A_278 = arith.constant 0 : i32
        %dma_start3A_279 = tpu.memref_slice %arg17[%multiple_of3A_274, %dma_start3A_278] : memref<10000x128xf32, #tpu.memory_space<vmem_shared>> -> memref<40x128xf32, #tpu.memory_space<vmem_shared>>
        %dma_start3A_280 = arith.constant 0 : i32
        %dma_start3A_281 = arith.constant 0 : i32
        %dma_start3A_282 = tpu.memref_slice %arg11[%dma_start3A_280, %dma_start3A_281] : memref<80x128xf32, #tpu.memory_space<vmem>> -> memref<40x128xf32, #tpu.memory_space<vmem>>
        %dma_start3A_283 = arith.constant 0 : i32
        %dma_start3A_284 = tpu.memref_slice %arg17[%multiple_of3A_274, %dma_start3A_283] : memref<10000x128xf32, #tpu.memory_space<vmem_shared>> -> memref<40x128xf32, #tpu.memory_space<vmem_shared>>
        tpu.enqueue_dma source(%dma_start3A_284 : memref<40x128xf32, #tpu.memory_space<vmem_shared>>) target(%dma_start3A_282 : memref<40x128xf32, #tpu.memory_space<vmem>>) target_semaphore(%run_scoped3A : memref<!tpu.dma_semaphore, #tpu.memory_space<semaphore_mem>>)
        %dma_wait3A_285 = arith.constant 0 : i32
        %dma_wait3A_286 = arith.constant 0 : i32
        %dma_wait3A_287 = tpu.memref_slice %arg11[%dma_wait3A_285, %dma_wait3A_286] : memref<80x128xf32, #tpu.memory_space<vmem>> -> memref<40x128xf32, #tpu.memory_space<vmem>>
        %dma_wait3A_288 = arith.constant 0 : i32
        %dma_wait3A_289 = tpu.memref_slice %arg17[%multiple_of3A_274, %dma_wait3A_288] : memref<10000x128xf32, #tpu.memory_space<vmem_shared>> -> memref<40x128xf32, #tpu.memory_space<vmem_shared>>
        %dma_wait3A_290 = arith.constant 0 : i32
        %dma_wait3A_291 = arith.constant 0 : i32
        %dma_wait3A_292 = tpu.memref_slice %arg11[%dma_wait3A_290, %dma_wait3A_291] : memref<80x128xf32, #tpu.memory_space<vmem>> -> memref<40x128xf32, #tpu.memory_space<vmem>>
        %dma_wait3A_293 = arith.constant 0 : i32
        %dma_wait3A_294 = tpu.memref_slice %arg17[%multiple_of3A_274, %dma_wait3A_293] : memref<10000x128xf32, #tpu.memory_space<vmem_shared>> -> memref<40x128xf32, #tpu.memory_space<vmem_shared>>
        tpu.wait_dma2 semaphore(%run_scoped3A : memref<!tpu.dma_semaphore, #tpu.memory_space<semaphore_mem>>) src(%dma_wait3A_294 : memref<40x128xf32, #tpu.memory_space<vmem_shared>>) dst(%dma_wait3A_292 : memref<40x128xf32, #tpu.memory_space<vmem>>)
        tpu.yield
      }) : () -> ()
      "tpu.region"() ({
        %run_scoped3A = tpu.sem_alloc : memref<!tpu.dma_semaphore, #tpu.memory_space<semaphore_mem>>
        %dma_start3A_275 = arith.constant 0 : i32
        %dma_start3A_276 = arith.constant 0 : i32
        %dma_start3A_277 = tpu.memref_slice %arg11[%dma_start3A_275, %dma_start3A_276] : memref<80x128xf32, #tpu.memory_space<vmem>> -> memref<40x128xf32, #tpu.memory_space<vmem>>
        %dma_start3A_278 = arith.constant 0 : i32
        %dma_start3A_279 = tpu.memref_slice %arg6[%arg0, %multiple_of3A_274, %dma_start3A_278] : memref<2x10000x128xf32, #tpu.memory_space<hbm>> -> memref<1x40x128xf32, #tpu.memory_space<hbm>>
        %dma_start3A_280 = tpu.memref_squeeze %dma_start3A_279 : memref<1x40x128xf32, #tpu.memory_space<hbm>> -> memref<40x128xf32, #tpu.memory_space<hbm>>
        %dma_start3A_281 = arith.constant 0 : i32
        %dma_start3A_282 = tpu.memref_slice %arg6[%arg0, %multiple_of3A_274, %dma_start3A_281] : memref<2x10000x128xf32, #tpu.memory_space<hbm>> -> memref<1x40x128xf32, #tpu.memory_space<hbm>>
        %dma_start3A_283 = tpu.memref_squeeze %dma_start3A_282 : memref<1x40x128xf32, #tpu.memory_space<hbm>> -> memref<40x128xf32, #tpu.memory_space<hbm>>
        %dma_start3A_284 = arith.constant 0 : i32
        %dma_start3A_285 = arith.constant 0 : i32
        %dma_start3A_286 = tpu.memref_slice %arg11[%dma_start3A_284, %dma_start3A_285] : memref<80x128xf32, #tpu.memory_space<vmem>> -> memref<40x128xf32, #tpu.memory_space<vmem>>
        tpu.enqueue_dma source(%dma_start3A_286 : memref<40x128xf32, #tpu.memory_space<vmem>>) target(%dma_start3A_283 : memref<40x128xf32, #tpu.memory_space<hbm>>) target_semaphore(%run_scoped3A : memref<!tpu.dma_semaphore, #tpu.memory_space<semaphore_mem>>)
        %dma_wait3A_287 = arith.constant 0 : i32
        %dma_wait3A_288 = arith.constant 0 : i32
        %dma_wait3A_289 = tpu.memref_slice %arg11[%dma_wait3A_287, %dma_wait3A_288] : memref<80x128xf32, #tpu.memory_space<vmem>> -> memref<40x128xf32, #tpu.memory_space<vmem>>
        %dma_wait3A_290 = arith.constant 0 : i32
        %dma_wait3A_291 = tpu.memref_slice %arg6[%arg0, %multiple_of3A_274, %dma_wait3A_290] : memref<2x10000x128xf32, #tpu.memory_space<hbm>> -> memref<1x40x128xf32, #tpu.memory_space<hbm>>
        %dma_wait3A_292 = tpu.memref_squeeze %dma_wait3A_291 : memref<1x40x128xf32, #tpu.memory_space<hbm>> -> memref<40x128xf32, #tpu.memory_space<hbm>>
        %dma_wait3A_293 = arith.constant 0 : i32
        %dma_wait3A_294 = tpu.memref_slice %arg6[%arg0, %multiple_of3A_274, %dma_wait3A_293] : memref<2x10000x128xf32, #tpu.memory_space<hbm>> -> memref<1x40x128xf32, #tpu.memory_space<hbm>>
        %dma_wait3A_295 = tpu.memref_squeeze %dma_wait3A_294 : memref<1x40x128xf32, #tpu.memory_space<hbm>> -> memref<40x128xf32, #tpu.memory_space<hbm>>
        %dma_wait3A_296 = arith.constant 0 : i32
        %dma_wait3A_297 = arith.constant 0 : i32
        %dma_wait3A_298 = tpu.memref_slice %arg11[%dma_wait3A_296, %dma_wait3A_297] : memref<80x128xf32, #tpu.memory_space<vmem>> -> memref<40x128xf32, #tpu.memory_space<vmem>>
        tpu.wait_dma2 semaphore(%run_scoped3A : memref<!tpu.dma_semaphore, #tpu.memory_space<semaphore_mem>>) src(%dma_wait3A_298 : memref<40x128xf32, #tpu.memory_space<vmem>>) dst(%dma_wait3A_295 : memref<40x128xf32, #tpu.memory_space<hbm>>)
        tpu.yield
      }) : () -> ()
    } else {
    }
    %add3A_202 = arith.constant 96 : i32
    %add3A_203 = arith.addi %arg1, %add3A_202 : i32
    %lt3A_204 = arith.constant 250 : i32
    %lt3A_205 = arith.cmpi slt, %add3A_203, %lt3A_204 : i32
    %convert_element_type3A_206 = arith.extui %lt3A_205 : i1 to i32
    %cond3A_207 = arith.constant 0 : i32
    %cond3A_208 = arith.cmpi ne, %convert_element_type3A_206, %cond3A_207 : i32
    scf.if %cond3A_208 {
      %mul3A_272 = arith.constant 40 : i32
      %mul3A_273 = arith.muli %add3A_203, %mul3A_272 : i32
      %multiple_of3A_274 = tpu.assume_multiple %mul3A_273, 40 : i32
      "tpu.region"() ({
        %run_scoped3A = tpu.sem_alloc : memref<!tpu.dma_semaphore, #tpu.memory_space<semaphore_mem>>
        %dma_start3A_275 = arith.constant 0 : i32
        %dma_start3A_276 = arith.constant 0 : i32
        %dma_start3A_277 = tpu.memref_slice %arg11[%dma_start3A_275, %dma_start3A_276] : memref<80x128xf32, #tpu.memory_space<vmem>> -> memref<40x128xf32, #tpu.memory_space<vmem>>
        %dma_start3A_278 = arith.constant 0 : i32
        %dma_start3A_279 = tpu.memref_slice %arg17[%multiple_of3A_274, %dma_start3A_278] : memref<10000x128xf32, #tpu.memory_space<vmem_shared>> -> memref<40x128xf32, #tpu.memory_space<vmem_shared>>
        %dma_start3A_280 = arith.constant 0 : i32
        %dma_start3A_281 = arith.constant 0 : i32
        %dma_start3A_282 = tpu.memref_slice %arg11[%dma_start3A_280, %dma_start3A_281] : memref<80x128xf32, #tpu.memory_space<vmem>> -> memref<40x128xf32, #tpu.memory_space<vmem>>
        %dma_start3A_283 = arith.constant 0 : i32
        %dma_start3A_284 = tpu.memref_slice %arg17[%multiple_of3A_274, %dma_start3A_283] : memref<10000x128xf32, #tpu.memory_space<vmem_shared>> -> memref<40x128xf32, #tpu.memory_space<vmem_shared>>
        tpu.enqueue_dma source(%dma_start3A_284 : memref<40x128xf32, #tpu.memory_space<vmem_shared>>) target(%dma_start3A_282 : memref<40x128xf32, #tpu.memory_space<vmem>>) target_semaphore(%run_scoped3A : memref<!tpu.dma_semaphore, #tpu.memory_space<semaphore_mem>>)
        %dma_wait3A_285 = arith.constant 0 : i32
        %dma_wait3A_286 = arith.constant 0 : i32
        %dma_wait3A_287 = tpu.memref_slice %arg11[%dma_wait3A_285, %dma_wait3A_286] : memref<80x128xf32, #tpu.memory_space<vmem>> -> memref<40x128xf32, #tpu.memory_space<vmem>>
        %dma_wait3A_288 = arith.constant 0 : i32
        %dma_wait3A_289 = tpu.memref_slice %arg17[%multiple_of3A_274, %dma_wait3A_288] : memref<10000x128xf32, #tpu.memory_space<vmem_shared>> -> memref<40x128xf32, #tpu.memory_space<vmem_shared>>
        %dma_wait3A_290 = arith.constant 0 : i32
        %dma_wait3A_291 = arith.constant 0 : i32
        %dma_wait3A_292 = tpu.memref_slice %arg11[%dma_wait3A_290, %dma_wait3A_291] : memref<80x128xf32, #tpu.memory_space<vmem>> -> memref<40x128xf32, #tpu.memory_space<vmem>>
        %dma_wait3A_293 = arith.constant 0 : i32
        %dma_wait3A_294 = tpu.memref_slice %arg17[%multiple_of3A_274, %dma_wait3A_293] : memref<10000x128xf32, #tpu.memory_space<vmem_shared>> -> memref<40x128xf32, #tpu.memory_space<vmem_shared>>
        tpu.wait_dma2 semaphore(%run_scoped3A : memref<!tpu.dma_semaphore, #tpu.memory_space<semaphore_mem>>) src(%dma_wait3A_294 : memref<40x128xf32, #tpu.memory_space<vmem_shared>>) dst(%dma_wait3A_292 : memref<40x128xf32, #tpu.memory_space<vmem>>)
        tpu.yield
      }) : () -> ()
      "tpu.region"() ({
        %run_scoped3A = tpu.sem_alloc : memref<!tpu.dma_semaphore, #tpu.memory_space<semaphore_mem>>
        %dma_start3A_275 = arith.constant 0 : i32
        %dma_start3A_276 = arith.constant 0 : i32
        %dma_start3A_277 = tpu.memref_slice %arg11[%dma_start3A_275, %dma_start3A_276] : memref<80x128xf32, #tpu.memory_space<vmem>> -> memref<40x128xf32, #tpu.memory_space<vmem>>
        %dma_start3A_278 = arith.constant 0 : i32
        %dma_start3A_279 = tpu.memref_slice %arg6[%arg0, %multiple_of3A_274, %dma_start3A_278] : memref<2x10000x128xf32, #tpu.memory_space<hbm>> -> memref<1x40x128xf32, #tpu.memory_space<hbm>>
        %dma_start3A_280 = tpu.memref_squeeze %dma_start3A_279 : memref<1x40x128xf32, #tpu.memory_space<hbm>> -> memref<40x128xf32, #tpu.memory_space<hbm>>
        %dma_start3A_281 = arith.constant 0 : i32
        %dma_start3A_282 = tpu.memref_slice %arg6[%arg0, %multiple_of3A_274, %dma_start3A_281] : memref<2x10000x128xf32, #tpu.memory_space<hbm>> -> memref<1x40x128xf32, #tpu.memory_space<hbm>>
        %dma_start3A_283 = tpu.memref_squeeze %dma_start3A_282 : memref<1x40x128xf32, #tpu.memory_space<hbm>> -> memref<40x128xf32, #tpu.memory_space<hbm>>
        %dma_start3A_284 = arith.constant 0 : i32
        %dma_start3A_285 = arith.constant 0 : i32
        %dma_start3A_286 = tpu.memref_slice %arg11[%dma_start3A_284, %dma_start3A_285] : memref<80x128xf32, #tpu.memory_space<vmem>> -> memref<40x128xf32, #tpu.memory_space<vmem>>
        tpu.enqueue_dma source(%dma_start3A_286 : memref<40x128xf32, #tpu.memory_space<vmem>>) target(%dma_start3A_283 : memref<40x128xf32, #tpu.memory_space<hbm>>) target_semaphore(%run_scoped3A : memref<!tpu.dma_semaphore, #tpu.memory_space<semaphore_mem>>)
        %dma_wait3A_287 = arith.constant 0 : i32
        %dma_wait3A_288 = arith.constant 0 : i32
        %dma_wait3A_289 = tpu.memref_slice %arg11[%dma_wait3A_287, %dma_wait3A_288] : memref<80x128xf32, #tpu.memory_space<vmem>> -> memref<40x128xf32, #tpu.memory_space<vmem>>
        %dma_wait3A_290 = arith.constant 0 : i32
        %dma_wait3A_291 = tpu.memref_slice %arg6[%arg0, %multiple_of3A_274, %dma_wait3A_290] : memref<2x10000x128xf32, #tpu.memory_space<hbm>> -> memref<1x40x128xf32, #tpu.memory_space<hbm>>
        %dma_wait3A_292 = tpu.memref_squeeze %dma_wait3A_291 : memref<1x40x128xf32, #tpu.memory_space<hbm>> -> memref<40x128xf32, #tpu.memory_space<hbm>>
        %dma_wait3A_293 = arith.constant 0 : i32
        %dma_wait3A_294 = tpu.memref_slice %arg6[%arg0, %multiple_of3A_274, %dma_wait3A_293] : memref<2x10000x128xf32, #tpu.memory_space<hbm>> -> memref<1x40x128xf32, #tpu.memory_space<hbm>>
        %dma_wait3A_295 = tpu.memref_squeeze %dma_wait3A_294 : memref<1x40x128xf32, #tpu.memory_space<hbm>> -> memref<40x128xf32, #tpu.memory_space<hbm>>
        %dma_wait3A_296 = arith.constant 0 : i32
        %dma_wait3A_297 = arith.constant 0 : i32
        %dma_wait3A_298 = tpu.memref_slice %arg11[%dma_wait3A_296, %dma_wait3A_297] : memref<80x128xf32, #tpu.memory_space<vmem>> -> memref<40x128xf32, #tpu.memory_space<vmem>>
        tpu.wait_dma2 semaphore(%run_scoped3A : memref<!tpu.dma_semaphore, #tpu.memory_space<semaphore_mem>>) src(%dma_wait3A_298 : memref<40x128xf32, #tpu.memory_space<vmem>>) dst(%dma_wait3A_295 : memref<40x128xf32, #tpu.memory_space<hbm>>)
        tpu.yield
      }) : () -> ()
    } else {
    }
    %add3A_209 = arith.constant 112 : i32
    %add3A_210 = arith.addi %arg1, %add3A_209 : i32
    %lt3A_211 = arith.constant 250 : i32
    %lt3A_212 = arith.cmpi slt, %add3A_210, %lt3A_211 : i32
    %convert_element_type3A_213 = arith.extui %lt3A_212 : i1 to i32
    %cond3A_214 = arith.constant 0 : i32
    %cond3A_215 = arith.cmpi ne, %convert_element_type3A_213, %cond3A_214 : i32
    scf.if %cond3A_215 {
      %mul3A_272 = arith.constant 40 : i32
      %mul3A_273 = arith.muli %add3A_210, %mul3A_272 : i32
      %multiple_of3A_274 = tpu.assume_multiple %mul3A_273, 40 : i32
      "tpu.region"() ({
        %run_scoped3A = tpu.sem_alloc : memref<!tpu.dma_semaphore, #tpu.memory_space<semaphore_mem>>
        %dma_start3A_275 = arith.constant 0 : i32
        %dma_start3A_276 = arith.constant 0 : i32
        %dma_start3A_277 = tpu.memref_slice %arg11[%dma_start3A_275, %dma_start3A_276] : memref<80x128xf32, #tpu.memory_space<vmem>> -> memref<40x128xf32, #tpu.memory_space<vmem>>
        %dma_start3A_278 = arith.constant 0 : i32
        %dma_start3A_279 = tpu.memref_slice %arg17[%multiple_of3A_274, %dma_start3A_278] : memref<10000x128xf32, #tpu.memory_space<vmem_shared>> -> memref<40x128xf32, #tpu.memory_space<vmem_shared>>
        %dma_start3A_280 = arith.constant 0 : i32
        %dma_start3A_281 = arith.constant 0 : i32
        %dma_start3A_282 = tpu.memref_slice %arg11[%dma_start3A_280, %dma_start3A_281] : memref<80x128xf32, #tpu.memory_space<vmem>> -> memref<40x128xf32, #tpu.memory_space<vmem>>
        %dma_start3A_283 = arith.constant 0 : i32
        %dma_start3A_284 = tpu.memref_slice %arg17[%multiple_of3A_274, %dma_start3A_283] : memref<10000x128xf32, #tpu.memory_space<vmem_shared>> -> memref<40x128xf32, #tpu.memory_space<vmem_shared>>
        tpu.enqueue_dma source(%dma_start3A_284 : memref<40x128xf32, #tpu.memory_space<vmem_shared>>) target(%dma_start3A_282 : memref<40x128xf32, #tpu.memory_space<vmem>>) target_semaphore(%run_scoped3A : memref<!tpu.dma_semaphore, #tpu.memory_space<semaphore_mem>>)
        %dma_wait3A_285 = arith.constant 0 : i32
        %dma_wait3A_286 = arith.constant 0 : i32
        %dma_wait3A_287 = tpu.memref_slice %arg11[%dma_wait3A_285, %dma_wait3A_286] : memref<80x128xf32, #tpu.memory_space<vmem>> -> memref<40x128xf32, #tpu.memory_space<vmem>>
        %dma_wait3A_288 = arith.constant 0 : i32
        %dma_wait3A_289 = tpu.memref_slice %arg17[%multiple_of3A_274, %dma_wait3A_288] : memref<10000x128xf32, #tpu.memory_space<vmem_shared>> -> memref<40x128xf32, #tpu.memory_space<vmem_shared>>
        %dma_wait3A_290 = arith.constant 0 : i32
        %dma_wait3A_291 = arith.constant 0 : i32
        %dma_wait3A_292 = tpu.memref_slice %arg11[%dma_wait3A_290, %dma_wait3A_291] : memref<80x128xf32, #tpu.memory_space<vmem>> -> memref<40x128xf32, #tpu.memory_space<vmem>>
        %dma_wait3A_293 = arith.constant 0 : i32
        %dma_wait3A_294 = tpu.memref_slice %arg17[%multiple_of3A_274, %dma_wait3A_293] : memref<10000x128xf32, #tpu.memory_space<vmem_shared>> -> memref<40x128xf32, #tpu.memory_space<vmem_shared>>
        tpu.wait_dma2 semaphore(%run_scoped3A : memref<!tpu.dma_semaphore, #tpu.memory_space<semaphore_mem>>) src(%dma_wait3A_294 : memref<40x128xf32, #tpu.memory_space<vmem_shared>>) dst(%dma_wait3A_292 : memref<40x128xf32, #tpu.memory_space<vmem>>)
        tpu.yield
      }) : () -> ()
      "tpu.region"() ({
        %run_scoped3A = tpu.sem_alloc : memref<!tpu.dma_semaphore, #tpu.memory_space<semaphore_mem>>
        %dma_start3A_275 = arith.constant 0 : i32
        %dma_start3A_276 = arith.constant 0 : i32
        %dma_start3A_277 = tpu.memref_slice %arg11[%dma_start3A_275, %dma_start3A_276] : memref<80x128xf32, #tpu.memory_space<vmem>> -> memref<40x128xf32, #tpu.memory_space<vmem>>
        %dma_start3A_278 = arith.constant 0 : i32
        %dma_start3A_279 = tpu.memref_slice %arg6[%arg0, %multiple_of3A_274, %dma_start3A_278] : memref<2x10000x128xf32, #tpu.memory_space<hbm>> -> memref<1x40x128xf32, #tpu.memory_space<hbm>>
        %dma_start3A_280 = tpu.memref_squeeze %dma_start3A_279 : memref<1x40x128xf32, #tpu.memory_space<hbm>> -> memref<40x128xf32, #tpu.memory_space<hbm>>
        %dma_start3A_281 = arith.constant 0 : i32
        %dma_start3A_282 = tpu.memref_slice %arg6[%arg0, %multiple_of3A_274, %dma_start3A_281] : memref<2x10000x128xf32, #tpu.memory_space<hbm>> -> memref<1x40x128xf32, #tpu.memory_space<hbm>>
        %dma_start3A_283 = tpu.memref_squeeze %dma_start3A_282 : memref<1x40x128xf32, #tpu.memory_space<hbm>> -> memref<40x128xf32, #tpu.memory_space<hbm>>
        %dma_start3A_284 = arith.constant 0 : i32
        %dma_start3A_285 = arith.constant 0 : i32
        %dma_start3A_286 = tpu.memref_slice %arg11[%dma_start3A_284, %dma_start3A_285] : memref<80x128xf32, #tpu.memory_space<vmem>> -> memref<40x128xf32, #tpu.memory_space<vmem>>
        tpu.enqueue_dma source(%dma_start3A_286 : memref<40x128xf32, #tpu.memory_space<vmem>>) target(%dma_start3A_283 : memref<40x128xf32, #tpu.memory_space<hbm>>) target_semaphore(%run_scoped3A : memref<!tpu.dma_semaphore, #tpu.memory_space<semaphore_mem>>)
        %dma_wait3A_287 = arith.constant 0 : i32
        %dma_wait3A_288 = arith.constant 0 : i32
        %dma_wait3A_289 = tpu.memref_slice %arg11[%dma_wait3A_287, %dma_wait3A_288] : memref<80x128xf32, #tpu.memory_space<vmem>> -> memref<40x128xf32, #tpu.memory_space<vmem>>
        %dma_wait3A_290 = arith.constant 0 : i32
        %dma_wait3A_291 = tpu.memref_slice %arg6[%arg0, %multiple_of3A_274, %dma_wait3A_290] : memref<2x10000x128xf32, #tpu.memory_space<hbm>> -> memref<1x40x128xf32, #tpu.memory_space<hbm>>
        %dma_wait3A_292 = tpu.memref_squeeze %dma_wait3A_291 : memref<1x40x128xf32, #tpu.memory_space<hbm>> -> memref<40x128xf32, #tpu.memory_space<hbm>>
        %dma_wait3A_293 = arith.constant 0 : i32
        %dma_wait3A_294 = tpu.memref_slice %arg6[%arg0, %multiple_of3A_274, %dma_wait3A_293] : memref<2x10000x128xf32, #tpu.memory_space<hbm>> -> memref<1x40x128xf32, #tpu.memory_space<hbm>>
        %dma_wait3A_295 = tpu.memref_squeeze %dma_wait3A_294 : memref<1x40x128xf32, #tpu.memory_space<hbm>> -> memref<40x128xf32, #tpu.memory_space<hbm>>
        %dma_wait3A_296 = arith.constant 0 : i32
        %dma_wait3A_297 = arith.constant 0 : i32
        %dma_wait3A_298 = tpu.memref_slice %arg11[%dma_wait3A_296, %dma_wait3A_297] : memref<80x128xf32, #tpu.memory_space<vmem>> -> memref<40x128xf32, #tpu.memory_space<vmem>>
        tpu.wait_dma2 semaphore(%run_scoped3A : memref<!tpu.dma_semaphore, #tpu.memory_space<semaphore_mem>>) src(%dma_wait3A_298 : memref<40x128xf32, #tpu.memory_space<vmem>>) dst(%dma_wait3A_295 : memref<40x128xf32, #tpu.memory_space<hbm>>)
        tpu.yield
      }) : () -> ()
    } else {
    }
    %add3A_216 = arith.constant 128 : i32
    %add3A_217 = arith.addi %arg1, %add3A_216 : i32
    %lt3A_218 = arith.constant 250 : i32
    %lt3A_219 = arith.cmpi slt, %add3A_217, %lt3A_218 : i32
    %convert_element_type3A_220 = arith.extui %lt3A_219 : i1 to i32
    %cond3A_221 = arith.constant 0 : i32
    %cond3A_222 = arith.cmpi ne, %convert_element_type3A_220, %cond3A_221 : i32
    scf.if %cond3A_222 {
      %mul3A_272 = arith.constant 40 : i32
      %mul3A_273 = arith.muli %add3A_217, %mul3A_272 : i32
      %multiple_of3A_274 = tpu.assume_multiple %mul3A_273, 40 : i32
      "tpu.region"() ({
        %run_scoped3A = tpu.sem_alloc : memref<!tpu.dma_semaphore, #tpu.memory_space<semaphore_mem>>
        %dma_start3A_275 = arith.constant 0 : i32
        %dma_start3A_276 = arith.constant 0 : i32
        %dma_start3A_277 = tpu.memref_slice %arg11[%dma_start3A_275, %dma_start3A_276] : memref<80x128xf32, #tpu.memory_space<vmem>> -> memref<40x128xf32, #tpu.memory_space<vmem>>
        %dma_start3A_278 = arith.constant 0 : i32
        %dma_start3A_279 = tpu.memref_slice %arg17[%multiple_of3A_274, %dma_start3A_278] : memref<10000x128xf32, #tpu.memory_space<vmem_shared>> -> memref<40x128xf32, #tpu.memory_space<vmem_shared>>
        %dma_start3A_280 = arith.constant 0 : i32
        %dma_start3A_281 = arith.constant 0 : i32
        %dma_start3A_282 = tpu.memref_slice %arg11[%dma_start3A_280, %dma_start3A_281] : memref<80x128xf32, #tpu.memory_space<vmem>> -> memref<40x128xf32, #tpu.memory_space<vmem>>
        %dma_start3A_283 = arith.constant 0 : i32
        %dma_start3A_284 = tpu.memref_slice %arg17[%multiple_of3A_274, %dma_start3A_283] : memref<10000x128xf32, #tpu.memory_space<vmem_shared>> -> memref<40x128xf32, #tpu.memory_space<vmem_shared>>
        tpu.enqueue_dma source(%dma_start3A_284 : memref<40x128xf32, #tpu.memory_space<vmem_shared>>) target(%dma_start3A_282 : memref<40x128xf32, #tpu.memory_space<vmem>>) target_semaphore(%run_scoped3A : memref<!tpu.dma_semaphore, #tpu.memory_space<semaphore_mem>>)
        %dma_wait3A_285 = arith.constant 0 : i32
        %dma_wait3A_286 = arith.constant 0 : i32
        %dma_wait3A_287 = tpu.memref_slice %arg11[%dma_wait3A_285, %dma_wait3A_286] : memref<80x128xf32, #tpu.memory_space<vmem>> -> memref<40x128xf32, #tpu.memory_space<vmem>>
        %dma_wait3A_288 = arith.constant 0 : i32
        %dma_wait3A_289 = tpu.memref_slice %arg17[%multiple_of3A_274, %dma_wait3A_288] : memref<10000x128xf32, #tpu.memory_space<vmem_shared>> -> memref<40x128xf32, #tpu.memory_space<vmem_shared>>
        %dma_wait3A_290 = arith.constant 0 : i32
        %dma_wait3A_291 = arith.constant 0 : i32
        %dma_wait3A_292 = tpu.memref_slice %arg11[%dma_wait3A_290, %dma_wait3A_291] : memref<80x128xf32, #tpu.memory_space<vmem>> -> memref<40x128xf32, #tpu.memory_space<vmem>>
        %dma_wait3A_293 = arith.constant 0 : i32
        %dma_wait3A_294 = tpu.memref_slice %arg17[%multiple_of3A_274, %dma_wait3A_293] : memref<10000x128xf32, #tpu.memory_space<vmem_shared>> -> memref<40x128xf32, #tpu.memory_space<vmem_shared>>
        tpu.wait_dma2 semaphore(%run_scoped3A : memref<!tpu.dma_semaphore, #tpu.memory_space<semaphore_mem>>) src(%dma_wait3A_294 : memref<40x128xf32, #tpu.memory_space<vmem_shared>>) dst(%dma_wait3A_292 : memref<40x128xf32, #tpu.memory_space<vmem>>)
        tpu.yield
      }) : () -> ()
      "tpu.region"() ({
        %run_scoped3A = tpu.sem_alloc : memref<!tpu.dma_semaphore, #tpu.memory_space<semaphore_mem>>
        %dma_start3A_275 = arith.constant 0 : i32
        %dma_start3A_276 = arith.constant 0 : i32
        %dma_start3A_277 = tpu.memref_slice %arg11[%dma_start3A_275, %dma_start3A_276] : memref<80x128xf32, #tpu.memory_space<vmem>> -> memref<40x128xf32, #tpu.memory_space<vmem>>
        %dma_start3A_278 = arith.constant 0 : i32
        %dma_start3A_279 = tpu.memref_slice %arg6[%arg0, %multiple_of3A_274, %dma_start3A_278] : memref<2x10000x128xf32, #tpu.memory_space<hbm>> -> memref<1x40x128xf32, #tpu.memory_space<hbm>>
        %dma_start3A_280 = tpu.memref_squeeze %dma_start3A_279 : memref<1x40x128xf32, #tpu.memory_space<hbm>> -> memref<40x128xf32, #tpu.memory_space<hbm>>
        %dma_start3A_281 = arith.constant 0 : i32
        %dma_start3A_282 = tpu.memref_slice %arg6[%arg0, %multiple_of3A_274, %dma_start3A_281] : memref<2x10000x128xf32, #tpu.memory_space<hbm>> -> memref<1x40x128xf32, #tpu.memory_space<hbm>>
        %dma_start3A_283 = tpu.memref_squeeze %dma_start3A_282 : memref<1x40x128xf32, #tpu.memory_space<hbm>> -> memref<40x128xf32, #tpu.memory_space<hbm>>
        %dma_start3A_284 = arith.constant 0 : i32
        %dma_start3A_285 = arith.constant 0 : i32
        %dma_start3A_286 = tpu.memref_slice %arg11[%dma_start3A_284, %dma_start3A_285] : memref<80x128xf32, #tpu.memory_space<vmem>> -> memref<40x128xf32, #tpu.memory_space<vmem>>
        tpu.enqueue_dma source(%dma_start3A_286 : memref<40x128xf32, #tpu.memory_space<vmem>>) target(%dma_start3A_283 : memref<40x128xf32, #tpu.memory_space<hbm>>) target_semaphore(%run_scoped3A : memref<!tpu.dma_semaphore, #tpu.memory_space<semaphore_mem>>)
        %dma_wait3A_287 = arith.constant 0 : i32
        %dma_wait3A_288 = arith.constant 0 : i32
        %dma_wait3A_289 = tpu.memref_slice %arg11[%dma_wait3A_287, %dma_wait3A_288] : memref<80x128xf32, #tpu.memory_space<vmem>> -> memref<40x128xf32, #tpu.memory_space<vmem>>
        %dma_wait3A_290 = arith.constant 0 : i32
        %dma_wait3A_291 = tpu.memref_slice %arg6[%arg0, %multiple_of3A_274, %dma_wait3A_290] : memref<2x10000x128xf32, #tpu.memory_space<hbm>> -> memref<1x40x128xf32, #tpu.memory_space<hbm>>
        %dma_wait3A_292 = tpu.memref_squeeze %dma_wait3A_291 : memref<1x40x128xf32, #tpu.memory_space<hbm>> -> memref<40x128xf32, #tpu.memory_space<hbm>>
        %dma_wait3A_293 = arith.constant 0 : i32
        %dma_wait3A_294 = tpu.memref_slice %arg6[%arg0, %multiple_of3A_274, %dma_wait3A_293] : memref<2x10000x128xf32, #tpu.memory_space<hbm>> -> memref<1x40x128xf32, #tpu.memory_space<hbm>>
        %dma_wait3A_295 = tpu.memref_squeeze %dma_wait3A_294 : memref<1x40x128xf32, #tpu.memory_space<hbm>> -> memref<40x128xf32, #tpu.memory_space<hbm>>
        %dma_wait3A_296 = arith.constant 0 : i32
        %dma_wait3A_297 = arith.constant 0 : i32
        %dma_wait3A_298 = tpu.memref_slice %arg11[%dma_wait3A_296, %dma_wait3A_297] : memref<80x128xf32, #tpu.memory_space<vmem>> -> memref<40x128xf32, #tpu.memory_space<vmem>>
        tpu.wait_dma2 semaphore(%run_scoped3A : memref<!tpu.dma_semaphore, #tpu.memory_space<semaphore_mem>>) src(%dma_wait3A_298 : memref<40x128xf32, #tpu.memory_space<vmem>>) dst(%dma_wait3A_295 : memref<40x128xf32, #tpu.memory_space<hbm>>)
        tpu.yield
      }) : () -> ()
    } else {
    }
    %add3A_223 = arith.constant 144 : i32
    %add3A_224 = arith.addi %arg1, %add3A_223 : i32
    %lt3A_225 = arith.constant 250 : i32
    %lt3A_226 = arith.cmpi slt, %add3A_224, %lt3A_225 : i32
    %convert_element_type3A_227 = arith.extui %lt3A_226 : i1 to i32
    %cond3A_228 = arith.constant 0 : i32
    %cond3A_229 = arith.cmpi ne, %convert_element_type3A_227, %cond3A_228 : i32
    scf.if %cond3A_229 {
      %mul3A_272 = arith.constant 40 : i32
      %mul3A_273 = arith.muli %add3A_224, %mul3A_272 : i32
      %multiple_of3A_274 = tpu.assume_multiple %mul3A_273, 40 : i32
      "tpu.region"() ({
        %run_scoped3A = tpu.sem_alloc : memref<!tpu.dma_semaphore, #tpu.memory_space<semaphore_mem>>
        %dma_start3A_275 = arith.constant 0 : i32
        %dma_start3A_276 = arith.constant 0 : i32
        %dma_start3A_277 = tpu.memref_slice %arg11[%dma_start3A_275, %dma_start3A_276] : memref<80x128xf32, #tpu.memory_space<vmem>> -> memref<40x128xf32, #tpu.memory_space<vmem>>
        %dma_start3A_278 = arith.constant 0 : i32
        %dma_start3A_279 = tpu.memref_slice %arg17[%multiple_of3A_274, %dma_start3A_278] : memref<10000x128xf32, #tpu.memory_space<vmem_shared>> -> memref<40x128xf32, #tpu.memory_space<vmem_shared>>
        %dma_start3A_280 = arith.constant 0 : i32
        %dma_start3A_281 = arith.constant 0 : i32
        %dma_start3A_282 = tpu.memref_slice %arg11[%dma_start3A_280, %dma_start3A_281] : memref<80x128xf32, #tpu.memory_space<vmem>> -> memref<40x128xf32, #tpu.memory_space<vmem>>
        %dma_start3A_283 = arith.constant 0 : i32
        %dma_start3A_284 = tpu.memref_slice %arg17[%multiple_of3A_274, %dma_start3A_283] : memref<10000x128xf32, #tpu.memory_space<vmem_shared>> -> memref<40x128xf32, #tpu.memory_space<vmem_shared>>
        tpu.enqueue_dma source(%dma_start3A_284 : memref<40x128xf32, #tpu.memory_space<vmem_shared>>) target(%dma_start3A_282 : memref<40x128xf32, #tpu.memory_space<vmem>>) target_semaphore(%run_scoped3A : memref<!tpu.dma_semaphore, #tpu.memory_space<semaphore_mem>>)
        %dma_wait3A_285 = arith.constant 0 : i32
        %dma_wait3A_286 = arith.constant 0 : i32
        %dma_wait3A_287 = tpu.memref_slice %arg11[%dma_wait3A_285, %dma_wait3A_286] : memref<80x128xf32, #tpu.memory_space<vmem>> -> memref<40x128xf32, #tpu.memory_space<vmem>>
        %dma_wait3A_288 = arith.constant 0 : i32
        %dma_wait3A_289 = tpu.memref_slice %arg17[%multiple_of3A_274, %dma_wait3A_288] : memref<10000x128xf32, #tpu.memory_space<vmem_shared>> -> memref<40x128xf32, #tpu.memory_space<vmem_shared>>
        %dma_wait3A_290 = arith.constant 0 : i32
        %dma_wait3A_291 = arith.constant 0 : i32
        %dma_wait3A_292 = tpu.memref_slice %arg11[%dma_wait3A_290, %dma_wait3A_291] : memref<80x128xf32, #tpu.memory_space<vmem>> -> memref<40x128xf32, #tpu.memory_space<vmem>>
        %dma_wait3A_293 = arith.constant 0 : i32
        %dma_wait3A_294 = tpu.memref_slice %arg17[%multiple_of3A_274, %dma_wait3A_293] : memref<10000x128xf32, #tpu.memory_space<vmem_shared>> -> memref<40x128xf32, #tpu.memory_space<vmem_shared>>
        tpu.wait_dma2 semaphore(%run_scoped3A : memref<!tpu.dma_semaphore, #tpu.memory_space<semaphore_mem>>) src(%dma_wait3A_294 : memref<40x128xf32, #tpu.memory_space<vmem_shared>>) dst(%dma_wait3A_292 : memref<40x128xf32, #tpu.memory_space<vmem>>)
        tpu.yield
      }) : () -> ()
      "tpu.region"() ({
        %run_scoped3A = tpu.sem_alloc : memref<!tpu.dma_semaphore, #tpu.memory_space<semaphore_mem>>
        %dma_start3A_275 = arith.constant 0 : i32
        %dma_start3A_276 = arith.constant 0 : i32
        %dma_start3A_277 = tpu.memref_slice %arg11[%dma_start3A_275, %dma_start3A_276] : memref<80x128xf32, #tpu.memory_space<vmem>> -> memref<40x128xf32, #tpu.memory_space<vmem>>
        %dma_start3A_278 = arith.constant 0 : i32
        %dma_start3A_279 = tpu.memref_slice %arg6[%arg0, %multiple_of3A_274, %dma_start3A_278] : memref<2x10000x128xf32, #tpu.memory_space<hbm>> -> memref<1x40x128xf32, #tpu.memory_space<hbm>>
        %dma_start3A_280 = tpu.memref_squeeze %dma_start3A_279 : memref<1x40x128xf32, #tpu.memory_space<hbm>> -> memref<40x128xf32, #tpu.memory_space<hbm>>
        %dma_start3A_281 = arith.constant 0 : i32
        %dma_start3A_282 = tpu.memref_slice %arg6[%arg0, %multiple_of3A_274, %dma_start3A_281] : memref<2x10000x128xf32, #tpu.memory_space<hbm>> -> memref<1x40x128xf32, #tpu.memory_space<hbm>>
        %dma_start3A_283 = tpu.memref_squeeze %dma_start3A_282 : memref<1x40x128xf32, #tpu.memory_space<hbm>> -> memref<40x128xf32, #tpu.memory_space<hbm>>
        %dma_start3A_284 = arith.constant 0 : i32
        %dma_start3A_285 = arith.constant 0 : i32
        %dma_start3A_286 = tpu.memref_slice %arg11[%dma_start3A_284, %dma_start3A_285] : memref<80x128xf32, #tpu.memory_space<vmem>> -> memref<40x128xf32, #tpu.memory_space<vmem>>
        tpu.enqueue_dma source(%dma_start3A_286 : memref<40x128xf32, #tpu.memory_space<vmem>>) target(%dma_start3A_283 : memref<40x128xf32, #tpu.memory_space<hbm>>) target_semaphore(%run_scoped3A : memref<!tpu.dma_semaphore, #tpu.memory_space<semaphore_mem>>)
        %dma_wait3A_287 = arith.constant 0 : i32
        %dma_wait3A_288 = arith.constant 0 : i32
        %dma_wait3A_289 = tpu.memref_slice %arg11[%dma_wait3A_287, %dma_wait3A_288] : memref<80x128xf32, #tpu.memory_space<vmem>> -> memref<40x128xf32, #tpu.memory_space<vmem>>
        %dma_wait3A_290 = arith.constant 0 : i32
        %dma_wait3A_291 = tpu.memref_slice %arg6[%arg0, %multiple_of3A_274, %dma_wait3A_290] : memref<2x10000x128xf32, #tpu.memory_space<hbm>> -> memref<1x40x128xf32, #tpu.memory_space<hbm>>
        %dma_wait3A_292 = tpu.memref_squeeze %dma_wait3A_291 : memref<1x40x128xf32, #tpu.memory_space<hbm>> -> memref<40x128xf32, #tpu.memory_space<hbm>>
        %dma_wait3A_293 = arith.constant 0 : i32
        %dma_wait3A_294 = tpu.memref_slice %arg6[%arg0, %multiple_of3A_274, %dma_wait3A_293] : memref<2x10000x128xf32, #tpu.memory_space<hbm>> -> memref<1x40x128xf32, #tpu.memory_space<hbm>>
        %dma_wait3A_295 = tpu.memref_squeeze %dma_wait3A_294 : memref<1x40x128xf32, #tpu.memory_space<hbm>> -> memref<40x128xf32, #tpu.memory_space<hbm>>
        %dma_wait3A_296 = arith.constant 0 : i32
        %dma_wait3A_297 = arith.constant 0 : i32
        %dma_wait3A_298 = tpu.memref_slice %arg11[%dma_wait3A_296, %dma_wait3A_297] : memref<80x128xf32, #tpu.memory_space<vmem>> -> memref<40x128xf32, #tpu.memory_space<vmem>>
        tpu.wait_dma2 semaphore(%run_scoped3A : memref<!tpu.dma_semaphore, #tpu.memory_space<semaphore_mem>>) src(%dma_wait3A_298 : memref<40x128xf32, #tpu.memory_space<vmem>>) dst(%dma_wait3A_295 : memref<40x128xf32, #tpu.memory_space<hbm>>)
        tpu.yield
      }) : () -> ()
    } else {
    }
    %add3A_230 = arith.constant 160 : i32
    %add3A_231 = arith.addi %arg1, %add3A_230 : i32
    %lt3A_232 = arith.constant 250 : i32
    %lt3A_233 = arith.cmpi slt, %add3A_231, %lt3A_232 : i32
    %convert_element_type3A_234 = arith.extui %lt3A_233 : i1 to i32
    %cond3A_235 = arith.constant 0 : i32
    %cond3A_236 = arith.cmpi ne, %convert_element_type3A_234, %cond3A_235 : i32
    scf.if %cond3A_236 {
      %mul3A_272 = arith.constant 40 : i32
      %mul3A_273 = arith.muli %add3A_231, %mul3A_272 : i32
      %multiple_of3A_274 = tpu.assume_multiple %mul3A_273, 40 : i32
      "tpu.region"() ({
        %run_scoped3A = tpu.sem_alloc : memref<!tpu.dma_semaphore, #tpu.memory_space<semaphore_mem>>
        %dma_start3A_275 = arith.constant 0 : i32
        %dma_start3A_276 = arith.constant 0 : i32
        %dma_start3A_277 = tpu.memref_slice %arg11[%dma_start3A_275, %dma_start3A_276] : memref<80x128xf32, #tpu.memory_space<vmem>> -> memref<40x128xf32, #tpu.memory_space<vmem>>
        %dma_start3A_278 = arith.constant 0 : i32
        %dma_start3A_279 = tpu.memref_slice %arg17[%multiple_of3A_274, %dma_start3A_278] : memref<10000x128xf32, #tpu.memory_space<vmem_shared>> -> memref<40x128xf32, #tpu.memory_space<vmem_shared>>
        %dma_start3A_280 = arith.constant 0 : i32
        %dma_start3A_281 = arith.constant 0 : i32
        %dma_start3A_282 = tpu.memref_slice %arg11[%dma_start3A_280, %dma_start3A_281] : memref<80x128xf32, #tpu.memory_space<vmem>> -> memref<40x128xf32, #tpu.memory_space<vmem>>
        %dma_start3A_283 = arith.constant 0 : i32
        %dma_start3A_284 = tpu.memref_slice %arg17[%multiple_of3A_274, %dma_start3A_283] : memref<10000x128xf32, #tpu.memory_space<vmem_shared>> -> memref<40x128xf32, #tpu.memory_space<vmem_shared>>
        tpu.enqueue_dma source(%dma_start3A_284 : memref<40x128xf32, #tpu.memory_space<vmem_shared>>) target(%dma_start3A_282 : memref<40x128xf32, #tpu.memory_space<vmem>>) target_semaphore(%run_scoped3A : memref<!tpu.dma_semaphore, #tpu.memory_space<semaphore_mem>>)
        %dma_wait3A_285 = arith.constant 0 : i32
        %dma_wait3A_286 = arith.constant 0 : i32
        %dma_wait3A_287 = tpu.memref_slice %arg11[%dma_wait3A_285, %dma_wait3A_286] : memref<80x128xf32, #tpu.memory_space<vmem>> -> memref<40x128xf32, #tpu.memory_space<vmem>>
        %dma_wait3A_288 = arith.constant 0 : i32
        %dma_wait3A_289 = tpu.memref_slice %arg17[%multiple_of3A_274, %dma_wait3A_288] : memref<10000x128xf32, #tpu.memory_space<vmem_shared>> -> memref<40x128xf32, #tpu.memory_space<vmem_shared>>
        %dma_wait3A_290 = arith.constant 0 : i32
        %dma_wait3A_291 = arith.constant 0 : i32
        %dma_wait3A_292 = tpu.memref_slice %arg11[%dma_wait3A_290, %dma_wait3A_291] : memref<80x128xf32, #tpu.memory_space<vmem>> -> memref<40x128xf32, #tpu.memory_space<vmem>>
        %dma_wait3A_293 = arith.constant 0 : i32
        %dma_wait3A_294 = tpu.memref_slice %arg17[%multiple_of3A_274, %dma_wait3A_293] : memref<10000x128xf32, #tpu.memory_space<vmem_shared>> -> memref<40x128xf32, #tpu.memory_space<vmem_shared>>
        tpu.wait_dma2 semaphore(%run_scoped3A : memref<!tpu.dma_semaphore, #tpu.memory_space<semaphore_mem>>) src(%dma_wait3A_294 : memref<40x128xf32, #tpu.memory_space<vmem_shared>>) dst(%dma_wait3A_292 : memref<40x128xf32, #tpu.memory_space<vmem>>)
        tpu.yield
      }) : () -> ()
      "tpu.region"() ({
        %run_scoped3A = tpu.sem_alloc : memref<!tpu.dma_semaphore, #tpu.memory_space<semaphore_mem>>
        %dma_start3A_275 = arith.constant 0 : i32
        %dma_start3A_276 = arith.constant 0 : i32
        %dma_start3A_277 = tpu.memref_slice %arg11[%dma_start3A_275, %dma_start3A_276] : memref<80x128xf32, #tpu.memory_space<vmem>> -> memref<40x128xf32, #tpu.memory_space<vmem>>
        %dma_start3A_278 = arith.constant 0 : i32
        %dma_start3A_279 = tpu.memref_slice %arg6[%arg0, %multiple_of3A_274, %dma_start3A_278] : memref<2x10000x128xf32, #tpu.memory_space<hbm>> -> memref<1x40x128xf32, #tpu.memory_space<hbm>>
        %dma_start3A_280 = tpu.memref_squeeze %dma_start3A_279 : memref<1x40x128xf32, #tpu.memory_space<hbm>> -> memref<40x128xf32, #tpu.memory_space<hbm>>
        %dma_start3A_281 = arith.constant 0 : i32
        %dma_start3A_282 = tpu.memref_slice %arg6[%arg0, %multiple_of3A_274, %dma_start3A_281] : memref<2x10000x128xf32, #tpu.memory_space<hbm>> -> memref<1x40x128xf32, #tpu.memory_space<hbm>>
        %dma_start3A_283 = tpu.memref_squeeze %dma_start3A_282 : memref<1x40x128xf32, #tpu.memory_space<hbm>> -> memref<40x128xf32, #tpu.memory_space<hbm>>
        %dma_start3A_284 = arith.constant 0 : i32
        %dma_start3A_285 = arith.constant 0 : i32
        %dma_start3A_286 = tpu.memref_slice %arg11[%dma_start3A_284, %dma_start3A_285] : memref<80x128xf32, #tpu.memory_space<vmem>> -> memref<40x128xf32, #tpu.memory_space<vmem>>
        tpu.enqueue_dma source(%dma_start3A_286 : memref<40x128xf32, #tpu.memory_space<vmem>>) target(%dma_start3A_283 : memref<40x128xf32, #tpu.memory_space<hbm>>) target_semaphore(%run_scoped3A : memref<!tpu.dma_semaphore, #tpu.memory_space<semaphore_mem>>)
        %dma_wait3A_287 = arith.constant 0 : i32
        %dma_wait3A_288 = arith.constant 0 : i32
        %dma_wait3A_289 = tpu.memref_slice %arg11[%dma_wait3A_287, %dma_wait3A_288] : memref<80x128xf32, #tpu.memory_space<vmem>> -> memref<40x128xf32, #tpu.memory_space<vmem>>
        %dma_wait3A_290 = arith.constant 0 : i32
        %dma_wait3A_291 = tpu.memref_slice %arg6[%arg0, %multiple_of3A_274, %dma_wait3A_290] : memref<2x10000x128xf32, #tpu.memory_space<hbm>> -> memref<1x40x128xf32, #tpu.memory_space<hbm>>
        %dma_wait3A_292 = tpu.memref_squeeze %dma_wait3A_291 : memref<1x40x128xf32, #tpu.memory_space<hbm>> -> memref<40x128xf32, #tpu.memory_space<hbm>>
        %dma_wait3A_293 = arith.constant 0 : i32
        %dma_wait3A_294 = tpu.memref_slice %arg6[%arg0, %multiple_of3A_274, %dma_wait3A_293] : memref<2x10000x128xf32, #tpu.memory_space<hbm>> -> memref<1x40x128xf32, #tpu.memory_space<hbm>>
        %dma_wait3A_295 = tpu.memref_squeeze %dma_wait3A_294 : memref<1x40x128xf32, #tpu.memory_space<hbm>> -> memref<40x128xf32, #tpu.memory_space<hbm>>
        %dma_wait3A_296 = arith.constant 0 : i32
        %dma_wait3A_297 = arith.constant 0 : i32
        %dma_wait3A_298 = tpu.memref_slice %arg11[%dma_wait3A_296, %dma_wait3A_297] : memref<80x128xf32, #tpu.memory_space<vmem>> -> memref<40x128xf32, #tpu.memory_space<vmem>>
        tpu.wait_dma2 semaphore(%run_scoped3A : memref<!tpu.dma_semaphore, #tpu.memory_space<semaphore_mem>>) src(%dma_wait3A_298 : memref<40x128xf32, #tpu.memory_space<vmem>>) dst(%dma_wait3A_295 : memref<40x128xf32, #tpu.memory_space<hbm>>)
        tpu.yield
      }) : () -> ()
    } else {
    }
    %add3A_237 = arith.constant 176 : i32
    %add3A_238 = arith.addi %arg1, %add3A_237 : i32
    %lt3A_239 = arith.constant 250 : i32
    %lt3A_240 = arith.cmpi slt, %add3A_238, %lt3A_239 : i32
    %convert_element_type3A_241 = arith.extui %lt3A_240 : i1 to i32
    %cond3A_242 = arith.constant 0 : i32
    %cond3A_243 = arith.cmpi ne, %convert_element_type3A_241, %cond3A_242 : i32
    scf.if %cond3A_243 {
      %mul3A_272 = arith.constant 40 : i32
      %mul3A_273 = arith.muli %add3A_238, %mul3A_272 : i32
      %multiple_of3A_274 = tpu.assume_multiple %mul3A_273, 40 : i32
      "tpu.region"() ({
        %run_scoped3A = tpu.sem_alloc : memref<!tpu.dma_semaphore, #tpu.memory_space<semaphore_mem>>
        %dma_start3A_275 = arith.constant 0 : i32
        %dma_start3A_276 = arith.constant 0 : i32
        %dma_start3A_277 = tpu.memref_slice %arg11[%dma_start3A_275, %dma_start3A_276] : memref<80x128xf32, #tpu.memory_space<vmem>> -> memref<40x128xf32, #tpu.memory_space<vmem>>
        %dma_start3A_278 = arith.constant 0 : i32
        %dma_start3A_279 = tpu.memref_slice %arg17[%multiple_of3A_274, %dma_start3A_278] : memref<10000x128xf32, #tpu.memory_space<vmem_shared>> -> memref<40x128xf32, #tpu.memory_space<vmem_shared>>
        %dma_start3A_280 = arith.constant 0 : i32
        %dma_start3A_281 = arith.constant 0 : i32
        %dma_start3A_282 = tpu.memref_slice %arg11[%dma_start3A_280, %dma_start3A_281] : memref<80x128xf32, #tpu.memory_space<vmem>> -> memref<40x128xf32, #tpu.memory_space<vmem>>
        %dma_start3A_283 = arith.constant 0 : i32
        %dma_start3A_284 = tpu.memref_slice %arg17[%multiple_of3A_274, %dma_start3A_283] : memref<10000x128xf32, #tpu.memory_space<vmem_shared>> -> memref<40x128xf32, #tpu.memory_space<vmem_shared>>
        tpu.enqueue_dma source(%dma_start3A_284 : memref<40x128xf32, #tpu.memory_space<vmem_shared>>) target(%dma_start3A_282 : memref<40x128xf32, #tpu.memory_space<vmem>>) target_semaphore(%run_scoped3A : memref<!tpu.dma_semaphore, #tpu.memory_space<semaphore_mem>>)
        %dma_wait3A_285 = arith.constant 0 : i32
        %dma_wait3A_286 = arith.constant 0 : i32
        %dma_wait3A_287 = tpu.memref_slice %arg11[%dma_wait3A_285, %dma_wait3A_286] : memref<80x128xf32, #tpu.memory_space<vmem>> -> memref<40x128xf32, #tpu.memory_space<vmem>>
        %dma_wait3A_288 = arith.constant 0 : i32
        %dma_wait3A_289 = tpu.memref_slice %arg17[%multiple_of3A_274, %dma_wait3A_288] : memref<10000x128xf32, #tpu.memory_space<vmem_shared>> -> memref<40x128xf32, #tpu.memory_space<vmem_shared>>
        %dma_wait3A_290 = arith.constant 0 : i32
        %dma_wait3A_291 = arith.constant 0 : i32
        %dma_wait3A_292 = tpu.memref_slice %arg11[%dma_wait3A_290, %dma_wait3A_291] : memref<80x128xf32, #tpu.memory_space<vmem>> -> memref<40x128xf32, #tpu.memory_space<vmem>>
        %dma_wait3A_293 = arith.constant 0 : i32
        %dma_wait3A_294 = tpu.memref_slice %arg17[%multiple_of3A_274, %dma_wait3A_293] : memref<10000x128xf32, #tpu.memory_space<vmem_shared>> -> memref<40x128xf32, #tpu.memory_space<vmem_shared>>
        tpu.wait_dma2 semaphore(%run_scoped3A : memref<!tpu.dma_semaphore, #tpu.memory_space<semaphore_mem>>) src(%dma_wait3A_294 : memref<40x128xf32, #tpu.memory_space<vmem_shared>>) dst(%dma_wait3A_292 : memref<40x128xf32, #tpu.memory_space<vmem>>)
        tpu.yield
      }) : () -> ()
      "tpu.region"() ({
        %run_scoped3A = tpu.sem_alloc : memref<!tpu.dma_semaphore, #tpu.memory_space<semaphore_mem>>
        %dma_start3A_275 = arith.constant 0 : i32
        %dma_start3A_276 = arith.constant 0 : i32
        %dma_start3A_277 = tpu.memref_slice %arg11[%dma_start3A_275, %dma_start3A_276] : memref<80x128xf32, #tpu.memory_space<vmem>> -> memref<40x128xf32, #tpu.memory_space<vmem>>
        %dma_start3A_278 = arith.constant 0 : i32
        %dma_start3A_279 = tpu.memref_slice %arg6[%arg0, %multiple_of3A_274, %dma_start3A_278] : memref<2x10000x128xf32, #tpu.memory_space<hbm>> -> memref<1x40x128xf32, #tpu.memory_space<hbm>>
        %dma_start3A_280 = tpu.memref_squeeze %dma_start3A_279 : memref<1x40x128xf32, #tpu.memory_space<hbm>> -> memref<40x128xf32, #tpu.memory_space<hbm>>
        %dma_start3A_281 = arith.constant 0 : i32
        %dma_start3A_282 = tpu.memref_slice %arg6[%arg0, %multiple_of3A_274, %dma_start3A_281] : memref<2x10000x128xf32, #tpu.memory_space<hbm>> -> memref<1x40x128xf32, #tpu.memory_space<hbm>>
        %dma_start3A_283 = tpu.memref_squeeze %dma_start3A_282 : memref<1x40x128xf32, #tpu.memory_space<hbm>> -> memref<40x128xf32, #tpu.memory_space<hbm>>
        %dma_start3A_284 = arith.constant 0 : i32
        %dma_start3A_285 = arith.constant 0 : i32
        %dma_start3A_286 = tpu.memref_slice %arg11[%dma_start3A_284, %dma_start3A_285] : memref<80x128xf32, #tpu.memory_space<vmem>> -> memref<40x128xf32, #tpu.memory_space<vmem>>
        tpu.enqueue_dma source(%dma_start3A_286 : memref<40x128xf32, #tpu.memory_space<vmem>>) target(%dma_start3A_283 : memref<40x128xf32, #tpu.memory_space<hbm>>) target_semaphore(%run_scoped3A : memref<!tpu.dma_semaphore, #tpu.memory_space<semaphore_mem>>)
        %dma_wait3A_287 = arith.constant 0 : i32
        %dma_wait3A_288 = arith.constant 0 : i32
        %dma_wait3A_289 = tpu.memref_slice %arg11[%dma_wait3A_287, %dma_wait3A_288] : memref<80x128xf32, #tpu.memory_space<vmem>> -> memref<40x128xf32, #tpu.memory_space<vmem>>
        %dma_wait3A_290 = arith.constant 0 : i32
        %dma_wait3A_291 = tpu.memref_slice %arg6[%arg0, %multiple_of3A_274, %dma_wait3A_290] : memref<2x10000x128xf32, #tpu.memory_space<hbm>> -> memref<1x40x128xf32, #tpu.memory_space<hbm>>
        %dma_wait3A_292 = tpu.memref_squeeze %dma_wait3A_291 : memref<1x40x128xf32, #tpu.memory_space<hbm>> -> memref<40x128xf32, #tpu.memory_space<hbm>>
        %dma_wait3A_293 = arith.constant 0 : i32
        %dma_wait3A_294 = tpu.memref_slice %arg6[%arg0, %multiple_of3A_274, %dma_wait3A_293] : memref<2x10000x128xf32, #tpu.memory_space<hbm>> -> memref<1x40x128xf32, #tpu.memory_space<hbm>>
        %dma_wait3A_295 = tpu.memref_squeeze %dma_wait3A_294 : memref<1x40x128xf32, #tpu.memory_space<hbm>> -> memref<40x128xf32, #tpu.memory_space<hbm>>
        %dma_wait3A_296 = arith.constant 0 : i32
        %dma_wait3A_297 = arith.constant 0 : i32
        %dma_wait3A_298 = tpu.memref_slice %arg11[%dma_wait3A_296, %dma_wait3A_297] : memref<80x128xf32, #tpu.memory_space<vmem>> -> memref<40x128xf32, #tpu.memory_space<vmem>>
        tpu.wait_dma2 semaphore(%run_scoped3A : memref<!tpu.dma_semaphore, #tpu.memory_space<semaphore_mem>>) src(%dma_wait3A_298 : memref<40x128xf32, #tpu.memory_space<vmem>>) dst(%dma_wait3A_295 : memref<40x128xf32, #tpu.memory_space<hbm>>)
        tpu.yield
      }) : () -> ()
    } else {
    }
    %add3A_244 = arith.constant 192 : i32
    %add3A_245 = arith.addi %arg1, %add3A_244 : i32
    %lt3A_246 = arith.constant 250 : i32
    %lt3A_247 = arith.cmpi slt, %add3A_245, %lt3A_246 : i32
    %convert_element_type3A_248 = arith.extui %lt3A_247 : i1 to i32
    %cond3A_249 = arith.constant 0 : i32
    %cond3A_250 = arith.cmpi ne, %convert_element_type3A_248, %cond3A_249 : i32
    scf.if %cond3A_250 {
      %mul3A_272 = arith.constant 40 : i32
      %mul3A_273 = arith.muli %add3A_245, %mul3A_272 : i32
      %multiple_of3A_274 = tpu.assume_multiple %mul3A_273, 40 : i32
      "tpu.region"() ({
        %run_scoped3A = tpu.sem_alloc : memref<!tpu.dma_semaphore, #tpu.memory_space<semaphore_mem>>
        %dma_start3A_275 = arith.constant 0 : i32
        %dma_start3A_276 = arith.constant 0 : i32
        %dma_start3A_277 = tpu.memref_slice %arg11[%dma_start3A_275, %dma_start3A_276] : memref<80x128xf32, #tpu.memory_space<vmem>> -> memref<40x128xf32, #tpu.memory_space<vmem>>
        %dma_start3A_278 = arith.constant 0 : i32
        %dma_start3A_279 = tpu.memref_slice %arg17[%multiple_of3A_274, %dma_start3A_278] : memref<10000x128xf32, #tpu.memory_space<vmem_shared>> -> memref<40x128xf32, #tpu.memory_space<vmem_shared>>
        %dma_start3A_280 = arith.constant 0 : i32
        %dma_start3A_281 = arith.constant 0 : i32
        %dma_start3A_282 = tpu.memref_slice %arg11[%dma_start3A_280, %dma_start3A_281] : memref<80x128xf32, #tpu.memory_space<vmem>> -> memref<40x128xf32, #tpu.memory_space<vmem>>
        %dma_start3A_283 = arith.constant 0 : i32
        %dma_start3A_284 = tpu.memref_slice %arg17[%multiple_of3A_274, %dma_start3A_283] : memref<10000x128xf32, #tpu.memory_space<vmem_shared>> -> memref<40x128xf32, #tpu.memory_space<vmem_shared>>
        tpu.enqueue_dma source(%dma_start3A_284 : memref<40x128xf32, #tpu.memory_space<vmem_shared>>) target(%dma_start3A_282 : memref<40x128xf32, #tpu.memory_space<vmem>>) target_semaphore(%run_scoped3A : memref<!tpu.dma_semaphore, #tpu.memory_space<semaphore_mem>>)
        %dma_wait3A_285 = arith.constant 0 : i32
        %dma_wait3A_286 = arith.constant 0 : i32
        %dma_wait3A_287 = tpu.memref_slice %arg11[%dma_wait3A_285, %dma_wait3A_286] : memref<80x128xf32, #tpu.memory_space<vmem>> -> memref<40x128xf32, #tpu.memory_space<vmem>>
        %dma_wait3A_288 = arith.constant 0 : i32
        %dma_wait3A_289 = tpu.memref_slice %arg17[%multiple_of3A_274, %dma_wait3A_288] : memref<10000x128xf32, #tpu.memory_space<vmem_shared>> -> memref<40x128xf32, #tpu.memory_space<vmem_shared>>
        %dma_wait3A_290 = arith.constant 0 : i32
        %dma_wait3A_291 = arith.constant 0 : i32
        %dma_wait3A_292 = tpu.memref_slice %arg11[%dma_wait3A_290, %dma_wait3A_291] : memref<80x128xf32, #tpu.memory_space<vmem>> -> memref<40x128xf32, #tpu.memory_space<vmem>>
        %dma_wait3A_293 = arith.constant 0 : i32
        %dma_wait3A_294 = tpu.memref_slice %arg17[%multiple_of3A_274, %dma_wait3A_293] : memref<10000x128xf32, #tpu.memory_space<vmem_shared>> -> memref<40x128xf32, #tpu.memory_space<vmem_shared>>
        tpu.wait_dma2 semaphore(%run_scoped3A : memref<!tpu.dma_semaphore, #tpu.memory_space<semaphore_mem>>) src(%dma_wait3A_294 : memref<40x128xf32, #tpu.memory_space<vmem_shared>>) dst(%dma_wait3A_292 : memref<40x128xf32, #tpu.memory_space<vmem>>)
        tpu.yield
      }) : () -> ()
      "tpu.region"() ({
        %run_scoped3A = tpu.sem_alloc : memref<!tpu.dma_semaphore, #tpu.memory_space<semaphore_mem>>
        %dma_start3A_275 = arith.constant 0 : i32
        %dma_start3A_276 = arith.constant 0 : i32
        %dma_start3A_277 = tpu.memref_slice %arg11[%dma_start3A_275, %dma_start3A_276] : memref<80x128xf32, #tpu.memory_space<vmem>> -> memref<40x128xf32, #tpu.memory_space<vmem>>
        %dma_start3A_278 = arith.constant 0 : i32
        %dma_start3A_279 = tpu.memref_slice %arg6[%arg0, %multiple_of3A_274, %dma_start3A_278] : memref<2x10000x128xf32, #tpu.memory_space<hbm>> -> memref<1x40x128xf32, #tpu.memory_space<hbm>>
        %dma_start3A_280 = tpu.memref_squeeze %dma_start3A_279 : memref<1x40x128xf32, #tpu.memory_space<hbm>> -> memref<40x128xf32, #tpu.memory_space<hbm>>
        %dma_start3A_281 = arith.constant 0 : i32
        %dma_start3A_282 = tpu.memref_slice %arg6[%arg0, %multiple_of3A_274, %dma_start3A_281] : memref<2x10000x128xf32, #tpu.memory_space<hbm>> -> memref<1x40x128xf32, #tpu.memory_space<hbm>>
        %dma_start3A_283 = tpu.memref_squeeze %dma_start3A_282 : memref<1x40x128xf32, #tpu.memory_space<hbm>> -> memref<40x128xf32, #tpu.memory_space<hbm>>
        %dma_start3A_284 = arith.constant 0 : i32
        %dma_start3A_285 = arith.constant 0 : i32
        %dma_start3A_286 = tpu.memref_slice %arg11[%dma_start3A_284, %dma_start3A_285] : memref<80x128xf32, #tpu.memory_space<vmem>> -> memref<40x128xf32, #tpu.memory_space<vmem>>
        tpu.enqueue_dma source(%dma_start3A_286 : memref<40x128xf32, #tpu.memory_space<vmem>>) target(%dma_start3A_283 : memref<40x128xf32, #tpu.memory_space<hbm>>) target_semaphore(%run_scoped3A : memref<!tpu.dma_semaphore, #tpu.memory_space<semaphore_mem>>)
        %dma_wait3A_287 = arith.constant 0 : i32
        %dma_wait3A_288 = arith.constant 0 : i32
        %dma_wait3A_289 = tpu.memref_slice %arg11[%dma_wait3A_287, %dma_wait3A_288] : memref<80x128xf32, #tpu.memory_space<vmem>> -> memref<40x128xf32, #tpu.memory_space<vmem>>
        %dma_wait3A_290 = arith.constant 0 : i32
        %dma_wait3A_291 = tpu.memref_slice %arg6[%arg0, %multiple_of3A_274, %dma_wait3A_290] : memref<2x10000x128xf32, #tpu.memory_space<hbm>> -> memref<1x40x128xf32, #tpu.memory_space<hbm>>
        %dma_wait3A_292 = tpu.memref_squeeze %dma_wait3A_291 : memref<1x40x128xf32, #tpu.memory_space<hbm>> -> memref<40x128xf32, #tpu.memory_space<hbm>>
        %dma_wait3A_293 = arith.constant 0 : i32
        %dma_wait3A_294 = tpu.memref_slice %arg6[%arg0, %multiple_of3A_274, %dma_wait3A_293] : memref<2x10000x128xf32, #tpu.memory_space<hbm>> -> memref<1x40x128xf32, #tpu.memory_space<hbm>>
        %dma_wait3A_295 = tpu.memref_squeeze %dma_wait3A_294 : memref<1x40x128xf32, #tpu.memory_space<hbm>> -> memref<40x128xf32, #tpu.memory_space<hbm>>
        %dma_wait3A_296 = arith.constant 0 : i32
        %dma_wait3A_297 = arith.constant 0 : i32
        %dma_wait3A_298 = tpu.memref_slice %arg11[%dma_wait3A_296, %dma_wait3A_297] : memref<80x128xf32, #tpu.memory_space<vmem>> -> memref<40x128xf32, #tpu.memory_space<vmem>>
        tpu.wait_dma2 semaphore(%run_scoped3A : memref<!tpu.dma_semaphore, #tpu.memory_space<semaphore_mem>>) src(%dma_wait3A_298 : memref<40x128xf32, #tpu.memory_space<vmem>>) dst(%dma_wait3A_295 : memref<40x128xf32, #tpu.memory_space<hbm>>)
        tpu.yield
      }) : () -> ()
    } else {
    }
    %add3A_251 = arith.constant 208 : i32
    %add3A_252 = arith.addi %arg1, %add3A_251 : i32
    %lt3A_253 = arith.constant 250 : i32
    %lt3A_254 = arith.cmpi slt, %add3A_252, %lt3A_253 : i32
    %convert_element_type3A_255 = arith.extui %lt3A_254 : i1 to i32
    %cond3A_256 = arith.constant 0 : i32
    %cond3A_257 = arith.cmpi ne, %convert_element_type3A_255, %cond3A_256 : i32
    scf.if %cond3A_257 {
      %mul3A_272 = arith.constant 40 : i32
      %mul3A_273 = arith.muli %add3A_252, %mul3A_272 : i32
      %multiple_of3A_274 = tpu.assume_multiple %mul3A_273, 40 : i32
      "tpu.region"() ({
        %run_scoped3A = tpu.sem_alloc : memref<!tpu.dma_semaphore, #tpu.memory_space<semaphore_mem>>
        %dma_start3A_275 = arith.constant 0 : i32
        %dma_start3A_276 = arith.constant 0 : i32
        %dma_start3A_277 = tpu.memref_slice %arg11[%dma_start3A_275, %dma_start3A_276] : memref<80x128xf32, #tpu.memory_space<vmem>> -> memref<40x128xf32, #tpu.memory_space<vmem>>
        %dma_start3A_278 = arith.constant 0 : i32
        %dma_start3A_279 = tpu.memref_slice %arg17[%multiple_of3A_274, %dma_start3A_278] : memref<10000x128xf32, #tpu.memory_space<vmem_shared>> -> memref<40x128xf32, #tpu.memory_space<vmem_shared>>
        %dma_start3A_280 = arith.constant 0 : i32
        %dma_start3A_281 = arith.constant 0 : i32
        %dma_start3A_282 = tpu.memref_slice %arg11[%dma_start3A_280, %dma_start3A_281] : memref<80x128xf32, #tpu.memory_space<vmem>> -> memref<40x128xf32, #tpu.memory_space<vmem>>
        %dma_start3A_283 = arith.constant 0 : i32
        %dma_start3A_284 = tpu.memref_slice %arg17[%multiple_of3A_274, %dma_start3A_283] : memref<10000x128xf32, #tpu.memory_space<vmem_shared>> -> memref<40x128xf32, #tpu.memory_space<vmem_shared>>
        tpu.enqueue_dma source(%dma_start3A_284 : memref<40x128xf32, #tpu.memory_space<vmem_shared>>) target(%dma_start3A_282 : memref<40x128xf32, #tpu.memory_space<vmem>>) target_semaphore(%run_scoped3A : memref<!tpu.dma_semaphore, #tpu.memory_space<semaphore_mem>>)
        %dma_wait3A_285 = arith.constant 0 : i32
        %dma_wait3A_286 = arith.constant 0 : i32
        %dma_wait3A_287 = tpu.memref_slice %arg11[%dma_wait3A_285, %dma_wait3A_286] : memref<80x128xf32, #tpu.memory_space<vmem>> -> memref<40x128xf32, #tpu.memory_space<vmem>>
        %dma_wait3A_288 = arith.constant 0 : i32
        %dma_wait3A_289 = tpu.memref_slice %arg17[%multiple_of3A_274, %dma_wait3A_288] : memref<10000x128xf32, #tpu.memory_space<vmem_shared>> -> memref<40x128xf32, #tpu.memory_space<vmem_shared>>
        %dma_wait3A_290 = arith.constant 0 : i32
        %dma_wait3A_291 = arith.constant 0 : i32
        %dma_wait3A_292 = tpu.memref_slice %arg11[%dma_wait3A_290, %dma_wait3A_291] : memref<80x128xf32, #tpu.memory_space<vmem>> -> memref<40x128xf32, #tpu.memory_space<vmem>>
        %dma_wait3A_293 = arith.constant 0 : i32
        %dma_wait3A_294 = tpu.memref_slice %arg17[%multiple_of3A_274, %dma_wait3A_293] : memref<10000x128xf32, #tpu.memory_space<vmem_shared>> -> memref<40x128xf32, #tpu.memory_space<vmem_shared>>
        tpu.wait_dma2 semaphore(%run_scoped3A : memref<!tpu.dma_semaphore, #tpu.memory_space<semaphore_mem>>) src(%dma_wait3A_294 : memref<40x128xf32, #tpu.memory_space<vmem_shared>>) dst(%dma_wait3A_292 : memref<40x128xf32, #tpu.memory_space<vmem>>)
        tpu.yield
      }) : () -> ()
      "tpu.region"() ({
        %run_scoped3A = tpu.sem_alloc : memref<!tpu.dma_semaphore, #tpu.memory_space<semaphore_mem>>
        %dma_start3A_275 = arith.constant 0 : i32
        %dma_start3A_276 = arith.constant 0 : i32
        %dma_start3A_277 = tpu.memref_slice %arg11[%dma_start3A_275, %dma_start3A_276] : memref<80x128xf32, #tpu.memory_space<vmem>> -> memref<40x128xf32, #tpu.memory_space<vmem>>
        %dma_start3A_278 = arith.constant 0 : i32
        %dma_start3A_279 = tpu.memref_slice %arg6[%arg0, %multiple_of3A_274, %dma_start3A_278] : memref<2x10000x128xf32, #tpu.memory_space<hbm>> -> memref<1x40x128xf32, #tpu.memory_space<hbm>>
        %dma_start3A_280 = tpu.memref_squeeze %dma_start3A_279 : memref<1x40x128xf32, #tpu.memory_space<hbm>> -> memref<40x128xf32, #tpu.memory_space<hbm>>
        %dma_start3A_281 = arith.constant 0 : i32
        %dma_start3A_282 = tpu.memref_slice %arg6[%arg0, %multiple_of3A_274, %dma_start3A_281] : memref<2x10000x128xf32, #tpu.memory_space<hbm>> -> memref<1x40x128xf32, #tpu.memory_space<hbm>>
        %dma_start3A_283 = tpu.memref_squeeze %dma_start3A_282 : memref<1x40x128xf32, #tpu.memory_space<hbm>> -> memref<40x128xf32, #tpu.memory_space<hbm>>
        %dma_start3A_284 = arith.constant 0 : i32
        %dma_start3A_285 = arith.constant 0 : i32
        %dma_start3A_286 = tpu.memref_slice %arg11[%dma_start3A_284, %dma_start3A_285] : memref<80x128xf32, #tpu.memory_space<vmem>> -> memref<40x128xf32, #tpu.memory_space<vmem>>
        tpu.enqueue_dma source(%dma_start3A_286 : memref<40x128xf32, #tpu.memory_space<vmem>>) target(%dma_start3A_283 : memref<40x128xf32, #tpu.memory_space<hbm>>) target_semaphore(%run_scoped3A : memref<!tpu.dma_semaphore, #tpu.memory_space<semaphore_mem>>)
        %dma_wait3A_287 = arith.constant 0 : i32
        %dma_wait3A_288 = arith.constant 0 : i32
        %dma_wait3A_289 = tpu.memref_slice %arg11[%dma_wait3A_287, %dma_wait3A_288] : memref<80x128xf32, #tpu.memory_space<vmem>> -> memref<40x128xf32, #tpu.memory_space<vmem>>
        %dma_wait3A_290 = arith.constant 0 : i32
        %dma_wait3A_291 = tpu.memref_slice %arg6[%arg0, %multiple_of3A_274, %dma_wait3A_290] : memref<2x10000x128xf32, #tpu.memory_space<hbm>> -> memref<1x40x128xf32, #tpu.memory_space<hbm>>
        %dma_wait3A_292 = tpu.memref_squeeze %dma_wait3A_291 : memref<1x40x128xf32, #tpu.memory_space<hbm>> -> memref<40x128xf32, #tpu.memory_space<hbm>>
        %dma_wait3A_293 = arith.constant 0 : i32
        %dma_wait3A_294 = tpu.memref_slice %arg6[%arg0, %multiple_of3A_274, %dma_wait3A_293] : memref<2x10000x128xf32, #tpu.memory_space<hbm>> -> memref<1x40x128xf32, #tpu.memory_space<hbm>>
        %dma_wait3A_295 = tpu.memref_squeeze %dma_wait3A_294 : memref<1x40x128xf32, #tpu.memory_space<hbm>> -> memref<40x128xf32, #tpu.memory_space<hbm>>
        %dma_wait3A_296 = arith.constant 0 : i32
        %dma_wait3A_297 = arith.constant 0 : i32
        %dma_wait3A_298 = tpu.memref_slice %arg11[%dma_wait3A_296, %dma_wait3A_297] : memref<80x128xf32, #tpu.memory_space<vmem>> -> memref<40x128xf32, #tpu.memory_space<vmem>>
        tpu.wait_dma2 semaphore(%run_scoped3A : memref<!tpu.dma_semaphore, #tpu.memory_space<semaphore_mem>>) src(%dma_wait3A_298 : memref<40x128xf32, #tpu.memory_space<vmem>>) dst(%dma_wait3A_295 : memref<40x128xf32, #tpu.memory_space<hbm>>)
        tpu.yield
      }) : () -> ()
    } else {
    }
    %add3A_258 = arith.constant 224 : i32
    %add3A_259 = arith.addi %arg1, %add3A_258 : i32
    %lt3A_260 = arith.constant 250 : i32
    %lt3A_261 = arith.cmpi slt, %add3A_259, %lt3A_260 : i32
    %convert_element_type3A_262 = arith.extui %lt3A_261 : i1 to i32
    %cond3A_263 = arith.constant 0 : i32
    %cond3A_264 = arith.cmpi ne, %convert_element_type3A_262, %cond3A_263 : i32
    scf.if %cond3A_264 {
      %mul3A_272 = arith.constant 40 : i32
      %mul3A_273 = arith.muli %add3A_259, %mul3A_272 : i32
      %multiple_of3A_274 = tpu.assume_multiple %mul3A_273, 40 : i32
      "tpu.region"() ({
        %run_scoped3A = tpu.sem_alloc : memref<!tpu.dma_semaphore, #tpu.memory_space<semaphore_mem>>
        %dma_start3A_275 = arith.constant 0 : i32
        %dma_start3A_276 = arith.constant 0 : i32
        %dma_start3A_277 = tpu.memref_slice %arg11[%dma_start3A_275, %dma_start3A_276] : memref<80x128xf32, #tpu.memory_space<vmem>> -> memref<40x128xf32, #tpu.memory_space<vmem>>
        %dma_start3A_278 = arith.constant 0 : i32
        %dma_start3A_279 = tpu.memref_slice %arg17[%multiple_of3A_274, %dma_start3A_278] : memref<10000x128xf32, #tpu.memory_space<vmem_shared>> -> memref<40x128xf32, #tpu.memory_space<vmem_shared>>
        %dma_start3A_280 = arith.constant 0 : i32
        %dma_start3A_281 = arith.constant 0 : i32
        %dma_start3A_282 = tpu.memref_slice %arg11[%dma_start3A_280, %dma_start3A_281] : memref<80x128xf32, #tpu.memory_space<vmem>> -> memref<40x128xf32, #tpu.memory_space<vmem>>
        %dma_start3A_283 = arith.constant 0 : i32
        %dma_start3A_284 = tpu.memref_slice %arg17[%multiple_of3A_274, %dma_start3A_283] : memref<10000x128xf32, #tpu.memory_space<vmem_shared>> -> memref<40x128xf32, #tpu.memory_space<vmem_shared>>
        tpu.enqueue_dma source(%dma_start3A_284 : memref<40x128xf32, #tpu.memory_space<vmem_shared>>) target(%dma_start3A_282 : memref<40x128xf32, #tpu.memory_space<vmem>>) target_semaphore(%run_scoped3A : memref<!tpu.dma_semaphore, #tpu.memory_space<semaphore_mem>>)
        %dma_wait3A_285 = arith.constant 0 : i32
        %dma_wait3A_286 = arith.constant 0 : i32
        %dma_wait3A_287 = tpu.memref_slice %arg11[%dma_wait3A_285, %dma_wait3A_286] : memref<80x128xf32, #tpu.memory_space<vmem>> -> memref<40x128xf32, #tpu.memory_space<vmem>>
        %dma_wait3A_288 = arith.constant 0 : i32
        %dma_wait3A_289 = tpu.memref_slice %arg17[%multiple_of3A_274, %dma_wait3A_288] : memref<10000x128xf32, #tpu.memory_space<vmem_shared>> -> memref<40x128xf32, #tpu.memory_space<vmem_shared>>
        %dma_wait3A_290 = arith.constant 0 : i32
        %dma_wait3A_291 = arith.constant 0 : i32
        %dma_wait3A_292 = tpu.memref_slice %arg11[%dma_wait3A_290, %dma_wait3A_291] : memref<80x128xf32, #tpu.memory_space<vmem>> -> memref<40x128xf32, #tpu.memory_space<vmem>>
        %dma_wait3A_293 = arith.constant 0 : i32
        %dma_wait3A_294 = tpu.memref_slice %arg17[%multiple_of3A_274, %dma_wait3A_293] : memref<10000x128xf32, #tpu.memory_space<vmem_shared>> -> memref<40x128xf32, #tpu.memory_space<vmem_shared>>
        tpu.wait_dma2 semaphore(%run_scoped3A : memref<!tpu.dma_semaphore, #tpu.memory_space<semaphore_mem>>) src(%dma_wait3A_294 : memref<40x128xf32, #tpu.memory_space<vmem_shared>>) dst(%dma_wait3A_292 : memref<40x128xf32, #tpu.memory_space<vmem>>)
        tpu.yield
      }) : () -> ()
      "tpu.region"() ({
        %run_scoped3A = tpu.sem_alloc : memref<!tpu.dma_semaphore, #tpu.memory_space<semaphore_mem>>
        %dma_start3A_275 = arith.constant 0 : i32
        %dma_start3A_276 = arith.constant 0 : i32
        %dma_start3A_277 = tpu.memref_slice %arg11[%dma_start3A_275, %dma_start3A_276] : memref<80x128xf32, #tpu.memory_space<vmem>> -> memref<40x128xf32, #tpu.memory_space<vmem>>
        %dma_start3A_278 = arith.constant 0 : i32
        %dma_start3A_279 = tpu.memref_slice %arg6[%arg0, %multiple_of3A_274, %dma_start3A_278] : memref<2x10000x128xf32, #tpu.memory_space<hbm>> -> memref<1x40x128xf32, #tpu.memory_space<hbm>>
        %dma_start3A_280 = tpu.memref_squeeze %dma_start3A_279 : memref<1x40x128xf32, #tpu.memory_space<hbm>> -> memref<40x128xf32, #tpu.memory_space<hbm>>
        %dma_start3A_281 = arith.constant 0 : i32
        %dma_start3A_282 = tpu.memref_slice %arg6[%arg0, %multiple_of3A_274, %dma_start3A_281] : memref<2x10000x128xf32, #tpu.memory_space<hbm>> -> memref<1x40x128xf32, #tpu.memory_space<hbm>>
        %dma_start3A_283 = tpu.memref_squeeze %dma_start3A_282 : memref<1x40x128xf32, #tpu.memory_space<hbm>> -> memref<40x128xf32, #tpu.memory_space<hbm>>
        %dma_start3A_284 = arith.constant 0 : i32
        %dma_start3A_285 = arith.constant 0 : i32
        %dma_start3A_286 = tpu.memref_slice %arg11[%dma_start3A_284, %dma_start3A_285] : memref<80x128xf32, #tpu.memory_space<vmem>> -> memref<40x128xf32, #tpu.memory_space<vmem>>
        tpu.enqueue_dma source(%dma_start3A_286 : memref<40x128xf32, #tpu.memory_space<vmem>>) target(%dma_start3A_283 : memref<40x128xf32, #tpu.memory_space<hbm>>) target_semaphore(%run_scoped3A : memref<!tpu.dma_semaphore, #tpu.memory_space<semaphore_mem>>)
        %dma_wait3A_287 = arith.constant 0 : i32
        %dma_wait3A_288 = arith.constant 0 : i32
        %dma_wait3A_289 = tpu.memref_slice %arg11[%dma_wait3A_287, %dma_wait3A_288] : memref<80x128xf32, #tpu.memory_space<vmem>> -> memref<40x128xf32, #tpu.memory_space<vmem>>
        %dma_wait3A_290 = arith.constant 0 : i32
        %dma_wait3A_291 = tpu.memref_slice %arg6[%arg0, %multiple_of3A_274, %dma_wait3A_290] : memref<2x10000x128xf32, #tpu.memory_space<hbm>> -> memref<1x40x128xf32, #tpu.memory_space<hbm>>
        %dma_wait3A_292 = tpu.memref_squeeze %dma_wait3A_291 : memref<1x40x128xf32, #tpu.memory_space<hbm>> -> memref<40x128xf32, #tpu.memory_space<hbm>>
        %dma_wait3A_293 = arith.constant 0 : i32
        %dma_wait3A_294 = tpu.memref_slice %arg6[%arg0, %multiple_of3A_274, %dma_wait3A_293] : memref<2x10000x128xf32, #tpu.memory_space<hbm>> -> memref<1x40x128xf32, #tpu.memory_space<hbm>>
        %dma_wait3A_295 = tpu.memref_squeeze %dma_wait3A_294 : memref<1x40x128xf32, #tpu.memory_space<hbm>> -> memref<40x128xf32, #tpu.memory_space<hbm>>
        %dma_wait3A_296 = arith.constant 0 : i32
        %dma_wait3A_297 = arith.constant 0 : i32
        %dma_wait3A_298 = tpu.memref_slice %arg11[%dma_wait3A_296, %dma_wait3A_297] : memref<80x128xf32, #tpu.memory_space<vmem>> -> memref<40x128xf32, #tpu.memory_space<vmem>>
        tpu.wait_dma2 semaphore(%run_scoped3A : memref<!tpu.dma_semaphore, #tpu.memory_space<semaphore_mem>>) src(%dma_wait3A_298 : memref<40x128xf32, #tpu.memory_space<vmem>>) dst(%dma_wait3A_295 : memref<40x128xf32, #tpu.memory_space<hbm>>)
        tpu.yield
      }) : () -> ()
    } else {
    }
    %add3A_265 = arith.constant 240 : i32
    %add3A_266 = arith.addi %arg1, %add3A_265 : i32
    %lt3A_267 = arith.constant 250 : i32
    %lt3A_268 = arith.cmpi slt, %add3A_266, %lt3A_267 : i32
    %convert_element_type3A_269 = arith.extui %lt3A_268 : i1 to i32
    %cond3A_270 = arith.constant 0 : i32
    %cond3A_271 = arith.cmpi ne, %convert_element_type3A_269, %cond3A_270 : i32
    scf.if %cond3A_271 {
      %mul3A_272 = arith.constant 40 : i32
      %mul3A_273 = arith.muli %add3A_266, %mul3A_272 : i32
      %multiple_of3A_274 = tpu.assume_multiple %mul3A_273, 40 : i32
      "tpu.region"() ({
        %run_scoped3A = tpu.sem_alloc : memref<!tpu.dma_semaphore, #tpu.memory_space<semaphore_mem>>
        %dma_start3A_275 = arith.constant 0 : i32
        %dma_start3A_276 = arith.constant 0 : i32
        %dma_start3A_277 = tpu.memref_slice %arg11[%dma_start3A_275, %dma_start3A_276] : memref<80x128xf32, #tpu.memory_space<vmem>> -> memref<40x128xf32, #tpu.memory_space<vmem>>
        %dma_start3A_278 = arith.constant 0 : i32
        %dma_start3A_279 = tpu.memref_slice %arg17[%multiple_of3A_274, %dma_start3A_278] : memref<10000x128xf32, #tpu.memory_space<vmem_shared>> -> memref<40x128xf32, #tpu.memory_space<vmem_shared>>
        %dma_start3A_280 = arith.constant 0 : i32
        %dma_start3A_281 = arith.constant 0 : i32
        %dma_start3A_282 = tpu.memref_slice %arg11[%dma_start3A_280, %dma_start3A_281] : memref<80x128xf32, #tpu.memory_space<vmem>> -> memref<40x128xf32, #tpu.memory_space<vmem>>
        %dma_start3A_283 = arith.constant 0 : i32
        %dma_start3A_284 = tpu.memref_slice %arg17[%multiple_of3A_274, %dma_start3A_283] : memref<10000x128xf32, #tpu.memory_space<vmem_shared>> -> memref<40x128xf32, #tpu.memory_space<vmem_shared>>
        tpu.enqueue_dma source(%dma_start3A_284 : memref<40x128xf32, #tpu.memory_space<vmem_shared>>) target(%dma_start3A_282 : memref<40x128xf32, #tpu.memory_space<vmem>>) target_semaphore(%run_scoped3A : memref<!tpu.dma_semaphore, #tpu.memory_space<semaphore_mem>>)
        %dma_wait3A_285 = arith.constant 0 : i32
        %dma_wait3A_286 = arith.constant 0 : i32
        %dma_wait3A_287 = tpu.memref_slice %arg11[%dma_wait3A_285, %dma_wait3A_286] : memref<80x128xf32, #tpu.memory_space<vmem>> -> memref<40x128xf32, #tpu.memory_space<vmem>>
        %dma_wait3A_288 = arith.constant 0 : i32
        %dma_wait3A_289 = tpu.memref_slice %arg17[%multiple_of3A_274, %dma_wait3A_288] : memref<10000x128xf32, #tpu.memory_space<vmem_shared>> -> memref<40x128xf32, #tpu.memory_space<vmem_shared>>
        %dma_wait3A_290 = arith.constant 0 : i32
        %dma_wait3A_291 = arith.constant 0 : i32
        %dma_wait3A_292 = tpu.memref_slice %arg11[%dma_wait3A_290, %dma_wait3A_291] : memref<80x128xf32, #tpu.memory_space<vmem>> -> memref<40x128xf32, #tpu.memory_space<vmem>>
        %dma_wait3A_293 = arith.constant 0 : i32
        %dma_wait3A_294 = tpu.memref_slice %arg17[%multiple_of3A_274, %dma_wait3A_293] : memref<10000x128xf32, #tpu.memory_space<vmem_shared>> -> memref<40x128xf32, #tpu.memory_space<vmem_shared>>
        tpu.wait_dma2 semaphore(%run_scoped3A : memref<!tpu.dma_semaphore, #tpu.memory_space<semaphore_mem>>) src(%dma_wait3A_294 : memref<40x128xf32, #tpu.memory_space<vmem_shared>>) dst(%dma_wait3A_292 : memref<40x128xf32, #tpu.memory_space<vmem>>)
        tpu.yield
      }) : () -> ()
      "tpu.region"() ({
        %run_scoped3A = tpu.sem_alloc : memref<!tpu.dma_semaphore, #tpu.memory_space<semaphore_mem>>
        %dma_start3A_275 = arith.constant 0 : i32
        %dma_start3A_276 = arith.constant 0 : i32
        %dma_start3A_277 = tpu.memref_slice %arg11[%dma_start3A_275, %dma_start3A_276] : memref<80x128xf32, #tpu.memory_space<vmem>> -> memref<40x128xf32, #tpu.memory_space<vmem>>
        %dma_start3A_278 = arith.constant 0 : i32
        %dma_start3A_279 = tpu.memref_slice %arg6[%arg0, %multiple_of3A_274, %dma_start3A_278] : memref<2x10000x128xf32, #tpu.memory_space<hbm>> -> memref<1x40x128xf32, #tpu.memory_space<hbm>>
        %dma_start3A_280 = tpu.memref_squeeze %dma_start3A_279 : memref<1x40x128xf32, #tpu.memory_space<hbm>> -> memref<40x128xf32, #tpu.memory_space<hbm>>
        %dma_start3A_281 = arith.constant 0 : i32
        %dma_start3A_282 = tpu.memref_slice %arg6[%arg0, %multiple_of3A_274, %dma_start3A_281] : memref<2x10000x128xf32, #tpu.memory_space<hbm>> -> memref<1x40x128xf32, #tpu.memory_space<hbm>>
        %dma_start3A_283 = tpu.memref_squeeze %dma_start3A_282 : memref<1x40x128xf32, #tpu.memory_space<hbm>> -> memref<40x128xf32, #tpu.memory_space<hbm>>
        %dma_start3A_284 = arith.constant 0 : i32
        %dma_start3A_285 = arith.constant 0 : i32
        %dma_start3A_286 = tpu.memref_slice %arg11[%dma_start3A_284, %dma_start3A_285] : memref<80x128xf32, #tpu.memory_space<vmem>> -> memref<40x128xf32, #tpu.memory_space<vmem>>
        tpu.enqueue_dma source(%dma_start3A_286 : memref<40x128xf32, #tpu.memory_space<vmem>>) target(%dma_start3A_283 : memref<40x128xf32, #tpu.memory_space<hbm>>) target_semaphore(%run_scoped3A : memref<!tpu.dma_semaphore, #tpu.memory_space<semaphore_mem>>)
        %dma_wait3A_287 = arith.constant 0 : i32
        %dma_wait3A_288 = arith.constant 0 : i32
        %dma_wait3A_289 = tpu.memref_slice %arg11[%dma_wait3A_287, %dma_wait3A_288] : memref<80x128xf32, #tpu.memory_space<vmem>> -> memref<40x128xf32, #tpu.memory_space<vmem>>
        %dma_wait3A_290 = arith.constant 0 : i32
        %dma_wait3A_291 = tpu.memref_slice %arg6[%arg0, %multiple_of3A_274, %dma_wait3A_290] : memref<2x10000x128xf32, #tpu.memory_space<hbm>> -> memref<1x40x128xf32, #tpu.memory_space<hbm>>
        %dma_wait3A_292 = tpu.memref_squeeze %dma_wait3A_291 : memref<1x40x128xf32, #tpu.memory_space<hbm>> -> memref<40x128xf32, #tpu.memory_space<hbm>>
        %dma_wait3A_293 = arith.constant 0 : i32
        %dma_wait3A_294 = tpu.memref_slice %arg6[%arg0, %multiple_of3A_274, %dma_wait3A_293] : memref<2x10000x128xf32, #tpu.memory_space<hbm>> -> memref<1x40x128xf32, #tpu.memory_space<hbm>>
        %dma_wait3A_295 = tpu.memref_squeeze %dma_wait3A_294 : memref<1x40x128xf32, #tpu.memory_space<hbm>> -> memref<40x128xf32, #tpu.memory_space<hbm>>
        %dma_wait3A_296 = arith.constant 0 : i32
        %dma_wait3A_297 = arith.constant 0 : i32
        %dma_wait3A_298 = tpu.memref_slice %arg11[%dma_wait3A_296, %dma_wait3A_297] : memref<80x128xf32, #tpu.memory_space<vmem>> -> memref<40x128xf32, #tpu.memory_space<vmem>>
        tpu.wait_dma2 semaphore(%run_scoped3A : memref<!tpu.dma_semaphore, #tpu.memory_space<semaphore_mem>>) src(%dma_wait3A_298 : memref<40x128xf32, #tpu.memory_space<vmem>>) dst(%dma_wait3A_295 : memref<40x128xf32, #tpu.memory_space<hbm>>)
        tpu.yield
      }) : () -> ()
    } else {
    }
    return
  }
}

module attributes {stable_mosaic.version = 14 : i64} {
  func.func @_g_body(%arg0: i32, %arg1: memref<16x16000xf32, #tpu.memory_space<vmem>>, %arg2: memref<16x128xf32, #tpu.memory_space<vmem>>, %arg3: memref<16000x128xf32, #tpu.memory_space<vmem>>) attributes {dimension_semantics = [#tpu.dimension_semantics<arbitrary>], iteration_bounds = array<i64: 20>, scalar_prefetch = 0 : i64, scratch_operands = 0 : i64, tpu.core_type = #tpu.core_type<tc>, window_params = [{transform_indices = @transform_0, window_bounds = array<i64: 16, 16000>}, {pipeline_mode = #tpu.pipeline_mode<synchronous>, transform_indices = @transform_1, window_bounds = array<i64: 16, 128>}, {transform_indices = @transform_2, window_bounds = array<i64: 16000, 128>}]} {
    %get3A = arith.constant 0 : index
    %get3A_0 = arith.constant 0 : index
    %get3A_1 = vector.load %arg1[%get3A, %get3A_0] : memref<16x16000xf32, #tpu.memory_space<vmem>>, vector<16x16000xf32>
    %get3A_2 = arith.constant 0 : index
    %get3A_3 = arith.constant 0 : index
    %get3A_4 = vector.load %arg2[%get3A_2, %get3A_3] : memref<16x128xf32, #tpu.memory_space<vmem>>, vector<16x128xf32>
    %dot_general3A = arith.constant dense<0.000000e+00> : vector<16000x128xf32>
    %dot_general3A_5 = tpu.matmul %get3A_1, %get3A_4, %dot_general3A {dimension_numbers = #tpu.dot_dimension_numbers<[0], [0], [1], [1], [0, 1, 1, 1], [], []>, transpose_lhs_hint = false} : vector<16x16000xf32>, vector<16x128xf32>, vector<16000x128xf32> -> vector<16000x128xf32>
    %swap3A = arith.constant 0 : index
    %swap3A_6 = arith.constant 0 : index
    %swap3A_7 = vector.load %arg3[%swap3A, %swap3A_6] : memref<16000x128xf32, #tpu.memory_space<vmem>>, vector<16000x128xf32>
    tpu.vector_store %arg3[%swap3A, %swap3A_6], %dot_general3A_5 {strides = array<i32>} : memref<16000x128xf32, #tpu.memory_space<vmem>>, vector<16000x128xf32>,
    return
  }
  func.func @transform_0(%arg0: i32) -> (i32, i32) {
    %c0_i32 = arith.constant 0 : i32
    %c0_i32_0 = arith.constant 0 : i32
    return %c0_i32, %arg0 : i32, i32
  }
  func.func @transform_1(%arg0: i32) -> (i32, i32) {
    %c0_i32 = arith.constant 0 : i32
    %c0_i32_0 = arith.constant 0 : i32
    %c0_i32_1 = arith.constant 0 : i32
    return %c0_i32, %c0_i32_0 : i32, i32
  }
  func.func @transform_2(%arg0: i32) -> (i32, i32) {
    %c0_i32 = arith.constant 0 : i32
    %c0_i32_0 = arith.constant 0 : i32
    return %arg0, %c0_i32 : i32, i32
  }
}

module attributes {stable_mosaic.version = 14 : i64} {
  func.func @_node_body(%arg0: i32, %arg1: memref<1000x128xf32, #tpu.memory_space<vmem>>, %arg2: memref<128x128xf32, #tpu.memory_space<vmem>>, %arg3: memref<1x128xf32, #tpu.memory_space<vmem>>, %arg4: memref<128x128xf32, #tpu.memory_space<vmem>>, %arg5: memref<1x128xf32, #tpu.memory_space<vmem>>, %arg6: memref<1000x128xf32, #tpu.memory_space<vmem>>, %arg7: memref<1000x128xf32, #tpu.memory_space<vmem>>) attributes {dimension_semantics = [#tpu.dimension_semantics<arbitrary>], iteration_bounds = array<i64: 10>, scalar_prefetch = 0 : i64, scratch_operands = 0 : i64, tpu.core_type = #tpu.core_type<tc>, window_params = [{transform_indices = @transform_0, window_bounds = array<i64: 1000, 128>}, {pipeline_mode = #tpu.pipeline_mode<synchronous>, transform_indices = @transform_1, window_bounds = array<i64: 128, 128>}, {pipeline_mode = #tpu.pipeline_mode<synchronous>, transform_indices = @transform_2, window_bounds = array<i64: 1, 128>}, {pipeline_mode = #tpu.pipeline_mode<synchronous>, transform_indices = @transform_3, window_bounds = array<i64: 128, 128>}, {pipeline_mode = #tpu.pipeline_mode<synchronous>, transform_indices = @transform_4, window_bounds = array<i64: 1, 128>}, {transform_indices = @transform_5, window_bounds = array<i64: 1000, 128>}, {transform_indices = @transform_6, window_bounds = array<i64: 1000, 128>}]} {
    %get3A = arith.constant 0 : index
    %get3A_0 = arith.constant 0 : index
    %get3A_1 = vector.load %arg1[%get3A, %get3A_0] : memref<1000x128xf32, #tpu.memory_space<vmem>>, vector<1000x128xf32>
    %max3A = arith.constant 0.000000e+00 : f32
    %max3A_2 = vector.broadcast %max3A : f32 to vector<1000x128xf32>
    %max3A_3 = arith.maximumf %get3A_1, %max3A_2 : vector<1000x128xf32>
    %abs3A = math.absf %get3A_1 : vector<1000x128xf32>
    %neg3A = arith.constant 0.000000e+00 : f32
    %neg3A_4 = vector.broadcast %neg3A : f32 to vector<1000x128xf32>
    %neg3A_5 = arith.subf %neg3A_4, %abs3A : vector<1000x128xf32>
    %exp3A = math.exp %neg3A_5 : vector<1000x128xf32>
    %add3A = arith.constant 1.000000e+00 : f32
    %add3A_6 = vector.broadcast %add3A : f32 to vector<1000x128xf32>
    %add3A_7 = arith.addf %add3A_6, %exp3A : vector<1000x128xf32>
    %log3A = math.log %add3A_7 : vector<1000x128xf32>
    %add3A_8 = arith.addf %max3A_3, %log3A : vector<1000x128xf32>
    %get3A_9 = arith.constant 0 : index
    %get3A_10 = arith.constant 0 : index
    %get3A_11 = vector.load %arg2[%get3A_9, %get3A_10] : memref<128x128xf32, #tpu.memory_space<vmem>>, vector<128x128xf32>
    %dot_general3A = arith.constant dense<0.000000e+00> : vector<1000x128xf32>
    %dot_general3A_12 = tpu.matmul %add3A_8, %get3A_11, %dot_general3A {dimension_numbers = #tpu.dot_dimension_numbers<[1], [0], [0], [1], [0, 0, 1, 1], [], []>, transpose_lhs_hint = false} : vector<1000x128xf32>, vector<128x128xf32>, vector<1000x128xf32> -> vector<1000x128xf32>
    %get3A_13 = arith.constant 0 : index
    %get3A_14 = arith.constant 0 : index
    %get3A_15 = vector.load %arg3[%get3A_13, %get3A_14] : memref<1x128xf32, #tpu.memory_space<vmem>>, vector<1x128xf32>
    %add3A_16 = vector.broadcast %get3A_15 : vector<1x128xf32> to vector<1000x128xf32>
    %add3A_17 = arith.addf %dot_general3A_12, %add3A_16 : vector<1000x128xf32>
    %max3A_18 = arith.constant 0.000000e+00 : f32
    %max3A_19 = vector.broadcast %max3A_18 : f32 to vector<1000x128xf32>
    %max3A_20 = arith.maximumf %add3A_17, %max3A_19 : vector<1000x128xf32>
    %abs3A_21 = math.absf %add3A_17 : vector<1000x128xf32>
    %neg3A_22 = arith.constant 0.000000e+00 : f32
    %neg3A_23 = vector.broadcast %neg3A_22 : f32 to vector<1000x128xf32>
    %neg3A_24 = arith.subf %neg3A_23, %abs3A_21 : vector<1000x128xf32>
    %exp3A_25 = math.exp %neg3A_24 : vector<1000x128xf32>
    %add3A_26 = arith.constant 1.000000e+00 : f32
    %add3A_27 = vector.broadcast %add3A_26 : f32 to vector<1000x128xf32>
    %add3A_28 = arith.addf %add3A_27, %exp3A_25 : vector<1000x128xf32>
    %log3A_29 = math.log %add3A_28 : vector<1000x128xf32>
    %add3A_30 = arith.addf %max3A_20, %log3A_29 : vector<1000x128xf32>
    %swap3A = arith.constant 0 : index
    %swap3A_31 = arith.constant 0 : index
    %swap3A_32 = vector.load %arg6[%swap3A, %swap3A_31] : memref<1000x128xf32, #tpu.memory_space<vmem>>, vector<1000x128xf32>
    tpu.vector_store %arg6[%swap3A, %swap3A_31], %add3A_30 {strides = array<i32>} : memref<1000x128xf32, #tpu.memory_space<vmem>>, vector<1000x128xf32>,
    %get3A_33 = arith.constant 0 : index
    %get3A_34 = arith.constant 0 : index
    %get3A_35 = vector.load %arg4[%get3A_33, %get3A_34] : memref<128x128xf32, #tpu.memory_space<vmem>>, vector<128x128xf32>
    %dot_general3A_36 = arith.constant dense<0.000000e+00> : vector<1000x128xf32>
    %dot_general3A_37 = tpu.matmul %add3A_8, %get3A_35, %dot_general3A_36 {dimension_numbers = #tpu.dot_dimension_numbers<[1], [0], [0], [1], [0, 0, 1, 1], [], []>, transpose_lhs_hint = false} : vector<1000x128xf32>, vector<128x128xf32>, vector<1000x128xf32> -> vector<1000x128xf32>
    %get3A_38 = arith.constant 0 : index
    %get3A_39 = arith.constant 0 : index
    %get3A_40 = vector.load %arg5[%get3A_38, %get3A_39] : memref<1x128xf32, #tpu.memory_space<vmem>>, vector<1x128xf32>
    %add3A_41 = vector.broadcast %get3A_40 : vector<1x128xf32> to vector<1000x128xf32>
    %add3A_42 = arith.addf %dot_general3A_37, %add3A_41 : vector<1000x128xf32>
    %max3A_43 = arith.constant 0.000000e+00 : f32
    %max3A_44 = vector.broadcast %max3A_43 : f32 to vector<1000x128xf32>
    %max3A_45 = arith.maximumf %add3A_42, %max3A_44 : vector<1000x128xf32>
    %abs3A_46 = math.absf %add3A_42 : vector<1000x128xf32>
    %neg3A_47 = arith.constant 0.000000e+00 : f32
    %neg3A_48 = vector.broadcast %neg3A_47 : f32 to vector<1000x128xf32>
    %neg3A_49 = arith.subf %neg3A_48, %abs3A_46 : vector<1000x128xf32>
    %exp3A_50 = math.exp %neg3A_49 : vector<1000x128xf32>
    %add3A_51 = arith.constant 1.000000e+00 : f32
    %add3A_52 = vector.broadcast %add3A_51 : f32 to vector<1000x128xf32>
    %add3A_53 = arith.addf %add3A_52, %exp3A_50 : vector<1000x128xf32>
    %log3A_54 = math.log %add3A_53 : vector<1000x128xf32>
    %add3A_55 = arith.addf %max3A_45, %log3A_54 : vector<1000x128xf32>
    %swap3A_56 = arith.constant 0 : index
    %swap3A_57 = arith.constant 0 : index
    %swap3A_58 = vector.load %arg7[%swap3A_56, %swap3A_57] : memref<1000x128xf32, #tpu.memory_space<vmem>>, vector<1000x128xf32>
    tpu.vector_store %arg7[%swap3A_56, %swap3A_57], %add3A_55 {strides = array<i32>} : memref<1000x128xf32, #tpu.memory_space<vmem>>, vector<1000x128xf32>,
    return
  }
  func.func @transform_0(%arg0: i32) -> (i32, i32) {
    %c0_i32 = arith.constant 0 : i32
    %c0_i32_0 = arith.constant 0 : i32
    return %arg0, %c0_i32 : i32, i32
  }
  func.func @transform_1(%arg0: i32) -> (i32, i32) {
    %c0_i32 = arith.constant 0 : i32
    %c0_i32_0 = arith.constant 0 : i32
    %c0_i32_1 = arith.constant 0 : i32
    return %c0_i32, %c0_i32_0 : i32, i32
  }
  func.func @transform_2(%arg0: i32) -> (i32, i32) {
    %c0_i32 = arith.constant 0 : i32
    %c0_i32_0 = arith.constant 0 : i32
    %c0_i32_1 = arith.constant 0 : i32
    return %c0_i32, %c0_i32_0 : i32, i32
  }
  func.func @transform_3(%arg0: i32) -> (i32, i32) {
    %c0_i32 = arith.constant 0 : i32
    %c0_i32_0 = arith.constant 0 : i32
    %c0_i32_1 = arith.constant 0 : i32
    return %c0_i32, %c0_i32_0 : i32, i32
  }
  func.func @transform_4(%arg0: i32) -> (i32, i32) {
    %c0_i32 = arith.constant 0 : i32
    %c0_i32_0 = arith.constant 0 : i32
    %c0_i32_1 = arith.constant 0 : i32
    return %c0_i32, %c0_i32_0 : i32, i32
  }
  func.func @transform_5(%arg0: i32) -> (i32, i32) {
    %c0_i32 = arith.constant 0 : i32
    %c0_i32_0 = arith.constant 0 : i32
    return %arg0, %c0_i32 : i32, i32
  }
  func.func @transform_6(%arg0: i32) -> (i32, i32) {
    %c0_i32 = arith.constant 0 : i32
    %c0_i32_0 = arith.constant 0 : i32
    return %arg0, %c0_i32 : i32, i32
  }
}

module attributes {stable_mosaic.version = 14 : i64} {
  func.func @_final_body(%arg0: i32, %arg1: memref<1000x128xf32, #tpu.memory_space<vmem>>, %arg2: memref<1000x128xf32, #tpu.memory_space<vmem>>, %arg3: memref<2x1000x128xf32, #tpu.memory_space<vmem>>, %arg4: memref<3x128x128xf32, #tpu.memory_space<vmem>>, %arg5: memref<3x1x128xf32, #tpu.memory_space<vmem>>, %arg6: memref<3x128x128xf32, #tpu.memory_space<vmem>>, %arg7: memref<3x1x128xf32, #tpu.memory_space<vmem>>, %arg8: memref<128x128xf32, #tpu.memory_space<vmem>>, %arg9: memref<1x128xf32, #tpu.memory_space<vmem>>, %arg10: memref<1x128xf32, #tpu.memory_space<vmem>>, %arg11: memref<1000x128xf32, #tpu.memory_space<vmem>>) attributes {dimension_semantics = [#tpu.dimension_semantics<arbitrary>], iteration_bounds = array<i64: 10>, scalar_prefetch = 0 : i64, scratch_operands = 0 : i64, tpu.core_type = #tpu.core_type<tc>, window_params = [{transform_indices = @transform_0, window_bounds = array<i64: 1000, 128>}, {transform_indices = @transform_1, window_bounds = array<i64: 1000, 128>}, {transform_indices = @transform_2, window_bounds = array<i64: 2, 1000, 128>}, {pipeline_mode = #tpu.pipeline_mode<synchronous>, transform_indices = @transform_3, window_bounds = array<i64: 3, 128, 128>}, {pipeline_mode = #tpu.pipeline_mode<synchronous>, transform_indices = @transform_4, window_bounds = array<i64: 3, 1, 128>}, {pipeline_mode = #tpu.pipeline_mode<synchronous>, transform_indices = @transform_5, window_bounds = array<i64: 3, 128, 128>}, {pipeline_mode = #tpu.pipeline_mode<synchronous>, transform_indices = @transform_6, window_bounds = array<i64: 3, 1, 128>}, {pipeline_mode = #tpu.pipeline_mode<synchronous>, transform_indices = @transform_7, window_bounds = array<i64: 128, 128>}, {pipeline_mode = #tpu.pipeline_mode<synchronous>, transform_indices = @transform_8, window_bounds = array<i64: 1, 128>}, {pipeline_mode = #tpu.pipeline_mode<synchronous>, transform_indices = @transform_9, window_bounds = array<i64: 1, 128>}, {transform_indices = @transform_10, window_bounds = array<i64: 1000, 128>}]} {
    %get3A = arith.constant 0 : index
    %get3A_0 = arith.constant 0 : index
    %get3A_1 = vector.load %arg1[%get3A, %get3A_0] : memref<1000x128xf32, #tpu.memory_space<vmem>>, vector<1000x128xf32>
    %max3A = arith.constant 0.000000e+00 : f32
    %max3A_2 = vector.broadcast %max3A : f32 to vector<1000x128xf32>
    %max3A_3 = arith.maximumf %get3A_1, %max3A_2 : vector<1000x128xf32>
    %abs3A = math.absf %get3A_1 : vector<1000x128xf32>
    %neg3A = arith.constant 0.000000e+00 : f32
    %neg3A_4 = vector.broadcast %neg3A : f32 to vector<1000x128xf32>
    %neg3A_5 = arith.subf %neg3A_4, %abs3A : vector<1000x128xf32>
    %exp3A = math.exp %neg3A_5 : vector<1000x128xf32>
    %add3A = arith.constant 1.000000e+00 : f32
    %add3A_6 = vector.broadcast %add3A : f32 to vector<1000x128xf32>
    %add3A_7 = arith.addf %add3A_6, %exp3A : vector<1000x128xf32>
    %log3A = math.log %add3A_7 : vector<1000x128xf32>
    %add3A_8 = arith.addf %max3A_3, %log3A : vector<1000x128xf32>
    %get3A_9 = arith.constant 0 : index
    %get3A_10 = arith.constant 0 : index
    %get3A_11 = vector.load %arg2[%get3A_9, %get3A_10] : memref<1000x128xf32, #tpu.memory_space<vmem>>, vector<1000x128xf32>
    %get3A_12 = arith.constant 0 : index
    %get3A_13 = arith.constant 0 : index
    %get3A_14 = arith.constant 0 : index
    %get3A_15 = vector.load %arg3[%get3A_12, %get3A_13, %get3A_14] : memref<2x1000x128xf32, #tpu.memory_space<vmem>>, vector<1x1000x128xf32>
    %get3A_16 = vector.shape_cast %get3A_15 : vector<1x1000x128xf32> to vector<1000x128xf32>
    %add3A_17 = arith.addf %get3A_11, %get3A_16 : vector<1000x128xf32>
    %get3A_18 = arith.constant 1 : index
    %get3A_19 = arith.constant 0 : index
    %get3A_20 = arith.constant 0 : index
    %get3A_21 = vector.load %arg3[%get3A_18, %get3A_19, %get3A_20] : memref<2x1000x128xf32, #tpu.memory_space<vmem>>, vector<1x1000x128xf32>
    %get3A_22 = vector.shape_cast %get3A_21 : vector<1x1000x128xf32> to vector<1000x128xf32>
    %add3A_23 = arith.addf %add3A_17, %get3A_22 : vector<1000x128xf32>
    %max3A_24 = arith.constant 0.000000e+00 : f32
    %max3A_25 = vector.broadcast %max3A_24 : f32 to vector<1000x128xf32>
    %max3A_26 = arith.maximumf %add3A_23, %max3A_25 : vector<1000x128xf32>
    %abs3A_27 = math.absf %add3A_23 : vector<1000x128xf32>
    %neg3A_28 = arith.constant 0.000000e+00 : f32
    %neg3A_29 = vector.broadcast %neg3A_28 : f32 to vector<1000x128xf32>
    %neg3A_30 = arith.subf %neg3A_29, %abs3A_27 : vector<1000x128xf32>
    %exp3A_31 = math.exp %neg3A_30 : vector<1000x128xf32>
    %add3A_32 = arith.constant 1.000000e+00 : f32
    %add3A_33 = vector.broadcast %add3A_32 : f32 to vector<1000x128xf32>
    %add3A_34 = arith.addf %add3A_33, %exp3A_31 : vector<1000x128xf32>
    %log3A_35 = math.log %add3A_34 : vector<1000x128xf32>
    %add3A_36 = arith.addf %max3A_26, %log3A_35 : vector<1000x128xf32>
    %get3A_37 = arith.constant 0 : index
    %get3A_38 = arith.constant 0 : index
    %get3A_39 = arith.constant 0 : index
    %get3A_40 = vector.load %arg4[%get3A_37, %get3A_38, %get3A_39] : memref<3x128x128xf32, #tpu.memory_space<vmem>>, vector<1x128x128xf32>
    %get3A_41 = vector.shape_cast %get3A_40 : vector<1x128x128xf32> to vector<128x128xf32>
    %dot_general3A = arith.constant dense<0.000000e+00> : vector<1000x128xf32>
    %dot_general3A_42 = tpu.matmul %add3A_36, %get3A_41, %dot_general3A {dimension_numbers = #tpu.dot_dimension_numbers<[1], [0], [0], [1], [0, 0, 1, 1], [], []>, transpose_lhs_hint = false} : vector<1000x128xf32>, vector<128x128xf32>, vector<1000x128xf32> -> vector<1000x128xf32>
    %get3A_43 = arith.constant 0 : index
    %get3A_44 = arith.constant 0 : index
    %get3A_45 = arith.constant 0 : index
    %get3A_46 = vector.load %arg5[%get3A_43, %get3A_44, %get3A_45] : memref<3x1x128xf32, #tpu.memory_space<vmem>>, vector<1x1x128xf32>
    %get3A_47 = vector.shape_cast %get3A_46 : vector<1x1x128xf32> to vector<1x128xf32>
    %add3A_48 = vector.broadcast %get3A_47 : vector<1x128xf32> to vector<1000x128xf32>
    %add3A_49 = arith.addf %dot_general3A_42, %add3A_48 : vector<1000x128xf32>
    %max3A_50 = arith.constant 0.000000e+00 : f32
    %max3A_51 = vector.broadcast %max3A_50 : f32 to vector<1000x128xf32>
    %max3A_52 = arith.maximumf %add3A_49, %max3A_51 : vector<1000x128xf32>
    %abs3A_53 = math.absf %add3A_49 : vector<1000x128xf32>
    %neg3A_54 = arith.constant 0.000000e+00 : f32
    %neg3A_55 = vector.broadcast %neg3A_54 : f32 to vector<1000x128xf32>
    %neg3A_56 = arith.subf %neg3A_55, %abs3A_53 : vector<1000x128xf32>
    %exp3A_57 = math.exp %neg3A_56 : vector<1000x128xf32>
    %add3A_58 = arith.constant 1.000000e+00 : f32
    %add3A_59 = vector.broadcast %add3A_58 : f32 to vector<1000x128xf32>
    %add3A_60 = arith.addf %add3A_59, %exp3A_57 : vector<1000x128xf32>
    %log3A_61 = math.log %add3A_60 : vector<1000x128xf32>
    %add3A_62 = arith.addf %max3A_52, %log3A_61 : vector<1000x128xf32>
    %get3A_63 = arith.constant 0 : index
    %get3A_64 = arith.constant 0 : index
    %get3A_65 = arith.constant 0 : index
    %get3A_66 = vector.load %arg6[%get3A_63, %get3A_64, %get3A_65] : memref<3x128x128xf32, #tpu.memory_space<vmem>>, vector<1x128x128xf32>
    %get3A_67 = vector.shape_cast %get3A_66 : vector<1x128x128xf32> to vector<128x128xf32>
    %dot_general3A_68 = arith.constant dense<0.000000e+00> : vector<1000x128xf32>
    %dot_general3A_69 = tpu.matmul %add3A_62, %get3A_67, %dot_general3A_68 {dimension_numbers = #tpu.dot_dimension_numbers<[1], [0], [0], [1], [0, 0, 1, 1], [], []>, transpose_lhs_hint = false} : vector<1000x128xf32>, vector<128x128xf32>, vector<1000x128xf32> -> vector<1000x128xf32>
    %add3A_70 = arith.addf %add3A_23, %dot_general3A_69 : vector<1000x128xf32>
    %get3A_71 = arith.constant 0 : index
    %get3A_72 = arith.constant 0 : index
    %get3A_73 = arith.constant 0 : index
    %get3A_74 = vector.load %arg7[%get3A_71, %get3A_72, %get3A_73] : memref<3x1x128xf32, #tpu.memory_space<vmem>>, vector<1x1x128xf32>
    %get3A_75 = vector.shape_cast %get3A_74 : vector<1x1x128xf32> to vector<1x128xf32>
    %add3A_76 = vector.broadcast %get3A_75 : vector<1x128xf32> to vector<1000x128xf32>
    %add3A_77 = arith.addf %add3A_70, %add3A_76 : vector<1000x128xf32>
    %max3A_78 = arith.constant 0.000000e+00 : f32
    %max3A_79 = vector.broadcast %max3A_78 : f32 to vector<1000x128xf32>
    %max3A_80 = arith.maximumf %add3A_77, %max3A_79 : vector<1000x128xf32>
    %abs3A_81 = math.absf %add3A_77 : vector<1000x128xf32>
    %neg3A_82 = arith.constant 0.000000e+00 : f32
    %neg3A_83 = vector.broadcast %neg3A_82 : f32 to vector<1000x128xf32>
    %neg3A_84 = arith.subf %neg3A_83, %abs3A_81 : vector<1000x128xf32>
    %exp3A_85 = math.exp %neg3A_84 : vector<1000x128xf32>
    %add3A_86 = arith.constant 1.000000e+00 : f32
    %add3A_87 = vector.broadcast %add3A_86 : f32 to vector<1000x128xf32>
    %add3A_88 = arith.addf %add3A_87, %exp3A_85 : vector<1000x128xf32>
    %log3A_89 = math.log %add3A_88 : vector<1000x128xf32>
    %add3A_90 = arith.addf %max3A_80, %log3A_89 : vector<1000x128xf32>
    %get3A_91 = arith.constant 1 : index
    %get3A_92 = arith.constant 0 : index
    %get3A_93 = arith.constant 0 : index
    %get3A_94 = vector.load %arg4[%get3A_91, %get3A_92, %get3A_93] : memref<3x128x128xf32, #tpu.memory_space<vmem>>, vector<1x128x128xf32>
    %get3A_95 = vector.shape_cast %get3A_94 : vector<1x128x128xf32> to vector<128x128xf32>
    %dot_general3A_96 = arith.constant dense<0.000000e+00> : vector<1000x128xf32>
    %dot_general3A_97 = tpu.matmul %add3A_90, %get3A_95, %dot_general3A_96 {dimension_numbers = #tpu.dot_dimension_numbers<[1], [0], [0], [1], [0, 0, 1, 1], [], []>, transpose_lhs_hint = false} : vector<1000x128xf32>, vector<128x128xf32>, vector<1000x128xf32> -> vector<1000x128xf32>
    %get3A_98 = arith.constant 1 : index
    %get3A_99 = arith.constant 0 : index
    %get3A_100 = arith.constant 0 : index
    %get3A_101 = vector.load %arg5[%get3A_98, %get3A_99, %get3A_100] : memref<3x1x128xf32, #tpu.memory_space<vmem>>, vector<1x1x128xf32>
    %get3A_102 = vector.shape_cast %get3A_101 : vector<1x1x128xf32> to vector<1x128xf32>
    %add3A_103 = vector.broadcast %get3A_102 : vector<1x128xf32> to vector<1000x128xf32>
    %add3A_104 = arith.addf %dot_general3A_97, %add3A_103 : vector<1000x128xf32>
    %max3A_105 = arith.constant 0.000000e+00 : f32
    %max3A_106 = vector.broadcast %max3A_105 : f32 to vector<1000x128xf32>
    %max3A_107 = arith.maximumf %add3A_104, %max3A_106 : vector<1000x128xf32>
    %abs3A_108 = math.absf %add3A_104 : vector<1000x128xf32>
    %neg3A_109 = arith.constant 0.000000e+00 : f32
    %neg3A_110 = vector.broadcast %neg3A_109 : f32 to vector<1000x128xf32>
    %neg3A_111 = arith.subf %neg3A_110, %abs3A_108 : vector<1000x128xf32>
    %exp3A_112 = math.exp %neg3A_111 : vector<1000x128xf32>
    %add3A_113 = arith.constant 1.000000e+00 : f32
    %add3A_114 = vector.broadcast %add3A_113 : f32 to vector<1000x128xf32>
    %add3A_115 = arith.addf %add3A_114, %exp3A_112 : vector<1000x128xf32>
    %log3A_116 = math.log %add3A_115 : vector<1000x128xf32>
    %add3A_117 = arith.addf %max3A_107, %log3A_116 : vector<1000x128xf32>
    %get3A_118 = arith.constant 1 : index
    %get3A_119 = arith.constant 0 : index
    %get3A_120 = arith.constant 0 : index
    %get3A_121 = vector.load %arg6[%get3A_118, %get3A_119, %get3A_120] : memref<3x128x128xf32, #tpu.memory_space<vmem>>, vector<1x128x128xf32>
    %get3A_122 = vector.shape_cast %get3A_121 : vector<1x128x128xf32> to vector<128x128xf32>
    %dot_general3A_123 = arith.constant dense<0.000000e+00> : vector<1000x128xf32>
    %dot_general3A_124 = tpu.matmul %add3A_117, %get3A_122, %dot_general3A_123 {dimension_numbers = #tpu.dot_dimension_numbers<[1], [0], [0], [1], [0, 0, 1, 1], [], []>, transpose_lhs_hint = false} : vector<1000x128xf32>, vector<128x128xf32>, vector<1000x128xf32> -> vector<1000x128xf32>
    %add3A_125 = arith.addf %add3A_77, %dot_general3A_124 : vector<1000x128xf32>
    %get3A_126 = arith.constant 1 : index
    %get3A_127 = arith.constant 0 : index
    %get3A_128 = arith.constant 0 : index
    %get3A_129 = vector.load %arg7[%get3A_126, %get3A_127, %get3A_128] : memref<3x1x128xf32, #tpu.memory_space<vmem>>, vector<1x1x128xf32>
    %get3A_130 = vector.shape_cast %get3A_129 : vector<1x1x128xf32> to vector<1x128xf32>
    %add3A_131 = vector.broadcast %get3A_130 : vector<1x128xf32> to vector<1000x128xf32>
    %add3A_132 = arith.addf %add3A_125, %add3A_131 : vector<1000x128xf32>
    %max3A_133 = arith.constant 0.000000e+00 : f32
    %max3A_134 = vector.broadcast %max3A_133 : f32 to vector<1000x128xf32>
    %max3A_135 = arith.maximumf %add3A_132, %max3A_134 : vector<1000x128xf32>
    %abs3A_136 = math.absf %add3A_132 : vector<1000x128xf32>
    %neg3A_137 = arith.constant 0.000000e+00 : f32
    %neg3A_138 = vector.broadcast %neg3A_137 : f32 to vector<1000x128xf32>
    %neg3A_139 = arith.subf %neg3A_138, %abs3A_136 : vector<1000x128xf32>
    %exp3A_140 = math.exp %neg3A_139 : vector<1000x128xf32>
    %add3A_141 = arith.constant 1.000000e+00 : f32
    %add3A_142 = vector.broadcast %add3A_141 : f32 to vector<1000x128xf32>
    %add3A_143 = arith.addf %add3A_142, %exp3A_140 : vector<1000x128xf32>
    %log3A_144 = math.log %add3A_143 : vector<1000x128xf32>
    %add3A_145 = arith.addf %max3A_135, %log3A_144 : vector<1000x128xf32>
    %get3A_146 = arith.constant 2 : index
    %get3A_147 = arith.constant 0 : index
    %get3A_148 = arith.constant 0 : index
    %get3A_149 = vector.load %arg4[%get3A_146, %get3A_147, %get3A_148] : memref<3x128x128xf32, #tpu.memory_space<vmem>>, vector<1x128x128xf32>
    %get3A_150 = vector.shape_cast %get3A_149 : vector<1x128x128xf32> to vector<128x128xf32>
    %dot_general3A_151 = arith.constant dense<0.000000e+00> : vector<1000x128xf32>
    %dot_general3A_152 = tpu.matmul %add3A_145, %get3A_150, %dot_general3A_151 {dimension_numbers = #tpu.dot_dimension_numbers<[1], [0], [0], [1], [0, 0, 1, 1], [], []>, transpose_lhs_hint = false} : vector<1000x128xf32>, vector<128x128xf32>, vector<1000x128xf32> -> vector<1000x128xf32>
    %get3A_153 = arith.constant 2 : index
    %get3A_154 = arith.constant 0 : index
    %get3A_155 = arith.constant 0 : index
    %get3A_156 = vector.load %arg5[%get3A_153, %get3A_154, %get3A_155] : memref<3x1x128xf32, #tpu.memory_space<vmem>>, vector<1x1x128xf32>
    %get3A_157 = vector.shape_cast %get3A_156 : vector<1x1x128xf32> to vector<1x128xf32>
    %add3A_158 = vector.broadcast %get3A_157 : vector<1x128xf32> to vector<1000x128xf32>
    %add3A_159 = arith.addf %dot_general3A_152, %add3A_158 : vector<1000x128xf32>
    %max3A_160 = arith.constant 0.000000e+00 : f32
    %max3A_161 = vector.broadcast %max3A_160 : f32 to vector<1000x128xf32>
    %max3A_162 = arith.maximumf %add3A_159, %max3A_161 : vector<1000x128xf32>
    %abs3A_163 = math.absf %add3A_159 : vector<1000x128xf32>
    %neg3A_164 = arith.constant 0.000000e+00 : f32
    %neg3A_165 = vector.broadcast %neg3A_164 : f32 to vector<1000x128xf32>
    %neg3A_166 = arith.subf %neg3A_165, %abs3A_163 : vector<1000x128xf32>
    %exp3A_167 = math.exp %neg3A_166 : vector<1000x128xf32>
    %add3A_168 = arith.constant 1.000000e+00 : f32
    %add3A_169 = vector.broadcast %add3A_168 : f32 to vector<1000x128xf32>
    %add3A_170 = arith.addf %add3A_169, %exp3A_167 : vector<1000x128xf32>
    %log3A_171 = math.log %add3A_170 : vector<1000x128xf32>
    %add3A_172 = arith.addf %max3A_162, %log3A_171 : vector<1000x128xf32>
    %get3A_173 = arith.constant 2 : index
    %get3A_174 = arith.constant 0 : index
    %get3A_175 = arith.constant 0 : index
    %get3A_176 = vector.load %arg6[%get3A_173, %get3A_174, %get3A_175] : memref<3x128x128xf32, #tpu.memory_space<vmem>>, vector<1x128x128xf32>
    %get3A_177 = vector.shape_cast %get3A_176 : vector<1x128x128xf32> to vector<128x128xf32>
    %dot_general3A_178 = arith.constant dense<0.000000e+00> : vector<1000x128xf32>
    %dot_general3A_179 = tpu.matmul %add3A_172, %get3A_177, %dot_general3A_178 {dimension_numbers = #tpu.dot_dimension_numbers<[1], [0], [0], [1], [0, 0, 1, 1], [], []>, transpose_lhs_hint = false} : vector<1000x128xf32>, vector<128x128xf32>, vector<1000x128xf32> -> vector<1000x128xf32>
    %add3A_180 = arith.addf %add3A_132, %dot_general3A_179 : vector<1000x128xf32>
    %get3A_181 = arith.constant 2 : index
    %get3A_182 = arith.constant 0 : index
    %get3A_183 = arith.constant 0 : index
    %get3A_184 = vector.load %arg7[%get3A_181, %get3A_182, %get3A_183] : memref<3x1x128xf32, #tpu.memory_space<vmem>>, vector<1x1x128xf32>
    %get3A_185 = vector.shape_cast %get3A_184 : vector<1x1x128xf32> to vector<1x128xf32>
    %add3A_186 = vector.broadcast %get3A_185 : vector<1x128xf32> to vector<1000x128xf32>
    %add3A_187 = arith.addf %add3A_180, %add3A_186 : vector<1000x128xf32>
    %max3A_188 = arith.constant 0.000000e+00 : f32
    %max3A_189 = vector.broadcast %max3A_188 : f32 to vector<1000x128xf32>
    %max3A_190 = arith.maximumf %add3A_187, %max3A_189 : vector<1000x128xf32>
    %abs3A_191 = math.absf %add3A_187 : vector<1000x128xf32>
    %neg3A_192 = arith.constant 0.000000e+00 : f32
    %neg3A_193 = vector.broadcast %neg3A_192 : f32 to vector<1000x128xf32>
    %neg3A_194 = arith.subf %neg3A_193, %abs3A_191 : vector<1000x128xf32>
    %exp3A_195 = math.exp %neg3A_194 : vector<1000x128xf32>
    %add3A_196 = arith.constant 1.000000e+00 : f32
    %add3A_197 = vector.broadcast %add3A_196 : f32 to vector<1000x128xf32>
    %add3A_198 = arith.addf %add3A_197, %exp3A_195 : vector<1000x128xf32>
    %log3A_199 = math.log %add3A_198 : vector<1000x128xf32>
    %add3A_200 = arith.addf %max3A_190, %log3A_199 : vector<1000x128xf32>
    %get3A_201 = arith.constant 0 : index
    %get3A_202 = arith.constant 0 : index
    %get3A_203 = vector.load %arg10[%get3A_201, %get3A_202] : memref<1x128xf32, #tpu.memory_space<vmem>>, vector<1x128xf32>
    %mul3A = vector.broadcast %get3A_203 : vector<1x128xf32> to vector<1000x128xf32>
    %mul3A_204 = arith.mulf %mul3A, %add3A_8 : vector<1000x128xf32>
    %get3A_205 = arith.constant 0 : index
    %get3A_206 = arith.constant 0 : index
    %get3A_207 = vector.load %arg8[%get3A_205, %get3A_206] : memref<128x128xf32, #tpu.memory_space<vmem>>, vector<128x128xf32>
    %dot_general3A_208 = arith.constant dense<0.000000e+00> : vector<1000x128xf32>
    %dot_general3A_209 = tpu.matmul %add3A_200, %get3A_207, %dot_general3A_208 {dimension_numbers = #tpu.dot_dimension_numbers<[1], [0], [0], [1], [0, 0, 1, 1], [], []>, transpose_lhs_hint = false} : vector<1000x128xf32>, vector<128x128xf32>, vector<1000x128xf32> -> vector<1000x128xf32>
    %add3A_210 = arith.addf %mul3A_204, %dot_general3A_209 : vector<1000x128xf32>
    %get3A_211 = arith.constant 0 : index
    %get3A_212 = arith.constant 0 : index
    %get3A_213 = vector.load %arg9[%get3A_211, %get3A_212] : memref<1x128xf32, #tpu.memory_space<vmem>>, vector<1x128xf32>
    %add3A_214 = vector.broadcast %get3A_213 : vector<1x128xf32> to vector<1000x128xf32>
    %add3A_215 = arith.addf %add3A_210, %add3A_214 : vector<1000x128xf32>
    %swap3A = arith.constant 0 : index
    %swap3A_216 = arith.constant 0 : index
    %swap3A_217 = vector.load %arg11[%swap3A, %swap3A_216] : memref<1000x128xf32, #tpu.memory_space<vmem>>, vector<1000x128xf32>
    tpu.vector_store %arg11[%swap3A, %swap3A_216], %add3A_215 {strides = array<i32>} : memref<1000x128xf32, #tpu.memory_space<vmem>>, vector<1000x128xf32>,
    return
  }
  func.func @transform_0(%arg0: i32) -> (i32, i32) {
    %c0_i32 = arith.constant 0 : i32
    %c0_i32_0 = arith.constant 0 : i32
    return %arg0, %c0_i32 : i32, i32
  }
  func.func @transform_1(%arg0: i32) -> (i32, i32) {
    %c0_i32 = arith.constant 0 : i32
    %c0_i32_0 = arith.constant 0 : i32
    return %arg0, %c0_i32 : i32, i32
  }
  func.func @transform_2(%arg0: i32) -> (i32, i32, i32) {
    %c0_i32 = arith.constant 0 : i32
    %c0_i32_0 = arith.constant 0 : i32
    %c0_i32_1 = arith.constant 0 : i32
    return %c0_i32, %arg0, %c0_i32_0 : i32, i32, i32
  }
  func.func @transform_3(%arg0: i32) -> (i32, i32, i32) {
    %c0_i32 = arith.constant 0 : i32
    %c0_i32_0 = arith.constant 0 : i32
    %c0_i32_1 = arith.constant 0 : i32
    %c0_i32_2 = arith.constant 0 : i32
    return %c0_i32, %c0_i32_0, %c0_i32_1 : i32, i32, i32
  }
  func.func @transform_4(%arg0: i32) -> (i32, i32, i32) {
    %c0_i32 = arith.constant 0 : i32
    %c0_i32_0 = arith.constant 0 : i32
    %c0_i32_1 = arith.constant 0 : i32
    %c0_i32_2 = arith.constant 0 : i32
    return %c0_i32, %c0_i32_0, %c0_i32_1 : i32, i32, i32
  }
  func.func @transform_5(%arg0: i32) -> (i32, i32, i32) {
    %c0_i32 = arith.constant 0 : i32
    %c0_i32_0 = arith.constant 0 : i32
    %c0_i32_1 = arith.constant 0 : i32
    %c0_i32_2 = arith.constant 0 : i32
    return %c0_i32, %c0_i32_0, %c0_i32_1 : i32, i32, i32
  }
  func.func @transform_6(%arg0: i32) -> (i32, i32, i32) {
    %c0_i32 = arith.constant 0 : i32
    %c0_i32_0 = arith.constant 0 : i32
    %c0_i32_1 = arith.constant 0 : i32
    %c0_i32_2 = arith.constant 0 : i32
    return %c0_i32, %c0_i32_0, %c0_i32_1 : i32, i32, i32
  }
  func.func @transform_7(%arg0: i32) -> (i32, i32) {
    %c0_i32 = arith.constant 0 : i32
    %c0_i32_0 = arith.constant 0 : i32
    %c0_i32_1 = arith.constant 0 : i32
    return %c0_i32, %c0_i32_0 : i32, i32
  }
  func.func @transform_8(%arg0: i32) -> (i32, i32) {
    %c0_i32 = arith.constant 0 : i32
    %c0_i32_0 = arith.constant 0 : i32
    %c0_i32_1 = arith.constant 0 : i32
    return %c0_i32, %c0_i32_0 : i32, i32
  }
  func.func @transform_9(%arg0: i32) -> (i32, i32) {
    %c0_i32 = arith.constant 0 : i32
    %c0_i32_0 = arith.constant 0 : i32
    %c0_i32_1 = arith.constant 0 : i32
    return %c0_i32, %c0_i32_0 : i32, i32
  }
  func.func @transform_10(%arg0: i32) -> (i32, i32) {
    %c0_i32 = arith.constant 0 : i32
    %c0_i32_0 = arith.constant 0 : i32
    return %arg0, %c0_i32 : i32, i32
  }
}

</mosaic_0001>

<sc_bundles>
// kernel: kernel.6.cloned.1.call-start
scs
__scs_entry_jumppad:
0x0: {  	(pc) =	sbr.rel $0x88, $3  }
0x1: {  	(tag) =	ssettag $0x0;
	lr =	simm.s32 $0x1  }
0x2: {  	[smem:$0x3F92] =	sst lr;
	_ =	strace $0xD0000000  }
0x3: {  	_ = 	snop  }
0x4: {  	_ = 	snop  }
0x5: {  	_ = 	snop  }
0x6: {  	_ = 	snop  }
0x7: {  	_ = 	snop  }
__scs_overlays_trampoline_lowered:
0x8: {  	[smem:$0x3FA1] =	sst s0  }
0x9: {  	[smem:$0x3FA2] =	sst s1  }
0xa: {  	[smem:$0x3FA3] =	sst s2  }
0xb: {  	[smem:$0x3FA4] =	sst s3  }
0xc: {  	[smem:$0x3FA5] =	sst s4  }
0xd: {  	[smem:$0x3FA6] =	sst s5  }
0xe: {  	[smem:$0x3FA7] =	sst s6  }
0xf: {  	[smem:$0x3FA8] =	sst s7  }
0x10: {  	[smem:$0x3FA9] =	sst s8  }
0x11: {  	[smem:$0x3FAA] =	sst s9;
	s0 =	simm.s32 @!p0 $0x0  }
0x12: {  	s1 =	sld [smem:$0x3F90];
	s0 =	simm.s32 @p0 $0x1  }
0x13: {  	[smem:$0x3FAB] =	sst s0;
	s0 =	simm.s32 @!p1 $0x0  }
0x14: {  	s2 =	sld [smem:$0x3F8F];
	s0 =	simm.s32 @p1 $0x1  }
0x15: {  	[smem:$0x3FAC] =	sst s0;
	s0 =	simm.s32 @!p2 $0x0  }
0x16: {  	s3 =	sld [smem:$0x3FDB];
	s0 =	simm.s32 @p2 $0x1  }
0x17: {  	s4 =	simm.s32 $0x1BF5;
	[smem:$0x3FAE] =	sst s0  }
0x18: {  	s0 =	sld [smem:$0x3F91];
	_ =	swait.ge [sflag:s4], $0x0  }
0x19: {  	s7 =	sld [smem:$0x3F92]  }
0x1a: {  	s8 =	sadd.s32 $0xFFFFE003, lr  }
0x1b: {  	s9 =	sadd.s32 $0xFFFFFEF7, lr;
	s5 =	simm.s32 $0xFFFFFFFF;
	p2 =	slt.u32 s8, $0xFFFFF086  }
0x1c: {  	p1 =	slt.u32 s9, $0xF7A;
	s5 =	simm.s32 @!p2 $0x0  }
0x1d: {  	s5 =	simm.s32 @p1 $0x1;
	p0 =	seq.s32 s7, s2  }
0x1e: {  	s7 =	smul.u32 @!p0 $0xF7A, s2;
	p2 =	seq.s32 @!p0 s5, $0x0  }
0x1f: {  	s9 =	smul.u32 $0xF7A, s1;
	s8 =	simm.s32 @!p0 $0x1BF5;
	p2 =	por !p2, p0  }
0x20: {  	[sflag:s8] =	ssyncset.s32 @!p0 $0xFFFFF086;
	s6 =	sadd.s32 @!p0 s3, s7;
	s7 =	simm.s32 @!p0 $0x108  }
0x21: {  	s3 =	sadd.s32 s3, s9;
	s6 =	sadd.s32 @!p0 $0x88, s6;
	s7 =	simm.s32 @p2 $0x1082  }
0x22: {  	[simem:s7], [sflag:s8] =	dma.local @!p0 [hbm:s6], $0xF7A  }
0x23: {  	s9 =	sor.u32 $0xD0000000, s2;
	s6 =	simm.s32 $0x108;
	_ =	swait.ge @!p0 [sflag:s8], $0x0  }
0x24: {  	s3 =	sadd.s32 $0x88, s3;
	s6 =	simm.s32 @!p1 $0x1082;
	[sflag:s4] =	ssyncset.s32 $0xFFFFF086  }
0x25: {  	[simem:s6], [sflag:s4] =	dma.local [hbm:s3], $0xF7A  }
0x26: {  	[smem:$0x3F92] =	sst s1;
	(tag) =	ssettag s2;
	_ =	strace s9  }
0x27: {  	s1 =	sld [smem:$0x3FA2]  }
0x28: {  	s2 =	sld [smem:$0x3FA3]  }
0x29: {  	s4 =	sld [smem:$0x3FA5]  }
0x2a: {  	p0 =	seq.s32 s5, $0x0;
	s5 =	sld [smem:$0x3FA6]  }
0x2b: {  	s6 =	sld [smem:$0x3FA7]  }
0x2c: {  	s7 =	sld [smem:$0x3FA8]  }
0x2d: {  	s3 =	simm.s32 $0x108;
	s8 =	sld [smem:$0x3FA9]  }
0x2e: {  	s3 =	simm.s32 @!p0 $0x1082;
	s9 =	sld [smem:$0x3FAA]  }
0x2f: {  	lr =	sadd.s32 s0, s3;
	s0 =	sld [smem:$0x3FA1]  }
0x30: {  	s3 =	sld [smem:$0x3FA4]  }
0x31: {  	[smem:$0x3FAD] =	sst s10  }
0x32: {  	s10 =	sld [smem:$0x3FAB];
	_ =	sdelay $0x3  }
0x33: {  	p0 =	seq.s32 s10, $0x1;
	s10 =	sld [smem:$0x3FAD];
	_ =	sdelay $0x3  }
0x34: {  	[smem:$0x3FAD] =	sst s10  }
0x35: {  	s10 =	sld [smem:$0x3FAC];
	_ =	sdelay $0x3  }
0x36: {  	p1 =	seq.s32 s10, $0x1;
	s10 =	sld [smem:$0x3FAD];
	_ =	sdelay $0x3  }
0x37: {  	[smem:$0x3FAD] =	sst s10  }
0x38: {  	s10 =	sld [smem:$0x3FAE]  }
0x39: {  	_ = 	snop;
	(pc) =	sbr.ind lr, $3  }
0x3a: {  	_ = 	snop  }
0x3b: {  	_ = 	snop  }
0x3c: {  	p2 =	seq.s32 s10, $0x1;
	s10 =	sld [smem:$0x3FAD]  }
0x3d: {  	_ =	shalt  }
0x3e: {  	_ =	shalt  }
0x3f: {  	_ =	shalt  }
0x40: {  	_ =	shalt  }
0x41: {  	_ =	shalt  }
0x42: {  	_ =	shalt  }
0x43: {  	_ =	shalt  }
0x44: {  	_ =	shalt  }
0x45: {  	_ =	shalt  }
0x46: {  	_ =	shalt  }
0x47: {  	_ =	shalt  }
0x48: {  	_ =	shalt  }
0x49: {  	_ =	shalt  }
0x4a: {  	_ =	shalt  }
0x4b: {  	_ =	shalt  }
0x4c: {  	_ =	shalt  }
0x4d: {  	_ =	shalt  }
0x4e: {  	_ =	shalt  }
0x4f: {  	_ =	shalt  }
0x50: {  	_ =	shalt  }
0x51: {  	_ =	shalt  }
0x52: {  	_ =	shalt  }
0x53: {  	_ =	shalt  }
0x54: {  	_ =	shalt  }
0x55: {  	_ =	shalt  }
0x56: {  	_ =	shalt  }
0x57: {  	_ =	shalt  }
0x58: {  	_ =	shalt  }
0x59: {  	_ =	shalt  }
0x5a: {  	_ =	shalt  }
0x5b: {  	_ =	shalt  }
0x5c: {  	_ =	shalt  }
0x5d: {  	_ =	shalt  }
0x5e: {  	_ =	shalt  }
0x5f: {  	_ =	shalt  }
0x60: {  	_ =	shalt  }
0x61: {  	_ =	shalt  }
0x62: {  	_ =	shalt  }
0x63: {  	_ =	shalt  }
0x64: {  	_ =	shalt  }
0x65: {  	_ =	shalt  }
0x66: {  	_ =	shalt  }
0x67: {  	_ =	shalt  }
0x68: {  	_ =	shalt  }
0x69: {  	_ =	shalt  }
0x6a: {  	_ =	shalt  }
0x6b: {  	_ =	shalt  }
0x6c: {  	_ =	shalt  }
0x6d: {  	_ =	shalt  }
0x6e: {  	_ =	shalt  }
0x6f: {  	_ =	shalt  }
0x70: {  	_ =	shalt  }
0x71: {  	_ =	shalt  }
0x72: {  	_ =	shalt  }
0x73: {  	_ =	shalt  }
0x74: {  	_ =	shalt  }
0x75: {  	_ =	shalt  }
0x76: {  	_ =	shalt  }
0x77: {  	_ =	shalt  }
0x78: {  	_ =	shalt  }
0x79: {  	_ =	shalt  }
0x7a: {  	_ =	shalt  }
0x7b: {  	_ =	shalt  }
0x7c: {  	_ =	shalt  }
0x7d: {  	_ =	shalt  }
0x7e: {  	_ =	shalt  }
0x7f: {  	_ =	shalt  }
0x80: {  	_ =	shalt  }
0x81: {  	_ =	shalt  }
0x82: {  	_ =	shalt  }
0x83: {  	_ =	shalt  }
0x84: {  	_ =	shalt  }
0x85: {  	_ =	shalt  }
0x86: {  	_ =	shalt  }
0x87: {  	_ =	shalt  }
.Lfunc_end0:
.L_simem_size_0:
called_computation_lowered:
.L_overlay_start_0:
0x88: {  	s2 =	sld [smem:$0x3FD9]  }
0x89: {  	s3 =	sld [smem:$0x3FFE];
	_ =	sdelay $0x1  }
0x8a: {  	s1 =	srdreg.scid  }
0x8b: {  	s0 =	sand.u32 $0x1, s1  }
0x8c: {  	s16 =	sshll.u32 s0, $0xA;
	s2 =	sadd.s32 s3, s2  }
0x8d: {  	s2 =	sadd.s32 s2, s16  }
0x8e: {  	[smem:$0x3FB9] =	sst s2  }
0x8f: {  	_ = 	snop  }
0x90: {  	(tm) =	ssettm $0x1  }
0x91: {  	s17 =	sld [smem:$0x3FFB];
	_ =	sdelay $0x3  }
0x92: {  	_ =	strace s17  }
0x93: {  	s2 =	sld [smem:$0x3FFC];
	_ =	sdelay $0x3  }
0x94: {  	_ =	strace s2  }
0x95: {  	s2 =	sld [smem:$0x3FFD];
	_ =	sdelay $0x3  }
0x96: {  	_ =	strace s2  }
0x97: {  	_ =	strace $0x8FFFFFFF  }
0x98: {  	s18 =	sld [smem:$0x3FDB];
	_ =	sdelay $0x1  }
0x99: {  	s19 =	simm.s32 $_scs_section_size  }
0x9a: {  	s4 =	simm.s32 $_size__tile_overlayer_lowered;
	s5 =	simm.s32 $_tile_overlayer_lowered  }
0x9b: {  	s22 =	simm.s32 $0x1BFF;
	s21 =	sshll.u32 s5, $0x1;
	s2 =	sadd.s32 s19, s18  }
0x9c: {  	s6 =	simm.s32 $0x0;
	s20 =	sshll.u32 s4, $0x1;
	s4 =	sadd.s32 s21, s2  }
0x9d: {  	[timem:s6], [sflag:s22] =	dma.local [hbm:s4], s20  }
0x9e: {  	_ =	swait.ge [sflag:s22], s20  }
0x9f: {  	s3 =	ssub.s32 $0x0, s20;
	[sflag:s22] =	ssyncset.done $0x0  }
0xa0: {  	[sflag:s22] =	ssyncadd.s32 s3;
	_ =	sdelay $0x1  }
0xa1: {  	s23 =	simm.s32 $0x1B8B  }
0xa2: {  	_ =	swait.ge [sflag:s23], $0x1  }
0xa3: {  	[sflag:s23] =	ssyncset.done $0x0  }
0xa4: {  	s25 =	simm.s32 $0x1B8E;
	s24 =	sld [smem:$0x3FFE];
	[sflag:s23] =	ssyncadd.s32 $0xFFFFFFFF  }
0xa5: {  	s26 =	simm.s32 $execute0_lowered;
	[smem:$0x3FD2] =	sst s25  }
0xa6: {  	s4 =	sshll.u32 s26, $0x1;
	_ =	strace $0x80000046;
	[dreg:$0x1] =	wrdreg $0xFFFFFFFF  }
0xa7: {  	s28 =	simm.s32 $_size_execute0_lowered;
	s2 =	sadd.s32 s2, s4;
	[dreg:$0x0] =	wrdreg $0x0  }
0xa8: {  	s4 =	sshll.u32 s28, $0x1;
	[dreg:$0x2] =	wrdreg s2  }
0xa9: {  	[dreg:$0x3] =	wrdreg s4  }
0xaa: {  	[dreg:$0x4] =	wrdreg $0xC0  }
0xab: {  	_ =	task [dreg:s6], $0x5FFFF  }
0xac: {  	[dreg:$0x1] =	wrdreg $0xFFFFFFFF  }
0xad: {  	[dreg:$0x0] =	wrdreg $0x60  }
0xae: {  	[dreg:$0x2] =	wrdreg s24  }
0xaf: {  	[dreg:$0x3] =	wrdreg $0xA3000  }
0xb0: {  	[dreg:$0x4] =	wrdreg $0x9  }
0xb1: {  	_ =	task.clear_ibuf [dreg:s6], $0x5FFFF;
	_ =	strace $0x90000046  }
0xb2: {  	s29 =	simm.s32 $0x9;
	_ =	strace $0x80000048  }
0xb3: {  	_ =	swait.ge [sflag:s29], $0x1  }
0xb4: {  	[sflag:s29] =	ssyncadd.s32 $0xFFFFFFFF  }
0xb5: {  	_ =	strace $0x90000048  }
0xb6: {  	_ =	sfence  }
0xb7: {  	s30 =	sld [smem:$0x0];
	_ =	sdelay $0x2  }
0xb8: {  	s31 =	sshll.u32 s1, $0xD;
	s1 =	sshrl.u32 s1, $0x2  }
0xb9: {  	s3 =	sand.u32 $0x4000, s31;
	s1 =	sadd.s32 s1, s30  }
0xba: {  	s0 =	sor.u32 s3, s0;
	s1 =	sshll.u32 s1, $0x11  }
0xbb: {  	s0 =	sor.u32 s1, s0  }
0xbc: {  	s0 =	sadd.s32 $0x8F2B, s0  }
0xbd: {  	[sflag:s0] =	ssyncadd.remote.s32 $0x1  }
0xbe: {  	_ =	sfence.sel $0xFFFF  }
0xbf: {  	[dreg:$0x0] =	wrdreg $0xFFFFFFFF;
	(pc) =	sbr.abs _section_cstart, $3  }
0xc0: {  	[dreg:$0x1] =	wrdreg $0xFFFFFFFF  }
0xc1: {  	_ =	task.clear_ibuf [dreg:s6], $0x2FFFF;
	_ =	strace $0x9FFFFFFF  }
0xc2: {  	(tm) =	ssettm $0x7FFFFFFF  }
0xc3: {  	_ =	shalt  }
tec
execute0_lowered:
.L_overlay_start_1:
0x0: {  	(tag) =	ssettag $0x1  }
0x1: {  	s0 =	srdreg.scid;
	s7 =	stileid.u32  }
0x2: {  	s6 =	sand.u32 $0x1, s0;
	s12 =	smul.u32 $0x1400, s7  }
0x3: {  	s18 =	sor.u32 $0x10, s7;
	s1 =	smul.u32 $0x138800, s6  }
0x4: {  	s16 =	sor.u32 $0x20, s7;
	s13 =	smul.u32 $0x1400, s18  }
0x5: {  	s8 =	sor.u32 $0x30, s7;
	s14 =	smul.u32 $0x1400, s16  }
0x6: {  	s9 =	sor.u32 $0x40, s7;
	s15 =	smul.u32 $0x1400, s8  }
0x7: {  	s10 =	sor.u32 $0x50, s7;
	s17 =	smul.u32 $0x1400, s9  }
0x8: {  	s11 =	sor.u32 $0x60, s7;
	s19 =	smul.u32 $0x1400, s10  }
0x9: {  	s26 =	sor.u32 $0x70, s7;
	s20 =	smul.u32 $0x1400, s11  }
0xa: {  	s4 =	sor.u32 $0x80, s7;
	s21 =	smul.u32 $0x1400, s26  }
0xb: {  	s3 =	sor.u32 $0x90, s7;
	s23 =	smul.u32 $0x1400, s4  }
0xc: {  	s5 =	sor.u32 $0xB0, s7;
	[smem:$0x7EF] =	sst s26;
	s26 =	smul.u32 $0x1400, s3  }
0xd: {  	[smem:$0x7F0] =	sst s4;
	s30 =	smul.u32 $0x1400, s5  }
0xe: {  	[smem:$0x7F1] =	sst s3;
	s8 =	smul.u32 $0x5000, s8  }
0xf: {  	s0 =	ssub.s32 $0x2, s6;
	[smem:$0x7F3] =	sst s5;
	s9 =	smul.u32 $0x5000, s9  }
0x10: {  	s6 =	sshll.u32 s6, $0x4;
	s10 =	smul.u32 $0x5000, s10;
	s2 =	sshrl.u32 s0, $0x1  }
0x11: {  	s0 =	ssub.s32 s0, s2;
	s2 =	sor.u32 $0xA0, s7;
	s22 =	sadd.s32 s12, s1  }
0x12: {  	s24 =	sadd.s32 s1, s13;
	s25 =	sadd.s32 s1, s14;
	s28 =	sadd.s32 s1, s15  }
0x13: {  	s17 =	sadd.s32 s1, s17;
	s19 =	sadd.s32 s1, s19;
	s12 =	sor.u32 $0xC0, s7  }
0x14: {  	s20 =	sadd.s32 s1, s20;
	s13 =	sor.u32 $0xD0, s7;
	s29 =	smul.u32 $0x1400, s2  }
0x15: {  	s21 =	sadd.s32 s1, s21;
	s14 =	sor.u32 $0xE0, s7;
	s31 =	smul.u32 $0x1400, s12  }
0x16: {  	s23 =	sadd.s32 s1, s23;
	[smem:$0x7F2] =	sst s2;
	s2 =	smul.u32 $0x1400, s13  }
0x17: {  	s15 =	sor.u32 $0xF0, s7;
	s26 =	sadd.s32 s1, s26;
	s4 =	smul.u32 $0x1400, s14  }
0x18: {  	s30 =	sadd.s32 s1, s30;
	[smem:$0x7FC] =	sst s0;
	s5 =	smul.u32 $0x1400, s15  }
0x19: {  	s22 =	sshrl.u32 s22, $0x3;
	s24 =	sshrl.u32 s24, $0x3;
	s17 =	sshrl.u32 s17, $0x3  }
0x1a: {  	s19 =	sshrl.u32 s19, $0x3;
	s29 =	sadd.s32 s1, s29;
	s31 =	sadd.s32 s1, s31  }
0x1b: {  	s3 =	sadd.s32 s1, s2;
	s4 =	sadd.s32 s1, s4;
	s2 =	rddreg [dreg:$0x0]  }
0x1c: {  	s5 =	sadd.s32 s1, s5;
	s1 =	simm.s32 $0x0;
	s0 =	sadd.s32 $0x51F200, s2  }
0x1d: {  	s20 =	sshrl.u32 s20, $0x3;
	[smem:$0x7FF] =	sst s1;
	s22 =	sadd.s32 s0, s22  }
0x1e: {  	s3 =	sshrl.u32 s3, $0x3;
	s17 =	sadd.s32 s0, s17;
	[dreg:$0x3] =	wrdreg s22  }
0x1f: {  	s26 =	sshrl.u32 s26, $0x3;
	s3 =	sadd.s32 s0, s3;
	[dreg:$0x7] =	wrdreg s17  }
0x20: {  	s22 =	sadd.s32 s0, s24;
	s24 =	sshrl.u32 s25, $0x3;
	[dreg:$0x10] =	wrdreg s3  }
0x21: {  	s25 =	sshrl.u32 s28, $0x3;
	s17 =	sadd.s32 s0, s19;
	[dreg:$0x4] =	wrdreg s22  }
0x22: {  	s19 =	sadd.s32 s0, s26;
	s26 =	smul.u32 $0x5000, s18;
	[dreg:$0x8] =	wrdreg s17  }
0x23: {  	s18 =	smul.u32 $0x5000, s11;
	s22 =	sadd.s32 s0, s24;
	[dreg:$0xc] =	wrdreg s19  }
0x24: {  	s25 =	sadd.s32 s0, s25;
	s24 =	sshrl.u32 s21, $0x3;
	[dreg:$0x5] =	wrdreg s22  }
0x25: {  	s21 =	sshrl.u32 s30, $0x3;
	s19 =	sshrl.u32 s8, $0x2;
	[dreg:$0x6] =	wrdreg s25  }
0x26: {  	s22 =	sadd.s32 s0, s20;
	s17 =	sadd.s32 s0, s24;
	s25 =	sshrl.u32 s23, $0x3  }
0x27: {  	s20 =	sshrl.u32 s29, $0x3;
	s24 =	sshrl.u32 s4, $0x3;
	[dreg:$0x9] =	wrdreg s22  }
0x28: {  	s4 =	smul.u32 $0x5000, s7;
	[dreg:$0xa] =	wrdreg s17;
	s17 =	sadd.s32 s0, s25  }
0x29: {  	s22 =	sshrl.u32 s31, $0x3;
	s3 =	sadd.s32 s0, s24;
	s25 =	sshrl.u32 s5, $0x3  }
0x2a: {  	s5 =	smul.u32 $0x5000, s16;
	[dreg:$0xb] =	wrdreg s17;
	s17 =	sadd.s32 s0, s20  }
0x2b: {  	s23 =	sadd.s32 s0, s22;
	[dreg:$0x11] =	wrdreg s3;
	s20 =	sadd.s32 $0x4F8000, s2  }
0x2c: {  	s22 =	sadd.s32 $0xC200, s2;
	s3 =	sshrl.u32 s4, $0x2;
	[dreg:$0xd] =	wrdreg s17  }
0x2d: {  	s4 =	sor.u32 s7, s6;
	s17 =	sadd.s32 s0, s21;
	[dreg:$0xf] =	wrdreg s23  }
0x2e: {  	s0 =	sadd.s32 s0, s25;
	s21 =	sadd.s32 $0x16000, s2;
	[dreg:$0xe] =	wrdreg s17  }
0x2f: {  	s23 =	sadd.s32 $0x2400, s2;
	s2 =	sshrl.u32 s5, $0x2;
	s17 =	rddreg [dreg:$0x1]  }
0x30: {  	[dreg:$0x12] =	wrdreg s0;
	s0 =	sshrl.u32 s26, $0x2;
	s16 =	sadd.s32 s2, s17  }
0x31: {  	_ =	strace $0x80000047;
	s24 =	sadd.s32 s3, s17;
	[dreg:$0x15] =	wrdreg s16  }
0x32: {  	s28 =	sadd.s32 s0, s17;
	s2 =	sadd.s32 s19, s17;
	s25 =	sld [smem:$0x7EF]  }
0x33: {  	s3 =	sshrl.u32 s9, $0x2;
	s0 =	sshrl.u32 s18, $0x2;
	[dreg:$0x16] =	wrdreg s2  }
0x34: {  	s18 =	smul.u32 $0x5000, s12;
	s26 =	sadd.s32 s3, s17;
	s3 =	sld [smem:$0x7F0]  }
0x35: {  	p0 =	sgt.u32 s7, $0x9;
	s12 =	smul.u32 $0x2710, s4;
	s9 =	sld [smem:$0x7F1]  }
0x36: {  	s8 =	sshrl.u32 s10, $0x2;
	[dreg:$0x17] =	wrdreg s26;
	s26 =	smul.u32 $0x5000, s14  }
0x37: {  	s30 =	simm.s32 $0x5;
	s10 =	sld [smem:$0x7F2];
	s14 =	smul.u32 $0x27100, s4  }
0x38: {  	s29 =	simm.s32 $0x3;
	s16 =	sld [smem:$0x7F3];
	s5 =	smul.u32 $0x5000, s25  }
0x39: {  	s31 =	simm.s32 $0xA200;
	[dreg:$0x13] =	wrdreg s24;
	s2 =	smul.u32 $0x5000, s3  }
0x3a: {  	s0 =	sadd.s32 s0, s17;
	[dreg:$0x14] =	wrdreg s28;
	s6 =	smul.u32 $0x5000, s9  }
0x3b: {  	s7 =	simm.s32 $0x0;
	[dreg:$0x19] =	wrdreg s0;
	s0 =	smul.u32 $0x5000, s10  }
0x3c: {  	s4 =	simm.s32 $0xA280;
	s3 =	sadd.s32 s8, s17;
	s25 =	smul.u32 $0x5000, s13  }
0x3d: {  	s9 =	smul.u32 $0x5000, s15;
	s15 =	sshrl.u32 s12, $0x3;
	[dreg:$0x18] =	wrdreg s3  }
0x3e: {  	s11 =	sshrl.u32 s5, $0x2;
	s2 =	sshrl.u32 s2, $0x2;
	s5 =	smul.u32 $0x5000, s16  }
0x3f: {  	s19 =	sshrl.u32 s6, $0x2;
	s0 =	sshrl.u32 s0, $0x2;
	s16 =	sadd.s32 s23, s15  }
0x40: {  	s10 =	sshrl.u32 s25, $0x2;
	s3 =	sadd.s32 s11, s17;
	[smem:$0x7F7] =	sst s16  }
0x41: {  	s2 =	sadd.s32 s2, s17;
	s0 =	sadd.s32 s0, s17;
	[dreg:$0x1a] =	wrdreg s3  }
0x42: {  	s11 =	sshrl.u32 s9, $0x2;
	s9 =	sadd.s32 $0x50, s12;
	[dreg:$0x1b] =	wrdreg s2  }
0x43: {  	s16 =	sadd.s32 $0xA0, s12;
	s3 =	sadd.s32 s19, s17;
	[dreg:$0x1d] =	wrdreg s0  }
0x44: {  	s8 =	sshrl.u32 s5, $0x2;
	s0 =	sshrl.u32 s26, $0x2;
	s26 =	sld [smem:$0x7FC]  }
0x45: {  	s2 =	sshrl.u32 s18, $0x2;
	s13 =	sadd.s32 s11, s17;
	[dreg:$0x1c] =	wrdreg s3  }
0x46: {  	s18 =	sshrl.u32 s9, $0x3;
	s3 =	sadd.s32 s8, s17;
	[smem:$0x7F6] =	sst s13  }
0x47: {  	s11 =	simm.s32 $0x9;
	s2 =	sadd.s32 s2, s17;
	[dreg:$0x1e] =	wrdreg s3  }
0x48: {  	s0 =	sadd.s32 s0, s17;
	s19 =	sadd.s32 s23, s18;
	[dreg:$0x1f] =	wrdreg s2  }
0x49: {  	s25 =	sadd.s32 s22, s18;
	s18 =	sadd.s32 $0xF0, s12;
	[smem:$0x7F5] =	sst s0  }
0x4a: {  	s12 =	simm.s32 $0x100;
	s13 =	simm.s32 $0x50;
	[smem:$0x7FA] =	sst s19  }
0x4b: {  	s2 =	sadd.s32 s10, s17;
	s0 =	sadd.s32 s21, s14;
	[smem:$0x7FB] =	sst s25  }
0x4c: {  	s10 =	simm.s32 $0x200;
	s14 =	simm.s32 $0x5200;
	s19 =	simm.s32 $0x80  }
0x4d: {  	s25 =	simm.s32 $0x2;
	s3 =	simm.s32 $0x6;
	[smem:$0x7F4] =	sst s2  }
0x4e: {  	s2 =	sadd.s32 s22, s15;
	[smem:$0x7F9] =	sst s0;
	s0 =	smax.u32 s26, $0x1  }
0x4f: {  	s26 =	simm.s32 $0x2A00;
	s15 =	simm.s32 $0x7;
	[smem:$0x7F8] =	sst s2  }
0x50: {  	v0 =	vimm.f32 $0.0e+00;
	[smem:$0x7FD] =	sst s0;
	s0 =	simm.s32 $0x1;
	s2 =	simm.s32 $0x4  }
.LBB2_1:
0x51: {  	[smem:$0x7EE] =	sst s7;
	s5 =	simm.s32 $0x300  }
0x52: {  	[tilespmem:s5+$0xFFFFFF00] =	vst v0  }
0x53: {  	[tilespmem:s5+$0xF0] =	vst v0  }
0x54: {  	[tilespmem:s5+$0xE0] =	vst v0  }
0x55: {  	[tilespmem:s5+$0xD0] =	vst v0  }
0x56: {  	[tilespmem:s5+$0xC0] =	vst v0  }
0x57: {  	[tilespmem:s5+$0xB0] =	vst v0  }
0x58: {  	[tilespmem:s5+$0xA0] =	vst v0  }
0x59: {  	[tilespmem:s5+$0x90] =	vst v0  }
0x5a: {  	[tilespmem:s5+$0x80] =	vst v0  }
0x5b: {  	[tilespmem:s5+$0x70] =	vst v0  }
0x5c: {  	[tilespmem:s5+$0x60] =	vst v0  }
0x5d: {  	[tilespmem:s5+$0x50] =	vst v0  }
0x5e: {  	[tilespmem:s5+$0x40] =	vst v0  }
0x5f: {  	[tilespmem:s5+$0x30] =	vst v0  }
0x60: {  	[tilespmem:s5+$0x20] =	vst v0  }
0x61: {  	[tilespmem:s5+$0x10] =	vst v0  }
0x62: {  	[tilespmem:s5+$0x0] =	vst v0  }
0x63: {  	[tilespmem:s5+$0xFFFFFFF0] =	vst v0  }
0x64: {  	[tilespmem:s5+$0xFFFFFFE0] =	vst v0  }
0x65: {  	[tilespmem:s5+$0xFFFFFFD0] =	vst v0  }
0x66: {  	[tilespmem:s5+$0xFFFFFFC0] =	vst v0  }
0x67: {  	[tilespmem:s5+$0xFFFFFFB0] =	vst v0  }
0x68: {  	[tilespmem:s5+$0xFFFFFFA0] =	vst v0  }
0x69: {  	[tilespmem:s5+$0xFFFFFF90] =	vst v0  }
0x6a: {  	[tilespmem:s5+$0xFFFFFF80] =	vst v0  }
0x6b: {  	[tilespmem:s5+$0xFFFFFF70] =	vst v0  }
0x6c: {  	[tilespmem:s5+$0xFFFFFF60] =	vst v0  }
0x6d: {  	[tilespmem:s5+$0xFFFFFF50] =	vst v0  }
0x6e: {  	[tilespmem:s5+$0xFFFFFF40] =	vst v0  }
0x6f: {  	[tilespmem:s5+$0xFFFFFF30] =	vst v0  }
0x70: {  	s6 =	simm.s32 $0x0;
	[tilespmem:s5+$0xFFFFFF20] =	vst v0  }
.LBB2_2:
0x71: {  	s6 =	sadd.s32 $0x4, s6;
	[tilespmem:s5+$0xFFFFFF10] =	vst v0;
	s5 =	sadd.s32 $0x200, s5  }
0x72: {  	[tilespmem:s5+$0xFFFFFF00] =	vst v0;
	p1 =	slt.u32 s6, $0x24  }
0x73: {  	[tilespmem:s5+$0xF0] =	vst v0  }
0x74: {  	[tilespmem:s5+$0xE0] =	vst v0  }
0x75: {  	[tilespmem:s5+$0xD0] =	vst v0  }
0x76: {  	[tilespmem:s5+$0xC0] =	vst v0  }
0x77: {  	[tilespmem:s5+$0xB0] =	vst v0  }
0x78: {  	[tilespmem:s5+$0xA0] =	vst v0  }
0x79: {  	[tilespmem:s5+$0x90] =	vst v0  }
0x7a: {  	[tilespmem:s5+$0x80] =	vst v0  }
0x7b: {  	[tilespmem:s5+$0x70] =	vst v0  }
0x7c: {  	[tilespmem:s5+$0x60] =	vst v0  }
0x7d: {  	[tilespmem:s5+$0x50] =	vst v0  }
0x7e: {  	[tilespmem:s5+$0x40] =	vst v0  }
0x7f: {  	[tilespmem:s5+$0x30] =	vst v0  }
0x80: {  	[tilespmem:s5+$0x20] =	vst v0  }
0x81: {  	[tilespmem:s5+$0x10] =	vst v0  }
0x82: {  	[tilespmem:s5+$0x0] =	vst v0  }
0x83: {  	[tilespmem:s5+$0xFFFFFFF0] =	vst v0  }
0x84: {  	[tilespmem:s5+$0xFFFFFFE0] =	vst v0  }
0x85: {  	[tilespmem:s5+$0xFFFFFFD0] =	vst v0  }
0x86: {  	[tilespmem:s5+$0xFFFFFFC0] =	vst v0  }
0x87: {  	[tilespmem:s5+$0xFFFFFFB0] =	vst v0  }
0x88: {  	[tilespmem:s5+$0xFFFFFFA0] =	vst v0  }
0x89: {  	[tilespmem:s5+$0xFFFFFF90] =	vst v0  }
0x8a: {  	[tilespmem:s5+$0xFFFFFF80] =	vst v0  }
0x8b: {  	[tilespmem:s5+$0xFFFFFF70] =	vst v0  }
.Ltmp0:
0x8c: {  	[tilespmem:s5+$0xFFFFFF60] =	vst v0;
	(pc) =	sbr.rel @p1 .LBB2_2-.Ltmp0, $4  }
0x8d: {  	[tilespmem:s5+$0xFFFFFF50] =	vst v0  }
0x8e: {  	[tilespmem:s5+$0xFFFFFF40] =	vst v0  }
0x8f: {  	[tilespmem:s5+$0xFFFFFF30] =	vst v0  }
0x90: {  	[tilespmem:s5+$0xFFFFFF20] =	vst v0  }
0x91: {  	[tilespmem:s5+$0xFFFFFF10] =	vst v0  }
0x92: {  	[spmem:s24] =	stream.linear.scatter [tilespmem:s10], [sflag:$0x9], $0x1400, $0x38;
	[tilespmem:$0x1DB80] =	vst v63  }
0x93: {  	_ =	swait.ge [sflag:s11], $0x1400  }
0x94: {  	[sflag:s11] =	ssyncset.done $0x0  }
0x95: {  	[sflag:s11] =	ssyncadd.s32 $0xFFFFEC00  }
0x96: {  	[spmem:s28] =	stream.linear.scatter [tilespmem:s10], [sflag:$0x9], $0x1400, $0x38;
	[tilespmem:$0x1DB80] =	vst v63  }
0x97: {  	_ =	swait.ge [sflag:s11], $0x1400  }
0x98: {  	[sflag:s11] =	ssyncset.done $0x0  }
0x99: {  	s7 =	rddreg [dreg:$0x15];
	[sflag:s11] =	ssyncadd.s32 $0xFFFFEC00  }
0x9a: {  	[spmem:s7] =	stream.linear.scatter [tilespmem:s10], [sflag:$0x9], $0x1400, $0x38;
	[tilespmem:$0x1DB80] =	vst v63  }
0x9b: {  	_ =	swait.ge [sflag:s11], $0x1400  }
0x9c: {  	[sflag:s11] =	ssyncset.done $0x0  }
0x9d: {  	s8 =	rddreg [dreg:$0x16];
	[sflag:s11] =	ssyncadd.s32 $0xFFFFEC00  }
0x9e: {  	[spmem:s8] =	stream.linear.scatter [tilespmem:s10], [sflag:$0x9], $0x1400, $0x38;
	[tilespmem:$0x1DB80] =	vst v63  }
0x9f: {  	_ =	swait.ge [sflag:s11], $0x1400  }
0xa0: {  	[sflag:s11] =	ssyncset.done $0x0  }
0xa1: {  	s24 =	rddreg [dreg:$0x17];
	[sflag:s11] =	ssyncadd.s32 $0xFFFFEC00  }
0xa2: {  	[spmem:s24] =	stream.linear.scatter [tilespmem:s10], [sflag:$0x9], $0x1400, $0x38;
	[tilespmem:$0x1DB80] =	vst v63  }
0xa3: {  	_ =	swait.ge [sflag:s11], $0x1400  }
0xa4: {  	[sflag:s11] =	ssyncset.done $0x0  }
0xa5: {  	s28 =	rddreg [dreg:$0x18];
	[sflag:s11] =	ssyncadd.s32 $0xFFFFEC00  }
0xa6: {  	[spmem:s28] =	stream.linear.scatter [tilespmem:s10], [sflag:$0x9], $0x1400, $0x38;
	[tilespmem:$0x1DB80] =	vst v63  }
0xa7: {  	_ =	swait.ge [sflag:s11], $0x1400  }
0xa8: {  	[sflag:s11] =	ssyncset.done $0x0  }
0xa9: {  	s6 =	rddreg [dreg:$0x19];
	[sflag:s11] =	ssyncadd.s32 $0xFFFFEC00  }
0xaa: {  	[spmem:s6] =	stream.linear.scatter [tilespmem:s10], [sflag:$0x9], $0x1400, $0x38;
	[tilespmem:$0x1DB80] =	vst v63  }
0xab: {  	_ =	swait.ge [sflag:s11], $0x1400  }
0xac: {  	[sflag:s11] =	ssyncset.done $0x0  }
0xad: {  	s7 =	rddreg [dreg:$0x1a];
	[sflag:s11] =	ssyncadd.s32 $0xFFFFEC00  }
0xae: {  	[spmem:s7] =	stream.linear.scatter [tilespmem:s10], [sflag:$0x9], $0x1400, $0x38;
	[tilespmem:$0x1DB80] =	vst v63  }
0xaf: {  	_ =	swait.ge [sflag:s11], $0x1400  }
0xb0: {  	[sflag:s11] =	ssyncset.done $0x0  }
0xb1: {  	s8 =	rddreg [dreg:$0x1b];
	[sflag:s11] =	ssyncadd.s32 $0xFFFFEC00  }
0xb2: {  	[spmem:s8] =	stream.linear.scatter [tilespmem:s10], [sflag:$0x9], $0x1400, $0x38;
	[tilespmem:$0x1DB80] =	vst v63  }
0xb3: {  	_ =	swait.ge [sflag:s11], $0x1400  }
0xb4: {  	[sflag:s11] =	ssyncset.done $0x0  }
0xb5: {  	s24 =	rddreg [dreg:$0x1c];
	[sflag:s11] =	ssyncadd.s32 $0xFFFFEC00  }
0xb6: {  	[spmem:s24] =	stream.linear.scatter [tilespmem:s10], [sflag:$0x9], $0x1400, $0x38;
	[tilespmem:$0x1DB80] =	vst v63  }
0xb7: {  	_ =	swait.ge [sflag:s11], $0x1400  }
0xb8: {  	[sflag:s11] =	ssyncset.done $0x0  }
0xb9: {  	s28 =	rddreg [dreg:$0x1d];
	[sflag:s11] =	ssyncadd.s32 $0xFFFFEC00  }
0xba: {  	[spmem:s28] =	stream.linear.scatter [tilespmem:s10], [sflag:$0x9], $0x1400, $0x38;
	[tilespmem:$0x1DB80] =	vst v63  }
0xbb: {  	_ =	swait.ge [sflag:s11], $0x1400  }
0xbc: {  	[sflag:s11] =	ssyncset.done $0x0  }
0xbd: {  	s6 =	rddreg [dreg:$0x1e];
	[sflag:s11] =	ssyncadd.s32 $0xFFFFEC00  }
0xbe: {  	[spmem:s6] =	stream.linear.scatter [tilespmem:s10], [sflag:$0x9], $0x1400, $0x38;
	[tilespmem:$0x1DB80] =	vst v63  }
0xbf: {  	_ =	swait.ge [sflag:s11], $0x1400  }
0xc0: {  	[sflag:s11] =	ssyncset.done $0x0  }
0xc1: {  	s7 =	rddreg [dreg:$0x1f];
	[sflag:s11] =	ssyncadd.s32 $0xFFFFEC00  }
0xc2: {  	[spmem:s7] =	stream.linear.scatter [tilespmem:s10], [sflag:$0x9], $0x1400, $0x38;
	[tilespmem:$0x1DB80] =	vst v63  }
0xc3: {  	_ =	swait.ge [sflag:s11], $0x1400  }
0xc4: {  	s8 =	sld [smem:$0x7F4]  }
0xc5: {  	[sflag:s11] =	ssyncset.done $0x0  }
0xc6: {  	[sflag:s11] =	ssyncadd.s32 $0xFFFFEC00  }
0xc7: {  	[spmem:s8] =	stream.linear.scatter [tilespmem:s10], [sflag:$0x9], $0x1400, $0x38;
	[tilespmem:$0x1DB80] =	vst v63  }
0xc8: {  	_ =	swait.ge [sflag:s11], $0x1400  }
0xc9: {  	s24 =	sld [smem:$0x7F5]  }
0xca: {  	[sflag:s11] =	ssyncset.done $0x0  }
0xcb: {  	[sflag:s11] =	ssyncadd.s32 $0xFFFFEC00  }
0xcc: {  	[spmem:s24] =	stream.linear.scatter [tilespmem:s10], [sflag:$0x9], $0x1400, $0x38;
	[tilespmem:$0x1DB80] =	vst v63  }
0xcd: {  	_ =	swait.ge [sflag:s11], $0x1400  }
0xce: {  	s6 =	sld [smem:$0x7F6]  }
0xcf: {  	[sflag:s11] =	ssyncset.done $0x0  }
0xd0: {  	s5 =	simm.s32 @!p0 $0x200;
	[sflag:s11] =	ssyncadd.s32 $0xFFFFEC00  }
0xd1: {  	[spmem:s6] =	stream.linear.scatter @!p0 [tilespmem:s5], [sflag:$0x9], $0x1400, $0x38;
	[tilespmem:$0x1DB80] =	vst v63  }
0xd2: {  	s5 =	simm.s32 @!p0 $0x9  }
0xd3: {  	_ =	swait.ge @!p0 [sflag:s5], $0x1400  }
0xd4: {  	[sflag:s5] =	ssyncset.done @!p0 $0x0  }
0xd5: {  	[sflag:s5] =	ssyncadd.s32 @!p0 $0xFFFFEC00  }
0xd6: {  	[bflag:$0x0] =	sbarrier.arrive $0xFFFF  }
0xd7: {  	s28 =	sld [smem:$0x7F7];
	_ =	sdelay $0x1  }
0xd8: {  	s6 =	simm.s32 $0x0  }
0xd9: {  	[tilespmem:s6], [sflag:$0x9] =	stream.linear.gather [hbm4b:s28+s6], $0x50, $0x38;
	[tilespmem:$0x1DB80] =	vst v63  }
0xda: {  	_ =	swait.ge [sflag:s11], $0x50  }
0xdb: {  	s7 =	sld [smem:$0x7F8]  }
0xdc: {  	[sflag:s11] =	ssyncset.done $0x0  }
0xdd: {  	[sflag:s11] =	ssyncadd.s32 $0xFFFFFFB0  }
0xde: {  	[tilespmem:s12], [sflag:$0x9] =	stream.linear.gather [hbm4b:s7+s6], $0x50, $0x38;
	[tilespmem:$0x1DB80] =	vst v63  }
0xdf: {  	_ =	swait.ge [sflag:s11], $0x50  }
0xe0: {  	[sflag:s11] =	ssyncset.done $0x0  }
0xe1: {  	s8 =	sld [smem:$0x7F9];
	[sflag:s11] =	ssyncadd.s32 $0xFFFFFFB0  }
0xe2: {  	[tilespmem:s10], [sflag:$0x3] =	stream.indirect.gather [hbm4b:s20+s13], $0x80, s6, s13, $0xb8;
	[tilespmem:$0x1DB80] =	vst v63  }
0xe3: {  	s24 =	sld [smem:$0x7FA]  }
0xe4: {  	[tilespmem:s14], [sflag:$0x5] =	stream.linear.gather [hbm4b:s8+s6], $0x2800, $0x38;
	[tilespmem:$0x1DB80] =	vst v63  }
0xe5: {  	s28 =	sld [smem:$0x7FB]  }
0xe6: {  	[tilespmem:s19], [sflag:$0x2] =	stream.linear.gather [hbm4b:s24+s6], $0x50, $0x38;
	[tilespmem:$0x1DB80] =	vst v63  }
0xe7: {  	s7 =	simm.s32 $0x180  }
0xe8: {  	[tilespmem:s7], [sflag:$0x2] =	stream.linear.gather [hbm4b:s28+s6], $0x50, $0x38;
	[tilespmem:$0x1DB80] =	vst v63  }
.LBB2_4:
0xe9: {  	p1 =	seq.s32 s6, $0x0  }
0xea: {  	s5 =	simm.s32 @!p1 $0x8  }
0xeb: {  	_ =	swait.ge @!p1 [sflag:s5], $0x2800  }
0xec: {  	[sflag:s5] =	ssyncset.done @!p1 $0x0  }
0xed: {  	[sflag:s5] =	ssyncadd.s32 @!p1 $0xFFFFD800  }
0xee: {  	_ =	swait.ge [sflag:s25], $0x50  }
0xef: {  	[sflag:s25] =	ssyncset.done $0x0  }
0xf0: {  	s7 =	smul.u32 $0xA0, s6;
	[sflag:s25] =	ssyncadd.s32 $0xFFFFFFB0  }
0xf1: {  	_ =	swait.ge [sflag:s25], $0x50  }
0xf2: {  	s24 =	sadd.s32 s7, s9;
	[sflag:s25] =	ssyncset.done $0x0  }
0xf3: {  	s5 =	sshll.u32 s24, $0x4;
	[sflag:s25] =	ssyncadd.s32 $0xFFFFFFB0  }
0xf4: {  	[tilespmem:s26], [sflag:$0x4] =	stream.indirect.gather [hbm4b:s20+s13], $0x80, s19, s13, $0xb8;
	[tilespmem:$0x1DB80] =	vst v63  }
0xf5: {  	s8 =	simm.s32 $0x7A00;
	s5 =	sadd.s32 s21, s5  }
0xf6: {  	[tilespmem:s8], [sflag:$0x6] =	stream.linear.gather [hbm4b:s5+s1], $0x2800, $0x38;
	[tilespmem:$0x1DB80] =	vst v63  }
0xf7: {  	_ =	swait.ge [sflag:s29], $0x2800  }
0xf8: {  	[sflag:s29] =	ssyncset.done $0x0  }
0xf9: {  	[sflag:s29] =	ssyncadd.s32 $0xFFFFD800  }
0xfa: {  	_ =	swait.ge [sflag:s30], $0x2800  }
0xfb: {  	[sflag:s30] =	ssyncset.done $0x0  }
0xfc: {  	s8 =	simm.s32 $0x300;
	[sflag:s30] =	ssyncadd.s32 $0xFFFFD800  }
0xfd: {  	s5 =	simm.s32 $0x5300;
	v1 =	vld [tilespmem:s8+$0x80]  }
0xfe: {  	v2 =	vld [tilespmem:s5+$0x80]  }
0xff: {  	v3 =	vld [tilespmem:s8+$0xFFFFFF80]  }
0x100: {  	v4 =	vld [tilespmem:s5+$0xFFFFFF80]  }
0x101: {  	v5 =	vld [tilespmem:s8+$0x0]  }
0x102: {  	v6 =	vld [tilespmem:s5+$0x0]  }
0x103: {  	v7 =	vld [tilespmem:s8+$0xFFFFFF00];
	v1 =	vmul.f32 v2, v1  }
0x104: {  	v2 =	vld [tilespmem:s5+$0xFFFFFF00]  }
0x105: {  	[tilespmem:s8+$0x80] =	vst v1;
	v1 =	vld [tilespmem:s8+$0x90]  }
0x106: {  	v3 =	vmul.f32 v4, v3;
	v4 =	vld [tilespmem:s5+$0x90]  }
0x107: {  	v8 =	vld [tilespmem:s8+$0xFFFFFF10]  }
0x108: {  	[tilespmem:s8+$0xFFFFFF80] =	vst v3;
	v3 =	vmul.f32 v6, v5;
	v5 =	vld [tilespmem:s8+$0xFFFFFF90]  }
0x109: {  	v6 =	vld [tilespmem:s5+$0xFFFFFF90];
	v2 =	vmul.f32 v2, v7  }
0x10a: {  	[tilespmem:s8+$0x0] =	vst v3;
	v3 =	vld [tilespmem:s8+$0x10]  }
0x10b: {  	v7 =	vld [tilespmem:s5+$0x10];
	[tilespmem:s8+$0xFFFFFF00] =	vst v2;
	v1 =	vmul.f32 v4, v1  }
0x10c: {  	v2 =	vld [tilespmem:s5+$0xFFFFFF10]  }
0x10d: {  	[tilespmem:s8+$0x90] =	vst v1;
	v1 =	vld [tilespmem:s8+$0xA0]  }
0x10e: {  	v4 =	vmul.f32 v6, v5;
	v5 =	vld [tilespmem:s5+$0xA0]  }
0x10f: {  	v6 =	vld [tilespmem:s8+$0xFFFFFF20]  }
0x110: {  	[tilespmem:s8+$0xFFFFFF90] =	vst v4;
	v3 =	vmul.f32 v7, v3;
	v4 =	vld [tilespmem:s8+$0xFFFFFFA0]  }
0x111: {  	v7 =	vld [tilespmem:s5+$0xFFFFFFA0];
	v2 =	vmul.f32 v2, v8  }
0x112: {  	[tilespmem:s8+$0x10] =	vst v3;
	v3 =	vld [tilespmem:s8+$0x20]  }
0x113: {  	v8 =	vld [tilespmem:s5+$0x20];
	[tilespmem:s8+$0xFFFFFF10] =	vst v2;
	v1 =	vmul.f32 v5, v1  }
0x114: {  	v2 =	vld [tilespmem:s5+$0xFFFFFF20]  }
0x115: {  	[tilespmem:s8+$0xA0] =	vst v1;
	v1 =	vld [tilespmem:s8+$0xB0]  }
0x116: {  	v4 =	vmul.f32 v7, v4;
	v5 =	vld [tilespmem:s5+$0xB0]  }
0x117: {  	v7 =	vld [tilespmem:s8+$0xFFFFFF30]  }
0x118: {  	[tilespmem:s8+$0xFFFFFFA0] =	vst v4;
	v3 =	vmul.f32 v8, v3;
	v4 =	vld [tilespmem:s8+$0xFFFFFFB0]  }
0x119: {  	v8 =	vld [tilespmem:s5+$0xFFFFFFB0];
	v2 =	vmul.f32 v2, v6  }
0x11a: {  	[tilespmem:s8+$0x20] =	vst v3;
	v3 =	vld [tilespmem:s8+$0x30]  }
0x11b: {  	v6 =	vld [tilespmem:s5+$0x30];
	[tilespmem:s8+$0xFFFFFF20] =	vst v2;
	v1 =	vmul.f32 v5, v1  }
0x11c: {  	v2 =	vld [tilespmem:s5+$0xFFFFFF30]  }
0x11d: {  	[tilespmem:s8+$0xB0] =	vst v1;
	v1 =	vld [tilespmem:s8+$0xC0]  }
0x11e: {  	v4 =	vmul.f32 v8, v4;
	v5 =	vld [tilespmem:s5+$0xC0]  }
0x11f: {  	v8 =	vld [tilespmem:s8+$0xFFFFFF40]  }
0x120: {  	[tilespmem:s8+$0xFFFFFFB0] =	vst v4;
	v3 =	vmul.f32 v6, v3;
	v4 =	vld [tilespmem:s8+$0xFFFFFFC0]  }
0x121: {  	v6 =	vld [tilespmem:s5+$0xFFFFFFC0];
	v2 =	vmul.f32 v2, v7  }
0x122: {  	[tilespmem:s8+$0x30] =	vst v3;
	v3 =	vld [tilespmem:s8+$0x40]  }
0x123: {  	v7 =	vld [tilespmem:s5+$0x40];
	[tilespmem:s8+$0xFFFFFF30] =	vst v2;
	v1 =	vmul.f32 v5, v1  }
0x124: {  	v2 =	vld [tilespmem:s5+$0xFFFFFF40]  }
0x125: {  	[tilespmem:s8+$0xC0] =	vst v1;
	v1 =	vld [tilespmem:s8+$0xD0]  }
0x126: {  	v4 =	vmul.f32 v6, v4;
	v5 =	vld [tilespmem:s5+$0xD0]  }
0x127: {  	v6 =	vld [tilespmem:s8+$0xFFFFFF50]  }
0x128: {  	[tilespmem:s8+$0xFFFFFFC0] =	vst v4;
	v3 =	vmul.f32 v7, v3;
	v4 =	vld [tilespmem:s8+$0xFFFFFFD0]  }
0x129: {  	v7 =	vld [tilespmem:s5+$0xFFFFFFD0];
	v2 =	vmul.f32 v2, v8  }
0x12a: {  	[tilespmem:s8+$0x40] =	vst v3;
	v3 =	vld [tilespmem:s8+$0x50]  }
0x12b: {  	v8 =	vld [tilespmem:s5+$0x50];
	[tilespmem:s8+$0xFFFFFF40] =	vst v2;
	v1 =	vmul.f32 v5, v1  }
0x12c: {  	v2 =	vld [tilespmem:s5+$0xFFFFFF50]  }
0x12d: {  	[tilespmem:s8+$0xD0] =	vst v1;
	v1 =	vld [tilespmem:s8+$0xE0]  }
0x12e: {  	v4 =	vmul.f32 v7, v4;
	v5 =	vld [tilespmem:s5+$0xE0]  }
0x12f: {  	v7 =	vld [tilespmem:s8+$0xFFFFFF60]  }
0x130: {  	[tilespmem:s8+$0xFFFFFFD0] =	vst v4;
	v3 =	vmul.f32 v8, v3;
	v4 =	vld [tilespmem:s8+$0xFFFFFFE0]  }
0x131: {  	v8 =	vld [tilespmem:s5+$0xFFFFFFE0];
	v2 =	vmul.f32 v2, v6  }
0x132: {  	[tilespmem:s8+$0x50] =	vst v3;
	v3 =	vld [tilespmem:s8+$0x60]  }
0x133: {  	v6 =	vld [tilespmem:s5+$0x60];
	[tilespmem:s8+$0xFFFFFF50] =	vst v2;
	v1 =	vmul.f32 v5, v1  }
0x134: {  	v5 =	vld [tilespmem:s5+$0xFFFFFF60]  }
0x135: {  	v9 =	vld [tilespmem:s8+$0xF0];
	[tilespmem:s8+$0xE0] =	vst v1  }
0x136: {  	v2 =	vmul.f32 v8, v4;
	v8 =	vld [tilespmem:s5+$0xF0]  }
0x137: {  	v1 =	vld [tilespmem:s8+$0xFFFFFF70]  }
0x138: {  	[tilespmem:s8+$0xFFFFFFE0] =	vst v2;
	v3 =	vmul.f32 v6, v3;
	v2 =	vld [tilespmem:s8+$0xFFFFFFF0]  }
0x139: {  	v4 =	vld [tilespmem:s5+$0xFFFFFFF0];
	v5 =	vmul.f32 v5, v7  }
0x13a: {  	[tilespmem:s8+$0x60] =	vst v3;
	v3 =	vld [tilespmem:s8+$0x70]  }
0x13b: {  	[tilespmem:s8+$0xFFFFFF60] =	vst v5;
	v5 =	vld [tilespmem:s5+$0x70];
	v7 =	vmul.f32 v8, v9  }
0x13c: {  	s28 =	simm.s32 $0x500;
	s24 =	simm.s32 $0x0;
	v6 =	vld [tilespmem:s5+$0xFFFFFF70]  }
.LBB2_5:
0x13d: {  	v8 =	vld [tilespmem:s28+$0x80];
	[tilespmem:s8+$0xF0] =	vst v7;
	s5 =	sadd.s32 $0x200, s5  }
0x13e: {  	s24 =	sadd.s32 $0x4, s24;
	v7 =	vld [tilespmem:s5+$0x80];
	v2 =	vmul.f32 v4, v2  }
0x13f: {  	p1 =	slt.u32 s24, $0x4C;
	v4 =	vld [tilespmem:s5+$0xFFFFFF00]  }
0x140: {  	v9 =	vld [tilespmem:s28+$0xFFFFFF80];
	[tilespmem:s8+$0xFFFFFFF0] =	vst v2;
	v2 =	vmul.f32 v5, v3  }
0x141: {  	v3 =	vld [tilespmem:s5+$0xFFFFFF80];
	v1 =	vmul.f32 v6, v1  }
0x142: {  	v5 =	vld [tilespmem:s28+$0x0];
	[tilespmem:s8+$0x70] =	vst v2  }
0x143: {  	v2 =	vld [tilespmem:s5+$0x0];
	v6 =	vmul.f32 v7, v8;
	[tilespmem:s8+$0xFFFFFF70] =	vst v1;
	s8 =	smov.u32 s28  }
0x144: {  	v1 =	vld [tilespmem:s28+$0xFFFFFF00]  }
0x145: {  	[tilespmem:s28+$0x80] =	vst v6;
	v6 =	vld [tilespmem:s28+$0x90]  }
0x146: {  	v3 =	vmul.f32 v3, v9;
	v7 =	vld [tilespmem:s5+$0x90]  }
0x147: {  	v8 =	vld [tilespmem:s28+$0xFFFFFF10]  }
0x148: {  	[tilespmem:s28+$0xFFFFFF80] =	vst v3;
	v3 =	vld [tilespmem:s28+$0xFFFFFF90];
	v2 =	vmul.f32 v2, v5  }
0x149: {  	v1 =	vmul.f32 v4, v1;
	v4 =	vld [tilespmem:s5+$0xFFFFFF90]  }
0x14a: {  	[tilespmem:s28+$0x0] =	vst v2;
	v2 =	vld [tilespmem:s28+$0x10]  }
0x14b: {  	[tilespmem:s28+$0xFFFFFF00] =	vst v1;
	v1 =	vld [tilespmem:s5+$0x10];
	v5 =	vmul.f32 v7, v6  }
0x14c: {  	v6 =	vld [tilespmem:s5+$0xFFFFFF10]  }
0x14d: {  	[tilespmem:s28+$0x90] =	vst v5;
	v5 =	vld [tilespmem:s28+$0xA0]  }
0x14e: {  	v3 =	vmul.f32 v4, v3;
	v4 =	vld [tilespmem:s5+$0xA0]  }
0x14f: {  	v7 =	vld [tilespmem:s28+$0xFFFFFF20]  }
0x150: {  	[tilespmem:s28+$0xFFFFFF90] =	vst v3;
	v3 =	vld [tilespmem:s28+$0xFFFFFFA0];
	v1 =	vmul.f32 v1, v2  }
0x151: {  	v2 =	vmul.f32 v6, v8;
	v6 =	vld [tilespmem:s5+$0xFFFFFFA0]  }
0x152: {  	[tilespmem:s28+$0x10] =	vst v1;
	v1 =	vld [tilespmem:s28+$0x20]  }
0x153: {  	[tilespmem:s28+$0xFFFFFF10] =	vst v2;
	v2 =	vld [tilespmem:s5+$0x20];
	v4 =	vmul.f32 v4, v5  }
0x154: {  	v5 =	vld [tilespmem:s5+$0xFFFFFF20]  }
0x155: {  	[tilespmem:s28+$0xA0] =	vst v4;
	v4 =	vld [tilespmem:s28+$0xB0]  }
0x156: {  	v3 =	vmul.f32 v6, v3;
	v6 =	vld [tilespmem:s5+$0xB0]  }
0x157: {  	v8 =	vld [tilespmem:s28+$0xFFFFFF30]  }
0x158: {  	[tilespmem:s28+$0xFFFFFFA0] =	vst v3;
	v3 =	vld [tilespmem:s28+$0xFFFFFFB0];
	v1 =	vmul.f32 v2, v1  }
0x159: {  	v2 =	vmul.f32 v5, v7;
	v5 =	vld [tilespmem:s5+$0xFFFFFFB0]  }
0x15a: {  	[tilespmem:s28+$0x20] =	vst v1;
	v1 =	vld [tilespmem:s28+$0x30]  }
0x15b: {  	[tilespmem:s28+$0xFFFFFF20] =	vst v2;
	v2 =	vld [tilespmem:s5+$0x30];
	v4 =	vmul.f32 v6, v4  }
0x15c: {  	v6 =	vld [tilespmem:s5+$0xFFFFFF30]  }
0x15d: {  	[tilespmem:s28+$0xB0] =	vst v4;
	v4 =	vld [tilespmem:s28+$0xC0]  }
0x15e: {  	v3 =	vmul.f32 v5, v3;
	v5 =	vld [tilespmem:s5+$0xC0]  }
0x15f: {  	v7 =	vld [tilespmem:s28+$0xFFFFFF40]  }
0x160: {  	[tilespmem:s28+$0xFFFFFFB0] =	vst v3;
	v3 =	vld [tilespmem:s28+$0xFFFFFFC0];
	v1 =	vmul.f32 v2, v1  }
0x161: {  	v2 =	vmul.f32 v6, v8;
	v6 =	vld [tilespmem:s5+$0xFFFFFFC0]  }
0x162: {  	[tilespmem:s28+$0x30] =	vst v1;
	v1 =	vld [tilespmem:s28+$0x40]  }
0x163: {  	[tilespmem:s28+$0xFFFFFF30] =	vst v2;
	v2 =	vld [tilespmem:s5+$0x40];
	v4 =	vmul.f32 v5, v4  }
0x164: {  	v5 =	vld [tilespmem:s5+$0xFFFFFF40]  }
0x165: {  	[tilespmem:s28+$0xC0] =	vst v4;
	v4 =	vld [tilespmem:s28+$0xD0]  }
0x166: {  	v3 =	vmul.f32 v6, v3;
	v6 =	vld [tilespmem:s5+$0xD0]  }
0x167: {  	v8 =	vld [tilespmem:s28+$0xFFFFFF50]  }
0x168: {  	[tilespmem:s28+$0xFFFFFFC0] =	vst v3;
	v3 =	vld [tilespmem:s28+$0xFFFFFFD0];
	v1 =	vmul.f32 v2, v1  }
0x169: {  	v2 =	vmul.f32 v5, v7;
	v5 =	vld [tilespmem:s5+$0xFFFFFFD0]  }
0x16a: {  	[tilespmem:s28+$0x40] =	vst v1;
	v1 =	vld [tilespmem:s28+$0x50]  }
0x16b: {  	[tilespmem:s28+$0xFFFFFF40] =	vst v2;
	v2 =	vld [tilespmem:s5+$0x50];
	v4 =	vmul.f32 v6, v4  }
0x16c: {  	v6 =	vld [tilespmem:s5+$0xFFFFFF50]  }
0x16d: {  	[tilespmem:s28+$0xD0] =	vst v4;
	v4 =	vld [tilespmem:s28+$0xE0]  }
0x16e: {  	v3 =	vmul.f32 v5, v3;
	v5 =	vld [tilespmem:s5+$0xE0]  }
0x16f: {  	v7 =	vld [tilespmem:s28+$0xFFFFFF60]  }
0x170: {  	[tilespmem:s28+$0xFFFFFFD0] =	vst v3;
	v3 =	vld [tilespmem:s28+$0xFFFFFFE0];
	v1 =	vmul.f32 v2, v1  }
0x171: {  	v2 =	vmul.f32 v6, v8;
	v6 =	vld [tilespmem:s5+$0xFFFFFFE0]  }
0x172: {  	[tilespmem:s28+$0x50] =	vst v1;
	v8 =	vld [tilespmem:s28+$0x60]  }
0x173: {  	[tilespmem:s28+$0xFFFFFF50] =	vst v2;
	v9 =	vld [tilespmem:s5+$0x60];
	v1 =	vmul.f32 v5, v4  }
0x174: {  	v4 =	vld [tilespmem:s5+$0xFFFFFF60]  }
0x175: {  	[tilespmem:s28+$0xE0] =	vst v1;
	v10 =	vld [tilespmem:s28+$0xF0]  }
0x176: {  	v2 =	vmul.f32 v6, v3;
	v6 =	vld [tilespmem:s5+$0xF0]  }
0x177: {  	v1 =	vld [tilespmem:s28+$0xFFFFFF70]  }
.Ltmp1:
0x178: {  	[tilespmem:s28+$0xFFFFFFE0] =	vst v2;
	v2 =	vld [tilespmem:s28+$0xFFFFFFF0];
	v3 =	vmul.f32 v9, v8;
	(pc) =	sbr.rel @p1 .LBB2_5-.Ltmp1, $4  }
0x179: {  	v5 =	vmul.f32 v4, v7;
	v4 =	vld [tilespmem:s5+$0xFFFFFFF0]  }
0x17a: {  	[tilespmem:s28+$0x60] =	vst v3;
	v3 =	vld [tilespmem:s28+$0x70]  }
0x17b: {  	[tilespmem:s28+$0xFFFFFF60] =	vst v5;
	v5 =	vld [tilespmem:s5+$0x70];
	v7 =	vmul.f32 v6, v10  }
0x17c: {  	s28 =	sadd.s32 $0x200, s28;
	v6 =	vld [tilespmem:s5+$0xFFFFFF70]  }
0x17d: {  	_ =	sdelay $0x1  }
0x17e: {  	v2 =	vmul.f32 v4, v2  }
0x17f: {  	[tilespmem:s8+$0xF0] =	vst v7;
	v3 =	vmul.f32 v5, v3  }
0x180: {  	[tilespmem:s8+$0xFFFFFFF0] =	vst v2;
	v1 =	vmul.f32 v6, v1  }
0x181: {  	[tilespmem:s8+$0x70] =	vst v3  }
0x182: {  	[tilespmem:s8+$0xFFFFFF70] =	vst v1  }
0x183: {  	v1 =	vld [tilespmem:$0x100]  }
0x184: {  	v2 =	vld [tilespmem:$0x110]  }
0x185: {  	v3 =	vld [tilespmem:$0x120]  }
0x186: {  	v4 =	vld [tilespmem:$0x130]  }
0x187: {  	v5 =	vld [tilespmem:$0x140]  }
0x188: {  	[tilespmem:$0xA200] =	vst v1  }
0x189: {  	[tilespmem:$0xA210] =	vst v2  }
0x18a: {  	[tilespmem:$0xA220] =	vst v3  }
0x18b: {  	s5 =	sadd.s32 s7, s16;
	[tilespmem:$0xA230] =	vst v4  }
0x18c: {  	s8 =	sshrl.u32 s5, $0x3;
	[tilespmem:$0xA240] =	vst v5  }
0x18d: {  	[spmem:s17] =	stream.indirect.scatter.add.f32 [tilespmem:s10], [sflag:$0x7], $0x80, s31, s13, $0xb8;
	[tilespmem:$0x1DB80] =	vst v63  }
0x18e: {  	s24 =	sadd.s32 s23, s8  }
0x18f: {  	[tilespmem:s1], [sflag:$0x1] =	stream.linear.gather [hbm4b:s24+s1], $0x50, $0x38;
	[tilespmem:$0x1DB80] =	vst v63  }
0x190: {  	s8 =	sadd.s32 s22, s8  }
0x191: {  	[tilespmem:s12], [sflag:$0x1] =	stream.linear.gather [hbm4b:s8+s1], $0x50, $0x38;
	[tilespmem:$0x1DB80] =	vst v63  }
0x192: {  	_ =	swait.ge [sflag:s15], $0x2800  }
0x193: {  	[sflag:s15] =	ssyncset.done $0x0  }
0x194: {  	[sflag:s15] =	ssyncadd.s32 $0xFFFFD800  }
0x195: {  	_ =	swait.ge [sflag:s0], $0x50  }
0x196: {  	[sflag:s0] =	ssyncset.done $0x0  }
0x197: {  	[sflag:s0] =	ssyncadd.s32 $0xFFFFFFB0  }
0x198: {  	_ =	swait.ge [sflag:s0], $0x50  }
0x199: {  	[sflag:s0] =	ssyncset.done $0x0  }
0x19a: {  	s5 =	sshll.u32 s5, $0x4;
	[sflag:s0] =	ssyncadd.s32 $0xFFFFFFB0  }
0x19b: {  	[tilespmem:s10], [sflag:$0x3] =	stream.indirect.gather [hbm4b:s20+s13], $0x80, s1, s13, $0xb8;
	[tilespmem:$0x1DB80] =	vst v63  }
0x19c: {  	s5 =	sadd.s32 s21, s5  }
0x19d: {  	[tilespmem:s14], [sflag:$0x5] =	stream.linear.gather [hbm4b:s5+s1], $0x2800, $0x38;
	[tilespmem:$0x1DB80] =	vst v63  }
0x19e: {  	_ =	swait.ge [sflag:s2], $0x2800  }
0x19f: {  	[sflag:s2] =	ssyncset.done $0x0  }
0x1a0: {  	[sflag:s2] =	ssyncadd.s32 $0xFFFFD800  }
0x1a1: {  	_ =	swait.ge [sflag:s3], $0x2800  }
0x1a2: {  	[sflag:s3] =	ssyncset.done $0x0  }
0x1a3: {  	s8 =	simm.s32 $0x2B00;
	[sflag:s3] =	ssyncadd.s32 $0xFFFFD800  }
0x1a4: {  	s5 =	simm.s32 $0x7B00;
	v1 =	vld [tilespmem:s8+$0x80]  }
0x1a5: {  	v2 =	vld [tilespmem:s5+$0x80]  }
0x1a6: {  	v3 =	vld [tilespmem:s8+$0xFFFFFF80]  }
0x1a7: {  	v4 =	vld [tilespmem:s5+$0xFFFFFF80]  }
0x1a8: {  	v5 =	vld [tilespmem:s8+$0x0]  }
0x1a9: {  	v6 =	vld [tilespmem:s5+$0x0]  }
0x1aa: {  	v7 =	vld [tilespmem:s8+$0xFFFFFF00];
	v1 =	vmul.f32 v2, v1  }
0x1ab: {  	v2 =	vld [tilespmem:s5+$0xFFFFFF00]  }
0x1ac: {  	[tilespmem:s8+$0x80] =	vst v1;
	v1 =	vld [tilespmem:s8+$0x90]  }
0x1ad: {  	v3 =	vmul.f32 v4, v3;
	v4 =	vld [tilespmem:s5+$0x90]  }
0x1ae: {  	v8 =	vld [tilespmem:s8+$0xFFFFFF10]  }
0x1af: {  	[tilespmem:s8+$0xFFFFFF80] =	vst v3;
	v3 =	vmul.f32 v6, v5;
	v5 =	vld [tilespmem:s8+$0xFFFFFF90]  }
0x1b0: {  	v6 =	vld [tilespmem:s5+$0xFFFFFF90];
	v2 =	vmul.f32 v2, v7  }
0x1b1: {  	[tilespmem:s8+$0x0] =	vst v3;
	v3 =	vld [tilespmem:s8+$0x10]  }
0x1b2: {  	v7 =	vld [tilespmem:s5+$0x10];
	[tilespmem:s8+$0xFFFFFF00] =	vst v2;
	v1 =	vmul.f32 v4, v1  }
0x1b3: {  	v2 =	vld [tilespmem:s5+$0xFFFFFF10]  }
0x1b4: {  	[tilespmem:s8+$0x90] =	vst v1;
	v1 =	vld [tilespmem:s8+$0xA0]  }
0x1b5: {  	v4 =	vmul.f32 v6, v5;
	v5 =	vld [tilespmem:s5+$0xA0]  }
0x1b6: {  	v6 =	vld [tilespmem:s8+$0xFFFFFF20]  }
0x1b7: {  	[tilespmem:s8+$0xFFFFFF90] =	vst v4;
	v3 =	vmul.f32 v7, v3;
	v4 =	vld [tilespmem:s8+$0xFFFFFFA0]  }
0x1b8: {  	v7 =	vld [tilespmem:s5+$0xFFFFFFA0];
	v2 =	vmul.f32 v2, v8  }
0x1b9: {  	[tilespmem:s8+$0x10] =	vst v3;
	v3 =	vld [tilespmem:s8+$0x20]  }
0x1ba: {  	v8 =	vld [tilespmem:s5+$0x20];
	[tilespmem:s8+$0xFFFFFF10] =	vst v2;
	v1 =	vmul.f32 v5, v1  }
0x1bb: {  	v2 =	vld [tilespmem:s5+$0xFFFFFF20]  }
0x1bc: {  	[tilespmem:s8+$0xA0] =	vst v1;
	v1 =	vld [tilespmem:s8+$0xB0]  }
0x1bd: {  	v4 =	vmul.f32 v7, v4;
	v5 =	vld [tilespmem:s5+$0xB0]  }
0x1be: {  	v7 =	vld [tilespmem:s8+$0xFFFFFF30]  }
0x1bf: {  	[tilespmem:s8+$0xFFFFFFA0] =	vst v4;
	v3 =	vmul.f32 v8, v3;
	v4 =	vld [tilespmem:s8+$0xFFFFFFB0]  }
0x1c0: {  	v8 =	vld [tilespmem:s5+$0xFFFFFFB0];
	v2 =	vmul.f32 v2, v6  }
0x1c1: {  	[tilespmem:s8+$0x20] =	vst v3;
	v3 =	vld [tilespmem:s8+$0x30]  }
0x1c2: {  	v6 =	vld [tilespmem:s5+$0x30];
	[tilespmem:s8+$0xFFFFFF20] =	vst v2;
	v1 =	vmul.f32 v5, v1  }
0x1c3: {  	v2 =	vld [tilespmem:s5+$0xFFFFFF30]  }
0x1c4: {  	[tilespmem:s8+$0xB0] =	vst v1;
	v1 =	vld [tilespmem:s8+$0xC0]  }
0x1c5: {  	v4 =	vmul.f32 v8, v4;
	v5 =	vld [tilespmem:s5+$0xC0]  }
0x1c6: {  	v8 =	vld [tilespmem:s8+$0xFFFFFF40]  }
0x1c7: {  	[tilespmem:s8+$0xFFFFFFB0] =	vst v4;
	v3 =	vmul.f32 v6, v3;
	v4 =	vld [tilespmem:s8+$0xFFFFFFC0]  }
0x1c8: {  	v6 =	vld [tilespmem:s5+$0xFFFFFFC0];
	v2 =	vmul.f32 v2, v7  }
0x1c9: {  	[tilespmem:s8+$0x30] =	vst v3;
	v3 =	vld [tilespmem:s8+$0x40]  }
0x1ca: {  	v7 =	vld [tilespmem:s5+$0x40];
	[tilespmem:s8+$0xFFFFFF30] =	vst v2;
	v1 =	vmul.f32 v5, v1  }
0x1cb: {  	v2 =	vld [tilespmem:s5+$0xFFFFFF40]  }
0x1cc: {  	[tilespmem:s8+$0xC0] =	vst v1;
	v1 =	vld [tilespmem:s8+$0xD0]  }
0x1cd: {  	v4 =	vmul.f32 v6, v4;
	v5 =	vld [tilespmem:s5+$0xD0]  }
0x1ce: {  	v6 =	vld [tilespmem:s8+$0xFFFFFF50]  }
0x1cf: {  	[tilespmem:s8+$0xFFFFFFC0] =	vst v4;
	v3 =	vmul.f32 v7, v3;
	v4 =	vld [tilespmem:s8+$0xFFFFFFD0]  }
0x1d0: {  	v7 =	vld [tilespmem:s5+$0xFFFFFFD0];
	v2 =	vmul.f32 v2, v8  }
0x1d1: {  	[tilespmem:s8+$0x40] =	vst v3;
	v3 =	vld [tilespmem:s8+$0x50]  }
0x1d2: {  	v8 =	vld [tilespmem:s5+$0x50];
	[tilespmem:s8+$0xFFFFFF40] =	vst v2;
	v1 =	vmul.f32 v5, v1  }
0x1d3: {  	v2 =	vld [tilespmem:s5+$0xFFFFFF50]  }
0x1d4: {  	[tilespmem:s8+$0xD0] =	vst v1;
	v1 =	vld [tilespmem:s8+$0xE0]  }
0x1d5: {  	v4 =	vmul.f32 v7, v4;
	v5 =	vld [tilespmem:s5+$0xE0]  }
0x1d6: {  	v7 =	vld [tilespmem:s8+$0xFFFFFF60]  }
0x1d7: {  	[tilespmem:s8+$0xFFFFFFD0] =	vst v4;
	v3 =	vmul.f32 v8, v3;
	v4 =	vld [tilespmem:s8+$0xFFFFFFE0]  }
0x1d8: {  	v8 =	vld [tilespmem:s5+$0xFFFFFFE0];
	v2 =	vmul.f32 v2, v6  }
0x1d9: {  	[tilespmem:s8+$0x50] =	vst v3;
	v3 =	vld [tilespmem:s8+$0x60]  }
0x1da: {  	v6 =	vld [tilespmem:s5+$0x60];
	[tilespmem:s8+$0xFFFFFF50] =	vst v2;
	v1 =	vmul.f32 v5, v1  }
0x1db: {  	v5 =	vld [tilespmem:s5+$0xFFFFFF60]  }
0x1dc: {  	v9 =	vld [tilespmem:s8+$0xF0];
	[tilespmem:s8+$0xE0] =	vst v1  }
0x1dd: {  	v2 =	vmul.f32 v8, v4;
	v8 =	vld [tilespmem:s5+$0xF0]  }
0x1de: {  	v1 =	vld [tilespmem:s8+$0xFFFFFF70]  }
0x1df: {  	[tilespmem:s8+$0xFFFFFFE0] =	vst v2;
	v3 =	vmul.f32 v6, v3;
	v2 =	vld [tilespmem:s8+$0xFFFFFFF0]  }
0x1e0: {  	v4 =	vld [tilespmem:s5+$0xFFFFFFF0];
	v5 =	vmul.f32 v5, v7  }
0x1e1: {  	[tilespmem:s8+$0x60] =	vst v3;
	v3 =	vld [tilespmem:s8+$0x70]  }
0x1e2: {  	[tilespmem:s8+$0xFFFFFF60] =	vst v5;
	v5 =	vld [tilespmem:s5+$0x70];
	v7 =	vmul.f32 v8, v9  }
0x1e3: {  	s28 =	simm.s32 $0x2D00;
	s24 =	simm.s32 $0x0;
	v6 =	vld [tilespmem:s5+$0xFFFFFF70]  }
.LBB2_7:
0x1e4: {  	v8 =	vld [tilespmem:s28+$0x80];
	[tilespmem:s8+$0xF0] =	vst v7;
	s5 =	sadd.s32 $0x200, s5  }
0x1e5: {  	s24 =	sadd.s32 $0x4, s24;
	v7 =	vld [tilespmem:s5+$0x80];
	v2 =	vmul.f32 v4, v2  }
0x1e6: {  	p1 =	slt.u32 s24, $0x4C;
	v4 =	vld [tilespmem:s5+$0xFFFFFF00]  }
0x1e7: {  	v9 =	vld [tilespmem:s28+$0xFFFFFF80];
	[tilespmem:s8+$0xFFFFFFF0] =	vst v2;
	v2 =	vmul.f32 v5, v3  }
0x1e8: {  	v3 =	vld [tilespmem:s5+$0xFFFFFF80];
	v1 =	vmul.f32 v6, v1  }
0x1e9: {  	v5 =	vld [tilespmem:s28+$0x0];
	[tilespmem:s8+$0x70] =	vst v2  }
0x1ea: {  	v2 =	vld [tilespmem:s5+$0x0];
	v6 =	vmul.f32 v7, v8;
	[tilespmem:s8+$0xFFFFFF70] =	vst v1;
	s8 =	smov.u32 s28  }
0x1eb: {  	v1 =	vld [tilespmem:s28+$0xFFFFFF00]  }
0x1ec: {  	[tilespmem:s28+$0x80] =	vst v6;
	v6 =	vld [tilespmem:s28+$0x90]  }
0x1ed: {  	v3 =	vmul.f32 v3, v9;
	v7 =	vld [tilespmem:s5+$0x90]  }
0x1ee: {  	v8 =	vld [tilespmem:s28+$0xFFFFFF10]  }
0x1ef: {  	[tilespmem:s28+$0xFFFFFF80] =	vst v3;
	v3 =	vld [tilespmem:s28+$0xFFFFFF90];
	v2 =	vmul.f32 v2, v5  }
0x1f0: {  	v1 =	vmul.f32 v4, v1;
	v4 =	vld [tilespmem:s5+$0xFFFFFF90]  }
0x1f1: {  	[tilespmem:s28+$0x0] =	vst v2;
	v2 =	vld [tilespmem:s28+$0x10]  }
0x1f2: {  	[tilespmem:s28+$0xFFFFFF00] =	vst v1;
	v1 =	vld [tilespmem:s5+$0x10];
	v5 =	vmul.f32 v7, v6  }
0x1f3: {  	v6 =	vld [tilespmem:s5+$0xFFFFFF10]  }
0x1f4: {  	[tilespmem:s28+$0x90] =	vst v5;
	v5 =	vld [tilespmem:s28+$0xA0]  }
0x1f5: {  	v3 =	vmul.f32 v4, v3;
	v4 =	vld [tilespmem:s5+$0xA0]  }
0x1f6: {  	v7 =	vld [tilespmem:s28+$0xFFFFFF20]  }
0x1f7: {  	[tilespmem:s28+$0xFFFFFF90] =	vst v3;
	v3 =	vld [tilespmem:s28+$0xFFFFFFA0];
	v1 =	vmul.f32 v1, v2  }
0x1f8: {  	v2 =	vmul.f32 v6, v8;
	v6 =	vld [tilespmem:s5+$0xFFFFFFA0]  }
0x1f9: {  	[tilespmem:s28+$0x10] =	vst v1;
	v1 =	vld [tilespmem:s28+$0x20]  }
0x1fa: {  	[tilespmem:s28+$0xFFFFFF10] =	vst v2;
	v2 =	vld [tilespmem:s5+$0x20];
	v4 =	vmul.f32 v4, v5  }
0x1fb: {  	v5 =	vld [tilespmem:s5+$0xFFFFFF20]  }
0x1fc: {  	[tilespmem:s28+$0xA0] =	vst v4;
	v4 =	vld [tilespmem:s28+$0xB0]  }
0x1fd: {  	v3 =	vmul.f32 v6, v3;
	v6 =	vld [tilespmem:s5+$0xB0]  }
0x1fe: {  	v8 =	vld [tilespmem:s28+$0xFFFFFF30]  }
0x1ff: {  	[tilespmem:s28+$0xFFFFFFA0] =	vst v3;
	v3 =	vld [tilespmem:s28+$0xFFFFFFB0];
	v1 =	vmul.f32 v2, v1  }
0x200: {  	v2 =	vmul.f32 v5, v7;
	v5 =	vld [tilespmem:s5+$0xFFFFFFB0]  }
0x201: {  	[tilespmem:s28+$0x20] =	vst v1;
	v1 =	vld [tilespmem:s28+$0x30]  }
0x202: {  	[tilespmem:s28+$0xFFFFFF20] =	vst v2;
	v2 =	vld [tilespmem:s5+$0x30];
	v4 =	vmul.f32 v6, v4  }
0x203: {  	v6 =	vld [tilespmem:s5+$0xFFFFFF30]  }
0x204: {  	[tilespmem:s28+$0xB0] =	vst v4;
	v4 =	vld [tilespmem:s28+$0xC0]  }
0x205: {  	v3 =	vmul.f32 v5, v3;
	v5 =	vld [tilespmem:s5+$0xC0]  }
0x206: {  	v7 =	vld [tilespmem:s28+$0xFFFFFF40]  }
0x207: {  	[tilespmem:s28+$0xFFFFFFB0] =	vst v3;
	v3 =	vld [tilespmem:s28+$0xFFFFFFC0];
	v1 =	vmul.f32 v2, v1  }
0x208: {  	v2 =	vmul.f32 v6, v8;
	v6 =	vld [tilespmem:s5+$0xFFFFFFC0]  }
0x209: {  	[tilespmem:s28+$0x30] =	vst v1;
	v1 =	vld [tilespmem:s28+$0x40]  }
0x20a: {  	[tilespmem:s28+$0xFFFFFF30] =	vst v2;
	v2 =	vld [tilespmem:s5+$0x40];
	v4 =	vmul.f32 v5, v4  }
0x20b: {  	v5 =	vld [tilespmem:s5+$0xFFFFFF40]  }
0x20c: {  	[tilespmem:s28+$0xC0] =	vst v4;
	v4 =	vld [tilespmem:s28+$0xD0]  }
0x20d: {  	v3 =	vmul.f32 v6, v3;
	v6 =	vld [tilespmem:s5+$0xD0]  }
0x20e: {  	v8 =	vld [tilespmem:s28+$0xFFFFFF50]  }
0x20f: {  	[tilespmem:s28+$0xFFFFFFC0] =	vst v3;
	v3 =	vld [tilespmem:s28+$0xFFFFFFD0];
	v1 =	vmul.f32 v2, v1  }
0x210: {  	v2 =	vmul.f32 v5, v7;
	v5 =	vld [tilespmem:s5+$0xFFFFFFD0]  }
0x211: {  	[tilespmem:s28+$0x40] =	vst v1;
	v1 =	vld [tilespmem:s28+$0x50]  }
0x212: {  	[tilespmem:s28+$0xFFFFFF40] =	vst v2;
	v2 =	vld [tilespmem:s5+$0x50];
	v4 =	vmul.f32 v6, v4  }
0x213: {  	v6 =	vld [tilespmem:s5+$0xFFFFFF50]  }
0x214: {  	[tilespmem:s28+$0xD0] =	vst v4;
	v4 =	vld [tilespmem:s28+$0xE0]  }
0x215: {  	v3 =	vmul.f32 v5, v3;
	v5 =	vld [tilespmem:s5+$0xE0]  }
0x216: {  	v7 =	vld [tilespmem:s28+$0xFFFFFF60]  }
0x217: {  	[tilespmem:s28+$0xFFFFFFD0] =	vst v3;
	v3 =	vld [tilespmem:s28+$0xFFFFFFE0];
	v1 =	vmul.f32 v2, v1  }
0x218: {  	v2 =	vmul.f32 v6, v8;
	v6 =	vld [tilespmem:s5+$0xFFFFFFE0]  }
0x219: {  	[tilespmem:s28+$0x50] =	vst v1;
	v8 =	vld [tilespmem:s28+$0x60]  }
0x21a: {  	[tilespmem:s28+$0xFFFFFF50] =	vst v2;
	v9 =	vld [tilespmem:s5+$0x60];
	v1 =	vmul.f32 v5, v4  }
0x21b: {  	v4 =	vld [tilespmem:s5+$0xFFFFFF60]  }
0x21c: {  	[tilespmem:s28+$0xE0] =	vst v1;
	v10 =	vld [tilespmem:s28+$0xF0]  }
0x21d: {  	v2 =	vmul.f32 v6, v3;
	v6 =	vld [tilespmem:s5+$0xF0]  }
0x21e: {  	v1 =	vld [tilespmem:s28+$0xFFFFFF70]  }
.Ltmp2:
0x21f: {  	[tilespmem:s28+$0xFFFFFFE0] =	vst v2;
	v2 =	vld [tilespmem:s28+$0xFFFFFFF0];
	v3 =	vmul.f32 v9, v8;
	(pc) =	sbr.rel @p1 .LBB2_7-.Ltmp2, $4  }
0x220: {  	v5 =	vmul.f32 v4, v7;
	v4 =	vld [tilespmem:s5+$0xFFFFFFF0]  }
0x221: {  	[tilespmem:s28+$0x60] =	vst v3;
	v3 =	vld [tilespmem:s28+$0x70]  }
0x222: {  	[tilespmem:s28+$0xFFFFFF60] =	vst v5;
	v5 =	vld [tilespmem:s5+$0x70];
	v7 =	vmul.f32 v6, v10  }
0x223: {  	s28 =	sadd.s32 $0x200, s28;
	v6 =	vld [tilespmem:s5+$0xFFFFFF70]  }
0x224: {  	_ =	sdelay $0x1  }
0x225: {  	v2 =	vmul.f32 v4, v2  }
0x226: {  	[tilespmem:s8+$0xF0] =	vst v7;
	v3 =	vmul.f32 v5, v3  }
0x227: {  	[tilespmem:s8+$0xFFFFFFF0] =	vst v2;
	v1 =	vmul.f32 v6, v1  }
0x228: {  	[tilespmem:s8+$0x70] =	vst v3  }
0x229: {  	[tilespmem:s8+$0xFFFFFF70] =	vst v1  }
0x22a: {  	v1 =	vld [tilespmem:$0x180]  }
0x22b: {  	v2 =	vld [tilespmem:$0x190]  }
0x22c: {  	v3 =	vld [tilespmem:$0x1A0]  }
0x22d: {  	v62 =	vld [tilespmem:$0x1B0]  }
0x22e: {  	v63 =	vld [tilespmem:$0x1C0]  }
0x22f: {  	p1 =	seq.s32 s6, $0x3D;
	[tilespmem:$0xA280] =	vst v1  }
.Ltmp3:
0x230: {  	[tilespmem:$0xA290] =	vst v2;
	(pc) =	sbr.rel @p1 .LBB2_10-.Ltmp3, $4  }
0x231: {  	[tilespmem:$0xA2A0] =	vst v3  }
0x232: {  	[tilespmem:$0xA2B0] =	vst v62  }
0x233: {  	[tilespmem:$0xA2C0] =	vst v63  }
0x234: {  	[spmem:s17] =	stream.indirect.scatter.add.f32 [tilespmem:s26], [sflag:$0x8], $0x80, s4, s13, $0xb8;
	[tilespmem:$0x1DB80] =	vst v63  }
0x235: {  	s5 =	sadd.s32 s7, s18  }
.Ltmp4:
0x236: {  	s5 =	sshrl.u32 s5, $0x3;
	(pc) =	sbr.rel .LBB2_4-.Ltmp4, $4  }
0x237: {  	s24 =	sadd.s32 s23, s5  }
0x238: {  	[tilespmem:s19], [sflag:$0x2] =	stream.linear.gather [hbm4b:s24+s1], $0x50, $0x38;
	[tilespmem:$0x1DB80] =	vst v63  }
0x239: {  	s28 =	simm.s32 $0x180;
	s6 =	sadd.s32 $0x1, s6;
	s5 =	sadd.s32 s22, s5  }
0x23a: {  	[tilespmem:s28], [sflag:$0x2] =	stream.linear.gather [hbm4b:s5+s1], $0x50, $0x38;
	[tilespmem:$0x1DB80] =	vst v63  }
.LBB2_10:
0x23b: {  	_ =	swait.ge [sflag:s29], $0x2800  }
0x23c: {  	[sflag:s29] =	ssyncset.done $0x0  }
0x23d: {  	[sflag:s29] =	ssyncadd.s32 $0xFFFFD800  }
0x23e: {  	_ =	swait.ge [sflag:s30], $0x2800  }
0x23f: {  	[sflag:s30] =	ssyncset.done $0x0  }
0x240: {  	s6 =	simm.s32 $0x300;
	[sflag:s30] =	ssyncadd.s32 $0xFFFFD800  }
0x241: {  	s5 =	simm.s32 $0x5300;
	v1 =	vld [tilespmem:s6+$0x80]  }
0x242: {  	v2 =	vld [tilespmem:s5+$0x80]  }
0x243: {  	v3 =	vld [tilespmem:s6+$0xFFFFFF80]  }
0x244: {  	v4 =	vld [tilespmem:s5+$0xFFFFFF80]  }
0x245: {  	v5 =	vld [tilespmem:s6+$0x0]  }
0x246: {  	v6 =	vld [tilespmem:s5+$0x0]  }
0x247: {  	v7 =	vld [tilespmem:s6+$0xFFFFFF00];
	v1 =	vmul.f32 v2, v1  }
0x248: {  	v2 =	vld [tilespmem:s5+$0xFFFFFF00]  }
0x249: {  	[tilespmem:s6+$0x80] =	vst v1;
	v1 =	vld [tilespmem:s6+$0x90]  }
0x24a: {  	v3 =	vmul.f32 v4, v3;
	v4 =	vld [tilespmem:s5+$0x90]  }
0x24b: {  	v8 =	vld [tilespmem:s6+$0xFFFFFF10]  }
0x24c: {  	[tilespmem:s6+$0xFFFFFF80] =	vst v3;
	v3 =	vmul.f32 v6, v5;
	v5 =	vld [tilespmem:s6+$0xFFFFFF90]  }
0x24d: {  	v6 =	vld [tilespmem:s5+$0xFFFFFF90];
	v2 =	vmul.f32 v2, v7  }
0x24e: {  	[tilespmem:s6+$0x0] =	vst v3;
	v3 =	vld [tilespmem:s6+$0x10]  }
0x24f: {  	v7 =	vld [tilespmem:s5+$0x10];
	[tilespmem:s6+$0xFFFFFF00] =	vst v2;
	v1 =	vmul.f32 v4, v1  }
0x250: {  	v2 =	vld [tilespmem:s5+$0xFFFFFF10]  }
0x251: {  	[tilespmem:s6+$0x90] =	vst v1;
	v1 =	vld [tilespmem:s6+$0xA0]  }
0x252: {  	v4 =	vmul.f32 v6, v5;
	v5 =	vld [tilespmem:s5+$0xA0]  }
0x253: {  	v6 =	vld [tilespmem:s6+$0xFFFFFF20]  }
0x254: {  	[tilespmem:s6+$0xFFFFFF90] =	vst v4;
	v3 =	vmul.f32 v7, v3;
	v4 =	vld [tilespmem:s6+$0xFFFFFFA0]  }
0x255: {  	v7 =	vld [tilespmem:s5+$0xFFFFFFA0];
	v2 =	vmul.f32 v2, v8  }
0x256: {  	[tilespmem:s6+$0x10] =	vst v3;
	v3 =	vld [tilespmem:s6+$0x20]  }
0x257: {  	v8 =	vld [tilespmem:s5+$0x20];
	[tilespmem:s6+$0xFFFFFF10] =	vst v2;
	v1 =	vmul.f32 v5, v1  }
0x258: {  	v2 =	vld [tilespmem:s5+$0xFFFFFF20]  }
0x259: {  	[tilespmem:s6+$0xA0] =	vst v1;
	v1 =	vld [tilespmem:s6+$0xB0]  }
0x25a: {  	v4 =	vmul.f32 v7, v4;
	v5 =	vld [tilespmem:s5+$0xB0]  }
0x25b: {  	v7 =	vld [tilespmem:s6+$0xFFFFFF30]  }
0x25c: {  	[tilespmem:s6+$0xFFFFFFA0] =	vst v4;
	v3 =	vmul.f32 v8, v3;
	v4 =	vld [tilespmem:s6+$0xFFFFFFB0]  }
0x25d: {  	v8 =	vld [tilespmem:s5+$0xFFFFFFB0];
	v2 =	vmul.f32 v2, v6  }
0x25e: {  	[tilespmem:s6+$0x20] =	vst v3;
	v3 =	vld [tilespmem:s6+$0x30]  }
0x25f: {  	v6 =	vld [tilespmem:s5+$0x30];
	[tilespmem:s6+$0xFFFFFF20] =	vst v2;
	v1 =	vmul.f32 v5, v1  }
0x260: {  	v2 =	vld [tilespmem:s5+$0xFFFFFF30]  }
0x261: {  	[tilespmem:s6+$0xB0] =	vst v1;
	v1 =	vld [tilespmem:s6+$0xC0]  }
0x262: {  	v4 =	vmul.f32 v8, v4;
	v5 =	vld [tilespmem:s5+$0xC0]  }
0x263: {  	v8 =	vld [tilespmem:s6+$0xFFFFFF40]  }
0x264: {  	[tilespmem:s6+$0xFFFFFFB0] =	vst v4;
	v3 =	vmul.f32 v6, v3;
	v4 =	vld [tilespmem:s6+$0xFFFFFFC0]  }
0x265: {  	v6 =	vld [tilespmem:s5+$0xFFFFFFC0];
	v2 =	vmul.f32 v2, v7  }
0x266: {  	[tilespmem:s6+$0x30] =	vst v3;
	v3 =	vld [tilespmem:s6+$0x40]  }
0x267: {  	v7 =	vld [tilespmem:s5+$0x40];
	[tilespmem:s6+$0xFFFFFF30] =	vst v2;
	v1 =	vmul.f32 v5, v1  }
0x268: {  	v2 =	vld [tilespmem:s5+$0xFFFFFF40]  }
0x269: {  	[tilespmem:s6+$0xC0] =	vst v1;
	v1 =	vld [tilespmem:s6+$0xD0]  }
0x26a: {  	v4 =	vmul.f32 v6, v4;
	v5 =	vld [tilespmem:s5+$0xD0]  }
0x26b: {  	v6 =	vld [tilespmem:s6+$0xFFFFFF50]  }
0x26c: {  	[tilespmem:s6+$0xFFFFFFC0] =	vst v4;
	v3 =	vmul.f32 v7, v3;
	v4 =	vld [tilespmem:s6+$0xFFFFFFD0]  }
0x26d: {  	v7 =	vld [tilespmem:s5+$0xFFFFFFD0];
	v2 =	vmul.f32 v2, v8  }
0x26e: {  	[tilespmem:s6+$0x40] =	vst v3;
	v3 =	vld [tilespmem:s6+$0x50]  }
0x26f: {  	v8 =	vld [tilespmem:s5+$0x50];
	[tilespmem:s6+$0xFFFFFF40] =	vst v2;
	v1 =	vmul.f32 v5, v1  }
0x270: {  	v2 =	vld [tilespmem:s5+$0xFFFFFF50]  }
0x271: {  	[tilespmem:s6+$0xD0] =	vst v1;
	v1 =	vld [tilespmem:s6+$0xE0]  }
0x272: {  	v4 =	vmul.f32 v7, v4;
	v5 =	vld [tilespmem:s5+$0xE0]  }
0x273: {  	v7 =	vld [tilespmem:s6+$0xFFFFFF60]  }
0x274: {  	[tilespmem:s6+$0xFFFFFFD0] =	vst v4;
	v3 =	vmul.f32 v8, v3;
	v4 =	vld [tilespmem:s6+$0xFFFFFFE0]  }
0x275: {  	v8 =	vld [tilespmem:s5+$0xFFFFFFE0];
	v2 =	vmul.f32 v2, v6  }
0x276: {  	[tilespmem:s6+$0x50] =	vst v3;
	v3 =	vld [tilespmem:s6+$0x60]  }
0x277: {  	v6 =	vld [tilespmem:s5+$0x60];
	[tilespmem:s6+$0xFFFFFF50] =	vst v2;
	v1 =	vmul.f32 v5, v1  }
0x278: {  	v5 =	vld [tilespmem:s5+$0xFFFFFF60]  }
0x279: {  	v9 =	vld [tilespmem:s6+$0xF0];
	[tilespmem:s6+$0xE0] =	vst v1  }
0x27a: {  	v2 =	vmul.f32 v8, v4;
	v8 =	vld [tilespmem:s5+$0xF0]  }
0x27b: {  	v1 =	vld [tilespmem:s6+$0xFFFFFF70]  }
0x27c: {  	[tilespmem:s6+$0xFFFFFFE0] =	vst v2;
	v3 =	vmul.f32 v6, v3;
	v2 =	vld [tilespmem:s6+$0xFFFFFFF0]  }
0x27d: {  	v4 =	vld [tilespmem:s5+$0xFFFFFFF0];
	v5 =	vmul.f32 v5, v7  }
0x27e: {  	[tilespmem:s6+$0x60] =	vst v3;
	v3 =	vld [tilespmem:s6+$0x70]  }
0x27f: {  	[tilespmem:s6+$0xFFFFFF60] =	vst v5;
	v5 =	vld [tilespmem:s5+$0x70];
	v7 =	vmul.f32 v8, v9  }
0x280: {  	s7 =	simm.s32 $0x0;
	s8 =	simm.s32 $0x500;
	v6 =	vld [tilespmem:s5+$0xFFFFFF70]  }
.LBB2_11:
0x281: {  	v8 =	vld [tilespmem:s8+$0x80];
	[tilespmem:s6+$0xF0] =	vst v7;
	s5 =	sadd.s32 $0x200, s5  }
0x282: {  	s7 =	sadd.s32 $0x4, s7;
	v7 =	vld [tilespmem:s5+$0x80];
	v2 =	vmul.f32 v4, v2  }
0x283: {  	p1 =	slt.u32 s7, $0x4C;
	v4 =	vld [tilespmem:s5+$0xFFFFFF00]  }
0x284: {  	v9 =	vld [tilespmem:s8+$0xFFFFFF80];
	[tilespmem:s6+$0xFFFFFFF0] =	vst v2;
	v2 =	vmul.f32 v5, v3  }
0x285: {  	v3 =	vld [tilespmem:s5+$0xFFFFFF80];
	v1 =	vmul.f32 v6, v1  }
0x286: {  	v5 =	vld [tilespmem:s8+$0x0];
	[tilespmem:s6+$0x70] =	vst v2  }
0x287: {  	v2 =	vld [tilespmem:s5+$0x0];
	v6 =	vmul.f32 v7, v8;
	[tilespmem:s6+$0xFFFFFF70] =	vst v1;
	s6 =	smov.u32 s8  }
0x288: {  	v1 =	vld [tilespmem:s8+$0xFFFFFF00]  }
0x289: {  	[tilespmem:s8+$0x80] =	vst v6;
	v6 =	vld [tilespmem:s8+$0x90]  }
0x28a: {  	v3 =	vmul.f32 v3, v9;
	v7 =	vld [tilespmem:s5+$0x90]  }
0x28b: {  	v8 =	vld [tilespmem:s8+$0xFFFFFF10]  }
0x28c: {  	[tilespmem:s8+$0xFFFFFF80] =	vst v3;
	v3 =	vld [tilespmem:s8+$0xFFFFFF90];
	v2 =	vmul.f32 v2, v5  }
0x28d: {  	v1 =	vmul.f32 v4, v1;
	v4 =	vld [tilespmem:s5+$0xFFFFFF90]  }
0x28e: {  	[tilespmem:s8+$0x0] =	vst v2;
	v2 =	vld [tilespmem:s8+$0x10]  }
0x28f: {  	[tilespmem:s8+$0xFFFFFF00] =	vst v1;
	v1 =	vld [tilespmem:s5+$0x10];
	v5 =	vmul.f32 v7, v6  }
0x290: {  	v6 =	vld [tilespmem:s5+$0xFFFFFF10]  }
0x291: {  	[tilespmem:s8+$0x90] =	vst v5;
	v5 =	vld [tilespmem:s8+$0xA0]  }
0x292: {  	v3 =	vmul.f32 v4, v3;
	v4 =	vld [tilespmem:s5+$0xA0]  }
0x293: {  	v7 =	vld [tilespmem:s8+$0xFFFFFF20]  }
0x294: {  	[tilespmem:s8+$0xFFFFFF90] =	vst v3;
	v3 =	vld [tilespmem:s8+$0xFFFFFFA0];
	v1 =	vmul.f32 v1, v2  }
0x295: {  	v2 =	vmul.f32 v6, v8;
	v6 =	vld [tilespmem:s5+$0xFFFFFFA0]  }
0x296: {  	[tilespmem:s8+$0x10] =	vst v1;
	v1 =	vld [tilespmem:s8+$0x20]  }
0x297: {  	[tilespmem:s8+$0xFFFFFF10] =	vst v2;
	v2 =	vld [tilespmem:s5+$0x20];
	v4 =	vmul.f32 v4, v5  }
0x298: {  	v5 =	vld [tilespmem:s5+$0xFFFFFF20]  }
0x299: {  	[tilespmem:s8+$0xA0] =	vst v4;
	v4 =	vld [tilespmem:s8+$0xB0]  }
0x29a: {  	v3 =	vmul.f32 v6, v3;
	v6 =	vld [tilespmem:s5+$0xB0]  }
0x29b: {  	v8 =	vld [tilespmem:s8+$0xFFFFFF30]  }
0x29c: {  	[tilespmem:s8+$0xFFFFFFA0] =	vst v3;
	v3 =	vld [tilespmem:s8+$0xFFFFFFB0];
	v1 =	vmul.f32 v2, v1  }
0x29d: {  	v2 =	vmul.f32 v5, v7;
	v5 =	vld [tilespmem:s5+$0xFFFFFFB0]  }
0x29e: {  	[tilespmem:s8+$0x20] =	vst v1;
	v1 =	vld [tilespmem:s8+$0x30]  }
0x29f: {  	[tilespmem:s8+$0xFFFFFF20] =	vst v2;
	v2 =	vld [tilespmem:s5+$0x30];
	v4 =	vmul.f32 v6, v4  }
0x2a0: {  	v6 =	vld [tilespmem:s5+$0xFFFFFF30]  }
0x2a1: {  	[tilespmem:s8+$0xB0] =	vst v4;
	v4 =	vld [tilespmem:s8+$0xC0]  }
0x2a2: {  	v3 =	vmul.f32 v5, v3;
	v5 =	vld [tilespmem:s5+$0xC0]  }
0x2a3: {  	v7 =	vld [tilespmem:s8+$0xFFFFFF40]  }
0x2a4: {  	[tilespmem:s8+$0xFFFFFFB0] =	vst v3;
	v3 =	vld [tilespmem:s8+$0xFFFFFFC0];
	v1 =	vmul.f32 v2, v1  }
0x2a5: {  	v2 =	vmul.f32 v6, v8;
	v6 =	vld [tilespmem:s5+$0xFFFFFFC0]  }
0x2a6: {  	[tilespmem:s8+$0x30] =	vst v1;
	v1 =	vld [tilespmem:s8+$0x40]  }
0x2a7: {  	[tilespmem:s8+$0xFFFFFF30] =	vst v2;
	v2 =	vld [tilespmem:s5+$0x40];
	v4 =	vmul.f32 v5, v4  }
0x2a8: {  	v5 =	vld [tilespmem:s5+$0xFFFFFF40]  }
0x2a9: {  	[tilespmem:s8+$0xC0] =	vst v4;
	v4 =	vld [tilespmem:s8+$0xD0]  }
0x2aa: {  	v3 =	vmul.f32 v6, v3;
	v6 =	vld [tilespmem:s5+$0xD0]  }
0x2ab: {  	v8 =	vld [tilespmem:s8+$0xFFFFFF50]  }
0x2ac: {  	[tilespmem:s8+$0xFFFFFFC0] =	vst v3;
	v3 =	vld [tilespmem:s8+$0xFFFFFFD0];
	v1 =	vmul.f32 v2, v1  }
0x2ad: {  	v2 =	vmul.f32 v5, v7;
	v5 =	vld [tilespmem:s5+$0xFFFFFFD0]  }
0x2ae: {  	[tilespmem:s8+$0x40] =	vst v1;
	v1 =	vld [tilespmem:s8+$0x50]  }
0x2af: {  	[tilespmem:s8+$0xFFFFFF40] =	vst v2;
	v2 =	vld [tilespmem:s5+$0x50];
	v4 =	vmul.f32 v6, v4  }
0x2b0: {  	v6 =	vld [tilespmem:s5+$0xFFFFFF50]  }
0x2b1: {  	[tilespmem:s8+$0xD0] =	vst v4;
	v4 =	vld [tilespmem:s8+$0xE0]  }
0x2b2: {  	v3 =	vmul.f32 v5, v3;
	v5 =	vld [tilespmem:s5+$0xE0]  }
0x2b3: {  	v7 =	vld [tilespmem:s8+$0xFFFFFF60]  }
0x2b4: {  	[tilespmem:s8+$0xFFFFFFD0] =	vst v3;
	v3 =	vld [tilespmem:s8+$0xFFFFFFE0];
	v1 =	vmul.f32 v2, v1  }
0x2b5: {  	v2 =	vmul.f32 v6, v8;
	v6 =	vld [tilespmem:s5+$0xFFFFFFE0]  }
0x2b6: {  	[tilespmem:s8+$0x50] =	vst v1;
	v8 =	vld [tilespmem:s8+$0x60]  }
0x2b7: {  	[tilespmem:s8+$0xFFFFFF50] =	vst v2;
	v9 =	vld [tilespmem:s5+$0x60];
	v1 =	vmul.f32 v5, v4  }
0x2b8: {  	v4 =	vld [tilespmem:s5+$0xFFFFFF60]  }
0x2b9: {  	[tilespmem:s8+$0xE0] =	vst v1;
	v10 =	vld [tilespmem:s8+$0xF0]  }
0x2ba: {  	v2 =	vmul.f32 v6, v3;
	v6 =	vld [tilespmem:s5+$0xF0]  }
0x2bb: {  	v1 =	vld [tilespmem:s8+$0xFFFFFF70]  }
.Ltmp5:
0x2bc: {  	[tilespmem:s8+$0xFFFFFFE0] =	vst v2;
	v2 =	vld [tilespmem:s8+$0xFFFFFFF0];
	v3 =	vmul.f32 v9, v8;
	(pc) =	sbr.rel @p1 .LBB2_11-.Ltmp5, $4  }
0x2bd: {  	v5 =	vmul.f32 v4, v7;
	v4 =	vld [tilespmem:s5+$0xFFFFFFF0]  }
0x2be: {  	[tilespmem:s8+$0x60] =	vst v3;
	v3 =	vld [tilespmem:s8+$0x70]  }
0x2bf: {  	[tilespmem:s8+$0xFFFFFF60] =	vst v5;
	v5 =	vld [tilespmem:s5+$0x70];
	v7 =	vmul.f32 v6, v10  }
0x2c0: {  	s8 =	sadd.s32 $0x200, s8;
	v6 =	vld [tilespmem:s5+$0xFFFFFF70]  }
0x2c1: {  	_ =	sdelay $0x1  }
0x2c2: {  	v2 =	vmul.f32 v4, v2  }
0x2c3: {  	[tilespmem:s6+$0xF0] =	vst v7;
	v3 =	vmul.f32 v5, v3  }
0x2c4: {  	[tilespmem:s6+$0xFFFFFFF0] =	vst v2;
	v1 =	vmul.f32 v6, v1  }
0x2c5: {  	[tilespmem:s6+$0x70] =	vst v3  }
0x2c6: {  	[tilespmem:s6+$0xFFFFFF70] =	vst v1  }
0x2c7: {  	v1 =	vld [tilespmem:$0x100]  }
0x2c8: {  	v2 =	vld [tilespmem:$0x110]  }
0x2c9: {  	v3 =	vld [tilespmem:$0x120]  }
0x2ca: {  	v62 =	vld [tilespmem:$0x130]  }
0x2cb: {  	v63 =	vld [tilespmem:$0x140]  }
0x2cc: {  	[tilespmem:$0xA200] =	vst v1  }
0x2cd: {  	[tilespmem:$0xA210] =	vst v2  }
0x2ce: {  	[tilespmem:$0xA220] =	vst v3  }
0x2cf: {  	[tilespmem:$0xA230] =	vst v62  }
0x2d0: {  	s5 =	simm.s32 $0x8;
	[tilespmem:$0xA240] =	vst v63  }
0x2d1: {  	[spmem:s17] =	stream.indirect.scatter.add.f32 [tilespmem:s10], [sflag:$0x7], $0x80, s31, s13, $0xb8;
	[tilespmem:$0x1DB80] =	vst v63  }
0x2d2: {  	_ =	swait.ge [sflag:s5], $0x2800  }
0x2d3: {  	[sflag:s5] =	ssyncset.done $0x0  }
0x2d4: {  	[sflag:s5] =	ssyncadd.s32 $0xFFFFD800  }
0x2d5: {  	_ =	swait.ge [sflag:s15], $0x2800  }
0x2d6: {  	[sflag:s15] =	ssyncset.done $0x0  }
0x2d7: {  	[sflag:s15] =	ssyncadd.s32 $0xFFFFD800  }
0x2d8: {  	[bflag:$0x0] =	sbarrier.arrive $0xFFFF  }
0x2d9: {  	s24 =	rddreg [dreg:$0x13]  }
0x2da: {  	[tilespmem:s10], [sflag:$0x9] =	stream.linear.gather [spmem:s24], $0x1400, $0x38;
	[tilespmem:$0x1DB80] =	vst v63  }
0x2db: {  	_ =	swait.ge [sflag:s11], $0x1400  }
0x2dc: {  	[sflag:s11] =	ssyncset.done $0x0  }
0x2dd: {  	s8 =	rddreg [dreg:$0x3];
	[sflag:s11] =	ssyncadd.s32 $0xFFFFEC00  }
0x2de: {  	[hbm4b:s8+s1] =	stream.linear.scatter [tilespmem:s10], [sflag:$0x9], $0x1400, $0x38;
	[tilespmem:$0x1DB80] =	vst v63  }
0x2df: {  	_ =	swait.ge [sflag:s11], $0x1400  }
0x2e0: {  	[sflag:s11] =	ssyncset.done $0x0  }
0x2e1: {  	s28 =	rddreg [dreg:$0x14];
	[sflag:s11] =	ssyncadd.s32 $0xFFFFEC00  }
0x2e2: {  	[tilespmem:s10], [sflag:$0x9] =	stream.linear.gather [spmem:s28], $0x1400, $0x38;
	[tilespmem:$0x1DB80] =	vst v63  }
0x2e3: {  	_ =	swait.ge [sflag:s11], $0x1400  }
0x2e4: {  	[sflag:s11] =	ssyncset.done $0x0  }
0x2e5: {  	s6 =	rddreg [dreg:$0x4];
	[sflag:s11] =	ssyncadd.s32 $0xFFFFEC00  }
0x2e6: {  	[hbm4b:s6+s1] =	stream.linear.scatter [tilespmem:s10], [sflag:$0x9], $0x1400, $0x38;
	[tilespmem:$0x1DB80] =	vst v63  }
0x2e7: {  	_ =	swait.ge [sflag:s11], $0x1400  }
0x2e8: {  	[sflag:s11] =	ssyncset.done $0x0  }
0x2e9: {  	s7 =	rddreg [dreg:$0x15];
	[sflag:s11] =	ssyncadd.s32 $0xFFFFEC00  }
0x2ea: {  	[tilespmem:s10], [sflag:$0x9] =	stream.linear.gather [spmem:s7], $0x1400, $0x38;
	[tilespmem:$0x1DB80] =	vst v63  }
0x2eb: {  	_ =	swait.ge [sflag:s11], $0x1400  }
0x2ec: {  	[sflag:s11] =	ssyncset.done $0x0  }
0x2ed: {  	s8 =	rddreg [dreg:$0x5];
	[sflag:s11] =	ssyncadd.s32 $0xFFFFEC00  }
0x2ee: {  	[hbm4b:s8+s1] =	stream.linear.scatter [tilespmem:s10], [sflag:$0x9], $0x1400, $0x38;
	[tilespmem:$0x1DB80] =	vst v63  }
0x2ef: {  	_ =	swait.ge [sflag:s11], $0x1400  }
0x2f0: {  	[sflag:s11] =	ssyncset.done $0x0  }
0x2f1: {  	s6 =	rddreg [dreg:$0x16];
	[sflag:s11] =	ssyncadd.s32 $0xFFFFEC00  }
0x2f2: {  	[tilespmem:s10], [sflag:$0x9] =	stream.linear.gather [spmem:s6], $0x1400, $0x38;
	[tilespmem:$0x1DB80] =	vst v63  }
0x2f3: {  	_ =	swait.ge [sflag:s11], $0x1400  }
0x2f4: {  	[sflag:s11] =	ssyncset.done $0x0  }
0x2f5: {  	s7 =	rddreg [dreg:$0x6];
	[sflag:s11] =	ssyncadd.s32 $0xFFFFEC00  }
0x2f6: {  	[hbm4b:s7+s1] =	stream.linear.scatter [tilespmem:s10], [sflag:$0x9], $0x1400, $0x38;
	[tilespmem:$0x1DB80] =	vst v63  }
0x2f7: {  	_ =	swait.ge [sflag:s11], $0x1400  }
0x2f8: {  	[sflag:s11] =	ssyncset.done $0x0  }
0x2f9: {  	s8 =	rddreg [dreg:$0x17];
	[sflag:s11] =	ssyncadd.s32 $0xFFFFEC00  }
0x2fa: {  	[tilespmem:s10], [sflag:$0x9] =	stream.linear.gather [spmem:s8], $0x1400, $0x38;
	[tilespmem:$0x1DB80] =	vst v63  }
0x2fb: {  	_ =	swait.ge [sflag:s11], $0x1400  }
0x2fc: {  	[sflag:s11] =	ssyncset.done $0x0  }
0x2fd: {  	s6 =	rddreg [dreg:$0x7];
	[sflag:s11] =	ssyncadd.s32 $0xFFFFEC00  }
0x2fe: {  	[hbm4b:s6+s1] =	stream.linear.scatter [tilespmem:s10], [sflag:$0x9], $0x1400, $0x38;
	[tilespmem:$0x1DB80] =	vst v63  }
0x2ff: {  	_ =	swait.ge [sflag:s11], $0x1400  }
0x300: {  	[sflag:s11] =	ssyncset.done $0x0  }
0x301: {  	s7 =	rddreg [dreg:$0x18];
	[sflag:s11] =	ssyncadd.s32 $0xFFFFEC00  }
0x302: {  	[tilespmem:s10], [sflag:$0x9] =	stream.linear.gather [spmem:s7], $0x1400, $0x38;
	[tilespmem:$0x1DB80] =	vst v63  }
0x303: {  	_ =	swait.ge [sflag:s11], $0x1400  }
0x304: {  	[sflag:s11] =	ssyncset.done $0x0  }
0x305: {  	s8 =	rddreg [dreg:$0x8];
	[sflag:s11] =	ssyncadd.s32 $0xFFFFEC00  }
0x306: {  	[hbm4b:s8+s1] =	stream.linear.scatter [tilespmem:s10], [sflag:$0x9], $0x1400, $0x38;
	[tilespmem:$0x1DB80] =	vst v63  }
0x307: {  	_ =	swait.ge [sflag:s11], $0x1400  }
0x308: {  	[sflag:s11] =	ssyncset.done $0x0  }
0x309: {  	s6 =	rddreg [dreg:$0x19];
	[sflag:s11] =	ssyncadd.s32 $0xFFFFEC00  }
0x30a: {  	[tilespmem:s10], [sflag:$0x9] =	stream.linear.gather [spmem:s6], $0x1400, $0x38;
	[tilespmem:$0x1DB80] =	vst v63  }
0x30b: {  	_ =	swait.ge [sflag:s11], $0x1400  }
0x30c: {  	[sflag:s11] =	ssyncset.done $0x0  }
0x30d: {  	s7 =	rddreg [dreg:$0x9];
	[sflag:s11] =	ssyncadd.s32 $0xFFFFEC00  }
0x30e: {  	[hbm4b:s7+s1] =	stream.linear.scatter [tilespmem:s10], [sflag:$0x9], $0x1400, $0x38;
	[tilespmem:$0x1DB80] =	vst v63  }
0x30f: {  	_ =	swait.ge [sflag:s11], $0x1400  }
0x310: {  	[sflag:s11] =	ssyncset.done $0x0  }
0x311: {  	s8 =	rddreg [dreg:$0x1a];
	[sflag:s11] =	ssyncadd.s32 $0xFFFFEC00  }
0x312: {  	[tilespmem:s10], [sflag:$0x9] =	stream.linear.gather [spmem:s8], $0x1400, $0x38;
	[tilespmem:$0x1DB80] =	vst v63  }
0x313: {  	_ =	swait.ge [sflag:s11], $0x1400  }
0x314: {  	[sflag:s11] =	ssyncset.done $0x0  }
0x315: {  	s6 =	rddreg [dreg:$0xa];
	[sflag:s11] =	ssyncadd.s32 $0xFFFFEC00  }
0x316: {  	[hbm4b:s6+s1] =	stream.linear.scatter [tilespmem:s10], [sflag:$0x9], $0x1400, $0x38;
	[tilespmem:$0x1DB80] =	vst v63  }
0x317: {  	_ =	swait.ge [sflag:s11], $0x1400  }
0x318: {  	[sflag:s11] =	ssyncset.done $0x0  }
0x319: {  	s7 =	rddreg [dreg:$0x1b];
	[sflag:s11] =	ssyncadd.s32 $0xFFFFEC00  }
0x31a: {  	[tilespmem:s10], [sflag:$0x9] =	stream.linear.gather [spmem:s7], $0x1400, $0x38;
	[tilespmem:$0x1DB80] =	vst v63  }
0x31b: {  	_ =	swait.ge [sflag:s11], $0x1400  }
0x31c: {  	[sflag:s11] =	ssyncset.done $0x0  }
0x31d: {  	s8 =	rddreg [dreg:$0xb];
	[sflag:s11] =	ssyncadd.s32 $0xFFFFEC00  }
0x31e: {  	[hbm4b:s8+s1] =	stream.linear.scatter [tilespmem:s10], [sflag:$0x9], $0x1400, $0x38;
	[tilespmem:$0x1DB80] =	vst v63  }
0x31f: {  	_ =	swait.ge [sflag:s11], $0x1400  }
0x320: {  	[sflag:s11] =	ssyncset.done $0x0  }
0x321: {  	s6 =	rddreg [dreg:$0x1c];
	[sflag:s11] =	ssyncadd.s32 $0xFFFFEC00  }
0x322: {  	[tilespmem:s10], [sflag:$0x9] =	stream.linear.gather [spmem:s6], $0x1400, $0x38;
	[tilespmem:$0x1DB80] =	vst v63  }
0x323: {  	_ =	swait.ge [sflag:s11], $0x1400  }
0x324: {  	[sflag:s11] =	ssyncset.done $0x0  }
0x325: {  	s7 =	rddreg [dreg:$0xc];
	[sflag:s11] =	ssyncadd.s32 $0xFFFFEC00  }
0x326: {  	[hbm4b:s7+s1] =	stream.linear.scatter [tilespmem:s10], [sflag:$0x9], $0x1400, $0x38;
	[tilespmem:$0x1DB80] =	vst v63  }
0x327: {  	_ =	swait.ge [sflag:s11], $0x1400  }
0x328: {  	[sflag:s11] =	ssyncset.done $0x0  }
0x329: {  	s8 =	rddreg [dreg:$0x1d];
	[sflag:s11] =	ssyncadd.s32 $0xFFFFEC00  }
0x32a: {  	[tilespmem:s10], [sflag:$0x9] =	stream.linear.gather [spmem:s8], $0x1400, $0x38;
	[tilespmem:$0x1DB80] =	vst v63  }
0x32b: {  	_ =	swait.ge [sflag:s11], $0x1400  }
0x32c: {  	[sflag:s11] =	ssyncset.done $0x0  }
0x32d: {  	s6 =	rddreg [dreg:$0xd];
	[sflag:s11] =	ssyncadd.s32 $0xFFFFEC00  }
0x32e: {  	[hbm4b:s6+s1] =	stream.linear.scatter [tilespmem:s10], [sflag:$0x9], $0x1400, $0x38;
	[tilespmem:$0x1DB80] =	vst v63  }
0x32f: {  	_ =	swait.ge [sflag:s11], $0x1400  }
0x330: {  	[sflag:s11] =	ssyncset.done $0x0  }
0x331: {  	s7 =	rddreg [dreg:$0x1e];
	[sflag:s11] =	ssyncadd.s32 $0xFFFFEC00  }
0x332: {  	[tilespmem:s10], [sflag:$0x9] =	stream.linear.gather [spmem:s7], $0x1400, $0x38;
	[tilespmem:$0x1DB80] =	vst v63  }
0x333: {  	_ =	swait.ge [sflag:s11], $0x1400  }
0x334: {  	[sflag:s11] =	ssyncset.done $0x0  }
0x335: {  	s8 =	rddreg [dreg:$0xe];
	[sflag:s11] =	ssyncadd.s32 $0xFFFFEC00  }
0x336: {  	[hbm4b:s8+s1] =	stream.linear.scatter [tilespmem:s10], [sflag:$0x9], $0x1400, $0x38;
	[tilespmem:$0x1DB80] =	vst v63  }
0x337: {  	_ =	swait.ge [sflag:s11], $0x1400  }
0x338: {  	[sflag:s11] =	ssyncset.done $0x0  }
0x339: {  	s6 =	rddreg [dreg:$0x1f];
	[sflag:s11] =	ssyncadd.s32 $0xFFFFEC00  }
0x33a: {  	[tilespmem:s10], [sflag:$0x9] =	stream.linear.gather [spmem:s6], $0x1400, $0x38;
	[tilespmem:$0x1DB80] =	vst v63  }
0x33b: {  	_ =	swait.ge [sflag:s11], $0x1400  }
0x33c: {  	[sflag:s11] =	ssyncset.done $0x0  }
0x33d: {  	s7 =	rddreg [dreg:$0xf];
	[sflag:s11] =	ssyncadd.s32 $0xFFFFEC00  }
0x33e: {  	[hbm4b:s7+s1] =	stream.linear.scatter [tilespmem:s10], [sflag:$0x9], $0x1400, $0x38;
	[tilespmem:$0x1DB80] =	vst v63  }
0x33f: {  	_ =	swait.ge [sflag:s11], $0x1400  }
0x340: {  	s8 =	sld [smem:$0x7F4]  }
0x341: {  	[sflag:s11] =	ssyncset.done $0x0  }
0x342: {  	[sflag:s11] =	ssyncadd.s32 $0xFFFFEC00  }
0x343: {  	[tilespmem:s10], [sflag:$0x9] =	stream.linear.gather [spmem:s8], $0x1400, $0x38;
	[tilespmem:$0x1DB80] =	vst v63  }
0x344: {  	_ =	swait.ge [sflag:s11], $0x1400  }
0x345: {  	[sflag:s11] =	ssyncset.done $0x0  }
0x346: {  	s6 =	rddreg [dreg:$0x10];
	[sflag:s11] =	ssyncadd.s32 $0xFFFFEC00  }
0x347: {  	[hbm4b:s6+s1] =	stream.linear.scatter [tilespmem:s10], [sflag:$0x9], $0x1400, $0x38;
	[tilespmem:$0x1DB80] =	vst v63  }
0x348: {  	_ =	swait.ge [sflag:s11], $0x1400  }
0x349: {  	s7 =	sld [smem:$0x7F5]  }
0x34a: {  	[sflag:s11] =	ssyncset.done $0x0  }
0x34b: {  	[sflag:s11] =	ssyncadd.s32 $0xFFFFEC00  }
0x34c: {  	[tilespmem:s10], [sflag:$0x9] =	stream.linear.gather [spmem:s7], $0x1400, $0x38;
	[tilespmem:$0x1DB80] =	vst v63  }
0x34d: {  	_ =	swait.ge [sflag:s11], $0x1400  }
0x34e: {  	[sflag:s11] =	ssyncset.done $0x0  }
0x34f: {  	s8 =	rddreg [dreg:$0x11];
	[sflag:s11] =	ssyncadd.s32 $0xFFFFEC00  }
0x350: {  	[hbm4b:s8+s1] =	stream.linear.scatter [tilespmem:s10], [sflag:$0x9], $0x1400, $0x38;
	[tilespmem:$0x1DB80] =	vst v63  }
0x351: {  	_ =	swait.ge [sflag:s11], $0x1400  }
0x352: {  	s6 =	sld [smem:$0x7F6]  }
0x353: {  	[sflag:s11] =	ssyncset.done $0x0  }
0x354: {  	s5 =	simm.s32 @!p0 $0x200;
	[sflag:s11] =	ssyncadd.s32 $0xFFFFEC00  }
0x355: {  	[tilespmem:s5], [sflag:$0x9] =	stream.linear.gather @!p0 [spmem:s6], $0x1400, $0x38;
	[tilespmem:$0x1DB80] =	vst v63  }
0x356: {  	s6 =	simm.s32 @!p0 $0x9  }
0x357: {  	_ =	swait.ge @!p0 [sflag:s6], $0x1400  }
0x358: {  	[sflag:s6] =	ssyncset.done @!p0 $0x0  }
0x359: {  	s7 =	simm.s32 @!p0 $0x0;
	s8 =	rddreg [dreg:$0x12];
	[sflag:s6] =	ssyncadd.s32 @!p0 $0xFFFFEC00  }
0x35a: {  	[hbm4b:s8+s7] =	stream.linear.scatter @!p0 [tilespmem:s5], [sflag:$0x9], $0x1400, $0x38;
	[tilespmem:$0x1DB80] =	vst v63  }
0x35b: {  	_ =	swait.ge @!p0 [sflag:s6], $0x1400  }
0x35c: {  	s5 =	sld [smem:$0x7EE]  }
0x35d: {  	s8 =	sld [smem:$0x7FD];
	_ =	sdelay $0x1  }
0x35e: {  	s7 =	sadd.s32 $0x1, s5  }
0x35f: {  	p1 =	sne.s32 s7, s8  }
.Ltmp6:
0x360: {  	_ = 	snop;
	(pc) =	sbr.rel @p1 .LBB2_1-.Ltmp6, $3  }
0x361: {  	_ =	sdelay $0x1  }
0x362: {  	[sflag:s6] =	ssyncset.done @!p0 $0x0  }
0x363: {  	[sflag:s6] =	ssyncadd.s32 @!p0 $0xFFFFEC00  }
0x364: {  	_ =	sfence.sel $0x180000  }
0x365: {  	[bflag:$0x0] =	sbarrier.arrive $0xFFFF  }
0x366: {  	_ =	strace $0x90000047  }
0x367: {  	s0 =	stileid.u32;
	[bflag:$0x2] =	sbarrier.arrive $0xFFFF  }
0x368: {  	p0 =	sne.s32 s0, $0x0;
	s0 =	rddreg [dreg:$0x2]  }
0x369: {  	s0 =	sadd.s32 @!p0 $0x100000, s0  }
0x36a: {  	[sflag:s0] =	ssyncadd.tile.s32 @!p0 $0x1;
	_ =	shalt  }
.Lfunc_end2:
_tile_overlayer_lowered:
.L_overlay_start_2:
0x36b: {  	(tag) =	ssettag $0x2  }
0x36c: {  	s0 =	rddreg [dreg:$0x0];
	s2 =	stileid.u32  }
0x36d: {  	s1 =	rddreg [dreg:$0x1];
	p0 =	sne.s32 s2, $0x0  }
0x36e: {  	s3 =	rddreg [dreg:$0x2];
	[bflag:$0x3] =	sbarrier.arrive $0xFFFF;
	s2 =	simm.s32 @!p0 $0x1C09  }
0x36f: {  	[timem:s3], [sflag:s2] =	dma.local @!p0 [hbm:s0], s1  }
0x370: {  	s0 =	simm.s32 @!p0 $0x9  }
0x371: {  	_ =	swait.ge @!p0 [sflag:s0], s1  }
0x372: {  	s1 =	ssub.s32 @!p0 $0x0, s1;
	[sflag:s0] =	ssyncset.done @!p0 $0x0  }
0x373: {  	[sflag:s0] =	ssyncadd.s32 @!p0 s1  }
0x374: {  	[bflag:$0x3] =	sbarrier.arrive $0xFFFF  }
0x375: {  	_ =	shalt  }

</sc_bundles>
